<compile_context>
chip_gen: v7x
topology: tpu7x:2x2x1
jax: 0.10.2.dev20260603
libtpu: 0.0.44.dev20260713+nightly
codegen_flags: <defaults>
</compile_context>

<pallas_src>
import functools

import jax
import jax.numpy as jnp
import numpy as np
from jax import lax
from jax.experimental import pallas as pl
from jax.experimental.pallas import tpu as pltpu
from jax.experimental.pallas import tpu_sc as plsc

N = 10000
E = 320000
D = 128
NB = 10
RN = 64
NG = 16
MAX_RADIUS = 5.0
INV_SQRT_NN = 1.0 / np.sqrt(32.0)

_NC = 2
_NS = 16
_NW = _NC * _NS


_LEN_CH = 2000
_EPW = E // _NW


def _edge_len2_kernel(pos9_hbm, src_hbm, dst_hbm, out_hbm, pos_v, src_v,
                      dst_v, ob0_v, ob1_v, ob2_v):
    c = lax.axis_index("c")
    s = lax.axis_index("s")
    pltpu.sync_copy(pos9_hbm, pos_v)
    nch = _EPW // _LEN_CH
    base0 = (s * _NC + c) * _EPW
    obs = (ob0_v, ob1_v, ob2_v)

    def chunk_body(ci, carry):
        base = base0 + ci * _LEN_CH
        pltpu.sync_copy(src_hbm.at[pl.ds(base, _LEN_CH)], src_v)
        pltpu.sync_copy(dst_hbm.at[pl.ds(base, _LEN_CH)], dst_v)

        def vec_body(vi, c2):
            off = vi * 16
            si = src_v[pl.ds(off, 16)]
            di = dst_v[pl.ds(off, 16)]
            for t in range(3):
                acc = jnp.zeros((16,), jnp.float32)
                for comp in range(3):
                    bias = jnp.full((16,), (t * 3 + comp) * N, jnp.int32)
                    a = plsc.load_gather(pos_v, [bias + di])
                    b = plsc.load_gather(pos_v, [bias + si])
                    dv = a - b
                    acc = acc + dv * dv
                obs[t][pl.ds(off, 16)] = acc
            return c2

        lax.fori_loop(0, _LEN_CH // 16, vec_body, 0)
        for t in range(3):
            pltpu.sync_copy(obs[t], out_hbm.at[pl.ds(t * E + base, _LEN_CH)])
        return carry

    lax.fori_loop(0, nch, chunk_body, 0)


def _edge_len2(pos9, src, dst):
    mesh = plsc.VectorSubcoreMesh(core_axis_name="c", subcore_axis_name="s")
    fn = functools.partial(
        pl.kernel,
        mesh=mesh,
        out_type=jax.ShapeDtypeStruct((3 * E,), jnp.float32),
        scratch_types=[
            pltpu.VMEM((9 * N,), jnp.float32),
            pltpu.VMEM((_LEN_CH,), jnp.int32),
            pltpu.VMEM((_LEN_CH,), jnp.int32),
            pltpu.VMEM((_LEN_CH,), jnp.float32),
            pltpu.VMEM((_LEN_CH,), jnp.float32),
            pltpu.VMEM((_LEN_CH,), jnp.float32),
        ],
        compiler_params=pltpu.CompilerParams(needs_layout_passes=False),
    )(_edge_len2_kernel)
    return fn(pos9, src, dst)


_BLK = 96
_E_PAD = 322560
_MB0 = 140
_MB1 = 70
_NPAD = 10112
_RPT = _NPAD // _NS


def _edge_agg_kernel(xw_hbm, rad_hbm, src_hbm, dst_hbm, zeros_hbm, out_hbm,
                     si0, si1, di0, di1, xr0, xr1, rd0, rd1, agg_sh,
                     sg0, sg1, ss0, ss1, sd0, sd1, sr0, sr1, sc0, sc1):
    c = lax.axis_index("c")
    s = lax.axis_index("s")
    wid = s * _NC + c
    pltpu.sync_copy(zeros_hbm.at[pl.ds(s * _RPT, _RPT)],
                    agg_sh.at[pl.ds(s * _RPT, _RPT)])
    plsc.subcore_barrier()

    si = (si0, si1)
    di = (di0, di1)
    xr = (xr0, xr1)
    rd = (rd0, rd1)
    sg = (sg0, sg1)
    ss = (ss0, ss1)
    sd = (sd0, sd1)
    sr = (sr0, sr1)
    sc = (sc0, sc1)
    mb = jnp.where(c == 0, _MB0, _MB1)
    base0 = jnp.where(c == 0, s * _MB0, _NS * _MB0 + s * _MB1) * _BLK

    def _multiply(xr_v, rd_v):
        def row_body(i, c2):
            for j in range(D // 16):
                sl = pl.ds(j * 16, 16)
                xr_v[i, sl] = xr_v[i, sl] * rd_v[i, sl]
            return c2

        lax.fori_loop(0, _BLK, row_body, 0)

    pltpu.sync_copy(src_hbm.at[pl.ds(base0, _BLK)], si0)
    pltpu.async_copy(xw_hbm.at[si0], xr0, sg0)
    pltpu.async_copy(rad_hbm.at[pl.ds(base0, _BLK)], rd0, sr0)
    pltpu.async_copy(dst_hbm.at[pl.ds(base0, _BLK)], di0, sd0)
    pltpu.async_copy(src_hbm.at[pl.ds(base0 + _BLK, _BLK)], si1, ss1)
    pltpu.async_copy(rad_hbm.at[pl.ds(base0 + _BLK, _BLK)], rd1, sr1)

    def step(kk, carry):
        for slot in (0, 1):
            nxt = slot ^ 1
            k = kk * 2 + slot
            base = base0 + k * _BLK
            pltpu.make_async_copy(xw_hbm.at[si[slot]], xr[slot],
                                  sg[slot]).wait()

            @pl.when(k + 1 < mb)
            def _():
                pltpu.make_async_copy(src_hbm.at[pl.ds(base + _BLK, _BLK)],
                                      si[nxt], ss[nxt]).wait()

                @pl.when(k >= 1)
                def _():
                    pltpu.make_async_copy(xr[nxt], agg_sh.at[di[nxt]],
                                          sc[nxt]).wait()

                pltpu.async_copy(xw_hbm.at[si[nxt]], xr[nxt], sg[nxt])
                pltpu.async_copy(dst_hbm.at[pl.ds(base + _BLK, _BLK)],
                                 di[nxt], sd[nxt])

            @pl.when(k + 2 < mb)
            def _():
                pltpu.async_copy(src_hbm.at[pl.ds(base + 2 * _BLK, _BLK)],
                                 si[slot], ss[slot])

            pltpu.make_async_copy(rad_hbm.at[pl.ds(base, _BLK)], rd[slot],
                                  sr[slot]).wait()
            _multiply(xr[slot], rd[slot])

            @pl.when(k + 2 < mb)
            def _():
                pltpu.async_copy(rad_hbm.at[pl.ds(base + 2 * _BLK, _BLK)],
                                 rd[slot], sr[slot])

            pltpu.make_async_copy(dst_hbm.at[pl.ds(base, _BLK)], di[slot],
                                  sd[slot]).wait()
            pltpu.async_copy(xr[slot], agg_sh.at[di[slot]], sc[slot],
                             add=True)

        return carry

    lax.fori_loop(0, mb // 2, step, 0)

    pltpu.make_async_copy(xr0, agg_sh.at[di0], sc0).wait()
    pltpu.make_async_copy(xr1, agg_sh.at[di1], sc1).wait()

    plsc.subcore_barrier()
    pltpu.sync_copy(agg_sh.at[pl.ds(s * _RPT, _RPT)],
                    out_hbm.at[pl.ds(c * _NPAD + s * _RPT, _RPT)])


def _edge_agg(xw, radial, src, dst, zeros_nd):
    mesh = plsc.VectorSubcoreMesh(core_axis_name="c", subcore_axis_name="s")
    fn = functools.partial(
        pl.kernel,
        mesh=mesh,
        out_type=jax.ShapeDtypeStruct((2 * _NPAD, D), jnp.float32),
        scratch_types=[
            pltpu.VMEM((_BLK,), jnp.int32),
            pltpu.VMEM((_BLK,), jnp.int32),
            pltpu.VMEM((_BLK,), jnp.int32),
            pltpu.VMEM((_BLK,), jnp.int32),
            pltpu.VMEM((_BLK, D), jnp.float32),
            pltpu.VMEM((_BLK, D), jnp.float32),
            pltpu.VMEM((_BLK, D), jnp.float32),
            pltpu.VMEM((_BLK, D), jnp.float32),
            pltpu.VMEM_SHARED((_NPAD, D), jnp.float32),
            pltpu.SemaphoreType.DMA,
            pltpu.SemaphoreType.DMA,
            pltpu.SemaphoreType.DMA,
            pltpu.SemaphoreType.DMA,
            pltpu.SemaphoreType.DMA,
            pltpu.SemaphoreType.DMA,
            pltpu.SemaphoreType.DMA,
            pltpu.SemaphoreType.DMA,
            pltpu.SemaphoreType.DMA,
            pltpu.SemaphoreType.DMA,
        ],
        compiler_params=pltpu.CompilerParams(needs_layout_passes=False),
    )(_edge_agg_kernel)
    return fn(xw, radial, src, dst, zeros_nd)


_BE = 1920

_BASIS_VALUES = np.linspace(0.0, MAX_RADIUS, NB + 2)[1:-1].astype(np.float32)
_BASIS_STEP = float(_BASIS_VALUES[1] - _BASIS_VALUES[0])
_BASIS_SCALE = float(1.14136 * np.exp(2.0) * np.sqrt(NB))


def _radial_body(len2_ref, w1_ref, b1_ref, w2_ref, out_ref):
    ln = jnp.sqrt(len2_ref[...] + 1e-12)
    values = (lax.broadcasted_iota(jnp.int32, (1, NB), 1).astype(jnp.float32)
              + 1.0) * _BASIS_STEP
    diff = (ln - values) / _BASIS_STEP
    d2 = jnp.clip(diff * diff, 0.0, 0.99999)
    y = jnp.where(jnp.abs(diff) < 1.0,
                  _BASIS_SCALE * jnp.exp(-1.0 / (1.0 - d2)), 0.0)
    h = y @ w1_ref[...] + b1_ref[...]
    h = h * jax.nn.sigmoid(h)
    radial = jnp.dot(h, w2_ref[...], preferred_element_type=jnp.float32)
    rows = (lax.broadcasted_iota(jnp.int32, (_BE, 1), 0)
            + pl.program_id(0) * _BE)
    out_ref[...] = jnp.where(rows < E, radial, 0.0)


def _radial(len2_pad, w1, b1, w2):
    len2c = len2_pad.reshape(_E_PAD, 1)
    b1r = b1.reshape(1, RN)
    return pl.pallas_call(
        _radial_body,
        grid=(_E_PAD // _BE,),
        in_specs=[
            pl.BlockSpec((_BE, 1), lambda i: (i, 0)),
            pl.BlockSpec((NB, RN), lambda i: (0, 0)),
            pl.BlockSpec((1, RN), lambda i: (0, 0)),
            pl.BlockSpec((RN, D), lambda i: (0, 0)),
        ],
        out_specs=pl.BlockSpec((_BE, D), lambda i: (i, 0)),
        out_shape=jax.ShapeDtypeStruct((_E_PAD, D), jnp.float32),
    )(len2c, w1, b1r, w2)


def _node_linear2_body(x1_ref, w1_ref, x2_ref, w2_ref, o1_ref, o2_ref):
    o1_ref[...] = jnp.dot(x1_ref[...], w1_ref[...],
                          preferred_element_type=jnp.float32)
    o2_ref[...] = jnp.dot(x2_ref[...], w2_ref[...],
                          preferred_element_type=jnp.float32)


def _node_linear2(x1, w1, x2, w2):
    oshape = jax.ShapeDtypeStruct((N, D), jnp.float32)
    return pl.pallas_call(
        _node_linear2_body,
        out_shape=(oshape, oshape),
    )(x1, w1, x2, w2)


def _net3_prep_body(o1_ref, o2_ref, p_ref, w_ref, xi_ref, xw_ref):
    p0 = p_ref[0, 0]
    xi = p0 * o1_ref[...] + (1.0 - p0) * o2_ref[...]
    xi_ref[...] = xi
    xw_ref[...] = jnp.dot(xi, w_ref[...], preferred_element_type=jnp.float32)


def _net3_prep(o1, o2, p0, w):
    return pl.pallas_call(
        _net3_prep_body,
        out_shape=(jax.ShapeDtypeStruct((N, D), jnp.float32),
                   jax.ShapeDtypeStruct((N, D), jnp.float32)),
    )(o1, o2, p0, w)


def _node_out_body(aggp_ref, x_ref, wout_ref, wself_ref, mask_ref, batch_ref,
                   out_ref):
    agg = (aggp_ref[pl.ds(0, N), :] + aggp_ref[pl.ds(_NPAD, N), :]) * INV_SQRT_NN
    t = jnp.tanh(jnp.dot(agg, wout_ref[...], preferred_element_type=jnp.float32)
                 + jnp.dot(x_ref[...], wself_ref[...],
                           preferred_element_type=jnp.float32))
    v = jnp.abs(t) * mask_ref[...]
    ss = jnp.sum(v * v, axis=1, keepdims=True)
    gids = lax.broadcasted_iota(jnp.int32, (N, NG), 1)
    oh = (batch_ref[...] == gids).astype(jnp.float32)
    gss = lax.dot_general(oh, ss, (((0,), (0,)), ((), ())),
                          preferred_element_type=jnp.float32)
    f = jnp.sqrt(gss + 1e-12)
    fac = jnp.dot(oh, f, preferred_element_type=jnp.float32)
    out_ref[...] = v / fac


def _node_out(agg_parts, x, w_out, w_self, mask, batch_col):
    return pl.pallas_call(
        _node_out_body,
        out_shape=jax.ShapeDtypeStruct((N, D), jnp.float32),
    )(agg_parts, x, w_out, w_self, mask, batch_col)


def kernel(pos, x, pos_final_state, x_final_state,
           pos_interpolated_transition_state, basis_mask, p, species, batch,
           edge_index, net1_W1, net1_b1, net1_W2, net1_W_lin, net1_W_self,
           net1_W_out, net2_W1, net2_b1, net2_W2, net2_W_lin, net2_W_self,
           net2_W_out, net3_W1, net3_b1, net3_W2, net3_W_lin, net3_W_self,
           net3_W_out):
    src = edge_index[0].astype(jnp.int32)
    dst = edge_index[1].astype(jnp.int32)
    batch_col = batch.astype(jnp.int32).reshape(N, 1)
    pos9 = jnp.concatenate(
        [pos.T, pos_final_state.T, pos_interpolated_transition_state.T],
        axis=0).reshape(9 * N)
    zeros_nd = jnp.zeros((_NPAD, D), jnp.float32)
    pad_i = jnp.zeros((_E_PAD - E,), jnp.int32)
    pad_f = jnp.zeros((_E_PAD - E,), jnp.float32)
    src_p = jnp.concatenate([src, pad_i])
    dst_p = jnp.concatenate([dst, pad_i])
    p0 = p[0:1].reshape(1, 1)

    len2 = _edge_len2(pos9, src, dst)

    rad1 = _radial(jnp.concatenate([len2[0:E], pad_f]),
                   net1_W1, net1_b1, net1_W2)
    rad2 = _radial(jnp.concatenate([len2[E:2 * E], pad_f]),
                   net2_W1, net2_b1, net2_W2)
    rad3 = _radial(jnp.concatenate([len2[2 * E:3 * E], pad_f]),
                   net3_W1, net3_b1, net3_W2)

    xw1, xw2 = _node_linear2(x, net1_W_lin, x_final_state, net2_W_lin)
    agg1 = _edge_agg(xw1, rad1, src_p, dst_p, zeros_nd)
    o1 = _node_out(agg1, x, net1_W_out, net1_W_self, basis_mask, batch_col)

    agg2 = _edge_agg(xw2, rad2, src_p, dst_p, zeros_nd)
    o2 = _node_out(agg2, x_final_state, net2_W_out, net2_W_self, basis_mask,
                   batch_col)

    xi, xw3 = _net3_prep(o1, o2, p0, net3_W_lin)
    agg3 = _edge_agg(xw3, rad3, src_p, dst_p, zeros_nd)
    o3 = _node_out(agg3, xi, net3_W_out, net3_W_self, basis_mask, batch_col)
    return o3

# --- scband reference (transcript-rebuilt; emitter-appended) ---
"""Pipeline reference for scband-reaction-model-69492570849570 (READ-ONLY COPY).

The authoritative reference and input builder live on the scoring server;
editing this copy changes nothing except your own understanding.
"""

import jax, jax.numpy as jnp
import numpy as np

N = 10000
E = 320000
D = 128
NB = 10
RN = 64
NG = 16
MAX_RADIUS = 5.0
NUM_NEIGHBORS = 32.0


def soft_one_hot_linspace(x, start, end, number):
    # smooth_finite basis with cutoff=True (e3nn-style)
    if number > 1:
        values = jnp.linspace(start, end, number + 2)[1:-1]
        step = values[1] - values[0]
    else:
        values = jnp.array([(start + end) / 2.0], dtype=jnp.float32)
        step = (end - start) / 2.0
    diff = (x[..., None] - values) / step
    d2 = jnp.clip(diff ** 2, 0.0, 0.99999)
    y = jnp.where(jnp.abs(diff) < 1.0, 1.14136 * np.exp(2.0) * jnp.exp(-1.0 / (1.0 - d2)), 0.0)
    return y


def _net_params(key):
    ks = jax.random.split(key, 6)
    return dict(
        W1=jax.random.normal(ks[0], (NB, RN), jnp.float32) / np.sqrt(NB),
        b1=jnp.zeros((RN,), jnp.float32),
        W2=jax.random.normal(ks[1], (RN, D), jnp.float32) / np.sqrt(RN),
        W_lin=jax.random.normal(ks[2], (D, D), jnp.float32) / np.sqrt(D),
        W_self=jax.random.normal(ks[3], (D, D), jnp.float32) / np.sqrt(D),
        W_out=jax.random.normal(ks[4], (D, D), jnp.float32) / np.sqrt(D),
    )


def setup_inputs(seed: int = 0):
    key = jax.random.key(seed)
    ks = [jax.random.fold_in(key, i) for i in range(16)]
    inp = {
        "pos": jax.random.normal(ks[0], (N, 3), jnp.float32) * 2.0,
        "x": jax.random.normal(ks[1], (N, D), jnp.float32),
        "pos_final_state": jax.random.normal(ks[2], (N, 3), jnp.float32) * 2.0,
        "x_final_state": jax.random.normal(ks[3], (N, D), jnp.float32),
        "pos_interpolated_transition_state": jax.random.normal(ks[4], (N, 3), jnp.float32) * 2.0,
        "basis_mask": jnp.ones((N, D), jnp.float32),
        "p": jax.random.uniform(ks[5], (2,), jnp.float32),
        "species": jax.random.uniform(ks[6], (N,), jnp.float32) * 50.0,
        "batch": jnp.sort(jax.random.randint(ks[7], (N,), 0, NG)).astype(jnp.int64),
        "edge_index": jax.random.randint(ks[8], (2, E), 0, N).astype(jnp.int64),
    }
    for i, name in enumerate(["net1", "net2", "net3"]):
        for k, v in _net_params(ks[10 + i]).items():
            inp[name + "_" + k] = v
    return inp


def _network(pos, x, edge_src, edge_dst, W1, b1, W2, W_lin, W_self, W_out):
    edge_vec = pos[edge_dst] - pos[edge_src]
    edge_len = jnp.sqrt(jnp.sum(edge_vec ** 2, axis=1) + 1e-12)
    basis = soft_one_hot_linspace(edge_len, 0.0, MAX_RADIUS, NB) * (NB ** 0.5)
    h = jax.nn.silu(basis @ W1 + b1)
    radial = h @ W2
    msg = (x[edge_src] @ W_lin) * radial
    agg = jax.ops.segment_sum(msg, edge_dst, num_segments=N) / (NUM_NEIGHBORS ** 0.5)
    return jnp.tanh(agg @ W_out + x @ W_self)


def _normalize(xv, batch):
    ss = jnp.sum(xv ** 2, axis=1)
    gss = jax.ops.segment_sum(ss, batch, num_segments=NG)
    f = jnp.sqrt(gss + 1e-12)
    return xv / f[batch][:, None]


def reference(pos, x, pos_final_state, x_final_state, pos_interpolated_transition_state, basis_mask, p, species, batch, edge_index, net1_W1, net1_b1, net1_W2, net1_W_lin, net1_W_self, net1_W_out, net2_W1, net2_b1, net2_W2, net2_W_lin, net2_W_self, net2_W_out, net3_W1, net3_b1, net3_W2, net3_W_lin, net3_W_self, net3_W_out):
    edge_src = edge_index[0]
    edge_dst = edge_index[1]
    _ = soft_one_hot_linspace(species, 0.0, 100.0, 1)  # species embedding (computed, unused downstream as in original)
    o1 = jnp.abs(_network(pos, x, edge_src, edge_dst, net1_W1, net1_b1, net1_W2, net1_W_lin, net1_W_self, net1_W_out))
    o1 = _normalize(o1 * basis_mask, batch)
    o2 = jnp.abs(_network(pos_final_state, x_final_state, edge_src, edge_dst, net2_W1, net2_b1, net2_W2, net2_W_lin, net2_W_self, net2_W_out))
    o2 = _normalize(o2 * basis_mask, batch)
    xi = p[0] * o1 + (1.0 - p[0]) * o2
    o3 = jnp.abs(_network(pos_interpolated_transition_state, xi, edge_src, edge_dst, net3_W1, net3_b1, net3_W2, net3_W_lin, net3_W_self, net3_W_out))
    o3 = _normalize(o3 * basis_mask, batch)
    return o3

if __name__ == "__main__":
    import jax
    _d = setup_inputs()
    print(jax.jit(kernel)(*tuple(_d.values())))

</pallas_src>

<mosaic_0001>
#map = affine_map<(d0, d1) -> (0, 0)>
#map1 = affine_map<(d0, d1) -> (0)>
module attributes {stable_mosaic.version = 14 : i64} {
  func.func @_edge_agg_kernel(%arg0: i32, %arg1: i32, %arg2: memref<10000x128xf32, #tpu.memory_space<hbm>>, %arg3: memref<322560x128xf32, #tpu.memory_space<hbm>>, %arg4: memref<322560xi32, #tpu.memory_space<hbm>>, %arg5: memref<322560xi32, #tpu.memory_space<hbm>>, %arg6: memref<10112x128xf32, #tpu.memory_space<hbm>>, %arg7: memref<20224x128xf32, #tpu.memory_space<hbm>>, %arg8: memref<96xi32, #tpu.memory_space<vmem>>, %arg9: memref<96xi32, #tpu.memory_space<vmem>>, %arg10: memref<96xi32, #tpu.memory_space<vmem>>, %arg11: memref<96xi32, #tpu.memory_space<vmem>>, %arg12: memref<96x128xf32, #tpu.memory_space<vmem>>, %arg13: memref<96x128xf32, #tpu.memory_space<vmem>>, %arg14: memref<96x128xf32, #tpu.memory_space<vmem>>, %arg15: memref<96x128xf32, #tpu.memory_space<vmem>>, %arg16: memref<10112x128xf32, #tpu.memory_space<vmem_shared>>, %arg17: memref<!tpu.dma_semaphore, #tpu.memory_space<semaphore_mem>>, %arg18: memref<!tpu.dma_semaphore, #tpu.memory_space<semaphore_mem>>, %arg19: memref<!tpu.dma_semaphore, #tpu.memory_space<semaphore_mem>>, %arg20: memref<!tpu.dma_semaphore, #tpu.memory_space<semaphore_mem>>, %arg21: memref<!tpu.dma_semaphore, #tpu.memory_space<semaphore_mem>>, %arg22: memref<!tpu.dma_semaphore, #tpu.memory_space<semaphore_mem>>, %arg23: memref<!tpu.dma_semaphore, #tpu.memory_space<semaphore_mem>>, %arg24: memref<!tpu.dma_semaphore, #tpu.memory_space<semaphore_mem>>, %arg25: memref<!tpu.dma_semaphore, #tpu.memory_space<semaphore_mem>>, %arg26: memref<!tpu.dma_semaphore, #tpu.memory_space<semaphore_mem>>) attributes {dimension_semantics = [#tpu.dimension_semantics<core_parallel>, #tpu.dimension_semantics<subcore_parallel>], iteration_bounds = array<i64: 2, 16>, scalar_prefetch = 0 : i64, scratch_operands = 19 : i64, tpu.core_type = #tpu.core_type<sc_vector_subcore>, window_params = [{transform_indices = #map}, {transform_indices = #map}, {transform_indices = #map1}, {transform_indices = #map1}, {transform_indices = #map}, {transform_indices = #map}]} {
    %mul3A = arith.constant 2 : i32
    %mul3A_0 = arith.muli %arg1, %mul3A : i32
    %add3A = arith.addi %mul3A_0, %arg0 : i32
    %mul3A_1 = arith.constant 632 : i32
    %mul3A_2 = arith.muli %arg1, %mul3A_1 : i32
    %mul3A_3 = arith.constant 632 : i32
    %mul3A_4 = arith.muli %arg1, %mul3A_3 : i32
    "tpu.region"() ({
      %run_scoped3A = tpu.sem_alloc : memref<!tpu.dma_semaphore, #tpu.memory_space<semaphore_mem>>
      %dma_start3A_76 = arith.constant 0 : i32
      %dma_start3A_77 = tpu.memref_slice %arg16[%mul3A_4, %dma_start3A_76] : memref<10112x128xf32, #tpu.memory_space<vmem_shared>> -> memref<632x128xf32, #tpu.memory_space<vmem_shared>>
      %dma_start3A_78 = arith.constant 0 : i32
      %dma_start3A_79 = tpu.memref_slice %arg6[%mul3A_2, %dma_start3A_78] : memref<10112x128xf32, #tpu.memory_space<hbm>> -> memref<632x128xf32, #tpu.memory_space<hbm>>
      tpu.enqueue_dma source(%dma_start3A_79 : memref<632x128xf32, #tpu.memory_space<hbm>>) target(%dma_start3A_77 : memref<632x128xf32, #tpu.memory_space<vmem_shared>>) target_semaphore(%run_scoped3A : memref<!tpu.dma_semaphore, #tpu.memory_space<semaphore_mem>>)
      %dma_wait3A_80 = arith.constant 0 : i32
      %dma_wait3A_81 = tpu.memref_slice %arg16[%mul3A_4, %dma_wait3A_80] : memref<10112x128xf32, #tpu.memory_space<vmem_shared>> -> memref<632x128xf32, #tpu.memory_space<vmem_shared>>
      %dma_wait3A_82 = arith.constant 0 : i32
      %dma_wait3A_83 = tpu.memref_slice %arg6[%mul3A_2, %dma_wait3A_82] : memref<10112x128xf32, #tpu.memory_space<hbm>> -> memref<632x128xf32, #tpu.memory_space<hbm>>
      tpu.wait_dma2 semaphore(%run_scoped3A : memref<!tpu.dma_semaphore, #tpu.memory_space<semaphore_mem>>) src(%dma_wait3A_83 : memref<632x128xf32, #tpu.memory_space<hbm>>) dst(%dma_wait3A_81 : memref<632x128xf32, #tpu.memory_space<vmem_shared>>)
      tpu.yield
    }) : () -> ()
    %barrier3A = arith.constant 0 : index
    tpu.barrier barrier_id(%barrier3A)
    %eq3A = arith.constant 0 : i32
    %eq3A_5 = arith.cmpi eq, %arg0, %eq3A : i32
    %jit3A = arith.constant 140 : i32
    %jit3A_6 = arith.constant 70 : i32
    %select_n3A = arith.select %eq3A_5, %jit3A, %jit3A_6 : i32
    %eq3A_7 = arith.constant 0 : i32
    %eq3A_8 = arith.cmpi eq, %arg0, %eq3A_7 : i32
    %mul3A_9 = arith.constant 140 : i32
    %mul3A_10 = arith.muli %arg1, %mul3A_9 : i32
    %mul3A_11 = arith.constant 70 : i32
    %mul3A_12 = arith.muli %arg1, %mul3A_11 : i32
    %add3A_13 = arith.constant 2240 : i32
    %add3A_14 = arith.addi %add3A_13, %mul3A_12 : i32
    %select_n3A_15 = arith.select %eq3A_8, %mul3A_10, %add3A_14 : i32
    %mul3A_16 = arith.constant 96 : i32
    %mul3A_17 = arith.muli %select_n3A_15, %mul3A_16 : i32
    "tpu.region"() ({
      %run_scoped3A = tpu.sem_alloc : memref<!tpu.dma_semaphore, #tpu.memory_space<semaphore_mem>>
      %dma_start3A_76 = tpu.memref_slice %arg4[%mul3A_17] : memref<322560xi32, #tpu.memory_space<hbm>> -> memref<96xi32, #tpu.memory_space<hbm>>
      %dma_start3A_77 = tpu.memref_slice %arg4[%mul3A_17] : memref<322560xi32, #tpu.memory_space<hbm>> -> memref<96xi32, #tpu.memory_space<hbm>>
      tpu.enqueue_dma source(%dma_start3A_77 : memref<96xi32, #tpu.memory_space<hbm>>) target(%arg8 : memref<96xi32, #tpu.memory_space<vmem>>) target_semaphore(%run_scoped3A : memref<!tpu.dma_semaphore, #tpu.memory_space<semaphore_mem>>)
      %dma_wait3A_78 = tpu.memref_slice %arg4[%mul3A_17] : memref<322560xi32, #tpu.memory_space<hbm>> -> memref<96xi32, #tpu.memory_space<hbm>>
      %dma_wait3A_79 = tpu.memref_slice %arg4[%mul3A_17] : memref<322560xi32, #tpu.memory_space<hbm>> -> memref<96xi32, #tpu.memory_space<hbm>>
      tpu.wait_dma2 semaphore(%run_scoped3A : memref<!tpu.dma_semaphore, #tpu.memory_space<semaphore_mem>>) src(%dma_wait3A_79 : memref<96xi32, #tpu.memory_space<hbm>>) dst(%arg8 : memref<96xi32, #tpu.memory_space<vmem>>)
      tpu.yield
    }) : () -> ()
    %dma_start3A = arith.constant 0 : i32
    %dma_start3A_18 = arith.constant 0 : i32
    %dma_start3A_19 = tpu.memref_slice %arg2[%dma_start3A, %dma_start3A_18] : memref<10000x128xf32, #tpu.memory_space<hbm>> -> memref<10000x128xf32, #tpu.memory_space<hbm>>
    tpu.enqueue_indirect_dma source(%dma_start3A_19 : memref<10000x128xf32, #tpu.memory_space<hbm>>) target(%arg12 : memref<96x128xf32, #tpu.memory_space<vmem>>) offsets(%arg8 : memref<96xi32, #tpu.memory_space<vmem>>) semaphore(%arg17 : memref<!tpu.dma_semaphore, #tpu.memory_space<semaphore_mem>>)
    %dma_start3A_20 = arith.constant 0 : i32
    %dma_start3A_21 = tpu.memref_slice %arg3[%mul3A_17, %dma_start3A_20] : memref<322560x128xf32, #tpu.memory_space<hbm>> -> memref<96x128xf32, #tpu.memory_space<hbm>>
    %dma_start3A_22 = arith.constant 0 : i32
    %dma_start3A_23 = tpu.memref_slice %arg3[%mul3A_17, %dma_start3A_22] : memref<322560x128xf32, #tpu.memory_space<hbm>> -> memref<96x128xf32, #tpu.memory_space<hbm>>
    tpu.enqueue_dma source(%dma_start3A_23 : memref<96x128xf32, #tpu.memory_space<hbm>>) target(%arg14 : memref<96x128xf32, #tpu.memory_space<vmem>>) target_semaphore(%arg23 : memref<!tpu.dma_semaphore, #tpu.memory_space<semaphore_mem>>)
    %dma_start3A_24 = tpu.memref_slice %arg5[%mul3A_17] : memref<322560xi32, #tpu.memory_space<hbm>> -> memref<96xi32, #tpu.memory_space<hbm>>
    %dma_start3A_25 = tpu.memref_slice %arg5[%mul3A_17] : memref<322560xi32, #tpu.memory_space<hbm>> -> memref<96xi32, #tpu.memory_space<hbm>>
    tpu.enqueue_dma source(%dma_start3A_25 : memref<96xi32, #tpu.memory_space<hbm>>) target(%arg10 : memref<96xi32, #tpu.memory_space<vmem>>) target_semaphore(%arg21 : memref<!tpu.dma_semaphore, #tpu.memory_space<semaphore_mem>>)
    %add3A_26 = arith.constant 96 : i32
    %add3A_27 = arith.addi %mul3A_17, %add3A_26 : i32
    %dma_start3A_28 = tpu.memref_slice %arg4[%add3A_27] : memref<322560xi32, #tpu.memory_space<hbm>> -> memref<96xi32, #tpu.memory_space<hbm>>
    %dma_start3A_29 = tpu.memref_slice %arg4[%add3A_27] : memref<322560xi32, #tpu.memory_space<hbm>> -> memref<96xi32, #tpu.memory_space<hbm>>
    tpu.enqueue_dma source(%dma_start3A_29 : memref<96xi32, #tpu.memory_space<hbm>>) target(%arg9 : memref<96xi32, #tpu.memory_space<vmem>>) target_semaphore(%arg20 : memref<!tpu.dma_semaphore, #tpu.memory_space<semaphore_mem>>)
    %add3A_30 = arith.constant 96 : i32
    %add3A_31 = arith.addi %mul3A_17, %add3A_30 : i32
    %dma_start3A_32 = arith.constant 0 : i32
    %dma_start3A_33 = tpu.memref_slice %arg3[%add3A_31, %dma_start3A_32] : memref<322560x128xf32, #tpu.memory_space<hbm>> -> memref<96x128xf32, #tpu.memory_space<hbm>>
    %dma_start3A_34 = arith.constant 0 : i32
    %dma_start3A_35 = tpu.memref_slice %arg3[%add3A_31, %dma_start3A_34] : memref<322560x128xf32, #tpu.memory_space<hbm>> -> memref<96x128xf32, #tpu.memory_space<hbm>>
    tpu.enqueue_dma source(%dma_start3A_35 : memref<96x128xf32, #tpu.memory_space<hbm>>) target(%arg15 : memref<96x128xf32, #tpu.memory_space<vmem>>) target_semaphore(%arg24 : memref<!tpu.dma_semaphore, #tpu.memory_space<semaphore_mem>>)
    %jit3A_36 = arith.constant 2 : i32
    %div3A = arith.divsi %select_n3A, %jit3A_36 : i32
    %sign3A = arith.constant 0 : i32
    %sign3A_37 = arith.cmpi sgt, %select_n3A, %sign3A : i32
    %sign3A_38 = arith.extui %sign3A_37 : i1 to i32
    %sign3A_39 = arith.constant 0 : i32
    %sign3A_40 = arith.cmpi slt, %select_n3A, %sign3A_39 : i32
    %sign3A_41 = arith.extui %sign3A_40 : i1 to i32
    %sign3A_42 = arith.subi %sign3A_38, %sign3A_41 : i32
    %sign3A_43 = arith.constant 0 : i32
    %sign3A_44 = arith.cmpi sgt, %jit3A_36, %sign3A_43 : i32
    %sign3A_45 = arith.extui %sign3A_44 : i1 to i32
    %sign3A_46 = arith.constant 0 : i32
    %sign3A_47 = arith.cmpi slt, %jit3A_36, %sign3A_46 : i32
    %sign3A_48 = arith.extui %sign3A_47 : i1 to i32
    %sign3A_49 = arith.subi %sign3A_45, %sign3A_48 : i32
    %ne3A = arith.cmpi ne, %sign3A_42, %sign3A_49 : i32
    %rem3A = arith.remsi %select_n3A, %jit3A_36 : i32
    %ne3A_50 = arith.constant 0 : i32
    %ne3A_51 = arith.cmpi ne, %rem3A, %ne3A_50 : i32
    %and3A = arith.andi %ne3A, %ne3A_51 : i1
    %sub3A = arith.constant 1 : i32
    %sub3A_52 = arith.subi %div3A, %sub3A : i32
    %select_n3A_53 = arith.select %and3A, %sub3A_52, %div3A : i32
    %while3A = arith.constant 0 : i32
    %while3A_54 = arith.constant 0 : i32
    %while3A_55 = arith.subi %select_n3A_53, %while3A_54 : i32
    %while3A_56 = arith.addi %while3A_54, %while3A_55 : i32
    %while3A_57 = arith.constant 1 : i32
    %while3A_58 = arith.divsi %while3A_55, %while3A_57 : i32
    %while3A_59 = arith.muli %while3A_58, %while3A_57 : i32
    %while3A_60 = arith.addi %while3A_54, %while3A_59 : i32
    %while3A_61 = arith.constant 1 : i32
    scf.for %while3A_76 = %while3A_54 to %while3A_60 step %while3A_61  : i32 {
      %mul3A_77 = arith.constant 2 : i32
      %mul3A_78 = arith.muli %while3A_76, %mul3A_77 : i32
      %add3A_79 = arith.constant 0 : i32
      %add3A_80 = arith.addi %mul3A_78, %add3A_79 : i32
      %mul3A_81 = arith.constant 96 : i32
      %mul3A_82 = arith.muli %add3A_80, %mul3A_81 : i32
      %add3A_83 = arith.addi %mul3A_17, %mul3A_82 : i32
      %dma_wait3A_84 = arith.constant 0 : i32
      %dma_wait3A_85 = arith.constant 0 : i32
      %dma_wait3A_86 = tpu.memref_slice %arg2[%dma_wait3A_84, %dma_wait3A_85] : memref<10000x128xf32, #tpu.memory_space<hbm>> -> memref<10000x128xf32, #tpu.memory_space<hbm>>
      tpu.wait_indirect_dma semaphore(%arg17 : memref<!tpu.dma_semaphore, #tpu.memory_space<semaphore_mem>>) src(%dma_wait3A_86 : memref<10000x128xf32, #tpu.memory_space<hbm>>) dst(%arg12 : memref<96x128xf32, #tpu.memory_space<vmem>>)
      %add3A_87 = arith.constant 1 : i32
      %add3A_88 = arith.addi %add3A_80, %add3A_87 : i32
      %lt3A = arith.cmpi slt, %add3A_88, %select_n3A : i32
      %convert_element_type3A = arith.extui %lt3A : i1 to i32
      %cond3A = arith.constant 0 : i32
      %cond3A_89 = arith.cmpi ne, %convert_element_type3A, %cond3A : i32
      scf.if %cond3A_89 {
        %add3A_159 = arith.constant 96 : i32
        %add3A_160 = arith.addi %add3A_83, %add3A_159 : i32
        %dma_wait3A_161 = tpu.memref_slice %arg4[%add3A_160] : memref<322560xi32, #tpu.memory_space<hbm>> -> memref<96xi32, #tpu.memory_space<hbm>>
        %dma_wait3A_162 = tpu.memref_slice %arg4[%add3A_160] : memref<322560xi32, #tpu.memory_space<hbm>> -> memref<96xi32, #tpu.memory_space<hbm>>
        tpu.wait_dma2 semaphore(%arg20 : memref<!tpu.dma_semaphore, #tpu.memory_space<semaphore_mem>>) src(%dma_wait3A_162 : memref<96xi32, #tpu.memory_space<hbm>>) dst(%arg9 : memref<96xi32, #tpu.memory_space<vmem>>)
        %ge3A = arith.constant 1 : i32
        %ge3A_163 = arith.cmpi sge, %add3A_80, %ge3A : i32
        %convert_element_type3A_164 = arith.extui %ge3A_163 : i1 to i32
        %cond3A_165 = arith.constant 0 : i32
        %cond3A_166 = arith.cmpi ne, %convert_element_type3A_164, %cond3A_165 : i32
        scf.if %cond3A_166 {
          %dma_wait3A_174 = arith.constant 0 : i32
          %dma_wait3A_175 = arith.constant 0 : i32
          %dma_wait3A_176 = tpu.memref_slice %arg16[%dma_wait3A_174, %dma_wait3A_175] : memref<10112x128xf32, #tpu.memory_space<vmem_shared>> -> memref<10112x128xf32, #tpu.memory_space<vmem_shared>>
          tpu.wait_indirect_dma semaphore(%arg26 : memref<!tpu.dma_semaphore, #tpu.memory_space<semaphore_mem>>) src(%arg13 : memref<96x128xf32, #tpu.memory_space<vmem>>) dst(%dma_wait3A_176 : memref<10112x128xf32, #tpu.memory_space<vmem_shared>>)
        } else {
        }
        %dma_start3A_167 = arith.constant 0 : i32
        %dma_start3A_168 = arith.constant 0 : i32
        %dma_start3A_169 = tpu.memref_slice %arg2[%dma_start3A_167, %dma_start3A_168] : memref<10000x128xf32, #tpu.memory_space<hbm>> -> memref<10000x128xf32, #tpu.memory_space<hbm>>
        tpu.enqueue_indirect_dma source(%dma_start3A_169 : memref<10000x128xf32, #tpu.memory_space<hbm>>) target(%arg13 : memref<96x128xf32, #tpu.memory_space<vmem>>) offsets(%arg9 : memref<96xi32, #tpu.memory_space<vmem>>) semaphore(%arg18 : memref<!tpu.dma_semaphore, #tpu.memory_space<semaphore_mem>>)
        %add3A_170 = arith.constant 96 : i32
        %add3A_171 = arith.addi %add3A_83, %add3A_170 : i32
        %dma_start3A_172 = tpu.memref_slice %arg5[%add3A_171] : memref<322560xi32, #tpu.memory_space<hbm>> -> memref<96xi32, #tpu.memory_space<hbm>>
        %dma_start3A_173 = tpu.memref_slice %arg5[%add3A_171] : memref<322560xi32, #tpu.memory_space<hbm>> -> memref<96xi32, #tpu.memory_space<hbm>>
        tpu.enqueue_dma source(%dma_start3A_173 : memref<96xi32, #tpu.memory_space<hbm>>) target(%arg11 : memref<96xi32, #tpu.memory_space<vmem>>) target_semaphore(%arg22 : memref<!tpu.dma_semaphore, #tpu.memory_space<semaphore_mem>>)
      } else {
      }
      %add3A_90 = arith.constant 2 : i32
      %add3A_91 = arith.addi %add3A_80, %add3A_90 : i32
      %lt3A_92 = arith.cmpi slt, %add3A_91, %select_n3A : i32
      %convert_element_type3A_93 = arith.extui %lt3A_92 : i1 to i32
      %cond3A_94 = arith.constant 0 : i32
      %cond3A_95 = arith.cmpi ne, %convert_element_type3A_93, %cond3A_94 : i32
      scf.if %cond3A_95 {
        %add3A_159 = arith.constant 192 : i32
        %add3A_160 = arith.addi %add3A_83, %add3A_159 : i32
        %dma_start3A_161 = tpu.memref_slice %arg4[%add3A_160] : memref<322560xi32, #tpu.memory_space<hbm>> -> memref<96xi32, #tpu.memory_space<hbm>>
        %dma_start3A_162 = tpu.memref_slice %arg4[%add3A_160] : memref<322560xi32, #tpu.memory_space<hbm>> -> memref<96xi32, #tpu.memory_space<hbm>>
        tpu.enqueue_dma source(%dma_start3A_162 : memref<96xi32, #tpu.memory_space<hbm>>) target(%arg8 : memref<96xi32, #tpu.memory_space<vmem>>) target_semaphore(%arg19 : memref<!tpu.dma_semaphore, #tpu.memory_space<semaphore_mem>>)
      } else {
      }
      %dma_wait3A_96 = arith.constant 0 : i32
      %dma_wait3A_97 = tpu.memref_slice %arg3[%add3A_83, %dma_wait3A_96] : memref<322560x128xf32, #tpu.memory_space<hbm>> -> memref<96x128xf32, #tpu.memory_space<hbm>>
      %dma_wait3A_98 = arith.constant 0 : i32
      %dma_wait3A_99 = tpu.memref_slice %arg3[%add3A_83, %dma_wait3A_98] : memref<322560x128xf32, #tpu.memory_space<hbm>> -> memref<96x128xf32, #tpu.memory_space<hbm>>
      tpu.wait_dma2 semaphore(%arg23 : memref<!tpu.dma_semaphore, #tpu.memory_space<semaphore_mem>>) src(%dma_wait3A_99 : memref<96x128xf32, #tpu.memory_space<hbm>>) dst(%arg14 : memref<96x128xf32, #tpu.memory_space<vmem>>)
      %scan3A = arith.constant 0 : i32
      %scan3A_100 = arith.constant 0 : i32
      %scan3A_101 = arith.constant 96 : i32
      %scan3A_102 = arith.addi %scan3A_100, %scan3A_101 : i32
      %scan3A_103 = arith.constant 1 : i32
      scf.for %scan3A_159 = %scan3A_100 to %scan3A_102 step %scan3A_103  : i32 {
        %get3A = arith.index_cast %scan3A_159 : i32 to index
        %get3A_160 = arith.constant 0 : index
        %get3A_161 = tpu.vector_load %arg12[%get3A, %get3A_160] {strides = array<i32>} : memref<96x128xf32, #tpu.memory_space<vmem>>, vector<16xf32>,
        %get3A_162 = arith.index_cast %scan3A_159 : i32 to index
        %get3A_163 = arith.constant 0 : index
        %get3A_164 = tpu.vector_load %arg14[%get3A_162, %get3A_163] {strides = array<i32>} : memref<96x128xf32, #tpu.memory_space<vmem>>, vector<16xf32>,
        %mul3A_165 = arith.mulf %get3A_161, %get3A_164 : vector<16xf32>
        %swap3A = arith.index_cast %scan3A_159 : i32 to index
        %swap3A_166 = arith.constant 0 : index
        %swap3A_167 = tpu.vector_load %arg12[%swap3A, %swap3A_166] {strides = array<i32>} : memref<96x128xf32, #tpu.memory_space<vmem>>, vector<16xf32>,
        tpu.vector_store %arg12[%swap3A, %swap3A_166], %mul3A_165 {strides = array<i32>} : memref<96x128xf32, #tpu.memory_space<vmem>>, vector<16xf32>,
        %get3A_168 = arith.index_cast %scan3A_159 : i32 to index
        %get3A_169 = arith.constant 16 : index
        %get3A_170 = tpu.vector_load %arg12[%get3A_168, %get3A_169] {strides = array<i32>} : memref<96x128xf32, #tpu.memory_space<vmem>>, vector<16xf32>,
        %get3A_171 = arith.index_cast %scan3A_159 : i32 to index
        %get3A_172 = arith.constant 16 : index
        %get3A_173 = tpu.vector_load %arg14[%get3A_171, %get3A_172] {strides = array<i32>} : memref<96x128xf32, #tpu.memory_space<vmem>>, vector<16xf32>,
        %mul3A_174 = arith.mulf %get3A_170, %get3A_173 : vector<16xf32>
        %swap3A_175 = arith.index_cast %scan3A_159 : i32 to index
        %swap3A_176 = arith.constant 16 : index
        %swap3A_177 = tpu.vector_load %arg12[%swap3A_175, %swap3A_176] {strides = array<i32>} : memref<96x128xf32, #tpu.memory_space<vmem>>, vector<16xf32>,
        tpu.vector_store %arg12[%swap3A_175, %swap3A_176], %mul3A_174 {strides = array<i32>} : memref<96x128xf32, #tpu.memory_space<vmem>>, vector<16xf32>,
        %get3A_178 = arith.index_cast %scan3A_159 : i32 to index
        %get3A_179 = arith.constant 32 : index
        %get3A_180 = tpu.vector_load %arg12[%get3A_178, %get3A_179] {strides = array<i32>} : memref<96x128xf32, #tpu.memory_space<vmem>>, vector<16xf32>,
        %get3A_181 = arith.index_cast %scan3A_159 : i32 to index
        %get3A_182 = arith.constant 32 : index
        %get3A_183 = tpu.vector_load %arg14[%get3A_181, %get3A_182] {strides = array<i32>} : memref<96x128xf32, #tpu.memory_space<vmem>>, vector<16xf32>,
        %mul3A_184 = arith.mulf %get3A_180, %get3A_183 : vector<16xf32>
        %swap3A_185 = arith.index_cast %scan3A_159 : i32 to index
        %swap3A_186 = arith.constant 32 : index
        %swap3A_187 = tpu.vector_load %arg12[%swap3A_185, %swap3A_186] {strides = array<i32>} : memref<96x128xf32, #tpu.memory_space<vmem>>, vector<16xf32>,
        tpu.vector_store %arg12[%swap3A_185, %swap3A_186], %mul3A_184 {strides = array<i32>} : memref<96x128xf32, #tpu.memory_space<vmem>>, vector<16xf32>,
        %get3A_188 = arith.index_cast %scan3A_159 : i32 to index
        %get3A_189 = arith.constant 48 : index
        %get3A_190 = tpu.vector_load %arg12[%get3A_188, %get3A_189] {strides = array<i32>} : memref<96x128xf32, #tpu.memory_space<vmem>>, vector<16xf32>,
        %get3A_191 = arith.index_cast %scan3A_159 : i32 to index
        %get3A_192 = arith.constant 48 : index
        %get3A_193 = tpu.vector_load %arg14[%get3A_191, %get3A_192] {strides = array<i32>} : memref<96x128xf32, #tpu.memory_space<vmem>>, vector<16xf32>,
        %mul3A_194 = arith.mulf %get3A_190, %get3A_193 : vector<16xf32>
        %swap3A_195 = arith.index_cast %scan3A_159 : i32 to index
        %swap3A_196 = arith.constant 48 : index
        %swap3A_197 = tpu.vector_load %arg12[%swap3A_195, %swap3A_196] {strides = array<i32>} : memref<96x128xf32, #tpu.memory_space<vmem>>, vector<16xf32>,
        tpu.vector_store %arg12[%swap3A_195, %swap3A_196], %mul3A_194 {strides = array<i32>} : memref<96x128xf32, #tpu.memory_space<vmem>>, vector<16xf32>,
        %get3A_198 = arith.index_cast %scan3A_159 : i32 to index
        %get3A_199 = arith.constant 64 : index
        %get3A_200 = tpu.vector_load %arg12[%get3A_198, %get3A_199] {strides = array<i32>} : memref<96x128xf32, #tpu.memory_space<vmem>>, vector<16xf32>,
        %get3A_201 = arith.index_cast %scan3A_159 : i32 to index
        %get3A_202 = arith.constant 64 : index
        %get3A_203 = tpu.vector_load %arg14[%get3A_201, %get3A_202] {strides = array<i32>} : memref<96x128xf32, #tpu.memory_space<vmem>>, vector<16xf32>,
        %mul3A_204 = arith.mulf %get3A_200, %get3A_203 : vector<16xf32>
        %swap3A_205 = arith.index_cast %scan3A_159 : i32 to index
        %swap3A_206 = arith.constant 64 : index
        %swap3A_207 = tpu.vector_load %arg12[%swap3A_205, %swap3A_206] {strides = array<i32>} : memref<96x128xf32, #tpu.memory_space<vmem>>, vector<16xf32>,
        tpu.vector_store %arg12[%swap3A_205, %swap3A_206], %mul3A_204 {strides = array<i32>} : memref<96x128xf32, #tpu.memory_space<vmem>>, vector<16xf32>,
        %get3A_208 = arith.index_cast %scan3A_159 : i32 to index
        %get3A_209 = arith.constant 80 : index
        %get3A_210 = tpu.vector_load %arg12[%get3A_208, %get3A_209] {strides = array<i32>} : memref<96x128xf32, #tpu.memory_space<vmem>>, vector<16xf32>,
        %get3A_211 = arith.index_cast %scan3A_159 : i32 to index
        %get3A_212 = arith.constant 80 : index
        %get3A_213 = tpu.vector_load %arg14[%get3A_211, %get3A_212] {strides = array<i32>} : memref<96x128xf32, #tpu.memory_space<vmem>>, vector<16xf32>,
        %mul3A_214 = arith.mulf %get3A_210, %get3A_213 : vector<16xf32>
        %swap3A_215 = arith.index_cast %scan3A_159 : i32 to index
        %swap3A_216 = arith.constant 80 : index
        %swap3A_217 = tpu.vector_load %arg12[%swap3A_215, %swap3A_216] {strides = array<i32>} : memref<96x128xf32, #tpu.memory_space<vmem>>, vector<16xf32>,
        tpu.vector_store %arg12[%swap3A_215, %swap3A_216], %mul3A_214 {strides = array<i32>} : memref<96x128xf32, #tpu.memory_space<vmem>>, vector<16xf32>,
        %get3A_218 = arith.index_cast %scan3A_159 : i32 to index
        %get3A_219 = arith.constant 96 : index
        %get3A_220 = tpu.vector_load %arg12[%get3A_218, %get3A_219] {strides = array<i32>} : memref<96x128xf32, #tpu.memory_space<vmem>>, vector<16xf32>,
        %get3A_221 = arith.index_cast %scan3A_159 : i32 to index
        %get3A_222 = arith.constant 96 : index
        %get3A_223 = tpu.vector_load %arg14[%get3A_221, %get3A_222] {strides = array<i32>} : memref<96x128xf32, #tpu.memory_space<vmem>>, vector<16xf32>,
        %mul3A_224 = arith.mulf %get3A_220, %get3A_223 : vector<16xf32>
        %swap3A_225 = arith.index_cast %scan3A_159 : i32 to index
        %swap3A_226 = arith.constant 96 : index
        %swap3A_227 = tpu.vector_load %arg12[%swap3A_225, %swap3A_226] {strides = array<i32>} : memref<96x128xf32, #tpu.memory_space<vmem>>, vector<16xf32>,
        tpu.vector_store %arg12[%swap3A_225, %swap3A_226], %mul3A_224 {strides = array<i32>} : memref<96x128xf32, #tpu.memory_space<vmem>>, vector<16xf32>,
        %get3A_228 = arith.index_cast %scan3A_159 : i32 to index
        %get3A_229 = arith.constant 112 : index
        %get3A_230 = tpu.vector_load %arg12[%get3A_228, %get3A_229] {strides = array<i32>} : memref<96x128xf32, #tpu.memory_space<vmem>>, vector<16xf32>,
        %get3A_231 = arith.index_cast %scan3A_159 : i32 to index
        %get3A_232 = arith.constant 112 : index
        %get3A_233 = tpu.vector_load %arg14[%get3A_231, %get3A_232] {strides = array<i32>} : memref<96x128xf32, #tpu.memory_space<vmem>>, vector<16xf32>,
        %mul3A_234 = arith.mulf %get3A_230, %get3A_233 : vector<16xf32>
        %swap3A_235 = arith.index_cast %scan3A_159 : i32 to index
        %swap3A_236 = arith.constant 112 : index
        %swap3A_237 = tpu.vector_load %arg12[%swap3A_235, %swap3A_236] {strides = array<i32>} : memref<96x128xf32, #tpu.memory_space<vmem>>, vector<16xf32>,
        tpu.vector_store %arg12[%swap3A_235, %swap3A_236], %mul3A_234 {strides = array<i32>} : memref<96x128xf32, #tpu.memory_space<vmem>>, vector<16xf32>,
      }
      %scan3A_104 = arith.constant 96 : i32
      %add3A_105 = arith.constant 2 : i32
      %add3A_106 = arith.addi %add3A_80, %add3A_105 : i32
      %lt3A_107 = arith.cmpi slt, %add3A_106, %select_n3A : i32
      %convert_element_type3A_108 = arith.extui %lt3A_107 : i1 to i32
      %cond3A_109 = arith.constant 0 : i32
      %cond3A_110 = arith.cmpi ne, %convert_element_type3A_108, %cond3A_109 : i32
      scf.if %cond3A_110 {
        %add3A_159 = arith.constant 192 : i32
        %add3A_160 = arith.addi %add3A_83, %add3A_159 : i32
        %dma_start3A_161 = arith.constant 0 : i32
        %dma_start3A_162 = tpu.memref_slice %arg3[%add3A_160, %dma_start3A_161] : memref<322560x128xf32, #tpu.memory_space<hbm>> -> memref<96x128xf32, #tpu.memory_space<hbm>>
        %dma_start3A_163 = arith.constant 0 : i32
        %dma_start3A_164 = tpu.memref_slice %arg3[%add3A_160, %dma_start3A_163] : memref<322560x128xf32, #tpu.memory_space<hbm>> -> memref<96x128xf32, #tpu.memory_space<hbm>>
        tpu.enqueue_dma source(%dma_start3A_164 : memref<96x128xf32, #tpu.memory_space<hbm>>) target(%arg14 : memref<96x128xf32, #tpu.memory_space<vmem>>) target_semaphore(%arg23 : memref<!tpu.dma_semaphore, #tpu.memory_space<semaphore_mem>>)
      } else {
      }
      %dma_wait3A_111 = tpu.memref_slice %arg5[%add3A_83] : memref<322560xi32, #tpu.memory_space<hbm>> -> memref<96xi32, #tpu.memory_space<hbm>>
      %dma_wait3A_112 = tpu.memref_slice %arg5[%add3A_83] : memref<322560xi32, #tpu.memory_space<hbm>> -> memref<96xi32, #tpu.memory_space<hbm>>
      tpu.wait_dma2 semaphore(%arg21 : memref<!tpu.dma_semaphore, #tpu.memory_space<semaphore_mem>>) src(%dma_wait3A_112 : memref<96xi32, #tpu.memory_space<hbm>>) dst(%arg10 : memref<96xi32, #tpu.memory_space<vmem>>)
      %dma_start3A_113 = arith.constant 0 : i32
      %dma_start3A_114 = arith.constant 0 : i32
      %dma_start3A_115 = tpu.memref_slice %arg16[%dma_start3A_113, %dma_start3A_114] : memref<10112x128xf32, #tpu.memory_space<vmem_shared>> -> memref<10112x128xf32, #tpu.memory_space<vmem_shared>>
      tpu.enqueue_indirect_dma source(%arg12 : memref<96x128xf32, #tpu.memory_space<vmem>>) target(%dma_start3A_115 : memref<10112x128xf32, #tpu.memory_space<vmem_shared>>) offsets(%arg10 : memref<96xi32, #tpu.memory_space<vmem>>) semaphore(%arg25 : memref<!tpu.dma_semaphore, #tpu.memory_space<semaphore_mem>>) {add = true}
      %mul3A_116 = arith.constant 2 : i32
      %mul3A_117 = arith.muli %while3A_76, %mul3A_116 : i32
      %add3A_118 = arith.constant 1 : i32
      %add3A_119 = arith.addi %mul3A_117, %add3A_118 : i32
      %mul3A_120 = arith.constant 96 : i32
      %mul3A_121 = arith.muli %add3A_119, %mul3A_120 : i32
      %add3A_122 = arith.addi %mul3A_17, %mul3A_121 : i32
      %dma_wait3A_123 = arith.constant 0 : i32
      %dma_wait3A_124 = arith.constant 0 : i32
      %dma_wait3A_125 = tpu.memref_slice %arg2[%dma_wait3A_123, %dma_wait3A_124] : memref<10000x128xf32, #tpu.memory_space<hbm>> -> memref<10000x128xf32, #tpu.memory_space<hbm>>
      tpu.wait_indirect_dma semaphore(%arg18 : memref<!tpu.dma_semaphore, #tpu.memory_space<semaphore_mem>>) src(%dma_wait3A_125 : memref<10000x128xf32, #tpu.memory_space<hbm>>) dst(%arg13 : memref<96x128xf32, #tpu.memory_space<vmem>>)
      %add3A_126 = arith.constant 1 : i32
      %add3A_127 = arith.addi %add3A_119, %add3A_126 : i32
      %lt3A_128 = arith.cmpi slt, %add3A_127, %select_n3A : i32
      %convert_element_type3A_129 = arith.extui %lt3A_128 : i1 to i32
      %cond3A_130 = arith.constant 0 : i32
      %cond3A_131 = arith.cmpi ne, %convert_element_type3A_129, %cond3A_130 : i32
      scf.if %cond3A_131 {
        %add3A_159 = arith.constant 96 : i32
        %add3A_160 = arith.addi %add3A_122, %add3A_159 : i32
        %dma_wait3A_161 = tpu.memref_slice %arg4[%add3A_160] : memref<322560xi32, #tpu.memory_space<hbm>> -> memref<96xi32, #tpu.memory_space<hbm>>
        %dma_wait3A_162 = tpu.memref_slice %arg4[%add3A_160] : memref<322560xi32, #tpu.memory_space<hbm>> -> memref<96xi32, #tpu.memory_space<hbm>>
        tpu.wait_dma2 semaphore(%arg19 : memref<!tpu.dma_semaphore, #tpu.memory_space<semaphore_mem>>) src(%dma_wait3A_162 : memref<96xi32, #tpu.memory_space<hbm>>) dst(%arg8 : memref<96xi32, #tpu.memory_space<vmem>>)
        %ge3A = arith.constant 1 : i32
        %ge3A_163 = arith.cmpi sge, %add3A_119, %ge3A : i32
        %convert_element_type3A_164 = arith.extui %ge3A_163 : i1 to i32
        %cond3A_165 = arith.constant 0 : i32
        %cond3A_166 = arith.cmpi ne, %convert_element_type3A_164, %cond3A_165 : i32
        scf.if %cond3A_166 {
          %dma_wait3A_174 = arith.constant 0 : i32
          %dma_wait3A_175 = arith.constant 0 : i32
          %dma_wait3A_176 = tpu.memref_slice %arg16[%dma_wait3A_174, %dma_wait3A_175] : memref<10112x128xf32, #tpu.memory_space<vmem_shared>> -> memref<10112x128xf32, #tpu.memory_space<vmem_shared>>
          tpu.wait_indirect_dma semaphore(%arg25 : memref<!tpu.dma_semaphore, #tpu.memory_space<semaphore_mem>>) src(%arg12 : memref<96x128xf32, #tpu.memory_space<vmem>>) dst(%dma_wait3A_176 : memref<10112x128xf32, #tpu.memory_space<vmem_shared>>)
        } else {
        }
        %dma_start3A_167 = arith.constant 0 : i32
        %dma_start3A_168 = arith.constant 0 : i32
        %dma_start3A_169 = tpu.memref_slice %arg2[%dma_start3A_167, %dma_start3A_168] : memref<10000x128xf32, #tpu.memory_space<hbm>> -> memref<10000x128xf32, #tpu.memory_space<hbm>>
        tpu.enqueue_indirect_dma source(%dma_start3A_169 : memref<10000x128xf32, #tpu.memory_space<hbm>>) target(%arg12 : memref<96x128xf32, #tpu.memory_space<vmem>>) offsets(%arg8 : memref<96xi32, #tpu.memory_space<vmem>>) semaphore(%arg17 : memref<!tpu.dma_semaphore, #tpu.memory_space<semaphore_mem>>)
        %add3A_170 = arith.constant 96 : i32
        %add3A_171 = arith.addi %add3A_122, %add3A_170 : i32
        %dma_start3A_172 = tpu.memref_slice %arg5[%add3A_171] : memref<322560xi32, #tpu.memory_space<hbm>> -> memref<96xi32, #tpu.memory_space<hbm>>
        %dma_start3A_173 = tpu.memref_slice %arg5[%add3A_171] : memref<322560xi32, #tpu.memory_space<hbm>> -> memref<96xi32, #tpu.memory_space<hbm>>
        tpu.enqueue_dma source(%dma_start3A_173 : memref<96xi32, #tpu.memory_space<hbm>>) target(%arg10 : memref<96xi32, #tpu.memory_space<vmem>>) target_semaphore(%arg21 : memref<!tpu.dma_semaphore, #tpu.memory_space<semaphore_mem>>)
      } else {
      }
      %add3A_132 = arith.constant 2 : i32
      %add3A_133 = arith.addi %add3A_119, %add3A_132 : i32
      %lt3A_134 = arith.cmpi slt, %add3A_133, %select_n3A : i32
      %convert_element_type3A_135 = arith.extui %lt3A_134 : i1 to i32
      %cond3A_136 = arith.constant 0 : i32
      %cond3A_137 = arith.cmpi ne, %convert_element_type3A_135, %cond3A_136 : i32
      scf.if %cond3A_137 {
        %add3A_159 = arith.constant 192 : i32
        %add3A_160 = arith.addi %add3A_122, %add3A_159 : i32
        %dma_start3A_161 = tpu.memref_slice %arg4[%add3A_160] : memref<322560xi32, #tpu.memory_space<hbm>> -> memref<96xi32, #tpu.memory_space<hbm>>
        %dma_start3A_162 = tpu.memref_slice %arg4[%add3A_160] : memref<322560xi32, #tpu.memory_space<hbm>> -> memref<96xi32, #tpu.memory_space<hbm>>
        tpu.enqueue_dma source(%dma_start3A_162 : memref<96xi32, #tpu.memory_space<hbm>>) target(%arg9 : memref<96xi32, #tpu.memory_space<vmem>>) target_semaphore(%arg20 : memref<!tpu.dma_semaphore, #tpu.memory_space<semaphore_mem>>)
      } else {
      }
      %dma_wait3A_138 = arith.constant 0 : i32
      %dma_wait3A_139 = tpu.memref_slice %arg3[%add3A_122, %dma_wait3A_138] : memref<322560x128xf32, #tpu.memory_space<hbm>> -> memref<96x128xf32, #tpu.memory_space<hbm>>
      %dma_wait3A_140 = arith.constant 0 : i32
      %dma_wait3A_141 = tpu.memref_slice %arg3[%add3A_122, %dma_wait3A_140] : memref<322560x128xf32, #tpu.memory_space<hbm>> -> memref<96x128xf32, #tpu.memory_space<hbm>>
      tpu.wait_dma2 semaphore(%arg24 : memref<!tpu.dma_semaphore, #tpu.memory_space<semaphore_mem>>) src(%dma_wait3A_141 : memref<96x128xf32, #tpu.memory_space<hbm>>) dst(%arg15 : memref<96x128xf32, #tpu.memory_space<vmem>>)
      %scan3A_142 = arith.constant 0 : i32
      %scan3A_143 = arith.constant 0 : i32
      %scan3A_144 = arith.constant 96 : i32
      %scan3A_145 = arith.addi %scan3A_143, %scan3A_144 : i32
      %scan3A_146 = arith.constant 1 : i32
      scf.for %scan3A_159 = %scan3A_143 to %scan3A_145 step %scan3A_146  : i32 {
        %get3A = arith.index_cast %scan3A_159 : i32 to index
        %get3A_160 = arith.constant 0 : index
        %get3A_161 = tpu.vector_load %arg13[%get3A, %get3A_160] {strides = array<i32>} : memref<96x128xf32, #tpu.memory_space<vmem>>, vector<16xf32>,
        %get3A_162 = arith.index_cast %scan3A_159 : i32 to index
        %get3A_163 = arith.constant 0 : index
        %get3A_164 = tpu.vector_load %arg15[%get3A_162, %get3A_163] {strides = array<i32>} : memref<96x128xf32, #tpu.memory_space<vmem>>, vector<16xf32>,
        %mul3A_165 = arith.mulf %get3A_161, %get3A_164 : vector<16xf32>
        %swap3A = arith.index_cast %scan3A_159 : i32 to index
        %swap3A_166 = arith.constant 0 : index
        %swap3A_167 = tpu.vector_load %arg13[%swap3A, %swap3A_166] {strides = array<i32>} : memref<96x128xf32, #tpu.memory_space<vmem>>, vector<16xf32>,
        tpu.vector_store %arg13[%swap3A, %swap3A_166], %mul3A_165 {strides = array<i32>} : memref<96x128xf32, #tpu.memory_space<vmem>>, vector<16xf32>,
        %get3A_168 = arith.index_cast %scan3A_159 : i32 to index
        %get3A_169 = arith.constant 16 : index
        %get3A_170 = tpu.vector_load %arg13[%get3A_168, %get3A_169] {strides = array<i32>} : memref<96x128xf32, #tpu.memory_space<vmem>>, vector<16xf32>,
        %get3A_171 = arith.index_cast %scan3A_159 : i32 to index
        %get3A_172 = arith.constant 16 : index
        %get3A_173 = tpu.vector_load %arg15[%get3A_171, %get3A_172] {strides = array<i32>} : memref<96x128xf32, #tpu.memory_space<vmem>>, vector<16xf32>,
        %mul3A_174 = arith.mulf %get3A_170, %get3A_173 : vector<16xf32>
        %swap3A_175 = arith.index_cast %scan3A_159 : i32 to index
        %swap3A_176 = arith.constant 16 : index
        %swap3A_177 = tpu.vector_load %arg13[%swap3A_175, %swap3A_176] {strides = array<i32>} : memref<96x128xf32, #tpu.memory_space<vmem>>, vector<16xf32>,
        tpu.vector_store %arg13[%swap3A_175, %swap3A_176], %mul3A_174 {strides = array<i32>} : memref<96x128xf32, #tpu.memory_space<vmem>>, vector<16xf32>,
        %get3A_178 = arith.index_cast %scan3A_159 : i32 to index
        %get3A_179 = arith.constant 32 : index
        %get3A_180 = tpu.vector_load %arg13[%get3A_178, %get3A_179] {strides = array<i32>} : memref<96x128xf32, #tpu.memory_space<vmem>>, vector<16xf32>,
        %get3A_181 = arith.index_cast %scan3A_159 : i32 to index
        %get3A_182 = arith.constant 32 : index
        %get3A_183 = tpu.vector_load %arg15[%get3A_181, %get3A_182] {strides = array<i32>} : memref<96x128xf32, #tpu.memory_space<vmem>>, vector<16xf32>,
        %mul3A_184 = arith.mulf %get3A_180, %get3A_183 : vector<16xf32>
        %swap3A_185 = arith.index_cast %scan3A_159 : i32 to index
        %swap3A_186 = arith.constant 32 : index
        %swap3A_187 = tpu.vector_load %arg13[%swap3A_185, %swap3A_186] {strides = array<i32>} : memref<96x128xf32, #tpu.memory_space<vmem>>, vector<16xf32>,
        tpu.vector_store %arg13[%swap3A_185, %swap3A_186], %mul3A_184 {strides = array<i32>} : memref<96x128xf32, #tpu.memory_space<vmem>>, vector<16xf32>,
        %get3A_188 = arith.index_cast %scan3A_159 : i32 to index
        %get3A_189 = arith.constant 48 : index
        %get3A_190 = tpu.vector_load %arg13[%get3A_188, %get3A_189] {strides = array<i32>} : memref<96x128xf32, #tpu.memory_space<vmem>>, vector<16xf32>,
        %get3A_191 = arith.index_cast %scan3A_159 : i32 to index
        %get3A_192 = arith.constant 48 : index
        %get3A_193 = tpu.vector_load %arg15[%get3A_191, %get3A_192] {strides = array<i32>} : memref<96x128xf32, #tpu.memory_space<vmem>>, vector<16xf32>,
        %mul3A_194 = arith.mulf %get3A_190, %get3A_193 : vector<16xf32>
        %swap3A_195 = arith.index_cast %scan3A_159 : i32 to index
        %swap3A_196 = arith.constant 48 : index
        %swap3A_197 = tpu.vector_load %arg13[%swap3A_195, %swap3A_196] {strides = array<i32>} : memref<96x128xf32, #tpu.memory_space<vmem>>, vector<16xf32>,
        tpu.vector_store %arg13[%swap3A_195, %swap3A_196], %mul3A_194 {strides = array<i32>} : memref<96x128xf32, #tpu.memory_space<vmem>>, vector<16xf32>,
        %get3A_198 = arith.index_cast %scan3A_159 : i32 to index
        %get3A_199 = arith.constant 64 : index
        %get3A_200 = tpu.vector_load %arg13[%get3A_198, %get3A_199] {strides = array<i32>} : memref<96x128xf32, #tpu.memory_space<vmem>>, vector<16xf32>,
        %get3A_201 = arith.index_cast %scan3A_159 : i32 to index
        %get3A_202 = arith.constant 64 : index
        %get3A_203 = tpu.vector_load %arg15[%get3A_201, %get3A_202] {strides = array<i32>} : memref<96x128xf32, #tpu.memory_space<vmem>>, vector<16xf32>,
        %mul3A_204 = arith.mulf %get3A_200, %get3A_203 : vector<16xf32>
        %swap3A_205 = arith.index_cast %scan3A_159 : i32 to index
        %swap3A_206 = arith.constant 64 : index
        %swap3A_207 = tpu.vector_load %arg13[%swap3A_205, %swap3A_206] {strides = array<i32>} : memref<96x128xf32, #tpu.memory_space<vmem>>, vector<16xf32>,
        tpu.vector_store %arg13[%swap3A_205, %swap3A_206], %mul3A_204 {strides = array<i32>} : memref<96x128xf32, #tpu.memory_space<vmem>>, vector<16xf32>,
        %get3A_208 = arith.index_cast %scan3A_159 : i32 to index
        %get3A_209 = arith.constant 80 : index
        %get3A_210 = tpu.vector_load %arg13[%get3A_208, %get3A_209] {strides = array<i32>} : memref<96x128xf32, #tpu.memory_space<vmem>>, vector<16xf32>,
        %get3A_211 = arith.index_cast %scan3A_159 : i32 to index
        %get3A_212 = arith.constant 80 : index
        %get3A_213 = tpu.vector_load %arg15[%get3A_211, %get3A_212] {strides = array<i32>} : memref<96x128xf32, #tpu.memory_space<vmem>>, vector<16xf32>,
        %mul3A_214 = arith.mulf %get3A_210, %get3A_213 : vector<16xf32>
        %swap3A_215 = arith.index_cast %scan3A_159 : i32 to index
        %swap3A_216 = arith.constant 80 : index
        %swap3A_217 = tpu.vector_load %arg13[%swap3A_215, %swap3A_216] {strides = array<i32>} : memref<96x128xf32, #tpu.memory_space<vmem>>, vector<16xf32>,
        tpu.vector_store %arg13[%swap3A_215, %swap3A_216], %mul3A_214 {strides = array<i32>} : memref<96x128xf32, #tpu.memory_space<vmem>>, vector<16xf32>,
        %get3A_218 = arith.index_cast %scan3A_159 : i32 to index
        %get3A_219 = arith.constant 96 : index
        %get3A_220 = tpu.vector_load %arg13[%get3A_218, %get3A_219] {strides = array<i32>} : memref<96x128xf32, #tpu.memory_space<vmem>>, vector<16xf32>,
        %get3A_221 = arith.index_cast %scan3A_159 : i32 to index
        %get3A_222 = arith.constant 96 : index
        %get3A_223 = tpu.vector_load %arg15[%get3A_221, %get3A_222] {strides = array<i32>} : memref<96x128xf32, #tpu.memory_space<vmem>>, vector<16xf32>,
        %mul3A_224 = arith.mulf %get3A_220, %get3A_223 : vector<16xf32>
        %swap3A_225 = arith.index_cast %scan3A_159 : i32 to index
        %swap3A_226 = arith.constant 96 : index
        %swap3A_227 = tpu.vector_load %arg13[%swap3A_225, %swap3A_226] {strides = array<i32>} : memref<96x128xf32, #tpu.memory_space<vmem>>, vector<16xf32>,
        tpu.vector_store %arg13[%swap3A_225, %swap3A_226], %mul3A_224 {strides = array<i32>} : memref<96x128xf32, #tpu.memory_space<vmem>>, vector<16xf32>,
        %get3A_228 = arith.index_cast %scan3A_159 : i32 to index
        %get3A_229 = arith.constant 112 : index
        %get3A_230 = tpu.vector_load %arg13[%get3A_228, %get3A_229] {strides = array<i32>} : memref<96x128xf32, #tpu.memory_space<vmem>>, vector<16xf32>,
        %get3A_231 = arith.index_cast %scan3A_159 : i32 to index
        %get3A_232 = arith.constant 112 : index
        %get3A_233 = tpu.vector_load %arg15[%get3A_231, %get3A_232] {strides = array<i32>} : memref<96x128xf32, #tpu.memory_space<vmem>>, vector<16xf32>,
        %mul3A_234 = arith.mulf %get3A_230, %get3A_233 : vector<16xf32>
        %swap3A_235 = arith.index_cast %scan3A_159 : i32 to index
        %swap3A_236 = arith.constant 112 : index
        %swap3A_237 = tpu.vector_load %arg13[%swap3A_235, %swap3A_236] {strides = array<i32>} : memref<96x128xf32, #tpu.memory_space<vmem>>, vector<16xf32>,
        tpu.vector_store %arg13[%swap3A_235, %swap3A_236], %mul3A_234 {strides = array<i32>} : memref<96x128xf32, #tpu.memory_space<vmem>>, vector<16xf32>,
      }
      %scan3A_147 = arith.constant 96 : i32
      %add3A_148 = arith.constant 2 : i32
      %add3A_149 = arith.addi %add3A_119, %add3A_148 : i32
      %lt3A_150 = arith.cmpi slt, %add3A_149, %select_n3A : i32
      %convert_element_type3A_151 = arith.extui %lt3A_150 : i1 to i32
      %cond3A_152 = arith.constant 0 : i32
      %cond3A_153 = arith.cmpi ne, %convert_element_type3A_151, %cond3A_152 : i32
      scf.if %cond3A_153 {
        %add3A_159 = arith.constant 192 : i32
        %add3A_160 = arith.addi %add3A_122, %add3A_159 : i32
        %dma_start3A_161 = arith.constant 0 : i32
        %dma_start3A_162 = tpu.memref_slice %arg3[%add3A_160, %dma_start3A_161] : memref<322560x128xf32, #tpu.memory_space<hbm>> -> memref<96x128xf32, #tpu.memory_space<hbm>>
        %dma_start3A_163 = arith.constant 0 : i32
        %dma_start3A_164 = tpu.memref_slice %arg3[%add3A_160, %dma_start3A_163] : memref<322560x128xf32, #tpu.memory_space<hbm>> -> memref<96x128xf32, #tpu.memory_space<hbm>>
        tpu.enqueue_dma source(%dma_start3A_164 : memref<96x128xf32, #tpu.memory_space<hbm>>) target(%arg15 : memref<96x128xf32, #tpu.memory_space<vmem>>) target_semaphore(%arg24 : memref<!tpu.dma_semaphore, #tpu.memory_space<semaphore_mem>>)
      } else {
      }
      %dma_wait3A_154 = tpu.memref_slice %arg5[%add3A_122] : memref<322560xi32, #tpu.memory_space<hbm>> -> memref<96xi32, #tpu.memory_space<hbm>>
      %dma_wait3A_155 = tpu.memref_slice %arg5[%add3A_122] : memref<322560xi32, #tpu.memory_space<hbm>> -> memref<96xi32, #tpu.memory_space<hbm>>
      tpu.wait_dma2 semaphore(%arg22 : memref<!tpu.dma_semaphore, #tpu.memory_space<semaphore_mem>>) src(%dma_wait3A_155 : memref<96xi32, #tpu.memory_space<hbm>>) dst(%arg11 : memref<96xi32, #tpu.memory_space<vmem>>)
      %dma_start3A_156 = arith.constant 0 : i32
      %dma_start3A_157 = arith.constant 0 : i32
      %dma_start3A_158 = tpu.memref_slice %arg16[%dma_start3A_156, %dma_start3A_157] : memref<10112x128xf32, #tpu.memory_space<vmem_shared>> -> memref<10112x128xf32, #tpu.memory_space<vmem_shared>>
      tpu.enqueue_indirect_dma source(%arg13 : memref<96x128xf32, #tpu.memory_space<vmem>>) target(%dma_start3A_158 : memref<10112x128xf32, #tpu.memory_space<vmem_shared>>) offsets(%arg11 : memref<96xi32, #tpu.memory_space<vmem>>) semaphore(%arg26 : memref<!tpu.dma_semaphore, #tpu.memory_space<semaphore_mem>>) {add = true}
    }
    %while3A_62 = arith.constant 1 : i32
    scf.for %while3A_76 = %while3A_60 to %while3A_56 step %while3A_62  : i32 {
      %mul3A_77 = arith.constant 2 : i32
      %mul3A_78 = arith.muli %while3A_76, %mul3A_77 : i32
      %add3A_79 = arith.constant 0 : i32
      %add3A_80 = arith.addi %mul3A_78, %add3A_79 : i32
      %mul3A_81 = arith.constant 96 : i32
      %mul3A_82 = arith.muli %add3A_80, %mul3A_81 : i32
      %add3A_83 = arith.addi %mul3A_17, %mul3A_82 : i32
      %dma_wait3A_84 = arith.constant 0 : i32
      %dma_wait3A_85 = arith.constant 0 : i32
      %dma_wait3A_86 = tpu.memref_slice %arg2[%dma_wait3A_84, %dma_wait3A_85] : memref<10000x128xf32, #tpu.memory_space<hbm>> -> memref<10000x128xf32, #tpu.memory_space<hbm>>
      tpu.wait_indirect_dma semaphore(%arg17 : memref<!tpu.dma_semaphore, #tpu.memory_space<semaphore_mem>>) src(%dma_wait3A_86 : memref<10000x128xf32, #tpu.memory_space<hbm>>) dst(%arg12 : memref<96x128xf32, #tpu.memory_space<vmem>>)
      %add3A_87 = arith.constant 1 : i32
      %add3A_88 = arith.addi %add3A_80, %add3A_87 : i32
      %lt3A = arith.cmpi slt, %add3A_88, %select_n3A : i32
      %convert_element_type3A = arith.extui %lt3A : i1 to i32
      %cond3A = arith.constant 0 : i32
      %cond3A_89 = arith.cmpi ne, %convert_element_type3A, %cond3A : i32
      scf.if %cond3A_89 {
        %add3A_159 = arith.constant 96 : i32
        %add3A_160 = arith.addi %add3A_83, %add3A_159 : i32
        %dma_wait3A_161 = tpu.memref_slice %arg4[%add3A_160] : memref<322560xi32, #tpu.memory_space<hbm>> -> memref<96xi32, #tpu.memory_space<hbm>>
        %dma_wait3A_162 = tpu.memref_slice %arg4[%add3A_160] : memref<322560xi32, #tpu.memory_space<hbm>> -> memref<96xi32, #tpu.memory_space<hbm>>
        tpu.wait_dma2 semaphore(%arg20 : memref<!tpu.dma_semaphore, #tpu.memory_space<semaphore_mem>>) src(%dma_wait3A_162 : memref<96xi32, #tpu.memory_space<hbm>>) dst(%arg9 : memref<96xi32, #tpu.memory_space<vmem>>)
        %ge3A = arith.constant 1 : i32
        %ge3A_163 = arith.cmpi sge, %add3A_80, %ge3A : i32
        %convert_element_type3A_164 = arith.extui %ge3A_163 : i1 to i32
        %cond3A_165 = arith.constant 0 : i32
        %cond3A_166 = arith.cmpi ne, %convert_element_type3A_164, %cond3A_165 : i32
        scf.if %cond3A_166 {
          %dma_wait3A_174 = arith.constant 0 : i32
          %dma_wait3A_175 = arith.constant 0 : i32
          %dma_wait3A_176 = tpu.memref_slice %arg16[%dma_wait3A_174, %dma_wait3A_175] : memref<10112x128xf32, #tpu.memory_space<vmem_shared>> -> memref<10112x128xf32, #tpu.memory_space<vmem_shared>>
          tpu.wait_indirect_dma semaphore(%arg26 : memref<!tpu.dma_semaphore, #tpu.memory_space<semaphore_mem>>) src(%arg13 : memref<96x128xf32, #tpu.memory_space<vmem>>) dst(%dma_wait3A_176 : memref<10112x128xf32, #tpu.memory_space<vmem_shared>>)
        } else {
        }
        %dma_start3A_167 = arith.constant 0 : i32
        %dma_start3A_168 = arith.constant 0 : i32
        %dma_start3A_169 = tpu.memref_slice %arg2[%dma_start3A_167, %dma_start3A_168] : memref<10000x128xf32, #tpu.memory_space<hbm>> -> memref<10000x128xf32, #tpu.memory_space<hbm>>
        tpu.enqueue_indirect_dma source(%dma_start3A_169 : memref<10000x128xf32, #tpu.memory_space<hbm>>) target(%arg13 : memref<96x128xf32, #tpu.memory_space<vmem>>) offsets(%arg9 : memref<96xi32, #tpu.memory_space<vmem>>) semaphore(%arg18 : memref<!tpu.dma_semaphore, #tpu.memory_space<semaphore_mem>>)
        %add3A_170 = arith.constant 96 : i32
        %add3A_171 = arith.addi %add3A_83, %add3A_170 : i32
        %dma_start3A_172 = tpu.memref_slice %arg5[%add3A_171] : memref<322560xi32, #tpu.memory_space<hbm>> -> memref<96xi32, #tpu.memory_space<hbm>>
        %dma_start3A_173 = tpu.memref_slice %arg5[%add3A_171] : memref<322560xi32, #tpu.memory_space<hbm>> -> memref<96xi32, #tpu.memory_space<hbm>>
        tpu.enqueue_dma source(%dma_start3A_173 : memref<96xi32, #tpu.memory_space<hbm>>) target(%arg11 : memref<96xi32, #tpu.memory_space<vmem>>) target_semaphore(%arg22 : memref<!tpu.dma_semaphore, #tpu.memory_space<semaphore_mem>>)
      } else {
      }
      %add3A_90 = arith.constant 2 : i32
      %add3A_91 = arith.addi %add3A_80, %add3A_90 : i32
      %lt3A_92 = arith.cmpi slt, %add3A_91, %select_n3A : i32
      %convert_element_type3A_93 = arith.extui %lt3A_92 : i1 to i32
      %cond3A_94 = arith.constant 0 : i32
      %cond3A_95 = arith.cmpi ne, %convert_element_type3A_93, %cond3A_94 : i32
      scf.if %cond3A_95 {
        %add3A_159 = arith.constant 192 : i32
        %add3A_160 = arith.addi %add3A_83, %add3A_159 : i32
        %dma_start3A_161 = tpu.memref_slice %arg4[%add3A_160] : memref<322560xi32, #tpu.memory_space<hbm>> -> memref<96xi32, #tpu.memory_space<hbm>>
        %dma_start3A_162 = tpu.memref_slice %arg4[%add3A_160] : memref<322560xi32, #tpu.memory_space<hbm>> -> memref<96xi32, #tpu.memory_space<hbm>>
        tpu.enqueue_dma source(%dma_start3A_162 : memref<96xi32, #tpu.memory_space<hbm>>) target(%arg8 : memref<96xi32, #tpu.memory_space<vmem>>) target_semaphore(%arg19 : memref<!tpu.dma_semaphore, #tpu.memory_space<semaphore_mem>>)
      } else {
      }
      %dma_wait3A_96 = arith.constant 0 : i32
      %dma_wait3A_97 = tpu.memref_slice %arg3[%add3A_83, %dma_wait3A_96] : memref<322560x128xf32, #tpu.memory_space<hbm>> -> memref<96x128xf32, #tpu.memory_space<hbm>>
      %dma_wait3A_98 = arith.constant 0 : i32
      %dma_wait3A_99 = tpu.memref_slice %arg3[%add3A_83, %dma_wait3A_98] : memref<322560x128xf32, #tpu.memory_space<hbm>> -> memref<96x128xf32, #tpu.memory_space<hbm>>
      tpu.wait_dma2 semaphore(%arg23 : memref<!tpu.dma_semaphore, #tpu.memory_space<semaphore_mem>>) src(%dma_wait3A_99 : memref<96x128xf32, #tpu.memory_space<hbm>>) dst(%arg14 : memref<96x128xf32, #tpu.memory_space<vmem>>)
      %scan3A = arith.constant 0 : i32
      %scan3A_100 = arith.constant 0 : i32
      %scan3A_101 = arith.constant 96 : i32
      %scan3A_102 = arith.addi %scan3A_100, %scan3A_101 : i32
      %scan3A_103 = arith.constant 1 : i32
      scf.for %scan3A_159 = %scan3A_100 to %scan3A_102 step %scan3A_103  : i32 {
        %get3A = arith.index_cast %scan3A_159 : i32 to index
        %get3A_160 = arith.constant 0 : index
        %get3A_161 = tpu.vector_load %arg12[%get3A, %get3A_160] {strides = array<i32>} : memref<96x128xf32, #tpu.memory_space<vmem>>, vector<16xf32>,
        %get3A_162 = arith.index_cast %scan3A_159 : i32 to index
        %get3A_163 = arith.constant 0 : index
        %get3A_164 = tpu.vector_load %arg14[%get3A_162, %get3A_163] {strides = array<i32>} : memref<96x128xf32, #tpu.memory_space<vmem>>, vector<16xf32>,
        %mul3A_165 = arith.mulf %get3A_161, %get3A_164 : vector<16xf32>
        %swap3A = arith.index_cast %scan3A_159 : i32 to index
        %swap3A_166 = arith.constant 0 : index
        %swap3A_167 = tpu.vector_load %arg12[%swap3A, %swap3A_166] {strides = array<i32>} : memref<96x128xf32, #tpu.memory_space<vmem>>, vector<16xf32>,
        tpu.vector_store %arg12[%swap3A, %swap3A_166], %mul3A_165 {strides = array<i32>} : memref<96x128xf32, #tpu.memory_space<vmem>>, vector<16xf32>,
        %get3A_168 = arith.index_cast %scan3A_159 : i32 to index
        %get3A_169 = arith.constant 16 : index
        %get3A_170 = tpu.vector_load %arg12[%get3A_168, %get3A_169] {strides = array<i32>} : memref<96x128xf32, #tpu.memory_space<vmem>>, vector<16xf32>,
        %get3A_171 = arith.index_cast %scan3A_159 : i32 to index
        %get3A_172 = arith.constant 16 : index
        %get3A_173 = tpu.vector_load %arg14[%get3A_171, %get3A_172] {strides = array<i32>} : memref<96x128xf32, #tpu.memory_space<vmem>>, vector<16xf32>,
        %mul3A_174 = arith.mulf %get3A_170, %get3A_173 : vector<16xf32>
        %swap3A_175 = arith.index_cast %scan3A_159 : i32 to index
        %swap3A_176 = arith.constant 16 : index
        %swap3A_177 = tpu.vector_load %arg12[%swap3A_175, %swap3A_176] {strides = array<i32>} : memref<96x128xf32, #tpu.memory_space<vmem>>, vector<16xf32>,
        tpu.vector_store %arg12[%swap3A_175, %swap3A_176], %mul3A_174 {strides = array<i32>} : memref<96x128xf32, #tpu.memory_space<vmem>>, vector<16xf32>,
        %get3A_178 = arith.index_cast %scan3A_159 : i32 to index
        %get3A_179 = arith.constant 32 : index
        %get3A_180 = tpu.vector_load %arg12[%get3A_178, %get3A_179] {strides = array<i32>} : memref<96x128xf32, #tpu.memory_space<vmem>>, vector<16xf32>,
        %get3A_181 = arith.index_cast %scan3A_159 : i32 to index
        %get3A_182 = arith.constant 32 : index
        %get3A_183 = tpu.vector_load %arg14[%get3A_181, %get3A_182] {strides = array<i32>} : memref<96x128xf32, #tpu.memory_space<vmem>>, vector<16xf32>,
        %mul3A_184 = arith.mulf %get3A_180, %get3A_183 : vector<16xf32>
        %swap3A_185 = arith.index_cast %scan3A_159 : i32 to index
        %swap3A_186 = arith.constant 32 : index
        %swap3A_187 = tpu.vector_load %arg12[%swap3A_185, %swap3A_186] {strides = array<i32>} : memref<96x128xf32, #tpu.memory_space<vmem>>, vector<16xf32>,
        tpu.vector_store %arg12[%swap3A_185, %swap3A_186], %mul3A_184 {strides = array<i32>} : memref<96x128xf32, #tpu.memory_space<vmem>>, vector<16xf32>,
        %get3A_188 = arith.index_cast %scan3A_159 : i32 to index
        %get3A_189 = arith.constant 48 : index
        %get3A_190 = tpu.vector_load %arg12[%get3A_188, %get3A_189] {strides = array<i32>} : memref<96x128xf32, #tpu.memory_space<vmem>>, vector<16xf32>,
        %get3A_191 = arith.index_cast %scan3A_159 : i32 to index
        %get3A_192 = arith.constant 48 : index
        %get3A_193 = tpu.vector_load %arg14[%get3A_191, %get3A_192] {strides = array<i32>} : memref<96x128xf32, #tpu.memory_space<vmem>>, vector<16xf32>,
        %mul3A_194 = arith.mulf %get3A_190, %get3A_193 : vector<16xf32>
        %swap3A_195 = arith.index_cast %scan3A_159 : i32 to index
        %swap3A_196 = arith.constant 48 : index
        %swap3A_197 = tpu.vector_load %arg12[%swap3A_195, %swap3A_196] {strides = array<i32>} : memref<96x128xf32, #tpu.memory_space<vmem>>, vector<16xf32>,
        tpu.vector_store %arg12[%swap3A_195, %swap3A_196], %mul3A_194 {strides = array<i32>} : memref<96x128xf32, #tpu.memory_space<vmem>>, vector<16xf32>,
        %get3A_198 = arith.index_cast %scan3A_159 : i32 to index
        %get3A_199 = arith.constant 64 : index
        %get3A_200 = tpu.vector_load %arg12[%get3A_198, %get3A_199] {strides = array<i32>} : memref<96x128xf32, #tpu.memory_space<vmem>>, vector<16xf32>,
        %get3A_201 = arith.index_cast %scan3A_159 : i32 to index
        %get3A_202 = arith.constant 64 : index
        %get3A_203 = tpu.vector_load %arg14[%get3A_201, %get3A_202] {strides = array<i32>} : memref<96x128xf32, #tpu.memory_space<vmem>>, vector<16xf32>,
        %mul3A_204 = arith.mulf %get3A_200, %get3A_203 : vector<16xf32>
        %swap3A_205 = arith.index_cast %scan3A_159 : i32 to index
        %swap3A_206 = arith.constant 64 : index
        %swap3A_207 = tpu.vector_load %arg12[%swap3A_205, %swap3A_206] {strides = array<i32>} : memref<96x128xf32, #tpu.memory_space<vmem>>, vector<16xf32>,
        tpu.vector_store %arg12[%swap3A_205, %swap3A_206], %mul3A_204 {strides = array<i32>} : memref<96x128xf32, #tpu.memory_space<vmem>>, vector<16xf32>,
        %get3A_208 = arith.index_cast %scan3A_159 : i32 to index
        %get3A_209 = arith.constant 80 : index
        %get3A_210 = tpu.vector_load %arg12[%get3A_208, %get3A_209] {strides = array<i32>} : memref<96x128xf32, #tpu.memory_space<vmem>>, vector<16xf32>,
        %get3A_211 = arith.index_cast %scan3A_159 : i32 to index
        %get3A_212 = arith.constant 80 : index
        %get3A_213 = tpu.vector_load %arg14[%get3A_211, %get3A_212] {strides = array<i32>} : memref<96x128xf32, #tpu.memory_space<vmem>>, vector<16xf32>,
        %mul3A_214 = arith.mulf %get3A_210, %get3A_213 : vector<16xf32>
        %swap3A_215 = arith.index_cast %scan3A_159 : i32 to index
        %swap3A_216 = arith.constant 80 : index
        %swap3A_217 = tpu.vector_load %arg12[%swap3A_215, %swap3A_216] {strides = array<i32>} : memref<96x128xf32, #tpu.memory_space<vmem>>, vector<16xf32>,
        tpu.vector_store %arg12[%swap3A_215, %swap3A_216], %mul3A_214 {strides = array<i32>} : memref<96x128xf32, #tpu.memory_space<vmem>>, vector<16xf32>,
        %get3A_218 = arith.index_cast %scan3A_159 : i32 to index
        %get3A_219 = arith.constant 96 : index
        %get3A_220 = tpu.vector_load %arg12[%get3A_218, %get3A_219] {strides = array<i32>} : memref<96x128xf32, #tpu.memory_space<vmem>>, vector<16xf32>,
        %get3A_221 = arith.index_cast %scan3A_159 : i32 to index
        %get3A_222 = arith.constant 96 : index
        %get3A_223 = tpu.vector_load %arg14[%get3A_221, %get3A_222] {strides = array<i32>} : memref<96x128xf32, #tpu.memory_space<vmem>>, vector<16xf32>,
        %mul3A_224 = arith.mulf %get3A_220, %get3A_223 : vector<16xf32>
        %swap3A_225 = arith.index_cast %scan3A_159 : i32 to index
        %swap3A_226 = arith.constant 96 : index
        %swap3A_227 = tpu.vector_load %arg12[%swap3A_225, %swap3A_226] {strides = array<i32>} : memref<96x128xf32, #tpu.memory_space<vmem>>, vector<16xf32>,
        tpu.vector_store %arg12[%swap3A_225, %swap3A_226], %mul3A_224 {strides = array<i32>} : memref<96x128xf32, #tpu.memory_space<vmem>>, vector<16xf32>,
        %get3A_228 = arith.index_cast %scan3A_159 : i32 to index
        %get3A_229 = arith.constant 112 : index
        %get3A_230 = tpu.vector_load %arg12[%get3A_228, %get3A_229] {strides = array<i32>} : memref<96x128xf32, #tpu.memory_space<vmem>>, vector<16xf32>,
        %get3A_231 = arith.index_cast %scan3A_159 : i32 to index
        %get3A_232 = arith.constant 112 : index
        %get3A_233 = tpu.vector_load %arg14[%get3A_231, %get3A_232] {strides = array<i32>} : memref<96x128xf32, #tpu.memory_space<vmem>>, vector<16xf32>,
        %mul3A_234 = arith.mulf %get3A_230, %get3A_233 : vector<16xf32>
        %swap3A_235 = arith.index_cast %scan3A_159 : i32 to index
        %swap3A_236 = arith.constant 112 : index
        %swap3A_237 = tpu.vector_load %arg12[%swap3A_235, %swap3A_236] {strides = array<i32>} : memref<96x128xf32, #tpu.memory_space<vmem>>, vector<16xf32>,
        tpu.vector_store %arg12[%swap3A_235, %swap3A_236], %mul3A_234 {strides = array<i32>} : memref<96x128xf32, #tpu.memory_space<vmem>>, vector<16xf32>,
      }
      %scan3A_104 = arith.constant 96 : i32
      %add3A_105 = arith.constant 2 : i32
      %add3A_106 = arith.addi %add3A_80, %add3A_105 : i32
      %lt3A_107 = arith.cmpi slt, %add3A_106, %select_n3A : i32
      %convert_element_type3A_108 = arith.extui %lt3A_107 : i1 to i32
      %cond3A_109 = arith.constant 0 : i32
      %cond3A_110 = arith.cmpi ne, %convert_element_type3A_108, %cond3A_109 : i32
      scf.if %cond3A_110 {
        %add3A_159 = arith.constant 192 : i32
        %add3A_160 = arith.addi %add3A_83, %add3A_159 : i32
        %dma_start3A_161 = arith.constant 0 : i32
        %dma_start3A_162 = tpu.memref_slice %arg3[%add3A_160, %dma_start3A_161] : memref<322560x128xf32, #tpu.memory_space<hbm>> -> memref<96x128xf32, #tpu.memory_space<hbm>>
        %dma_start3A_163 = arith.constant 0 : i32
        %dma_start3A_164 = tpu.memref_slice %arg3[%add3A_160, %dma_start3A_163] : memref<322560x128xf32, #tpu.memory_space<hbm>> -> memref<96x128xf32, #tpu.memory_space<hbm>>
        tpu.enqueue_dma source(%dma_start3A_164 : memref<96x128xf32, #tpu.memory_space<hbm>>) target(%arg14 : memref<96x128xf32, #tpu.memory_space<vmem>>) target_semaphore(%arg23 : memref<!tpu.dma_semaphore, #tpu.memory_space<semaphore_mem>>)
      } else {
      }
      %dma_wait3A_111 = tpu.memref_slice %arg5[%add3A_83] : memref<322560xi32, #tpu.memory_space<hbm>> -> memref<96xi32, #tpu.memory_space<hbm>>
      %dma_wait3A_112 = tpu.memref_slice %arg5[%add3A_83] : memref<322560xi32, #tpu.memory_space<hbm>> -> memref<96xi32, #tpu.memory_space<hbm>>
      tpu.wait_dma2 semaphore(%arg21 : memref<!tpu.dma_semaphore, #tpu.memory_space<semaphore_mem>>) src(%dma_wait3A_112 : memref<96xi32, #tpu.memory_space<hbm>>) dst(%arg10 : memref<96xi32, #tpu.memory_space<vmem>>)
      %dma_start3A_113 = arith.constant 0 : i32
      %dma_start3A_114 = arith.constant 0 : i32
      %dma_start3A_115 = tpu.memref_slice %arg16[%dma_start3A_113, %dma_start3A_114] : memref<10112x128xf32, #tpu.memory_space<vmem_shared>> -> memref<10112x128xf32, #tpu.memory_space<vmem_shared>>
      tpu.enqueue_indirect_dma source(%arg12 : memref<96x128xf32, #tpu.memory_space<vmem>>) target(%dma_start3A_115 : memref<10112x128xf32, #tpu.memory_space<vmem_shared>>) offsets(%arg10 : memref<96xi32, #tpu.memory_space<vmem>>) semaphore(%arg25 : memref<!tpu.dma_semaphore, #tpu.memory_space<semaphore_mem>>) {add = true}
      %mul3A_116 = arith.constant 2 : i32
      %mul3A_117 = arith.muli %while3A_76, %mul3A_116 : i32
      %add3A_118 = arith.constant 1 : i32
      %add3A_119 = arith.addi %mul3A_117, %add3A_118 : i32
      %mul3A_120 = arith.constant 96 : i32
      %mul3A_121 = arith.muli %add3A_119, %mul3A_120 : i32
      %add3A_122 = arith.addi %mul3A_17, %mul3A_121 : i32
      %dma_wait3A_123 = arith.constant 0 : i32
      %dma_wait3A_124 = arith.constant 0 : i32
      %dma_wait3A_125 = tpu.memref_slice %arg2[%dma_wait3A_123, %dma_wait3A_124] : memref<10000x128xf32, #tpu.memory_space<hbm>> -> memref<10000x128xf32, #tpu.memory_space<hbm>>
      tpu.wait_indirect_dma semaphore(%arg18 : memref<!tpu.dma_semaphore, #tpu.memory_space<semaphore_mem>>) src(%dma_wait3A_125 : memref<10000x128xf32, #tpu.memory_space<hbm>>) dst(%arg13 : memref<96x128xf32, #tpu.memory_space<vmem>>)
      %add3A_126 = arith.constant 1 : i32
      %add3A_127 = arith.addi %add3A_119, %add3A_126 : i32
      %lt3A_128 = arith.cmpi slt, %add3A_127, %select_n3A : i32
      %convert_element_type3A_129 = arith.extui %lt3A_128 : i1 to i32
      %cond3A_130 = arith.constant 0 : i32
      %cond3A_131 = arith.cmpi ne, %convert_element_type3A_129, %cond3A_130 : i32
      scf.if %cond3A_131 {
        %add3A_159 = arith.constant 96 : i32
        %add3A_160 = arith.addi %add3A_122, %add3A_159 : i32
        %dma_wait3A_161 = tpu.memref_slice %arg4[%add3A_160] : memref<322560xi32, #tpu.memory_space<hbm>> -> memref<96xi32, #tpu.memory_space<hbm>>
        %dma_wait3A_162 = tpu.memref_slice %arg4[%add3A_160] : memref<322560xi32, #tpu.memory_space<hbm>> -> memref<96xi32, #tpu.memory_space<hbm>>
        tpu.wait_dma2 semaphore(%arg19 : memref<!tpu.dma_semaphore, #tpu.memory_space<semaphore_mem>>) src(%dma_wait3A_162 : memref<96xi32, #tpu.memory_space<hbm>>) dst(%arg8 : memref<96xi32, #tpu.memory_space<vmem>>)
        %ge3A = arith.constant 1 : i32
        %ge3A_163 = arith.cmpi sge, %add3A_119, %ge3A : i32
        %convert_element_type3A_164 = arith.extui %ge3A_163 : i1 to i32
        %cond3A_165 = arith.constant 0 : i32
        %cond3A_166 = arith.cmpi ne, %convert_element_type3A_164, %cond3A_165 : i32
        scf.if %cond3A_166 {
          %dma_wait3A_174 = arith.constant 0 : i32
          %dma_wait3A_175 = arith.constant 0 : i32
          %dma_wait3A_176 = tpu.memref_slice %arg16[%dma_wait3A_174, %dma_wait3A_175] : memref<10112x128xf32, #tpu.memory_space<vmem_shared>> -> memref<10112x128xf32, #tpu.memory_space<vmem_shared>>
          tpu.wait_indirect_dma semaphore(%arg25 : memref<!tpu.dma_semaphore, #tpu.memory_space<semaphore_mem>>) src(%arg12 : memref<96x128xf32, #tpu.memory_space<vmem>>) dst(%dma_wait3A_176 : memref<10112x128xf32, #tpu.memory_space<vmem_shared>>)
        } else {
        }
        %dma_start3A_167 = arith.constant 0 : i32
        %dma_start3A_168 = arith.constant 0 : i32
        %dma_start3A_169 = tpu.memref_slice %arg2[%dma_start3A_167, %dma_start3A_168] : memref<10000x128xf32, #tpu.memory_space<hbm>> -> memref<10000x128xf32, #tpu.memory_space<hbm>>
        tpu.enqueue_indirect_dma source(%dma_start3A_169 : memref<10000x128xf32, #tpu.memory_space<hbm>>) target(%arg12 : memref<96x128xf32, #tpu.memory_space<vmem>>) offsets(%arg8 : memref<96xi32, #tpu.memory_space<vmem>>) semaphore(%arg17 : memref<!tpu.dma_semaphore, #tpu.memory_space<semaphore_mem>>)
        %add3A_170 = arith.constant 96 : i32
        %add3A_171 = arith.addi %add3A_122, %add3A_170 : i32
        %dma_start3A_172 = tpu.memref_slice %arg5[%add3A_171] : memref<322560xi32, #tpu.memory_space<hbm>> -> memref<96xi32, #tpu.memory_space<hbm>>
        %dma_start3A_173 = tpu.memref_slice %arg5[%add3A_171] : memref<322560xi32, #tpu.memory_space<hbm>> -> memref<96xi32, #tpu.memory_space<hbm>>
        tpu.enqueue_dma source(%dma_start3A_173 : memref<96xi32, #tpu.memory_space<hbm>>) target(%arg10 : memref<96xi32, #tpu.memory_space<vmem>>) target_semaphore(%arg21 : memref<!tpu.dma_semaphore, #tpu.memory_space<semaphore_mem>>)
      } else {
      }
      %add3A_132 = arith.constant 2 : i32
      %add3A_133 = arith.addi %add3A_119, %add3A_132 : i32
      %lt3A_134 = arith.cmpi slt, %add3A_133, %select_n3A : i32
      %convert_element_type3A_135 = arith.extui %lt3A_134 : i1 to i32
      %cond3A_136 = arith.constant 0 : i32
      %cond3A_137 = arith.cmpi ne, %convert_element_type3A_135, %cond3A_136 : i32
      scf.if %cond3A_137 {
        %add3A_159 = arith.constant 192 : i32
        %add3A_160 = arith.addi %add3A_122, %add3A_159 : i32
        %dma_start3A_161 = tpu.memref_slice %arg4[%add3A_160] : memref<322560xi32, #tpu.memory_space<hbm>> -> memref<96xi32, #tpu.memory_space<hbm>>
        %dma_start3A_162 = tpu.memref_slice %arg4[%add3A_160] : memref<322560xi32, #tpu.memory_space<hbm>> -> memref<96xi32, #tpu.memory_space<hbm>>
        tpu.enqueue_dma source(%dma_start3A_162 : memref<96xi32, #tpu.memory_space<hbm>>) target(%arg9 : memref<96xi32, #tpu.memory_space<vmem>>) target_semaphore(%arg20 : memref<!tpu.dma_semaphore, #tpu.memory_space<semaphore_mem>>)
      } else {
      }
      %dma_wait3A_138 = arith.constant 0 : i32
      %dma_wait3A_139 = tpu.memref_slice %arg3[%add3A_122, %dma_wait3A_138] : memref<322560x128xf32, #tpu.memory_space<hbm>> -> memref<96x128xf32, #tpu.memory_space<hbm>>
      %dma_wait3A_140 = arith.constant 0 : i32
      %dma_wait3A_141 = tpu.memref_slice %arg3[%add3A_122, %dma_wait3A_140] : memref<322560x128xf32, #tpu.memory_space<hbm>> -> memref<96x128xf32, #tpu.memory_space<hbm>>
      tpu.wait_dma2 semaphore(%arg24 : memref<!tpu.dma_semaphore, #tpu.memory_space<semaphore_mem>>) src(%dma_wait3A_141 : memref<96x128xf32, #tpu.memory_space<hbm>>) dst(%arg15 : memref<96x128xf32, #tpu.memory_space<vmem>>)
      %scan3A_142 = arith.constant 0 : i32
      %scan3A_143 = arith.constant 0 : i32
      %scan3A_144 = arith.constant 96 : i32
      %scan3A_145 = arith.addi %scan3A_143, %scan3A_144 : i32
      %scan3A_146 = arith.constant 1 : i32
      scf.for %scan3A_159 = %scan3A_143 to %scan3A_145 step %scan3A_146  : i32 {
        %get3A = arith.index_cast %scan3A_159 : i32 to index
        %get3A_160 = arith.constant 0 : index
        %get3A_161 = tpu.vector_load %arg13[%get3A, %get3A_160] {strides = array<i32>} : memref<96x128xf32, #tpu.memory_space<vmem>>, vector<16xf32>,
        %get3A_162 = arith.index_cast %scan3A_159 : i32 to index
        %get3A_163 = arith.constant 0 : index
        %get3A_164 = tpu.vector_load %arg15[%get3A_162, %get3A_163] {strides = array<i32>} : memref<96x128xf32, #tpu.memory_space<vmem>>, vector<16xf32>,
        %mul3A_165 = arith.mulf %get3A_161, %get3A_164 : vector<16xf32>
        %swap3A = arith.index_cast %scan3A_159 : i32 to index
        %swap3A_166 = arith.constant 0 : index
        %swap3A_167 = tpu.vector_load %arg13[%swap3A, %swap3A_166] {strides = array<i32>} : memref<96x128xf32, #tpu.memory_space<vmem>>, vector<16xf32>,
        tpu.vector_store %arg13[%swap3A, %swap3A_166], %mul3A_165 {strides = array<i32>} : memref<96x128xf32, #tpu.memory_space<vmem>>, vector<16xf32>,
        %get3A_168 = arith.index_cast %scan3A_159 : i32 to index
        %get3A_169 = arith.constant 16 : index
        %get3A_170 = tpu.vector_load %arg13[%get3A_168, %get3A_169] {strides = array<i32>} : memref<96x128xf32, #tpu.memory_space<vmem>>, vector<16xf32>,
        %get3A_171 = arith.index_cast %scan3A_159 : i32 to index
        %get3A_172 = arith.constant 16 : index
        %get3A_173 = tpu.vector_load %arg15[%get3A_171, %get3A_172] {strides = array<i32>} : memref<96x128xf32, #tpu.memory_space<vmem>>, vector<16xf32>,
        %mul3A_174 = arith.mulf %get3A_170, %get3A_173 : vector<16xf32>
        %swap3A_175 = arith.index_cast %scan3A_159 : i32 to index
        %swap3A_176 = arith.constant 16 : index
        %swap3A_177 = tpu.vector_load %arg13[%swap3A_175, %swap3A_176] {strides = array<i32>} : memref<96x128xf32, #tpu.memory_space<vmem>>, vector<16xf32>,
        tpu.vector_store %arg13[%swap3A_175, %swap3A_176], %mul3A_174 {strides = array<i32>} : memref<96x128xf32, #tpu.memory_space<vmem>>, vector<16xf32>,
        %get3A_178 = arith.index_cast %scan3A_159 : i32 to index
        %get3A_179 = arith.constant 32 : index
        %get3A_180 = tpu.vector_load %arg13[%get3A_178, %get3A_179] {strides = array<i32>} : memref<96x128xf32, #tpu.memory_space<vmem>>, vector<16xf32>,
        %get3A_181 = arith.index_cast %scan3A_159 : i32 to index
        %get3A_182 = arith.constant 32 : index
        %get3A_183 = tpu.vector_load %arg15[%get3A_181, %get3A_182] {strides = array<i32>} : memref<96x128xf32, #tpu.memory_space<vmem>>, vector<16xf32>,
        %mul3A_184 = arith.mulf %get3A_180, %get3A_183 : vector<16xf32>
        %swap3A_185 = arith.index_cast %scan3A_159 : i32 to index
        %swap3A_186 = arith.constant 32 : index
        %swap3A_187 = tpu.vector_load %arg13[%swap3A_185, %swap3A_186] {strides = array<i32>} : memref<96x128xf32, #tpu.memory_space<vmem>>, vector<16xf32>,
        tpu.vector_store %arg13[%swap3A_185, %swap3A_186], %mul3A_184 {strides = array<i32>} : memref<96x128xf32, #tpu.memory_space<vmem>>, vector<16xf32>,
        %get3A_188 = arith.index_cast %scan3A_159 : i32 to index
        %get3A_189 = arith.constant 48 : index
        %get3A_190 = tpu.vector_load %arg13[%get3A_188, %get3A_189] {strides = array<i32>} : memref<96x128xf32, #tpu.memory_space<vmem>>, vector<16xf32>,
        %get3A_191 = arith.index_cast %scan3A_159 : i32 to index
        %get3A_192 = arith.constant 48 : index
        %get3A_193 = tpu.vector_load %arg15[%get3A_191, %get3A_192] {strides = array<i32>} : memref<96x128xf32, #tpu.memory_space<vmem>>, vector<16xf32>,
        %mul3A_194 = arith.mulf %get3A_190, %get3A_193 : vector<16xf32>
        %swap3A_195 = arith.index_cast %scan3A_159 : i32 to index
        %swap3A_196 = arith.constant 48 : index
        %swap3A_197 = tpu.vector_load %arg13[%swap3A_195, %swap3A_196] {strides = array<i32>} : memref<96x128xf32, #tpu.memory_space<vmem>>, vector<16xf32>,
        tpu.vector_store %arg13[%swap3A_195, %swap3A_196], %mul3A_194 {strides = array<i32>} : memref<96x128xf32, #tpu.memory_space<vmem>>, vector<16xf32>,
        %get3A_198 = arith.index_cast %scan3A_159 : i32 to index
        %get3A_199 = arith.constant 64 : index
        %get3A_200 = tpu.vector_load %arg13[%get3A_198, %get3A_199] {strides = array<i32>} : memref<96x128xf32, #tpu.memory_space<vmem>>, vector<16xf32>,
        %get3A_201 = arith.index_cast %scan3A_159 : i32 to index
        %get3A_202 = arith.constant 64 : index
        %get3A_203 = tpu.vector_load %arg15[%get3A_201, %get3A_202] {strides = array<i32>} : memref<96x128xf32, #tpu.memory_space<vmem>>, vector<16xf32>,
        %mul3A_204 = arith.mulf %get3A_200, %get3A_203 : vector<16xf32>
        %swap3A_205 = arith.index_cast %scan3A_159 : i32 to index
        %swap3A_206 = arith.constant 64 : index
        %swap3A_207 = tpu.vector_load %arg13[%swap3A_205, %swap3A_206] {strides = array<i32>} : memref<96x128xf32, #tpu.memory_space<vmem>>, vector<16xf32>,
        tpu.vector_store %arg13[%swap3A_205, %swap3A_206], %mul3A_204 {strides = array<i32>} : memref<96x128xf32, #tpu.memory_space<vmem>>, vector<16xf32>,
        %get3A_208 = arith.index_cast %scan3A_159 : i32 to index
        %get3A_209 = arith.constant 80 : index
        %get3A_210 = tpu.vector_load %arg13[%get3A_208, %get3A_209] {strides = array<i32>} : memref<96x128xf32, #tpu.memory_space<vmem>>, vector<16xf32>,
        %get3A_211 = arith.index_cast %scan3A_159 : i32 to index
        %get3A_212 = arith.constant 80 : index
        %get3A_213 = tpu.vector_load %arg15[%get3A_211, %get3A_212] {strides = array<i32>} : memref<96x128xf32, #tpu.memory_space<vmem>>, vector<16xf32>,
        %mul3A_214 = arith.mulf %get3A_210, %get3A_213 : vector<16xf32>
        %swap3A_215 = arith.index_cast %scan3A_159 : i32 to index
        %swap3A_216 = arith.constant 80 : index
        %swap3A_217 = tpu.vector_load %arg13[%swap3A_215, %swap3A_216] {strides = array<i32>} : memref<96x128xf32, #tpu.memory_space<vmem>>, vector<16xf32>,
        tpu.vector_store %arg13[%swap3A_215, %swap3A_216], %mul3A_214 {strides = array<i32>} : memref<96x128xf32, #tpu.memory_space<vmem>>, vector<16xf32>,
        %get3A_218 = arith.index_cast %scan3A_159 : i32 to index
        %get3A_219 = arith.constant 96 : index
        %get3A_220 = tpu.vector_load %arg13[%get3A_218, %get3A_219] {strides = array<i32>} : memref<96x128xf32, #tpu.memory_space<vmem>>, vector<16xf32>,
        %get3A_221 = arith.index_cast %scan3A_159 : i32 to index
        %get3A_222 = arith.constant 96 : index
        %get3A_223 = tpu.vector_load %arg15[%get3A_221, %get3A_222] {strides = array<i32>} : memref<96x128xf32, #tpu.memory_space<vmem>>, vector<16xf32>,
        %mul3A_224 = arith.mulf %get3A_220, %get3A_223 : vector<16xf32>
        %swap3A_225 = arith.index_cast %scan3A_159 : i32 to index
        %swap3A_226 = arith.constant 96 : index
        %swap3A_227 = tpu.vector_load %arg13[%swap3A_225, %swap3A_226] {strides = array<i32>} : memref<96x128xf32, #tpu.memory_space<vmem>>, vector<16xf32>,
        tpu.vector_store %arg13[%swap3A_225, %swap3A_226], %mul3A_224 {strides = array<i32>} : memref<96x128xf32, #tpu.memory_space<vmem>>, vector<16xf32>,
        %get3A_228 = arith.index_cast %scan3A_159 : i32 to index
        %get3A_229 = arith.constant 112 : index
        %get3A_230 = tpu.vector_load %arg13[%get3A_228, %get3A_229] {strides = array<i32>} : memref<96x128xf32, #tpu.memory_space<vmem>>, vector<16xf32>,
        %get3A_231 = arith.index_cast %scan3A_159 : i32 to index
        %get3A_232 = arith.constant 112 : index
        %get3A_233 = tpu.vector_load %arg15[%get3A_231, %get3A_232] {strides = array<i32>} : memref<96x128xf32, #tpu.memory_space<vmem>>, vector<16xf32>,
        %mul3A_234 = arith.mulf %get3A_230, %get3A_233 : vector<16xf32>
        %swap3A_235 = arith.index_cast %scan3A_159 : i32 to index
        %swap3A_236 = arith.constant 112 : index
        %swap3A_237 = tpu.vector_load %arg13[%swap3A_235, %swap3A_236] {strides = array<i32>} : memref<96x128xf32, #tpu.memory_space<vmem>>, vector<16xf32>,
        tpu.vector_store %arg13[%swap3A_235, %swap3A_236], %mul3A_234 {strides = array<i32>} : memref<96x128xf32, #tpu.memory_space<vmem>>, vector<16xf32>,
      }
      %scan3A_147 = arith.constant 96 : i32
      %add3A_148 = arith.constant 2 : i32
      %add3A_149 = arith.addi %add3A_119, %add3A_148 : i32
      %lt3A_150 = arith.cmpi slt, %add3A_149, %select_n3A : i32
      %convert_element_type3A_151 = arith.extui %lt3A_150 : i1 to i32
      %cond3A_152 = arith.constant 0 : i32
      %cond3A_153 = arith.cmpi ne, %convert_element_type3A_151, %cond3A_152 : i32
      scf.if %cond3A_153 {
        %add3A_159 = arith.constant 192 : i32
        %add3A_160 = arith.addi %add3A_122, %add3A_159 : i32
        %dma_start3A_161 = arith.constant 0 : i32
        %dma_start3A_162 = tpu.memref_slice %arg3[%add3A_160, %dma_start3A_161] : memref<322560x128xf32, #tpu.memory_space<hbm>> -> memref<96x128xf32, #tpu.memory_space<hbm>>
        %dma_start3A_163 = arith.constant 0 : i32
        %dma_start3A_164 = tpu.memref_slice %arg3[%add3A_160, %dma_start3A_163] : memref<322560x128xf32, #tpu.memory_space<hbm>> -> memref<96x128xf32, #tpu.memory_space<hbm>>
        tpu.enqueue_dma source(%dma_start3A_164 : memref<96x128xf32, #tpu.memory_space<hbm>>) target(%arg15 : memref<96x128xf32, #tpu.memory_space<vmem>>) target_semaphore(%arg24 : memref<!tpu.dma_semaphore, #tpu.memory_space<semaphore_mem>>)
      } else {
      }
      %dma_wait3A_154 = tpu.memref_slice %arg5[%add3A_122] : memref<322560xi32, #tpu.memory_space<hbm>> -> memref<96xi32, #tpu.memory_space<hbm>>
      %dma_wait3A_155 = tpu.memref_slice %arg5[%add3A_122] : memref<322560xi32, #tpu.memory_space<hbm>> -> memref<96xi32, #tpu.memory_space<hbm>>
      tpu.wait_dma2 semaphore(%arg22 : memref<!tpu.dma_semaphore, #tpu.memory_space<semaphore_mem>>) src(%dma_wait3A_155 : memref<96xi32, #tpu.memory_space<hbm>>) dst(%arg11 : memref<96xi32, #tpu.memory_space<vmem>>)
      %dma_start3A_156 = arith.constant 0 : i32
      %dma_start3A_157 = arith.constant 0 : i32
      %dma_start3A_158 = tpu.memref_slice %arg16[%dma_start3A_156, %dma_start3A_157] : memref<10112x128xf32, #tpu.memory_space<vmem_shared>> -> memref<10112x128xf32, #tpu.memory_space<vmem_shared>>
      tpu.enqueue_indirect_dma source(%arg13 : memref<96x128xf32, #tpu.memory_space<vmem>>) target(%dma_start3A_158 : memref<10112x128xf32, #tpu.memory_space<vmem_shared>>) offsets(%arg11 : memref<96xi32, #tpu.memory_space<vmem>>) semaphore(%arg26 : memref<!tpu.dma_semaphore, #tpu.memory_space<semaphore_mem>>) {add = true}
    }
    %dma_wait3A = arith.constant 0 : i32
    %dma_wait3A_63 = arith.constant 0 : i32
    %dma_wait3A_64 = tpu.memref_slice %arg16[%dma_wait3A, %dma_wait3A_63] : memref<10112x128xf32, #tpu.memory_space<vmem_shared>> -> memref<10112x128xf32, #tpu.memory_space<vmem_shared>>
    tpu.wait_indirect_dma semaphore(%arg25 : memref<!tpu.dma_semaphore, #tpu.memory_space<semaphore_mem>>) src(%arg12 : memref<96x128xf32, #tpu.memory_space<vmem>>) dst(%dma_wait3A_64 : memref<10112x128xf32, #tpu.memory_space<vmem_shared>>)
    %dma_wait3A_65 = arith.constant 0 : i32
    %dma_wait3A_66 = arith.constant 0 : i32
    %dma_wait3A_67 = tpu.memref_slice %arg16[%dma_wait3A_65, %dma_wait3A_66] : memref<10112x128xf32, #tpu.memory_space<vmem_shared>> -> memref<10112x128xf32, #tpu.memory_space<vmem_shared>>
    tpu.wait_indirect_dma semaphore(%arg26 : memref<!tpu.dma_semaphore, #tpu.memory_space<semaphore_mem>>) src(%arg13 : memref<96x128xf32, #tpu.memory_space<vmem>>) dst(%dma_wait3A_67 : memref<10112x128xf32, #tpu.memory_space<vmem_shared>>)
    %barrier3A_68 = arith.constant 0 : index
    tpu.barrier barrier_id(%barrier3A_68)
    %mul3A_69 = arith.constant 632 : i32
    %mul3A_70 = arith.muli %arg1, %mul3A_69 : i32
    %mul3A_71 = arith.constant 10112 : i32
    %mul3A_72 = arith.muli %arg0, %mul3A_71 : i32
    %mul3A_73 = arith.constant 632 : i32
    %mul3A_74 = arith.muli %arg1, %mul3A_73 : i32
    %add3A_75 = arith.addi %mul3A_72, %mul3A_74 : i32
    "tpu.region"() ({
      %run_scoped3A = tpu.sem_alloc : memref<!tpu.dma_semaphore, #tpu.memory_space<semaphore_mem>>
      %dma_start3A_76 = arith.constant 0 : i32
      %dma_start3A_77 = tpu.memref_slice %arg7[%add3A_75, %dma_start3A_76] : memref<20224x128xf32, #tpu.memory_space<hbm>> -> memref<632x128xf32, #tpu.memory_space<hbm>>
      %dma_start3A_78 = arith.constant 0 : i32
      %dma_start3A_79 = tpu.memref_slice %arg16[%mul3A_70, %dma_start3A_78] : memref<10112x128xf32, #tpu.memory_space<vmem_shared>> -> memref<632x128xf32, #tpu.memory_space<vmem_shared>>
      tpu.enqueue_dma source(%dma_start3A_79 : memref<632x128xf32, #tpu.memory_space<vmem_shared>>) target(%dma_start3A_77 : memref<632x128xf32, #tpu.memory_space<hbm>>) target_semaphore(%run_scoped3A : memref<!tpu.dma_semaphore, #tpu.memory_space<semaphore_mem>>)
      %dma_wait3A_80 = arith.constant 0 : i32
      %dma_wait3A_81 = tpu.memref_slice %arg7[%add3A_75, %dma_wait3A_80] : memref<20224x128xf32, #tpu.memory_space<hbm>> -> memref<632x128xf32, #tpu.memory_space<hbm>>
      %dma_wait3A_82 = arith.constant 0 : i32
      %dma_wait3A_83 = tpu.memref_slice %arg16[%mul3A_70, %dma_wait3A_82] : memref<10112x128xf32, #tpu.memory_space<vmem_shared>> -> memref<632x128xf32, #tpu.memory_space<vmem_shared>>
      tpu.wait_dma2 semaphore(%run_scoped3A : memref<!tpu.dma_semaphore, #tpu.memory_space<semaphore_mem>>) src(%dma_wait3A_83 : memref<632x128xf32, #tpu.memory_space<vmem_shared>>) dst(%dma_wait3A_81 : memref<632x128xf32, #tpu.memory_space<hbm>>)
      tpu.yield
    }) : () -> ()
    return
  }
}

#map = affine_map<(d0, d1) -> (0)>
module attributes {stable_mosaic.version = 14 : i64} {
  func.func @_edge_len2_kernel(%arg0: i32, %arg1: i32, %arg2: memref<90000xf32, #tpu.memory_space<hbm>>, %arg3: memref<320000xi32, #tpu.memory_space<hbm>>, %arg4: memref<320000xi32, #tpu.memory_space<hbm>>, %arg5: memref<960000xf32, #tpu.memory_space<hbm>>, %arg6: memref<90000xf32, #tpu.memory_space<vmem>>, %arg7: memref<2000xi32, #tpu.memory_space<vmem>>, %arg8: memref<2000xi32, #tpu.memory_space<vmem>>, %arg9: memref<2000xf32, #tpu.memory_space<vmem>>, %arg10: memref<2000xf32, #tpu.memory_space<vmem>>, %arg11: memref<2000xf32, #tpu.memory_space<vmem>>) attributes {dimension_semantics = [#tpu.dimension_semantics<core_parallel>, #tpu.dimension_semantics<subcore_parallel>], iteration_bounds = array<i64: 2, 16>, scalar_prefetch = 0 : i64, scratch_operands = 6 : i64, tpu.core_type = #tpu.core_type<sc_vector_subcore>, window_params = [{transform_indices = #map}, {transform_indices = #map}, {transform_indices = #map}, {transform_indices = #map}]} {
    "tpu.region"() ({
      %run_scoped3A = tpu.sem_alloc : memref<!tpu.dma_semaphore, #tpu.memory_space<semaphore_mem>>
      tpu.enqueue_dma source(%arg2 : memref<90000xf32, #tpu.memory_space<hbm>>) target(%arg6 : memref<90000xf32, #tpu.memory_space<vmem>>) target_semaphore(%run_scoped3A : memref<!tpu.dma_semaphore, #tpu.memory_space<semaphore_mem>>)
      tpu.wait_dma2 semaphore(%run_scoped3A : memref<!tpu.dma_semaphore, #tpu.memory_space<semaphore_mem>>) src(%arg2 : memref<90000xf32, #tpu.memory_space<hbm>>) dst(%arg6 : memref<90000xf32, #tpu.memory_space<vmem>>)
      tpu.yield
    }) : () -> ()
    %mul3A = arith.constant 2 : i32
    %mul3A_0 = arith.muli %arg1, %mul3A : i32
    %add3A = arith.addi %mul3A_0, %arg0 : i32
    %mul3A_1 = arith.constant 10000 : i32
    %mul3A_2 = arith.muli %add3A, %mul3A_1 : i32
    %scan3A = arith.constant 0 : i32
    %scan3A_3 = arith.constant 0 : i32
    %scan3A_4 = arith.constant 5 : i32
    %scan3A_5 = arith.addi %scan3A_3, %scan3A_4 : i32
    %scan3A_6 = arith.constant 1 : i32
    scf.for %scan3A_8 = %scan3A_3 to %scan3A_5 step %scan3A_6  : i32 {
      %mul3A_9 = arith.constant 2000 : i32
      %mul3A_10 = arith.muli %scan3A_8, %mul3A_9 : i32
      %add3A_11 = arith.addi %mul3A_2, %mul3A_10 : i32
      "tpu.region"() ({
        %run_scoped3A = tpu.sem_alloc : memref<!tpu.dma_semaphore, #tpu.memory_space<semaphore_mem>>
        %dma_start3A = tpu.memref_slice %arg3[%add3A_11] : memref<320000xi32, #tpu.memory_space<hbm>> -> memref<2000xi32, #tpu.memory_space<hbm>>
        %dma_start3A_24 = tpu.memref_slice %arg3[%add3A_11] : memref<320000xi32, #tpu.memory_space<hbm>> -> memref<2000xi32, #tpu.memory_space<hbm>>
        tpu.enqueue_dma source(%dma_start3A_24 : memref<2000xi32, #tpu.memory_space<hbm>>) target(%arg7 : memref<2000xi32, #tpu.memory_space<vmem>>) target_semaphore(%run_scoped3A : memref<!tpu.dma_semaphore, #tpu.memory_space<semaphore_mem>>)
        %dma_wait3A = tpu.memref_slice %arg3[%add3A_11] : memref<320000xi32, #tpu.memory_space<hbm>> -> memref<2000xi32, #tpu.memory_space<hbm>>
        %dma_wait3A_25 = tpu.memref_slice %arg3[%add3A_11] : memref<320000xi32, #tpu.memory_space<hbm>> -> memref<2000xi32, #tpu.memory_space<hbm>>
        tpu.wait_dma2 semaphore(%run_scoped3A : memref<!tpu.dma_semaphore, #tpu.memory_space<semaphore_mem>>) src(%dma_wait3A_25 : memref<2000xi32, #tpu.memory_space<hbm>>) dst(%arg7 : memref<2000xi32, #tpu.memory_space<vmem>>)
        tpu.yield
      }) : () -> ()
      "tpu.region"() ({
        %run_scoped3A = tpu.sem_alloc : memref<!tpu.dma_semaphore, #tpu.memory_space<semaphore_mem>>
        %dma_start3A = tpu.memref_slice %arg4[%add3A_11] : memref<320000xi32, #tpu.memory_space<hbm>> -> memref<2000xi32, #tpu.memory_space<hbm>>
        %dma_start3A_24 = tpu.memref_slice %arg4[%add3A_11] : memref<320000xi32, #tpu.memory_space<hbm>> -> memref<2000xi32, #tpu.memory_space<hbm>>
        tpu.enqueue_dma source(%dma_start3A_24 : memref<2000xi32, #tpu.memory_space<hbm>>) target(%arg8 : memref<2000xi32, #tpu.memory_space<vmem>>) target_semaphore(%run_scoped3A : memref<!tpu.dma_semaphore, #tpu.memory_space<semaphore_mem>>)
        %dma_wait3A = tpu.memref_slice %arg4[%add3A_11] : memref<320000xi32, #tpu.memory_space<hbm>> -> memref<2000xi32, #tpu.memory_space<hbm>>
        %dma_wait3A_25 = tpu.memref_slice %arg4[%add3A_11] : memref<320000xi32, #tpu.memory_space<hbm>> -> memref<2000xi32, #tpu.memory_space<hbm>>
        tpu.wait_dma2 semaphore(%run_scoped3A : memref<!tpu.dma_semaphore, #tpu.memory_space<semaphore_mem>>) src(%dma_wait3A_25 : memref<2000xi32, #tpu.memory_space<hbm>>) dst(%arg8 : memref<2000xi32, #tpu.memory_space<vmem>>)
        tpu.yield
      }) : () -> ()
      %scan3A_12 = arith.constant 0 : i32
      %scan3A_13 = arith.constant 0 : i32
      %scan3A_14 = arith.constant 125 : i32
      %scan3A_15 = arith.addi %scan3A_13, %scan3A_14 : i32
      %scan3A_16 = arith.constant 1 : i32
      scf.for %scan3A_24 = %scan3A_13 to %scan3A_15 step %scan3A_16  : i32 {
        %mul3A_25 = arith.constant 16 : i32
        %mul3A_26 = arith.muli %scan3A_24, %mul3A_25 : i32
        %get3A = arith.index_cast %mul3A_26 : i32 to index
        %get3A_27 = tpu.vector_load %arg7[%get3A] {strides = array<i32>} : memref<2000xi32, #tpu.memory_space<vmem>>, vector<16xi32>,
        %get3A_28 = arith.index_cast %mul3A_26 : i32 to index
        %get3A_29 = tpu.vector_load %arg8[%get3A_28] {strides = array<i32>} : memref<2000xi32, #tpu.memory_space<vmem>>, vector<16xi32>,
        %broadcast_in_dim3A = arith.constant 0.000000e+00 : f32
        %broadcast_in_dim3A_30 = vector.broadcast %broadcast_in_dim3A : f32 to vector<16xf32>
        %broadcast_in_dim3A_31 = arith.constant 0 : i32
        %broadcast_in_dim3A_32 = vector.broadcast %broadcast_in_dim3A_31 : i32 to vector<16xi32>
        %add3A_33 = arith.addi %broadcast_in_dim3A_32, %get3A_29 : vector<16xi32>
        %gather3A = tpu.vector_load_idx %arg6[%add3A_33] : memref<90000xf32, #tpu.memory_space<vmem>>[vector<16xi32>], vector<16xf32>,
        %add3A_34 = arith.addi %broadcast_in_dim3A_32, %get3A_27 : vector<16xi32>
        %gather3A_35 = tpu.vector_load_idx %arg6[%add3A_34] : memref<90000xf32, #tpu.memory_space<vmem>>[vector<16xi32>], vector<16xf32>,
        %sub3A = arith.subf %gather3A, %gather3A_35 : vector<16xf32>
        %mul3A_36 = arith.mulf %sub3A, %sub3A : vector<16xf32>
        %add3A_37 = arith.addf %broadcast_in_dim3A_30, %mul3A_36 : vector<16xf32>
        %broadcast_in_dim3A_38 = arith.constant 10000 : i32
        %broadcast_in_dim3A_39 = vector.broadcast %broadcast_in_dim3A_38 : i32 to vector<16xi32>
        %add3A_40 = arith.addi %broadcast_in_dim3A_39, %get3A_29 : vector<16xi32>
        %gather3A_41 = tpu.vector_load_idx %arg6[%add3A_40] : memref<90000xf32, #tpu.memory_space<vmem>>[vector<16xi32>], vector<16xf32>,
        %add3A_42 = arith.addi %broadcast_in_dim3A_39, %get3A_27 : vector<16xi32>
        %gather3A_43 = tpu.vector_load_idx %arg6[%add3A_42] : memref<90000xf32, #tpu.memory_space<vmem>>[vector<16xi32>], vector<16xf32>,
        %sub3A_44 = arith.subf %gather3A_41, %gather3A_43 : vector<16xf32>
        %mul3A_45 = arith.mulf %sub3A_44, %sub3A_44 : vector<16xf32>
        %add3A_46 = arith.addf %add3A_37, %mul3A_45 : vector<16xf32>
        %broadcast_in_dim3A_47 = arith.constant 20000 : i32
        %broadcast_in_dim3A_48 = vector.broadcast %broadcast_in_dim3A_47 : i32 to vector<16xi32>
        %add3A_49 = arith.addi %broadcast_in_dim3A_48, %get3A_29 : vector<16xi32>
        %gather3A_50 = tpu.vector_load_idx %arg6[%add3A_49] : memref<90000xf32, #tpu.memory_space<vmem>>[vector<16xi32>], vector<16xf32>,
        %add3A_51 = arith.addi %broadcast_in_dim3A_48, %get3A_27 : vector<16xi32>
        %gather3A_52 = tpu.vector_load_idx %arg6[%add3A_51] : memref<90000xf32, #tpu.memory_space<vmem>>[vector<16xi32>], vector<16xf32>,
        %sub3A_53 = arith.subf %gather3A_50, %gather3A_52 : vector<16xf32>
        %mul3A_54 = arith.mulf %sub3A_53, %sub3A_53 : vector<16xf32>
        %add3A_55 = arith.addf %add3A_46, %mul3A_54 : vector<16xf32>
        %swap3A = arith.index_cast %mul3A_26 : i32 to index
        %swap3A_56 = tpu.vector_load %arg9[%swap3A] {strides = array<i32>} : memref<2000xf32, #tpu.memory_space<vmem>>, vector<16xf32>,
        tpu.vector_store %arg9[%swap3A], %add3A_55 {strides = array<i32>} : memref<2000xf32, #tpu.memory_space<vmem>>, vector<16xf32>,
        %broadcast_in_dim3A_57 = arith.constant 0.000000e+00 : f32
        %broadcast_in_dim3A_58 = vector.broadcast %broadcast_in_dim3A_57 : f32 to vector<16xf32>
        %broadcast_in_dim3A_59 = arith.constant 30000 : i32
        %broadcast_in_dim3A_60 = vector.broadcast %broadcast_in_dim3A_59 : i32 to vector<16xi32>
        %add3A_61 = arith.addi %broadcast_in_dim3A_60, %get3A_29 : vector<16xi32>
        %gather3A_62 = tpu.vector_load_idx %arg6[%add3A_61] : memref<90000xf32, #tpu.memory_space<vmem>>[vector<16xi32>], vector<16xf32>,
        %add3A_63 = arith.addi %broadcast_in_dim3A_60, %get3A_27 : vector<16xi32>
        %gather3A_64 = tpu.vector_load_idx %arg6[%add3A_63] : memref<90000xf32, #tpu.memory_space<vmem>>[vector<16xi32>], vector<16xf32>,
        %sub3A_65 = arith.subf %gather3A_62, %gather3A_64 : vector<16xf32>
        %mul3A_66 = arith.mulf %sub3A_65, %sub3A_65 : vector<16xf32>
        %add3A_67 = arith.addf %broadcast_in_dim3A_58, %mul3A_66 : vector<16xf32>
        %broadcast_in_dim3A_68 = arith.constant 40000 : i32
        %broadcast_in_dim3A_69 = vector.broadcast %broadcast_in_dim3A_68 : i32 to vector<16xi32>
        %add3A_70 = arith.addi %broadcast_in_dim3A_69, %get3A_29 : vector<16xi32>
        %gather3A_71 = tpu.vector_load_idx %arg6[%add3A_70] : memref<90000xf32, #tpu.memory_space<vmem>>[vector<16xi32>], vector<16xf32>,
        %add3A_72 = arith.addi %broadcast_in_dim3A_69, %get3A_27 : vector<16xi32>
        %gather3A_73 = tpu.vector_load_idx %arg6[%add3A_72] : memref<90000xf32, #tpu.memory_space<vmem>>[vector<16xi32>], vector<16xf32>,
        %sub3A_74 = arith.subf %gather3A_71, %gather3A_73 : vector<16xf32>
        %mul3A_75 = arith.mulf %sub3A_74, %sub3A_74 : vector<16xf32>
        %add3A_76 = arith.addf %add3A_67, %mul3A_75 : vector<16xf32>
        %broadcast_in_dim3A_77 = arith.constant 50000 : i32
        %broadcast_in_dim3A_78 = vector.broadcast %broadcast_in_dim3A_77 : i32 to vector<16xi32>
        %add3A_79 = arith.addi %broadcast_in_dim3A_78, %get3A_29 : vector<16xi32>
        %gather3A_80 = tpu.vector_load_idx %arg6[%add3A_79] : memref<90000xf32, #tpu.memory_space<vmem>>[vector<16xi32>], vector<16xf32>,
        %add3A_81 = arith.addi %broadcast_in_dim3A_78, %get3A_27 : vector<16xi32>
        %gather3A_82 = tpu.vector_load_idx %arg6[%add3A_81] : memref<90000xf32, #tpu.memory_space<vmem>>[vector<16xi32>], vector<16xf32>,
        %sub3A_83 = arith.subf %gather3A_80, %gather3A_82 : vector<16xf32>
        %mul3A_84 = arith.mulf %sub3A_83, %sub3A_83 : vector<16xf32>
        %add3A_85 = arith.addf %add3A_76, %mul3A_84 : vector<16xf32>
        %swap3A_86 = arith.index_cast %mul3A_26 : i32 to index
        %swap3A_87 = tpu.vector_load %arg10[%swap3A_86] {strides = array<i32>} : memref<2000xf32, #tpu.memory_space<vmem>>, vector<16xf32>,
        tpu.vector_store %arg10[%swap3A_86], %add3A_85 {strides = array<i32>} : memref<2000xf32, #tpu.memory_space<vmem>>, vector<16xf32>,
        %broadcast_in_dim3A_88 = arith.constant 0.000000e+00 : f32
        %broadcast_in_dim3A_89 = vector.broadcast %broadcast_in_dim3A_88 : f32 to vector<16xf32>
        %broadcast_in_dim3A_90 = arith.constant 60000 : i32
        %broadcast_in_dim3A_91 = vector.broadcast %broadcast_in_dim3A_90 : i32 to vector<16xi32>
        %add3A_92 = arith.addi %broadcast_in_dim3A_91, %get3A_29 : vector<16xi32>
        %gather3A_93 = tpu.vector_load_idx %arg6[%add3A_92] : memref<90000xf32, #tpu.memory_space<vmem>>[vector<16xi32>], vector<16xf32>,
        %add3A_94 = arith.addi %broadcast_in_dim3A_91, %get3A_27 : vector<16xi32>
        %gather3A_95 = tpu.vector_load_idx %arg6[%add3A_94] : memref<90000xf32, #tpu.memory_space<vmem>>[vector<16xi32>], vector<16xf32>,
        %sub3A_96 = arith.subf %gather3A_93, %gather3A_95 : vector<16xf32>
        %mul3A_97 = arith.mulf %sub3A_96, %sub3A_96 : vector<16xf32>
        %add3A_98 = arith.addf %broadcast_in_dim3A_89, %mul3A_97 : vector<16xf32>
        %broadcast_in_dim3A_99 = arith.constant 70000 : i32
        %broadcast_in_dim3A_100 = vector.broadcast %broadcast_in_dim3A_99 : i32 to vector<16xi32>
        %add3A_101 = arith.addi %broadcast_in_dim3A_100, %get3A_29 : vector<16xi32>
        %gather3A_102 = tpu.vector_load_idx %arg6[%add3A_101] : memref<90000xf32, #tpu.memory_space<vmem>>[vector<16xi32>], vector<16xf32>,
        %add3A_103 = arith.addi %broadcast_in_dim3A_100, %get3A_27 : vector<16xi32>
        %gather3A_104 = tpu.vector_load_idx %arg6[%add3A_103] : memref<90000xf32, #tpu.memory_space<vmem>>[vector<16xi32>], vector<16xf32>,
        %sub3A_105 = arith.subf %gather3A_102, %gather3A_104 : vector<16xf32>
        %mul3A_106 = arith.mulf %sub3A_105, %sub3A_105 : vector<16xf32>
        %add3A_107 = arith.addf %add3A_98, %mul3A_106 : vector<16xf32>
        %broadcast_in_dim3A_108 = arith.constant 80000 : i32
        %broadcast_in_dim3A_109 = vector.broadcast %broadcast_in_dim3A_108 : i32 to vector<16xi32>
        %add3A_110 = arith.addi %broadcast_in_dim3A_109, %get3A_29 : vector<16xi32>
        %gather3A_111 = tpu.vector_load_idx %arg6[%add3A_110] : memref<90000xf32, #tpu.memory_space<vmem>>[vector<16xi32>], vector<16xf32>,
        %add3A_112 = arith.addi %broadcast_in_dim3A_109, %get3A_27 : vector<16xi32>
        %gather3A_113 = tpu.vector_load_idx %arg6[%add3A_112] : memref<90000xf32, #tpu.memory_space<vmem>>[vector<16xi32>], vector<16xf32>,
        %sub3A_114 = arith.subf %gather3A_111, %gather3A_113 : vector<16xf32>
        %mul3A_115 = arith.mulf %sub3A_114, %sub3A_114 : vector<16xf32>
        %add3A_116 = arith.addf %add3A_107, %mul3A_115 : vector<16xf32>
        %swap3A_117 = arith.index_cast %mul3A_26 : i32 to index
        %swap3A_118 = tpu.vector_load %arg11[%swap3A_117] {strides = array<i32>} : memref<2000xf32, #tpu.memory_space<vmem>>, vector<16xf32>,
        tpu.vector_store %arg11[%swap3A_117], %add3A_116 {strides = array<i32>} : memref<2000xf32, #tpu.memory_space<vmem>>, vector<16xf32>,
      }
      %scan3A_17 = arith.constant 125 : i32
      %add3A_18 = arith.constant 0 : i32
      %add3A_19 = arith.addi %add3A_18, %add3A_11 : i32
      "tpu.region"() ({
        %run_scoped3A = tpu.sem_alloc : memref<!tpu.dma_semaphore, #tpu.memory_space<semaphore_mem>>
        %dma_start3A = tpu.memref_slice %arg5[%add3A_19] : memref<960000xf32, #tpu.memory_space<hbm>> -> memref<2000xf32, #tpu.memory_space<hbm>>
        %dma_start3A_24 = tpu.memref_slice %arg5[%add3A_19] : memref<960000xf32, #tpu.memory_space<hbm>> -> memref<2000xf32, #tpu.memory_space<hbm>>
        tpu.enqueue_dma source(%arg9 : memref<2000xf32, #tpu.memory_space<vmem>>) target(%dma_start3A_24 : memref<2000xf32, #tpu.memory_space<hbm>>) target_semaphore(%run_scoped3A : memref<!tpu.dma_semaphore, #tpu.memory_space<semaphore_mem>>)
        %dma_wait3A = tpu.memref_slice %arg5[%add3A_19] : memref<960000xf32, #tpu.memory_space<hbm>> -> memref<2000xf32, #tpu.memory_space<hbm>>
        %dma_wait3A_25 = tpu.memref_slice %arg5[%add3A_19] : memref<960000xf32, #tpu.memory_space<hbm>> -> memref<2000xf32, #tpu.memory_space<hbm>>
        tpu.wait_dma2 semaphore(%run_scoped3A : memref<!tpu.dma_semaphore, #tpu.memory_space<semaphore_mem>>) src(%arg9 : memref<2000xf32, #tpu.memory_space<vmem>>) dst(%dma_wait3A_25 : memref<2000xf32, #tpu.memory_space<hbm>>)
        tpu.yield
      }) : () -> ()
      %add3A_20 = arith.constant 320000 : i32
      %add3A_21 = arith.addi %add3A_20, %add3A_11 : i32
      "tpu.region"() ({
        %run_scoped3A = tpu.sem_alloc : memref<!tpu.dma_semaphore, #tpu.memory_space<semaphore_mem>>
        %dma_start3A = tpu.memref_slice %arg5[%add3A_21] : memref<960000xf32, #tpu.memory_space<hbm>> -> memref<2000xf32, #tpu.memory_space<hbm>>
        %dma_start3A_24 = tpu.memref_slice %arg5[%add3A_21] : memref<960000xf32, #tpu.memory_space<hbm>> -> memref<2000xf32, #tpu.memory_space<hbm>>
        tpu.enqueue_dma source(%arg10 : memref<2000xf32, #tpu.memory_space<vmem>>) target(%dma_start3A_24 : memref<2000xf32, #tpu.memory_space<hbm>>) target_semaphore(%run_scoped3A : memref<!tpu.dma_semaphore, #tpu.memory_space<semaphore_mem>>)
        %dma_wait3A = tpu.memref_slice %arg5[%add3A_21] : memref<960000xf32, #tpu.memory_space<hbm>> -> memref<2000xf32, #tpu.memory_space<hbm>>
        %dma_wait3A_25 = tpu.memref_slice %arg5[%add3A_21] : memref<960000xf32, #tpu.memory_space<hbm>> -> memref<2000xf32, #tpu.memory_space<hbm>>
        tpu.wait_dma2 semaphore(%run_scoped3A : memref<!tpu.dma_semaphore, #tpu.memory_space<semaphore_mem>>) src(%arg10 : memref<2000xf32, #tpu.memory_space<vmem>>) dst(%dma_wait3A_25 : memref<2000xf32, #tpu.memory_space<hbm>>)
        tpu.yield
      }) : () -> ()
      %add3A_22 = arith.constant 640000 : i32
      %add3A_23 = arith.addi %add3A_22, %add3A_11 : i32
      "tpu.region"() ({
        %run_scoped3A = tpu.sem_alloc : memref<!tpu.dma_semaphore, #tpu.memory_space<semaphore_mem>>
        %dma_start3A = tpu.memref_slice %arg5[%add3A_23] : memref<960000xf32, #tpu.memory_space<hbm>> -> memref<2000xf32, #tpu.memory_space<hbm>>
        %dma_start3A_24 = tpu.memref_slice %arg5[%add3A_23] : memref<960000xf32, #tpu.memory_space<hbm>> -> memref<2000xf32, #tpu.memory_space<hbm>>
        tpu.enqueue_dma source(%arg11 : memref<2000xf32, #tpu.memory_space<vmem>>) target(%dma_start3A_24 : memref<2000xf32, #tpu.memory_space<hbm>>) target_semaphore(%run_scoped3A : memref<!tpu.dma_semaphore, #tpu.memory_space<semaphore_mem>>)
        %dma_wait3A = tpu.memref_slice %arg5[%add3A_23] : memref<960000xf32, #tpu.memory_space<hbm>> -> memref<2000xf32, #tpu.memory_space<hbm>>
        %dma_wait3A_25 = tpu.memref_slice %arg5[%add3A_23] : memref<960000xf32, #tpu.memory_space<hbm>> -> memref<2000xf32, #tpu.memory_space<hbm>>
        tpu.wait_dma2 semaphore(%run_scoped3A : memref<!tpu.dma_semaphore, #tpu.memory_space<semaphore_mem>>) src(%arg11 : memref<2000xf32, #tpu.memory_space<vmem>>) dst(%dma_wait3A_25 : memref<2000xf32, #tpu.memory_space<hbm>>)
        tpu.yield
      }) : () -> ()
    }
    %scan3A_7 = arith.constant 5 : i32
    return
  }
}

#map = affine_map<(d0, d1) -> (0, 0)>
#map1 = affine_map<(d0, d1) -> (0)>
module attributes {stable_mosaic.version = 14 : i64} {
  func.func @_edge_agg_kernel(%arg0: i32, %arg1: i32, %arg2: memref<10000x128xf32, #tpu.memory_space<hbm>>, %arg3: memref<322560x128xf32, #tpu.memory_space<hbm>>, %arg4: memref<322560xi32, #tpu.memory_space<hbm>>, %arg5: memref<322560xi32, #tpu.memory_space<hbm>>, %arg6: memref<10112x128xf32, #tpu.memory_space<hbm>>, %arg7: memref<20224x128xf32, #tpu.memory_space<hbm>>, %arg8: memref<96xi32, #tpu.memory_space<vmem>>, %arg9: memref<96xi32, #tpu.memory_space<vmem>>, %arg10: memref<96xi32, #tpu.memory_space<vmem>>, %arg11: memref<96xi32, #tpu.memory_space<vmem>>, %arg12: memref<96x128xf32, #tpu.memory_space<vmem>>, %arg13: memref<96x128xf32, #tpu.memory_space<vmem>>, %arg14: memref<96x128xf32, #tpu.memory_space<vmem>>, %arg15: memref<96x128xf32, #tpu.memory_space<vmem>>, %arg16: memref<10112x128xf32, #tpu.memory_space<vmem_shared>>, %arg17: memref<!tpu.dma_semaphore, #tpu.memory_space<semaphore_mem>>, %arg18: memref<!tpu.dma_semaphore, #tpu.memory_space<semaphore_mem>>, %arg19: memref<!tpu.dma_semaphore, #tpu.memory_space<semaphore_mem>>, %arg20: memref<!tpu.dma_semaphore, #tpu.memory_space<semaphore_mem>>, %arg21: memref<!tpu.dma_semaphore, #tpu.memory_space<semaphore_mem>>, %arg22: memref<!tpu.dma_semaphore, #tpu.memory_space<semaphore_mem>>, %arg23: memref<!tpu.dma_semaphore, #tpu.memory_space<semaphore_mem>>, %arg24: memref<!tpu.dma_semaphore, #tpu.memory_space<semaphore_mem>>, %arg25: memref<!tpu.dma_semaphore, #tpu.memory_space<semaphore_mem>>, %arg26: memref<!tpu.dma_semaphore, #tpu.memory_space<semaphore_mem>>) attributes {dimension_semantics = [#tpu.dimension_semantics<core_parallel>, #tpu.dimension_semantics<subcore_parallel>], iteration_bounds = array<i64: 2, 16>, scalar_prefetch = 0 : i64, scratch_operands = 19 : i64, tpu.core_type = #tpu.core_type<sc_vector_subcore>, window_params = [{transform_indices = #map}, {transform_indices = #map}, {transform_indices = #map1}, {transform_indices = #map1}, {transform_indices = #map}, {transform_indices = #map}]} {
    %mul3A = arith.constant 2 : i32
    %mul3A_0 = arith.muli %arg1, %mul3A : i32
    %add3A = arith.addi %mul3A_0, %arg0 : i32
    %mul3A_1 = arith.constant 632 : i32
    %mul3A_2 = arith.muli %arg1, %mul3A_1 : i32
    %mul3A_3 = arith.constant 632 : i32
    %mul3A_4 = arith.muli %arg1, %mul3A_3 : i32
    "tpu.region"() ({
      %run_scoped3A = tpu.sem_alloc : memref<!tpu.dma_semaphore, #tpu.memory_space<semaphore_mem>>
      %dma_start3A_76 = arith.constant 0 : i32
      %dma_start3A_77 = tpu.memref_slice %arg16[%mul3A_4, %dma_start3A_76] : memref<10112x128xf32, #tpu.memory_space<vmem_shared>> -> memref<632x128xf32, #tpu.memory_space<vmem_shared>>
      %dma_start3A_78 = arith.constant 0 : i32
      %dma_start3A_79 = tpu.memref_slice %arg6[%mul3A_2, %dma_start3A_78] : memref<10112x128xf32, #tpu.memory_space<hbm>> -> memref<632x128xf32, #tpu.memory_space<hbm>>
      tpu.enqueue_dma source(%dma_start3A_79 : memref<632x128xf32, #tpu.memory_space<hbm>>) target(%dma_start3A_77 : memref<632x128xf32, #tpu.memory_space<vmem_shared>>) target_semaphore(%run_scoped3A : memref<!tpu.dma_semaphore, #tpu.memory_space<semaphore_mem>>)
      %dma_wait3A_80 = arith.constant 0 : i32
      %dma_wait3A_81 = tpu.memref_slice %arg16[%mul3A_4, %dma_wait3A_80] : memref<10112x128xf32, #tpu.memory_space<vmem_shared>> -> memref<632x128xf32, #tpu.memory_space<vmem_shared>>
      %dma_wait3A_82 = arith.constant 0 : i32
      %dma_wait3A_83 = tpu.memref_slice %arg6[%mul3A_2, %dma_wait3A_82] : memref<10112x128xf32, #tpu.memory_space<hbm>> -> memref<632x128xf32, #tpu.memory_space<hbm>>
      tpu.wait_dma2 semaphore(%run_scoped3A : memref<!tpu.dma_semaphore, #tpu.memory_space<semaphore_mem>>) src(%dma_wait3A_83 : memref<632x128xf32, #tpu.memory_space<hbm>>) dst(%dma_wait3A_81 : memref<632x128xf32, #tpu.memory_space<vmem_shared>>)
      tpu.yield
    }) : () -> ()
    %barrier3A = arith.constant 0 : index
    tpu.barrier barrier_id(%barrier3A)
    %eq3A = arith.constant 0 : i32
    %eq3A_5 = arith.cmpi eq, %arg0, %eq3A : i32
    %jit3A = arith.constant 140 : i32
    %jit3A_6 = arith.constant 70 : i32
    %select_n3A = arith.select %eq3A_5, %jit3A, %jit3A_6 : i32
    %eq3A_7 = arith.constant 0 : i32
    %eq3A_8 = arith.cmpi eq, %arg0, %eq3A_7 : i32
    %mul3A_9 = arith.constant 140 : i32
    %mul3A_10 = arith.muli %arg1, %mul3A_9 : i32
    %mul3A_11 = arith.constant 70 : i32
    %mul3A_12 = arith.muli %arg1, %mul3A_11 : i32
    %add3A_13 = arith.constant 2240 : i32
    %add3A_14 = arith.addi %add3A_13, %mul3A_12 : i32
    %select_n3A_15 = arith.select %eq3A_8, %mul3A_10, %add3A_14 : i32
    %mul3A_16 = arith.constant 96 : i32
    %mul3A_17 = arith.muli %select_n3A_15, %mul3A_16 : i32
    "tpu.region"() ({
      %run_scoped3A = tpu.sem_alloc : memref<!tpu.dma_semaphore, #tpu.memory_space<semaphore_mem>>
      %dma_start3A_76 = tpu.memref_slice %arg4[%mul3A_17] : memref<322560xi32, #tpu.memory_space<hbm>> -> memref<96xi32, #tpu.memory_space<hbm>>
      %dma_start3A_77 = tpu.memref_slice %arg4[%mul3A_17] : memref<322560xi32, #tpu.memory_space<hbm>> -> memref<96xi32, #tpu.memory_space<hbm>>
      tpu.enqueue_dma source(%dma_start3A_77 : memref<96xi32, #tpu.memory_space<hbm>>) target(%arg8 : memref<96xi32, #tpu.memory_space<vmem>>) target_semaphore(%run_scoped3A : memref<!tpu.dma_semaphore, #tpu.memory_space<semaphore_mem>>)
      %dma_wait3A_78 = tpu.memref_slice %arg4[%mul3A_17] : memref<322560xi32, #tpu.memory_space<hbm>> -> memref<96xi32, #tpu.memory_space<hbm>>
      %dma_wait3A_79 = tpu.memref_slice %arg4[%mul3A_17] : memref<322560xi32, #tpu.memory_space<hbm>> -> memref<96xi32, #tpu.memory_space<hbm>>
      tpu.wait_dma2 semaphore(%run_scoped3A : memref<!tpu.dma_semaphore, #tpu.memory_space<semaphore_mem>>) src(%dma_wait3A_79 : memref<96xi32, #tpu.memory_space<hbm>>) dst(%arg8 : memref<96xi32, #tpu.memory_space<vmem>>)
      tpu.yield
    }) : () -> ()
    %dma_start3A = arith.constant 0 : i32
    %dma_start3A_18 = arith.constant 0 : i32
    %dma_start3A_19 = tpu.memref_slice %arg2[%dma_start3A, %dma_start3A_18] : memref<10000x128xf32, #tpu.memory_space<hbm>> -> memref<10000x128xf32, #tpu.memory_space<hbm>>
    tpu.enqueue_indirect_dma source(%dma_start3A_19 : memref<10000x128xf32, #tpu.memory_space<hbm>>) target(%arg12 : memref<96x128xf32, #tpu.memory_space<vmem>>) offsets(%arg8 : memref<96xi32, #tpu.memory_space<vmem>>) semaphore(%arg17 : memref<!tpu.dma_semaphore, #tpu.memory_space<semaphore_mem>>)
    %dma_start3A_20 = arith.constant 0 : i32
    %dma_start3A_21 = tpu.memref_slice %arg3[%mul3A_17, %dma_start3A_20] : memref<322560x128xf32, #tpu.memory_space<hbm>> -> memref<96x128xf32, #tpu.memory_space<hbm>>
    %dma_start3A_22 = arith.constant 0 : i32
    %dma_start3A_23 = tpu.memref_slice %arg3[%mul3A_17, %dma_start3A_22] : memref<322560x128xf32, #tpu.memory_space<hbm>> -> memref<96x128xf32, #tpu.memory_space<hbm>>
    tpu.enqueue_dma source(%dma_start3A_23 : memref<96x128xf32, #tpu.memory_space<hbm>>) target(%arg14 : memref<96x128xf32, #tpu.memory_space<vmem>>) target_semaphore(%arg23 : memref<!tpu.dma_semaphore, #tpu.memory_space<semaphore_mem>>)
    %dma_start3A_24 = tpu.memref_slice %arg5[%mul3A_17] : memref<322560xi32, #tpu.memory_space<hbm>> -> memref<96xi32, #tpu.memory_space<hbm>>
    %dma_start3A_25 = tpu.memref_slice %arg5[%mul3A_17] : memref<322560xi32, #tpu.memory_space<hbm>> -> memref<96xi32, #tpu.memory_space<hbm>>
    tpu.enqueue_dma source(%dma_start3A_25 : memref<96xi32, #tpu.memory_space<hbm>>) target(%arg10 : memref<96xi32, #tpu.memory_space<vmem>>) target_semaphore(%arg21 : memref<!tpu.dma_semaphore, #tpu.memory_space<semaphore_mem>>)
    %add3A_26 = arith.constant 96 : i32
    %add3A_27 = arith.addi %mul3A_17, %add3A_26 : i32
    %dma_start3A_28 = tpu.memref_slice %arg4[%add3A_27] : memref<322560xi32, #tpu.memory_space<hbm>> -> memref<96xi32, #tpu.memory_space<hbm>>
    %dma_start3A_29 = tpu.memref_slice %arg4[%add3A_27] : memref<322560xi32, #tpu.memory_space<hbm>> -> memref<96xi32, #tpu.memory_space<hbm>>
    tpu.enqueue_dma source(%dma_start3A_29 : memref<96xi32, #tpu.memory_space<hbm>>) target(%arg9 : memref<96xi32, #tpu.memory_space<vmem>>) target_semaphore(%arg20 : memref<!tpu.dma_semaphore, #tpu.memory_space<semaphore_mem>>)
    %add3A_30 = arith.constant 96 : i32
    %add3A_31 = arith.addi %mul3A_17, %add3A_30 : i32
    %dma_start3A_32 = arith.constant 0 : i32
    %dma_start3A_33 = tpu.memref_slice %arg3[%add3A_31, %dma_start3A_32] : memref<322560x128xf32, #tpu.memory_space<hbm>> -> memref<96x128xf32, #tpu.memory_space<hbm>>
    %dma_start3A_34 = arith.constant 0 : i32
    %dma_start3A_35 = tpu.memref_slice %arg3[%add3A_31, %dma_start3A_34] : memref<322560x128xf32, #tpu.memory_space<hbm>> -> memref<96x128xf32, #tpu.memory_space<hbm>>
    tpu.enqueue_dma source(%dma_start3A_35 : memref<96x128xf32, #tpu.memory_space<hbm>>) target(%arg15 : memref<96x128xf32, #tpu.memory_space<vmem>>) target_semaphore(%arg24 : memref<!tpu.dma_semaphore, #tpu.memory_space<semaphore_mem>>)
    %jit3A_36 = arith.constant 2 : i32
    %div3A = arith.divsi %select_n3A, %jit3A_36 : i32
    %sign3A = arith.constant 0 : i32
    %sign3A_37 = arith.cmpi sgt, %select_n3A, %sign3A : i32
    %sign3A_38 = arith.extui %sign3A_37 : i1 to i32
    %sign3A_39 = arith.constant 0 : i32
    %sign3A_40 = arith.cmpi slt, %select_n3A, %sign3A_39 : i32
    %sign3A_41 = arith.extui %sign3A_40 : i1 to i32
    %sign3A_42 = arith.subi %sign3A_38, %sign3A_41 : i32
    %sign3A_43 = arith.constant 0 : i32
    %sign3A_44 = arith.cmpi sgt, %jit3A_36, %sign3A_43 : i32
    %sign3A_45 = arith.extui %sign3A_44 : i1 to i32
    %sign3A_46 = arith.constant 0 : i32
    %sign3A_47 = arith.cmpi slt, %jit3A_36, %sign3A_46 : i32
    %sign3A_48 = arith.extui %sign3A_47 : i1 to i32
    %sign3A_49 = arith.subi %sign3A_45, %sign3A_48 : i32
    %ne3A = arith.cmpi ne, %sign3A_42, %sign3A_49 : i32
    %rem3A = arith.remsi %select_n3A, %jit3A_36 : i32
    %ne3A_50 = arith.constant 0 : i32
    %ne3A_51 = arith.cmpi ne, %rem3A, %ne3A_50 : i32
    %and3A = arith.andi %ne3A, %ne3A_51 : i1
    %sub3A = arith.constant 1 : i32
    %sub3A_52 = arith.subi %div3A, %sub3A : i32
    %select_n3A_53 = arith.select %and3A, %sub3A_52, %div3A : i32
    %while3A = arith.constant 0 : i32
    %while3A_54 = arith.constant 0 : i32
    %while3A_55 = arith.subi %select_n3A_53, %while3A_54 : i32
    %while3A_56 = arith.addi %while3A_54, %while3A_55 : i32
    %while3A_57 = arith.constant 1 : i32
    %while3A_58 = arith.divsi %while3A_55, %while3A_57 : i32
    %while3A_59 = arith.muli %while3A_58, %while3A_57 : i32
    %while3A_60 = arith.addi %while3A_54, %while3A_59 : i32
    %while3A_61 = arith.constant 1 : i32
    scf.for %while3A_76 = %while3A_54 to %while3A_60 step %while3A_61  : i32 {
      %mul3A_77 = arith.constant 2 : i32
      %mul3A_78 = arith.muli %while3A_76, %mul3A_77 : i32
      %add3A_79 = arith.constant 0 : i32
      %add3A_80 = arith.addi %mul3A_78, %add3A_79 : i32
      %mul3A_81 = arith.constant 96 : i32
      %mul3A_82 = arith.muli %add3A_80, %mul3A_81 : i32
      %add3A_83 = arith.addi %mul3A_17, %mul3A_82 : i32
      %dma_wait3A_84 = arith.constant 0 : i32
      %dma_wait3A_85 = arith.constant 0 : i32
      %dma_wait3A_86 = tpu.memref_slice %arg2[%dma_wait3A_84, %dma_wait3A_85] : memref<10000x128xf32, #tpu.memory_space<hbm>> -> memref<10000x128xf32, #tpu.memory_space<hbm>>
      tpu.wait_indirect_dma semaphore(%arg17 : memref<!tpu.dma_semaphore, #tpu.memory_space<semaphore_mem>>) src(%dma_wait3A_86 : memref<10000x128xf32, #tpu.memory_space<hbm>>) dst(%arg12 : memref<96x128xf32, #tpu.memory_space<vmem>>)
      %add3A_87 = arith.constant 1 : i32
      %add3A_88 = arith.addi %add3A_80, %add3A_87 : i32
      %lt3A = arith.cmpi slt, %add3A_88, %select_n3A : i32
      %convert_element_type3A = arith.extui %lt3A : i1 to i32
      %cond3A = arith.constant 0 : i32
      %cond3A_89 = arith.cmpi ne, %convert_element_type3A, %cond3A : i32
      scf.if %cond3A_89 {
        %add3A_159 = arith.constant 96 : i32
        %add3A_160 = arith.addi %add3A_83, %add3A_159 : i32
        %dma_wait3A_161 = tpu.memref_slice %arg4[%add3A_160] : memref<322560xi32, #tpu.memory_space<hbm>> -> memref<96xi32, #tpu.memory_space<hbm>>
        %dma_wait3A_162 = tpu.memref_slice %arg4[%add3A_160] : memref<322560xi32, #tpu.memory_space<hbm>> -> memref<96xi32, #tpu.memory_space<hbm>>
        tpu.wait_dma2 semaphore(%arg20 : memref<!tpu.dma_semaphore, #tpu.memory_space<semaphore_mem>>) src(%dma_wait3A_162 : memref<96xi32, #tpu.memory_space<hbm>>) dst(%arg9 : memref<96xi32, #tpu.memory_space<vmem>>)
        %ge3A = arith.constant 1 : i32
        %ge3A_163 = arith.cmpi sge, %add3A_80, %ge3A : i32
        %convert_element_type3A_164 = arith.extui %ge3A_163 : i1 to i32
        %cond3A_165 = arith.constant 0 : i32
        %cond3A_166 = arith.cmpi ne, %convert_element_type3A_164, %cond3A_165 : i32
        scf.if %cond3A_166 {
          %dma_wait3A_174 = arith.constant 0 : i32
          %dma_wait3A_175 = arith.constant 0 : i32
          %dma_wait3A_176 = tpu.memref_slice %arg16[%dma_wait3A_174, %dma_wait3A_175] : memref<10112x128xf32, #tpu.memory_space<vmem_shared>> -> memref<10112x128xf32, #tpu.memory_space<vmem_shared>>
          tpu.wait_indirect_dma semaphore(%arg26 : memref<!tpu.dma_semaphore, #tpu.memory_space<semaphore_mem>>) src(%arg13 : memref<96x128xf32, #tpu.memory_space<vmem>>) dst(%dma_wait3A_176 : memref<10112x128xf32, #tpu.memory_space<vmem_shared>>)
        } else {
        }
        %dma_start3A_167 = arith.constant 0 : i32
        %dma_start3A_168 = arith.constant 0 : i32
        %dma_start3A_169 = tpu.memref_slice %arg2[%dma_start3A_167, %dma_start3A_168] : memref<10000x128xf32, #tpu.memory_space<hbm>> -> memref<10000x128xf32, #tpu.memory_space<hbm>>
        tpu.enqueue_indirect_dma source(%dma_start3A_169 : memref<10000x128xf32, #tpu.memory_space<hbm>>) target(%arg13 : memref<96x128xf32, #tpu.memory_space<vmem>>) offsets(%arg9 : memref<96xi32, #tpu.memory_space<vmem>>) semaphore(%arg18 : memref<!tpu.dma_semaphore, #tpu.memory_space<semaphore_mem>>)
        %add3A_170 = arith.constant 96 : i32
        %add3A_171 = arith.addi %add3A_83, %add3A_170 : i32
        %dma_start3A_172 = tpu.memref_slice %arg5[%add3A_171] : memref<322560xi32, #tpu.memory_space<hbm>> -> memref<96xi32, #tpu.memory_space<hbm>>
        %dma_start3A_173 = tpu.memref_slice %arg5[%add3A_171] : memref<322560xi32, #tpu.memory_space<hbm>> -> memref<96xi32, #tpu.memory_space<hbm>>
        tpu.enqueue_dma source(%dma_start3A_173 : memref<96xi32, #tpu.memory_space<hbm>>) target(%arg11 : memref<96xi32, #tpu.memory_space<vmem>>) target_semaphore(%arg22 : memref<!tpu.dma_semaphore, #tpu.memory_space<semaphore_mem>>)
      } else {
      }
      %add3A_90 = arith.constant 2 : i32
      %add3A_91 = arith.addi %add3A_80, %add3A_90 : i32
      %lt3A_92 = arith.cmpi slt, %add3A_91, %select_n3A : i32
      %convert_element_type3A_93 = arith.extui %lt3A_92 : i1 to i32
      %cond3A_94 = arith.constant 0 : i32
      %cond3A_95 = arith.cmpi ne, %convert_element_type3A_93, %cond3A_94 : i32
      scf.if %cond3A_95 {
        %add3A_159 = arith.constant 192 : i32
        %add3A_160 = arith.addi %add3A_83, %add3A_159 : i32
        %dma_start3A_161 = tpu.memref_slice %arg4[%add3A_160] : memref<322560xi32, #tpu.memory_space<hbm>> -> memref<96xi32, #tpu.memory_space<hbm>>
        %dma_start3A_162 = tpu.memref_slice %arg4[%add3A_160] : memref<322560xi32, #tpu.memory_space<hbm>> -> memref<96xi32, #tpu.memory_space<hbm>>
        tpu.enqueue_dma source(%dma_start3A_162 : memref<96xi32, #tpu.memory_space<hbm>>) target(%arg8 : memref<96xi32, #tpu.memory_space<vmem>>) target_semaphore(%arg19 : memref<!tpu.dma_semaphore, #tpu.memory_space<semaphore_mem>>)
      } else {
      }
      %dma_wait3A_96 = arith.constant 0 : i32
      %dma_wait3A_97 = tpu.memref_slice %arg3[%add3A_83, %dma_wait3A_96] : memref<322560x128xf32, #tpu.memory_space<hbm>> -> memref<96x128xf32, #tpu.memory_space<hbm>>
      %dma_wait3A_98 = arith.constant 0 : i32
      %dma_wait3A_99 = tpu.memref_slice %arg3[%add3A_83, %dma_wait3A_98] : memref<322560x128xf32, #tpu.memory_space<hbm>> -> memref<96x128xf32, #tpu.memory_space<hbm>>
      tpu.wait_dma2 semaphore(%arg23 : memref<!tpu.dma_semaphore, #tpu.memory_space<semaphore_mem>>) src(%dma_wait3A_99 : memref<96x128xf32, #tpu.memory_space<hbm>>) dst(%arg14 : memref<96x128xf32, #tpu.memory_space<vmem>>)
      %scan3A = arith.constant 0 : i32
      %scan3A_100 = arith.constant 0 : i32
      %scan3A_101 = arith.constant 96 : i32
      %scan3A_102 = arith.addi %scan3A_100, %scan3A_101 : i32
      %scan3A_103 = arith.constant 1 : i32
      scf.for %scan3A_159 = %scan3A_100 to %scan3A_102 step %scan3A_103  : i32 {
        %get3A = arith.index_cast %scan3A_159 : i32 to index
        %get3A_160 = arith.constant 0 : index
        %get3A_161 = tpu.vector_load %arg12[%get3A, %get3A_160] {strides = array<i32>} : memref<96x128xf32, #tpu.memory_space<vmem>>, vector<16xf32>,
        %get3A_162 = arith.index_cast %scan3A_159 : i32 to index
        %get3A_163 = arith.constant 0 : index
        %get3A_164 = tpu.vector_load %arg14[%get3A_162, %get3A_163] {strides = array<i32>} : memref<96x128xf32, #tpu.memory_space<vmem>>, vector<16xf32>,
        %mul3A_165 = arith.mulf %get3A_161, %get3A_164 : vector<16xf32>
        %swap3A = arith.index_cast %scan3A_159 : i32 to index
        %swap3A_166 = arith.constant 0 : index
        %swap3A_167 = tpu.vector_load %arg12[%swap3A, %swap3A_166] {strides = array<i32>} : memref<96x128xf32, #tpu.memory_space<vmem>>, vector<16xf32>,
        tpu.vector_store %arg12[%swap3A, %swap3A_166], %mul3A_165 {strides = array<i32>} : memref<96x128xf32, #tpu.memory_space<vmem>>, vector<16xf32>,
        %get3A_168 = arith.index_cast %scan3A_159 : i32 to index
        %get3A_169 = arith.constant 16 : index
        %get3A_170 = tpu.vector_load %arg12[%get3A_168, %get3A_169] {strides = array<i32>} : memref<96x128xf32, #tpu.memory_space<vmem>>, vector<16xf32>,
        %get3A_171 = arith.index_cast %scan3A_159 : i32 to index
        %get3A_172 = arith.constant 16 : index
        %get3A_173 = tpu.vector_load %arg14[%get3A_171, %get3A_172] {strides = array<i32>} : memref<96x128xf32, #tpu.memory_space<vmem>>, vector<16xf32>,
        %mul3A_174 = arith.mulf %get3A_170, %get3A_173 : vector<16xf32>
        %swap3A_175 = arith.index_cast %scan3A_159 : i32 to index
        %swap3A_176 = arith.constant 16 : index
        %swap3A_177 = tpu.vector_load %arg12[%swap3A_175, %swap3A_176] {strides = array<i32>} : memref<96x128xf32, #tpu.memory_space<vmem>>, vector<16xf32>,
        tpu.vector_store %arg12[%swap3A_175, %swap3A_176], %mul3A_174 {strides = array<i32>} : memref<96x128xf32, #tpu.memory_space<vmem>>, vector<16xf32>,
        %get3A_178 = arith.index_cast %scan3A_159 : i32 to index
        %get3A_179 = arith.constant 32 : index
        %get3A_180 = tpu.vector_load %arg12[%get3A_178, %get3A_179] {strides = array<i32>} : memref<96x128xf32, #tpu.memory_space<vmem>>, vector<16xf32>,
        %get3A_181 = arith.index_cast %scan3A_159 : i32 to index
        %get3A_182 = arith.constant 32 : index
        %get3A_183 = tpu.vector_load %arg14[%get3A_181, %get3A_182] {strides = array<i32>} : memref<96x128xf32, #tpu.memory_space<vmem>>, vector<16xf32>,
        %mul3A_184 = arith.mulf %get3A_180, %get3A_183 : vector<16xf32>
        %swap3A_185 = arith.index_cast %scan3A_159 : i32 to index
        %swap3A_186 = arith.constant 32 : index
        %swap3A_187 = tpu.vector_load %arg12[%swap3A_185, %swap3A_186] {strides = array<i32>} : memref<96x128xf32, #tpu.memory_space<vmem>>, vector<16xf32>,
        tpu.vector_store %arg12[%swap3A_185, %swap3A_186], %mul3A_184 {strides = array<i32>} : memref<96x128xf32, #tpu.memory_space<vmem>>, vector<16xf32>,
        %get3A_188 = arith.index_cast %scan3A_159 : i32 to index
        %get3A_189 = arith.constant 48 : index
        %get3A_190 = tpu.vector_load %arg12[%get3A_188, %get3A_189] {strides = array<i32>} : memref<96x128xf32, #tpu.memory_space<vmem>>, vector<16xf32>,
        %get3A_191 = arith.index_cast %scan3A_159 : i32 to index
        %get3A_192 = arith.constant 48 : index
        %get3A_193 = tpu.vector_load %arg14[%get3A_191, %get3A_192] {strides = array<i32>} : memref<96x128xf32, #tpu.memory_space<vmem>>, vector<16xf32>,
        %mul3A_194 = arith.mulf %get3A_190, %get3A_193 : vector<16xf32>
        %swap3A_195 = arith.index_cast %scan3A_159 : i32 to index
        %swap3A_196 = arith.constant 48 : index
        %swap3A_197 = tpu.vector_load %arg12[%swap3A_195, %swap3A_196] {strides = array<i32>} : memref<96x128xf32, #tpu.memory_space<vmem>>, vector<16xf32>,
        tpu.vector_store %arg12[%swap3A_195, %swap3A_196], %mul3A_194 {strides = array<i32>} : memref<96x128xf32, #tpu.memory_space<vmem>>, vector<16xf32>,
        %get3A_198 = arith.index_cast %scan3A_159 : i32 to index
        %get3A_199 = arith.constant 64 : index
        %get3A_200 = tpu.vector_load %arg12[%get3A_198, %get3A_199] {strides = array<i32>} : memref<96x128xf32, #tpu.memory_space<vmem>>, vector<16xf32>,
        %get3A_201 = arith.index_cast %scan3A_159 : i32 to index
        %get3A_202 = arith.constant 64 : index
        %get3A_203 = tpu.vector_load %arg14[%get3A_201, %get3A_202] {strides = array<i32>} : memref<96x128xf32, #tpu.memory_space<vmem>>, vector<16xf32>,
        %mul3A_204 = arith.mulf %get3A_200, %get3A_203 : vector<16xf32>
        %swap3A_205 = arith.index_cast %scan3A_159 : i32 to index
        %swap3A_206 = arith.constant 64 : index
        %swap3A_207 = tpu.vector_load %arg12[%swap3A_205, %swap3A_206] {strides = array<i32>} : memref<96x128xf32, #tpu.memory_space<vmem>>, vector<16xf32>,
        tpu.vector_store %arg12[%swap3A_205, %swap3A_206], %mul3A_204 {strides = array<i32>} : memref<96x128xf32, #tpu.memory_space<vmem>>, vector<16xf32>,
        %get3A_208 = arith.index_cast %scan3A_159 : i32 to index
        %get3A_209 = arith.constant 80 : index
        %get3A_210 = tpu.vector_load %arg12[%get3A_208, %get3A_209] {strides = array<i32>} : memref<96x128xf32, #tpu.memory_space<vmem>>, vector<16xf32>,
        %get3A_211 = arith.index_cast %scan3A_159 : i32 to index
        %get3A_212 = arith.constant 80 : index
        %get3A_213 = tpu.vector_load %arg14[%get3A_211, %get3A_212] {strides = array<i32>} : memref<96x128xf32, #tpu.memory_space<vmem>>, vector<16xf32>,
        %mul3A_214 = arith.mulf %get3A_210, %get3A_213 : vector<16xf32>
        %swap3A_215 = arith.index_cast %scan3A_159 : i32 to index
        %swap3A_216 = arith.constant 80 : index
        %swap3A_217 = tpu.vector_load %arg12[%swap3A_215, %swap3A_216] {strides = array<i32>} : memref<96x128xf32, #tpu.memory_space<vmem>>, vector<16xf32>,
        tpu.vector_store %arg12[%swap3A_215, %swap3A_216], %mul3A_214 {strides = array<i32>} : memref<96x128xf32, #tpu.memory_space<vmem>>, vector<16xf32>,
        %get3A_218 = arith.index_cast %scan3A_159 : i32 to index
        %get3A_219 = arith.constant 96 : index
        %get3A_220 = tpu.vector_load %arg12[%get3A_218, %get3A_219] {strides = array<i32>} : memref<96x128xf32, #tpu.memory_space<vmem>>, vector<16xf32>,
        %get3A_221 = arith.index_cast %scan3A_159 : i32 to index
        %get3A_222 = arith.constant 96 : index
        %get3A_223 = tpu.vector_load %arg14[%get3A_221, %get3A_222] {strides = array<i32>} : memref<96x128xf32, #tpu.memory_space<vmem>>, vector<16xf32>,
        %mul3A_224 = arith.mulf %get3A_220, %get3A_223 : vector<16xf32>
        %swap3A_225 = arith.index_cast %scan3A_159 : i32 to index
        %swap3A_226 = arith.constant 96 : index
        %swap3A_227 = tpu.vector_load %arg12[%swap3A_225, %swap3A_226] {strides = array<i32>} : memref<96x128xf32, #tpu.memory_space<vmem>>, vector<16xf32>,
        tpu.vector_store %arg12[%swap3A_225, %swap3A_226], %mul3A_224 {strides = array<i32>} : memref<96x128xf32, #tpu.memory_space<vmem>>, vector<16xf32>,
        %get3A_228 = arith.index_cast %scan3A_159 : i32 to index
        %get3A_229 = arith.constant 112 : index
        %get3A_230 = tpu.vector_load %arg12[%get3A_228, %get3A_229] {strides = array<i32>} : memref<96x128xf32, #tpu.memory_space<vmem>>, vector<16xf32>,
        %get3A_231 = arith.index_cast %scan3A_159 : i32 to index
        %get3A_232 = arith.constant 112 : index
        %get3A_233 = tpu.vector_load %arg14[%get3A_231, %get3A_232] {strides = array<i32>} : memref<96x128xf32, #tpu.memory_space<vmem>>, vector<16xf32>,
        %mul3A_234 = arith.mulf %get3A_230, %get3A_233 : vector<16xf32>
        %swap3A_235 = arith.index_cast %scan3A_159 : i32 to index
        %swap3A_236 = arith.constant 112 : index
        %swap3A_237 = tpu.vector_load %arg12[%swap3A_235, %swap3A_236] {strides = array<i32>} : memref<96x128xf32, #tpu.memory_space<vmem>>, vector<16xf32>,
        tpu.vector_store %arg12[%swap3A_235, %swap3A_236], %mul3A_234 {strides = array<i32>} : memref<96x128xf32, #tpu.memory_space<vmem>>, vector<16xf32>,
      }
      %scan3A_104 = arith.constant 96 : i32
      %add3A_105 = arith.constant 2 : i32
      %add3A_106 = arith.addi %add3A_80, %add3A_105 : i32
      %lt3A_107 = arith.cmpi slt, %add3A_106, %select_n3A : i32
      %convert_element_type3A_108 = arith.extui %lt3A_107 : i1 to i32
      %cond3A_109 = arith.constant 0 : i32
      %cond3A_110 = arith.cmpi ne, %convert_element_type3A_108, %cond3A_109 : i32
      scf.if %cond3A_110 {
        %add3A_159 = arith.constant 192 : i32
        %add3A_160 = arith.addi %add3A_83, %add3A_159 : i32
        %dma_start3A_161 = arith.constant 0 : i32
        %dma_start3A_162 = tpu.memref_slice %arg3[%add3A_160, %dma_start3A_161] : memref<322560x128xf32, #tpu.memory_space<hbm>> -> memref<96x128xf32, #tpu.memory_space<hbm>>
        %dma_start3A_163 = arith.constant 0 : i32
        %dma_start3A_164 = tpu.memref_slice %arg3[%add3A_160, %dma_start3A_163] : memref<322560x128xf32, #tpu.memory_space<hbm>> -> memref<96x128xf32, #tpu.memory_space<hbm>>
        tpu.enqueue_dma source(%dma_start3A_164 : memref<96x128xf32, #tpu.memory_space<hbm>>) target(%arg14 : memref<96x128xf32, #tpu.memory_space<vmem>>) target_semaphore(%arg23 : memref<!tpu.dma_semaphore, #tpu.memory_space<semaphore_mem>>)
      } else {
      }
      %dma_wait3A_111 = tpu.memref_slice %arg5[%add3A_83] : memref<322560xi32, #tpu.memory_space<hbm>> -> memref<96xi32, #tpu.memory_space<hbm>>
      %dma_wait3A_112 = tpu.memref_slice %arg5[%add3A_83] : memref<322560xi32, #tpu.memory_space<hbm>> -> memref<96xi32, #tpu.memory_space<hbm>>
      tpu.wait_dma2 semaphore(%arg21 : memref<!tpu.dma_semaphore, #tpu.memory_space<semaphore_mem>>) src(%dma_wait3A_112 : memref<96xi32, #tpu.memory_space<hbm>>) dst(%arg10 : memref<96xi32, #tpu.memory_space<vmem>>)
      %dma_start3A_113 = arith.constant 0 : i32
      %dma_start3A_114 = arith.constant 0 : i32
      %dma_start3A_115 = tpu.memref_slice %arg16[%dma_start3A_113, %dma_start3A_114] : memref<10112x128xf32, #tpu.memory_space<vmem_shared>> -> memref<10112x128xf32, #tpu.memory_space<vmem_shared>>
      tpu.enqueue_indirect_dma source(%arg12 : memref<96x128xf32, #tpu.memory_space<vmem>>) target(%dma_start3A_115 : memref<10112x128xf32, #tpu.memory_space<vmem_shared>>) offsets(%arg10 : memref<96xi32, #tpu.memory_space<vmem>>) semaphore(%arg25 : memref<!tpu.dma_semaphore, #tpu.memory_space<semaphore_mem>>) {add = true}
      %mul3A_116 = arith.constant 2 : i32
      %mul3A_117 = arith.muli %while3A_76, %mul3A_116 : i32
      %add3A_118 = arith.constant 1 : i32
      %add3A_119 = arith.addi %mul3A_117, %add3A_118 : i32
      %mul3A_120 = arith.constant 96 : i32
      %mul3A_121 = arith.muli %add3A_119, %mul3A_120 : i32
      %add3A_122 = arith.addi %mul3A_17, %mul3A_121 : i32
      %dma_wait3A_123 = arith.constant 0 : i32
      %dma_wait3A_124 = arith.constant 0 : i32
      %dma_wait3A_125 = tpu.memref_slice %arg2[%dma_wait3A_123, %dma_wait3A_124] : memref<10000x128xf32, #tpu.memory_space<hbm>> -> memref<10000x128xf32, #tpu.memory_space<hbm>>
      tpu.wait_indirect_dma semaphore(%arg18 : memref<!tpu.dma_semaphore, #tpu.memory_space<semaphore_mem>>) src(%dma_wait3A_125 : memref<10000x128xf32, #tpu.memory_space<hbm>>) dst(%arg13 : memref<96x128xf32, #tpu.memory_space<vmem>>)
      %add3A_126 = arith.constant 1 : i32
      %add3A_127 = arith.addi %add3A_119, %add3A_126 : i32
      %lt3A_128 = arith.cmpi slt, %add3A_127, %select_n3A : i32
      %convert_element_type3A_129 = arith.extui %lt3A_128 : i1 to i32
      %cond3A_130 = arith.constant 0 : i32
      %cond3A_131 = arith.cmpi ne, %convert_element_type3A_129, %cond3A_130 : i32
      scf.if %cond3A_131 {
        %add3A_159 = arith.constant 96 : i32
        %add3A_160 = arith.addi %add3A_122, %add3A_159 : i32
        %dma_wait3A_161 = tpu.memref_slice %arg4[%add3A_160] : memref<322560xi32, #tpu.memory_space<hbm>> -> memref<96xi32, #tpu.memory_space<hbm>>
        %dma_wait3A_162 = tpu.memref_slice %arg4[%add3A_160] : memref<322560xi32, #tpu.memory_space<hbm>> -> memref<96xi32, #tpu.memory_space<hbm>>
        tpu.wait_dma2 semaphore(%arg19 : memref<!tpu.dma_semaphore, #tpu.memory_space<semaphore_mem>>) src(%dma_wait3A_162 : memref<96xi32, #tpu.memory_space<hbm>>) dst(%arg8 : memref<96xi32, #tpu.memory_space<vmem>>)
        %ge3A = arith.constant 1 : i32
        %ge3A_163 = arith.cmpi sge, %add3A_119, %ge3A : i32
        %convert_element_type3A_164 = arith.extui %ge3A_163 : i1 to i32
        %cond3A_165 = arith.constant 0 : i32
        %cond3A_166 = arith.cmpi ne, %convert_element_type3A_164, %cond3A_165 : i32
        scf.if %cond3A_166 {
          %dma_wait3A_174 = arith.constant 0 : i32
          %dma_wait3A_175 = arith.constant 0 : i32
          %dma_wait3A_176 = tpu.memref_slice %arg16[%dma_wait3A_174, %dma_wait3A_175] : memref<10112x128xf32, #tpu.memory_space<vmem_shared>> -> memref<10112x128xf32, #tpu.memory_space<vmem_shared>>
          tpu.wait_indirect_dma semaphore(%arg25 : memref<!tpu.dma_semaphore, #tpu.memory_space<semaphore_mem>>) src(%arg12 : memref<96x128xf32, #tpu.memory_space<vmem>>) dst(%dma_wait3A_176 : memref<10112x128xf32, #tpu.memory_space<vmem_shared>>)
        } else {
        }
        %dma_start3A_167 = arith.constant 0 : i32
        %dma_start3A_168 = arith.constant 0 : i32
        %dma_start3A_169 = tpu.memref_slice %arg2[%dma_start3A_167, %dma_start3A_168] : memref<10000x128xf32, #tpu.memory_space<hbm>> -> memref<10000x128xf32, #tpu.memory_space<hbm>>
        tpu.enqueue_indirect_dma source(%dma_start3A_169 : memref<10000x128xf32, #tpu.memory_space<hbm>>) target(%arg12 : memref<96x128xf32, #tpu.memory_space<vmem>>) offsets(%arg8 : memref<96xi32, #tpu.memory_space<vmem>>) semaphore(%arg17 : memref<!tpu.dma_semaphore, #tpu.memory_space<semaphore_mem>>)
        %add3A_170 = arith.constant 96 : i32
        %add3A_171 = arith.addi %add3A_122, %add3A_170 : i32
        %dma_start3A_172 = tpu.memref_slice %arg5[%add3A_171] : memref<322560xi32, #tpu.memory_space<hbm>> -> memref<96xi32, #tpu.memory_space<hbm>>
        %dma_start3A_173 = tpu.memref_slice %arg5[%add3A_171] : memref<322560xi32, #tpu.memory_space<hbm>> -> memref<96xi32, #tpu.memory_space<hbm>>
        tpu.enqueue_dma source(%dma_start3A_173 : memref<96xi32, #tpu.memory_space<hbm>>) target(%arg10 : memref<96xi32, #tpu.memory_space<vmem>>) target_semaphore(%arg21 : memref<!tpu.dma_semaphore, #tpu.memory_space<semaphore_mem>>)
      } else {
      }
      %add3A_132 = arith.constant 2 : i32
      %add3A_133 = arith.addi %add3A_119, %add3A_132 : i32
      %lt3A_134 = arith.cmpi slt, %add3A_133, %select_n3A : i32
      %convert_element_type3A_135 = arith.extui %lt3A_134 : i1 to i32
      %cond3A_136 = arith.constant 0 : i32
      %cond3A_137 = arith.cmpi ne, %convert_element_type3A_135, %cond3A_136 : i32
      scf.if %cond3A_137 {
        %add3A_159 = arith.constant 192 : i32
        %add3A_160 = arith.addi %add3A_122, %add3A_159 : i32
        %dma_start3A_161 = tpu.memref_slice %arg4[%add3A_160] : memref<322560xi32, #tpu.memory_space<hbm>> -> memref<96xi32, #tpu.memory_space<hbm>>
        %dma_start3A_162 = tpu.memref_slice %arg4[%add3A_160] : memref<322560xi32, #tpu.memory_space<hbm>> -> memref<96xi32, #tpu.memory_space<hbm>>
        tpu.enqueue_dma source(%dma_start3A_162 : memref<96xi32, #tpu.memory_space<hbm>>) target(%arg9 : memref<96xi32, #tpu.memory_space<vmem>>) target_semaphore(%arg20 : memref<!tpu.dma_semaphore, #tpu.memory_space<semaphore_mem>>)
      } else {
      }
      %dma_wait3A_138 = arith.constant 0 : i32
      %dma_wait3A_139 = tpu.memref_slice %arg3[%add3A_122, %dma_wait3A_138] : memref<322560x128xf32, #tpu.memory_space<hbm>> -> memref<96x128xf32, #tpu.memory_space<hbm>>
      %dma_wait3A_140 = arith.constant 0 : i32
      %dma_wait3A_141 = tpu.memref_slice %arg3[%add3A_122, %dma_wait3A_140] : memref<322560x128xf32, #tpu.memory_space<hbm>> -> memref<96x128xf32, #tpu.memory_space<hbm>>
      tpu.wait_dma2 semaphore(%arg24 : memref<!tpu.dma_semaphore, #tpu.memory_space<semaphore_mem>>) src(%dma_wait3A_141 : memref<96x128xf32, #tpu.memory_space<hbm>>) dst(%arg15 : memref<96x128xf32, #tpu.memory_space<vmem>>)
      %scan3A_142 = arith.constant 0 : i32
      %scan3A_143 = arith.constant 0 : i32
      %scan3A_144 = arith.constant 96 : i32
      %scan3A_145 = arith.addi %scan3A_143, %scan3A_144 : i32
      %scan3A_146 = arith.constant 1 : i32
      scf.for %scan3A_159 = %scan3A_143 to %scan3A_145 step %scan3A_146  : i32 {
        %get3A = arith.index_cast %scan3A_159 : i32 to index
        %get3A_160 = arith.constant 0 : index
        %get3A_161 = tpu.vector_load %arg13[%get3A, %get3A_160] {strides = array<i32>} : memref<96x128xf32, #tpu.memory_space<vmem>>, vector<16xf32>,
        %get3A_162 = arith.index_cast %scan3A_159 : i32 to index
        %get3A_163 = arith.constant 0 : index
        %get3A_164 = tpu.vector_load %arg15[%get3A_162, %get3A_163] {strides = array<i32>} : memref<96x128xf32, #tpu.memory_space<vmem>>, vector<16xf32>,
        %mul3A_165 = arith.mulf %get3A_161, %get3A_164 : vector<16xf32>
        %swap3A = arith.index_cast %scan3A_159 : i32 to index
        %swap3A_166 = arith.constant 0 : index
        %swap3A_167 = tpu.vector_load %arg13[%swap3A, %swap3A_166] {strides = array<i32>} : memref<96x128xf32, #tpu.memory_space<vmem>>, vector<16xf32>,
        tpu.vector_store %arg13[%swap3A, %swap3A_166], %mul3A_165 {strides = array<i32>} : memref<96x128xf32, #tpu.memory_space<vmem>>, vector<16xf32>,
        %get3A_168 = arith.index_cast %scan3A_159 : i32 to index
        %get3A_169 = arith.constant 16 : index
        %get3A_170 = tpu.vector_load %arg13[%get3A_168, %get3A_169] {strides = array<i32>} : memref<96x128xf32, #tpu.memory_space<vmem>>, vector<16xf32>,
        %get3A_171 = arith.index_cast %scan3A_159 : i32 to index
        %get3A_172 = arith.constant 16 : index
        %get3A_173 = tpu.vector_load %arg15[%get3A_171, %get3A_172] {strides = array<i32>} : memref<96x128xf32, #tpu.memory_space<vmem>>, vector<16xf32>,
        %mul3A_174 = arith.mulf %get3A_170, %get3A_173 : vector<16xf32>
        %swap3A_175 = arith.index_cast %scan3A_159 : i32 to index
        %swap3A_176 = arith.constant 16 : index
        %swap3A_177 = tpu.vector_load %arg13[%swap3A_175, %swap3A_176] {strides = array<i32>} : memref<96x128xf32, #tpu.memory_space<vmem>>, vector<16xf32>,
        tpu.vector_store %arg13[%swap3A_175, %swap3A_176], %mul3A_174 {strides = array<i32>} : memref<96x128xf32, #tpu.memory_space<vmem>>, vector<16xf32>,
        %get3A_178 = arith.index_cast %scan3A_159 : i32 to index
        %get3A_179 = arith.constant 32 : index
        %get3A_180 = tpu.vector_load %arg13[%get3A_178, %get3A_179] {strides = array<i32>} : memref<96x128xf32, #tpu.memory_space<vmem>>, vector<16xf32>,
        %get3A_181 = arith.index_cast %scan3A_159 : i32 to index
        %get3A_182 = arith.constant 32 : index
        %get3A_183 = tpu.vector_load %arg15[%get3A_181, %get3A_182] {strides = array<i32>} : memref<96x128xf32, #tpu.memory_space<vmem>>, vector<16xf32>,
        %mul3A_184 = arith.mulf %get3A_180, %get3A_183 : vector<16xf32>
        %swap3A_185 = arith.index_cast %scan3A_159 : i32 to index
        %swap3A_186 = arith.constant 32 : index
        %swap3A_187 = tpu.vector_load %arg13[%swap3A_185, %swap3A_186] {strides = array<i32>} : memref<96x128xf32, #tpu.memory_space<vmem>>, vector<16xf32>,
        tpu.vector_store %arg13[%swap3A_185, %swap3A_186], %mul3A_184 {strides = array<i32>} : memref<96x128xf32, #tpu.memory_space<vmem>>, vector<16xf32>,
        %get3A_188 = arith.index_cast %scan3A_159 : i32 to index
        %get3A_189 = arith.constant 48 : index
        %get3A_190 = tpu.vector_load %arg13[%get3A_188, %get3A_189] {strides = array<i32>} : memref<96x128xf32, #tpu.memory_space<vmem>>, vector<16xf32>,
        %get3A_191 = arith.index_cast %scan3A_159 : i32 to index
        %get3A_192 = arith.constant 48 : index
        %get3A_193 = tpu.vector_load %arg15[%get3A_191, %get3A_192] {strides = array<i32>} : memref<96x128xf32, #tpu.memory_space<vmem>>, vector<16xf32>,
        %mul3A_194 = arith.mulf %get3A_190, %get3A_193 : vector<16xf32>
        %swap3A_195 = arith.index_cast %scan3A_159 : i32 to index
        %swap3A_196 = arith.constant 48 : index
        %swap3A_197 = tpu.vector_load %arg13[%swap3A_195, %swap3A_196] {strides = array<i32>} : memref<96x128xf32, #tpu.memory_space<vmem>>, vector<16xf32>,
        tpu.vector_store %arg13[%swap3A_195, %swap3A_196], %mul3A_194 {strides = array<i32>} : memref<96x128xf32, #tpu.memory_space<vmem>>, vector<16xf32>,
        %get3A_198 = arith.index_cast %scan3A_159 : i32 to index
        %get3A_199 = arith.constant 64 : index
        %get3A_200 = tpu.vector_load %arg13[%get3A_198, %get3A_199] {strides = array<i32>} : memref<96x128xf32, #tpu.memory_space<vmem>>, vector<16xf32>,
        %get3A_201 = arith.index_cast %scan3A_159 : i32 to index
        %get3A_202 = arith.constant 64 : index
        %get3A_203 = tpu.vector_load %arg15[%get3A_201, %get3A_202] {strides = array<i32>} : memref<96x128xf32, #tpu.memory_space<vmem>>, vector<16xf32>,
        %mul3A_204 = arith.mulf %get3A_200, %get3A_203 : vector<16xf32>
        %swap3A_205 = arith.index_cast %scan3A_159 : i32 to index
        %swap3A_206 = arith.constant 64 : index
        %swap3A_207 = tpu.vector_load %arg13[%swap3A_205, %swap3A_206] {strides = array<i32>} : memref<96x128xf32, #tpu.memory_space<vmem>>, vector<16xf32>,
        tpu.vector_store %arg13[%swap3A_205, %swap3A_206], %mul3A_204 {strides = array<i32>} : memref<96x128xf32, #tpu.memory_space<vmem>>, vector<16xf32>,
        %get3A_208 = arith.index_cast %scan3A_159 : i32 to index
        %get3A_209 = arith.constant 80 : index
        %get3A_210 = tpu.vector_load %arg13[%get3A_208, %get3A_209] {strides = array<i32>} : memref<96x128xf32, #tpu.memory_space<vmem>>, vector<16xf32>,
        %get3A_211 = arith.index_cast %scan3A_159 : i32 to index
        %get3A_212 = arith.constant 80 : index
        %get3A_213 = tpu.vector_load %arg15[%get3A_211, %get3A_212] {strides = array<i32>} : memref<96x128xf32, #tpu.memory_space<vmem>>, vector<16xf32>,
        %mul3A_214 = arith.mulf %get3A_210, %get3A_213 : vector<16xf32>
        %swap3A_215 = arith.index_cast %scan3A_159 : i32 to index
        %swap3A_216 = arith.constant 80 : index
        %swap3A_217 = tpu.vector_load %arg13[%swap3A_215, %swap3A_216] {strides = array<i32>} : memref<96x128xf32, #tpu.memory_space<vmem>>, vector<16xf32>,
        tpu.vector_store %arg13[%swap3A_215, %swap3A_216], %mul3A_214 {strides = array<i32>} : memref<96x128xf32, #tpu.memory_space<vmem>>, vector<16xf32>,
        %get3A_218 = arith.index_cast %scan3A_159 : i32 to index
        %get3A_219 = arith.constant 96 : index
        %get3A_220 = tpu.vector_load %arg13[%get3A_218, %get3A_219] {strides = array<i32>} : memref<96x128xf32, #tpu.memory_space<vmem>>, vector<16xf32>,
        %get3A_221 = arith.index_cast %scan3A_159 : i32 to index
        %get3A_222 = arith.constant 96 : index
        %get3A_223 = tpu.vector_load %arg15[%get3A_221, %get3A_222] {strides = array<i32>} : memref<96x128xf32, #tpu.memory_space<vmem>>, vector<16xf32>,
        %mul3A_224 = arith.mulf %get3A_220, %get3A_223 : vector<16xf32>
        %swap3A_225 = arith.index_cast %scan3A_159 : i32 to index
        %swap3A_226 = arith.constant 96 : index
        %swap3A_227 = tpu.vector_load %arg13[%swap3A_225, %swap3A_226] {strides = array<i32>} : memref<96x128xf32, #tpu.memory_space<vmem>>, vector<16xf32>,
        tpu.vector_store %arg13[%swap3A_225, %swap3A_226], %mul3A_224 {strides = array<i32>} : memref<96x128xf32, #tpu.memory_space<vmem>>, vector<16xf32>,
        %get3A_228 = arith.index_cast %scan3A_159 : i32 to index
        %get3A_229 = arith.constant 112 : index
        %get3A_230 = tpu.vector_load %arg13[%get3A_228, %get3A_229] {strides = array<i32>} : memref<96x128xf32, #tpu.memory_space<vmem>>, vector<16xf32>,
        %get3A_231 = arith.index_cast %scan3A_159 : i32 to index
        %get3A_232 = arith.constant 112 : index
        %get3A_233 = tpu.vector_load %arg15[%get3A_231, %get3A_232] {strides = array<i32>} : memref<96x128xf32, #tpu.memory_space<vmem>>, vector<16xf32>,
        %mul3A_234 = arith.mulf %get3A_230, %get3A_233 : vector<16xf32>
        %swap3A_235 = arith.index_cast %scan3A_159 : i32 to index
        %swap3A_236 = arith.constant 112 : index
        %swap3A_237 = tpu.vector_load %arg13[%swap3A_235, %swap3A_236] {strides = array<i32>} : memref<96x128xf32, #tpu.memory_space<vmem>>, vector<16xf32>,
        tpu.vector_store %arg13[%swap3A_235, %swap3A_236], %mul3A_234 {strides = array<i32>} : memref<96x128xf32, #tpu.memory_space<vmem>>, vector<16xf32>,
      }
      %scan3A_147 = arith.constant 96 : i32
      %add3A_148 = arith.constant 2 : i32
      %add3A_149 = arith.addi %add3A_119, %add3A_148 : i32
      %lt3A_150 = arith.cmpi slt, %add3A_149, %select_n3A : i32
      %convert_element_type3A_151 = arith.extui %lt3A_150 : i1 to i32
      %cond3A_152 = arith.constant 0 : i32
      %cond3A_153 = arith.cmpi ne, %convert_element_type3A_151, %cond3A_152 : i32
      scf.if %cond3A_153 {
        %add3A_159 = arith.constant 192 : i32
        %add3A_160 = arith.addi %add3A_122, %add3A_159 : i32
        %dma_start3A_161 = arith.constant 0 : i32
        %dma_start3A_162 = tpu.memref_slice %arg3[%add3A_160, %dma_start3A_161] : memref<322560x128xf32, #tpu.memory_space<hbm>> -> memref<96x128xf32, #tpu.memory_space<hbm>>
        %dma_start3A_163 = arith.constant 0 : i32
        %dma_start3A_164 = tpu.memref_slice %arg3[%add3A_160, %dma_start3A_163] : memref<322560x128xf32, #tpu.memory_space<hbm>> -> memref<96x128xf32, #tpu.memory_space<hbm>>
        tpu.enqueue_dma source(%dma_start3A_164 : memref<96x128xf32, #tpu.memory_space<hbm>>) target(%arg15 : memref<96x128xf32, #tpu.memory_space<vmem>>) target_semaphore(%arg24 : memref<!tpu.dma_semaphore, #tpu.memory_space<semaphore_mem>>)
      } else {
      }
      %dma_wait3A_154 = tpu.memref_slice %arg5[%add3A_122] : memref<322560xi32, #tpu.memory_space<hbm>> -> memref<96xi32, #tpu.memory_space<hbm>>
      %dma_wait3A_155 = tpu.memref_slice %arg5[%add3A_122] : memref<322560xi32, #tpu.memory_space<hbm>> -> memref<96xi32, #tpu.memory_space<hbm>>
      tpu.wait_dma2 semaphore(%arg22 : memref<!tpu.dma_semaphore, #tpu.memory_space<semaphore_mem>>) src(%dma_wait3A_155 : memref<96xi32, #tpu.memory_space<hbm>>) dst(%arg11 : memref<96xi32, #tpu.memory_space<vmem>>)
      %dma_start3A_156 = arith.constant 0 : i32
      %dma_start3A_157 = arith.constant 0 : i32
      %dma_start3A_158 = tpu.memref_slice %arg16[%dma_start3A_156, %dma_start3A_157] : memref<10112x128xf32, #tpu.memory_space<vmem_shared>> -> memref<10112x128xf32, #tpu.memory_space<vmem_shared>>
      tpu.enqueue_indirect_dma source(%arg13 : memref<96x128xf32, #tpu.memory_space<vmem>>) target(%dma_start3A_158 : memref<10112x128xf32, #tpu.memory_space<vmem_shared>>) offsets(%arg11 : memref<96xi32, #tpu.memory_space<vmem>>) semaphore(%arg26 : memref<!tpu.dma_semaphore, #tpu.memory_space<semaphore_mem>>) {add = true}
    }
    %while3A_62 = arith.constant 1 : i32
    scf.for %while3A_76 = %while3A_60 to %while3A_56 step %while3A_62  : i32 {
      %mul3A_77 = arith.constant 2 : i32
      %mul3A_78 = arith.muli %while3A_76, %mul3A_77 : i32
      %add3A_79 = arith.constant 0 : i32
      %add3A_80 = arith.addi %mul3A_78, %add3A_79 : i32
      %mul3A_81 = arith.constant 96 : i32
      %mul3A_82 = arith.muli %add3A_80, %mul3A_81 : i32
      %add3A_83 = arith.addi %mul3A_17, %mul3A_82 : i32
      %dma_wait3A_84 = arith.constant 0 : i32
      %dma_wait3A_85 = arith.constant 0 : i32
      %dma_wait3A_86 = tpu.memref_slice %arg2[%dma_wait3A_84, %dma_wait3A_85] : memref<10000x128xf32, #tpu.memory_space<hbm>> -> memref<10000x128xf32, #tpu.memory_space<hbm>>
      tpu.wait_indirect_dma semaphore(%arg17 : memref<!tpu.dma_semaphore, #tpu.memory_space<semaphore_mem>>) src(%dma_wait3A_86 : memref<10000x128xf32, #tpu.memory_space<hbm>>) dst(%arg12 : memref<96x128xf32, #tpu.memory_space<vmem>>)
      %add3A_87 = arith.constant 1 : i32
      %add3A_88 = arith.addi %add3A_80, %add3A_87 : i32
      %lt3A = arith.cmpi slt, %add3A_88, %select_n3A : i32
      %convert_element_type3A = arith.extui %lt3A : i1 to i32
      %cond3A = arith.constant 0 : i32
      %cond3A_89 = arith.cmpi ne, %convert_element_type3A, %cond3A : i32
      scf.if %cond3A_89 {
        %add3A_159 = arith.constant 96 : i32
        %add3A_160 = arith.addi %add3A_83, %add3A_159 : i32
        %dma_wait3A_161 = tpu.memref_slice %arg4[%add3A_160] : memref<322560xi32, #tpu.memory_space<hbm>> -> memref<96xi32, #tpu.memory_space<hbm>>
        %dma_wait3A_162 = tpu.memref_slice %arg4[%add3A_160] : memref<322560xi32, #tpu.memory_space<hbm>> -> memref<96xi32, #tpu.memory_space<hbm>>
        tpu.wait_dma2 semaphore(%arg20 : memref<!tpu.dma_semaphore, #tpu.memory_space<semaphore_mem>>) src(%dma_wait3A_162 : memref<96xi32, #tpu.memory_space<hbm>>) dst(%arg9 : memref<96xi32, #tpu.memory_space<vmem>>)
        %ge3A = arith.constant 1 : i32
        %ge3A_163 = arith.cmpi sge, %add3A_80, %ge3A : i32
        %convert_element_type3A_164 = arith.extui %ge3A_163 : i1 to i32
        %cond3A_165 = arith.constant 0 : i32
        %cond3A_166 = arith.cmpi ne, %convert_element_type3A_164, %cond3A_165 : i32
        scf.if %cond3A_166 {
          %dma_wait3A_174 = arith.constant 0 : i32
          %dma_wait3A_175 = arith.constant 0 : i32
          %dma_wait3A_176 = tpu.memref_slice %arg16[%dma_wait3A_174, %dma_wait3A_175] : memref<10112x128xf32, #tpu.memory_space<vmem_shared>> -> memref<10112x128xf32, #tpu.memory_space<vmem_shared>>
          tpu.wait_indirect_dma semaphore(%arg26 : memref<!tpu.dma_semaphore, #tpu.memory_space<semaphore_mem>>) src(%arg13 : memref<96x128xf32, #tpu.memory_space<vmem>>) dst(%dma_wait3A_176 : memref<10112x128xf32, #tpu.memory_space<vmem_shared>>)
        } else {
        }
        %dma_start3A_167 = arith.constant 0 : i32
        %dma_start3A_168 = arith.constant 0 : i32
        %dma_start3A_169 = tpu.memref_slice %arg2[%dma_start3A_167, %dma_start3A_168] : memref<10000x128xf32, #tpu.memory_space<hbm>> -> memref<10000x128xf32, #tpu.memory_space<hbm>>
        tpu.enqueue_indirect_dma source(%dma_start3A_169 : memref<10000x128xf32, #tpu.memory_space<hbm>>) target(%arg13 : memref<96x128xf32, #tpu.memory_space<vmem>>) offsets(%arg9 : memref<96xi32, #tpu.memory_space<vmem>>) semaphore(%arg18 : memref<!tpu.dma_semaphore, #tpu.memory_space<semaphore_mem>>)
        %add3A_170 = arith.constant 96 : i32
        %add3A_171 = arith.addi %add3A_83, %add3A_170 : i32
        %dma_start3A_172 = tpu.memref_slice %arg5[%add3A_171] : memref<322560xi32, #tpu.memory_space<hbm>> -> memref<96xi32, #tpu.memory_space<hbm>>
        %dma_start3A_173 = tpu.memref_slice %arg5[%add3A_171] : memref<322560xi32, #tpu.memory_space<hbm>> -> memref<96xi32, #tpu.memory_space<hbm>>
        tpu.enqueue_dma source(%dma_start3A_173 : memref<96xi32, #tpu.memory_space<hbm>>) target(%arg11 : memref<96xi32, #tpu.memory_space<vmem>>) target_semaphore(%arg22 : memref<!tpu.dma_semaphore, #tpu.memory_space<semaphore_mem>>)
      } else {
      }
      %add3A_90 = arith.constant 2 : i32
      %add3A_91 = arith.addi %add3A_80, %add3A_90 : i32
      %lt3A_92 = arith.cmpi slt, %add3A_91, %select_n3A : i32
      %convert_element_type3A_93 = arith.extui %lt3A_92 : i1 to i32
      %cond3A_94 = arith.constant 0 : i32
      %cond3A_95 = arith.cmpi ne, %convert_element_type3A_93, %cond3A_94 : i32
      scf.if %cond3A_95 {
        %add3A_159 = arith.constant 192 : i32
        %add3A_160 = arith.addi %add3A_83, %add3A_159 : i32
        %dma_start3A_161 = tpu.memref_slice %arg4[%add3A_160] : memref<322560xi32, #tpu.memory_space<hbm>> -> memref<96xi32, #tpu.memory_space<hbm>>
        %dma_start3A_162 = tpu.memref_slice %arg4[%add3A_160] : memref<322560xi32, #tpu.memory_space<hbm>> -> memref<96xi32, #tpu.memory_space<hbm>>
        tpu.enqueue_dma source(%dma_start3A_162 : memref<96xi32, #tpu.memory_space<hbm>>) target(%arg8 : memref<96xi32, #tpu.memory_space<vmem>>) target_semaphore(%arg19 : memref<!tpu.dma_semaphore, #tpu.memory_space<semaphore_mem>>)
      } else {
      }
      %dma_wait3A_96 = arith.constant 0 : i32
      %dma_wait3A_97 = tpu.memref_slice %arg3[%add3A_83, %dma_wait3A_96] : memref<322560x128xf32, #tpu.memory_space<hbm>> -> memref<96x128xf32, #tpu.memory_space<hbm>>
      %dma_wait3A_98 = arith.constant 0 : i32
      %dma_wait3A_99 = tpu.memref_slice %arg3[%add3A_83, %dma_wait3A_98] : memref<322560x128xf32, #tpu.memory_space<hbm>> -> memref<96x128xf32, #tpu.memory_space<hbm>>
      tpu.wait_dma2 semaphore(%arg23 : memref<!tpu.dma_semaphore, #tpu.memory_space<semaphore_mem>>) src(%dma_wait3A_99 : memref<96x128xf32, #tpu.memory_space<hbm>>) dst(%arg14 : memref<96x128xf32, #tpu.memory_space<vmem>>)
      %scan3A = arith.constant 0 : i32
      %scan3A_100 = arith.constant 0 : i32
      %scan3A_101 = arith.constant 96 : i32
      %scan3A_102 = arith.addi %scan3A_100, %scan3A_101 : i32
      %scan3A_103 = arith.constant 1 : i32
      scf.for %scan3A_159 = %scan3A_100 to %scan3A_102 step %scan3A_103  : i32 {
        %get3A = arith.index_cast %scan3A_159 : i32 to index
        %get3A_160 = arith.constant 0 : index
        %get3A_161 = tpu.vector_load %arg12[%get3A, %get3A_160] {strides = array<i32>} : memref<96x128xf32, #tpu.memory_space<vmem>>, vector<16xf32>,
        %get3A_162 = arith.index_cast %scan3A_159 : i32 to index
        %get3A_163 = arith.constant 0 : index
        %get3A_164 = tpu.vector_load %arg14[%get3A_162, %get3A_163] {strides = array<i32>} : memref<96x128xf32, #tpu.memory_space<vmem>>, vector<16xf32>,
        %mul3A_165 = arith.mulf %get3A_161, %get3A_164 : vector<16xf32>
        %swap3A = arith.index_cast %scan3A_159 : i32 to index
        %swap3A_166 = arith.constant 0 : index
        %swap3A_167 = tpu.vector_load %arg12[%swap3A, %swap3A_166] {strides = array<i32>} : memref<96x128xf32, #tpu.memory_space<vmem>>, vector<16xf32>,
        tpu.vector_store %arg12[%swap3A, %swap3A_166], %mul3A_165 {strides = array<i32>} : memref<96x128xf32, #tpu.memory_space<vmem>>, vector<16xf32>,
        %get3A_168 = arith.index_cast %scan3A_159 : i32 to index
        %get3A_169 = arith.constant 16 : index
        %get3A_170 = tpu.vector_load %arg12[%get3A_168, %get3A_169] {strides = array<i32>} : memref<96x128xf32, #tpu.memory_space<vmem>>, vector<16xf32>,
        %get3A_171 = arith.index_cast %scan3A_159 : i32 to index
        %get3A_172 = arith.constant 16 : index
        %get3A_173 = tpu.vector_load %arg14[%get3A_171, %get3A_172] {strides = array<i32>} : memref<96x128xf32, #tpu.memory_space<vmem>>, vector<16xf32>,
        %mul3A_174 = arith.mulf %get3A_170, %get3A_173 : vector<16xf32>
        %swap3A_175 = arith.index_cast %scan3A_159 : i32 to index
        %swap3A_176 = arith.constant 16 : index
        %swap3A_177 = tpu.vector_load %arg12[%swap3A_175, %swap3A_176] {strides = array<i32>} : memref<96x128xf32, #tpu.memory_space<vmem>>, vector<16xf32>,
        tpu.vector_store %arg12[%swap3A_175, %swap3A_176], %mul3A_174 {strides = array<i32>} : memref<96x128xf32, #tpu.memory_space<vmem>>, vector<16xf32>,
        %get3A_178 = arith.index_cast %scan3A_159 : i32 to index
        %get3A_179 = arith.constant 32 : index
        %get3A_180 = tpu.vector_load %arg12[%get3A_178, %get3A_179] {strides = array<i32>} : memref<96x128xf32, #tpu.memory_space<vmem>>, vector<16xf32>,
        %get3A_181 = arith.index_cast %scan3A_159 : i32 to index
        %get3A_182 = arith.constant 32 : index
        %get3A_183 = tpu.vector_load %arg14[%get3A_181, %get3A_182] {strides = array<i32>} : memref<96x128xf32, #tpu.memory_space<vmem>>, vector<16xf32>,
        %mul3A_184 = arith.mulf %get3A_180, %get3A_183 : vector<16xf32>
        %swap3A_185 = arith.index_cast %scan3A_159 : i32 to index
        %swap3A_186 = arith.constant 32 : index
        %swap3A_187 = tpu.vector_load %arg12[%swap3A_185, %swap3A_186] {strides = array<i32>} : memref<96x128xf32, #tpu.memory_space<vmem>>, vector<16xf32>,
        tpu.vector_store %arg12[%swap3A_185, %swap3A_186], %mul3A_184 {strides = array<i32>} : memref<96x128xf32, #tpu.memory_space<vmem>>, vector<16xf32>,
        %get3A_188 = arith.index_cast %scan3A_159 : i32 to index
        %get3A_189 = arith.constant 48 : index
        %get3A_190 = tpu.vector_load %arg12[%get3A_188, %get3A_189] {strides = array<i32>} : memref<96x128xf32, #tpu.memory_space<vmem>>, vector<16xf32>,
        %get3A_191 = arith.index_cast %scan3A_159 : i32 to index
        %get3A_192 = arith.constant 48 : index
        %get3A_193 = tpu.vector_load %arg14[%get3A_191, %get3A_192] {strides = array<i32>} : memref<96x128xf32, #tpu.memory_space<vmem>>, vector<16xf32>,
        %mul3A_194 = arith.mulf %get3A_190, %get3A_193 : vector<16xf32>
        %swap3A_195 = arith.index_cast %scan3A_159 : i32 to index
        %swap3A_196 = arith.constant 48 : index
        %swap3A_197 = tpu.vector_load %arg12[%swap3A_195, %swap3A_196] {strides = array<i32>} : memref<96x128xf32, #tpu.memory_space<vmem>>, vector<16xf32>,
        tpu.vector_store %arg12[%swap3A_195, %swap3A_196], %mul3A_194 {strides = array<i32>} : memref<96x128xf32, #tpu.memory_space<vmem>>, vector<16xf32>,
        %get3A_198 = arith.index_cast %scan3A_159 : i32 to index
        %get3A_199 = arith.constant 64 : index
        %get3A_200 = tpu.vector_load %arg12[%get3A_198, %get3A_199] {strides = array<i32>} : memref<96x128xf32, #tpu.memory_space<vmem>>, vector<16xf32>,
        %get3A_201 = arith.index_cast %scan3A_159 : i32 to index
        %get3A_202 = arith.constant 64 : index
        %get3A_203 = tpu.vector_load %arg14[%get3A_201, %get3A_202] {strides = array<i32>} : memref<96x128xf32, #tpu.memory_space<vmem>>, vector<16xf32>,
        %mul3A_204 = arith.mulf %get3A_200, %get3A_203 : vector<16xf32>
        %swap3A_205 = arith.index_cast %scan3A_159 : i32 to index
        %swap3A_206 = arith.constant 64 : index
        %swap3A_207 = tpu.vector_load %arg12[%swap3A_205, %swap3A_206] {strides = array<i32>} : memref<96x128xf32, #tpu.memory_space<vmem>>, vector<16xf32>,
        tpu.vector_store %arg12[%swap3A_205, %swap3A_206], %mul3A_204 {strides = array<i32>} : memref<96x128xf32, #tpu.memory_space<vmem>>, vector<16xf32>,
        %get3A_208 = arith.index_cast %scan3A_159 : i32 to index
        %get3A_209 = arith.constant 80 : index
        %get3A_210 = tpu.vector_load %arg12[%get3A_208, %get3A_209] {strides = array<i32>} : memref<96x128xf32, #tpu.memory_space<vmem>>, vector<16xf32>,
        %get3A_211 = arith.index_cast %scan3A_159 : i32 to index
        %get3A_212 = arith.constant 80 : index
        %get3A_213 = tpu.vector_load %arg14[%get3A_211, %get3A_212] {strides = array<i32>} : memref<96x128xf32, #tpu.memory_space<vmem>>, vector<16xf32>,
        %mul3A_214 = arith.mulf %get3A_210, %get3A_213 : vector<16xf32>
        %swap3A_215 = arith.index_cast %scan3A_159 : i32 to index
        %swap3A_216 = arith.constant 80 : index
        %swap3A_217 = tpu.vector_load %arg12[%swap3A_215, %swap3A_216] {strides = array<i32>} : memref<96x128xf32, #tpu.memory_space<vmem>>, vector<16xf32>,
        tpu.vector_store %arg12[%swap3A_215, %swap3A_216], %mul3A_214 {strides = array<i32>} : memref<96x128xf32, #tpu.memory_space<vmem>>, vector<16xf32>,
        %get3A_218 = arith.index_cast %scan3A_159 : i32 to index
        %get3A_219 = arith.constant 96 : index
        %get3A_220 = tpu.vector_load %arg12[%get3A_218, %get3A_219] {strides = array<i32>} : memref<96x128xf32, #tpu.memory_space<vmem>>, vector<16xf32>,
        %get3A_221 = arith.index_cast %scan3A_159 : i32 to index
        %get3A_222 = arith.constant 96 : index
        %get3A_223 = tpu.vector_load %arg14[%get3A_221, %get3A_222] {strides = array<i32>} : memref<96x128xf32, #tpu.memory_space<vmem>>, vector<16xf32>,
        %mul3A_224 = arith.mulf %get3A_220, %get3A_223 : vector<16xf32>
        %swap3A_225 = arith.index_cast %scan3A_159 : i32 to index
        %swap3A_226 = arith.constant 96 : index
        %swap3A_227 = tpu.vector_load %arg12[%swap3A_225, %swap3A_226] {strides = array<i32>} : memref<96x128xf32, #tpu.memory_space<vmem>>, vector<16xf32>,
        tpu.vector_store %arg12[%swap3A_225, %swap3A_226], %mul3A_224 {strides = array<i32>} : memref<96x128xf32, #tpu.memory_space<vmem>>, vector<16xf32>,
        %get3A_228 = arith.index_cast %scan3A_159 : i32 to index
        %get3A_229 = arith.constant 112 : index
        %get3A_230 = tpu.vector_load %arg12[%get3A_228, %get3A_229] {strides = array<i32>} : memref<96x128xf32, #tpu.memory_space<vmem>>, vector<16xf32>,
        %get3A_231 = arith.index_cast %scan3A_159 : i32 to index
        %get3A_232 = arith.constant 112 : index
        %get3A_233 = tpu.vector_load %arg14[%get3A_231, %get3A_232] {strides = array<i32>} : memref<96x128xf32, #tpu.memory_space<vmem>>, vector<16xf32>,
        %mul3A_234 = arith.mulf %get3A_230, %get3A_233 : vector<16xf32>
        %swap3A_235 = arith.index_cast %scan3A_159 : i32 to index
        %swap3A_236 = arith.constant 112 : index
        %swap3A_237 = tpu.vector_load %arg12[%swap3A_235, %swap3A_236] {strides = array<i32>} : memref<96x128xf32, #tpu.memory_space<vmem>>, vector<16xf32>,
        tpu.vector_store %arg12[%swap3A_235, %swap3A_236], %mul3A_234 {strides = array<i32>} : memref<96x128xf32, #tpu.memory_space<vmem>>, vector<16xf32>,
      }
      %scan3A_104 = arith.constant 96 : i32
      %add3A_105 = arith.constant 2 : i32
      %add3A_106 = arith.addi %add3A_80, %add3A_105 : i32
      %lt3A_107 = arith.cmpi slt, %add3A_106, %select_n3A : i32
      %convert_element_type3A_108 = arith.extui %lt3A_107 : i1 to i32
      %cond3A_109 = arith.constant 0 : i32
      %cond3A_110 = arith.cmpi ne, %convert_element_type3A_108, %cond3A_109 : i32
      scf.if %cond3A_110 {
        %add3A_159 = arith.constant 192 : i32
        %add3A_160 = arith.addi %add3A_83, %add3A_159 : i32
        %dma_start3A_161 = arith.constant 0 : i32
        %dma_start3A_162 = tpu.memref_slice %arg3[%add3A_160, %dma_start3A_161] : memref<322560x128xf32, #tpu.memory_space<hbm>> -> memref<96x128xf32, #tpu.memory_space<hbm>>
        %dma_start3A_163 = arith.constant 0 : i32
        %dma_start3A_164 = tpu.memref_slice %arg3[%add3A_160, %dma_start3A_163] : memref<322560x128xf32, #tpu.memory_space<hbm>> -> memref<96x128xf32, #tpu.memory_space<hbm>>
        tpu.enqueue_dma source(%dma_start3A_164 : memref<96x128xf32, #tpu.memory_space<hbm>>) target(%arg14 : memref<96x128xf32, #tpu.memory_space<vmem>>) target_semaphore(%arg23 : memref<!tpu.dma_semaphore, #tpu.memory_space<semaphore_mem>>)
      } else {
      }
      %dma_wait3A_111 = tpu.memref_slice %arg5[%add3A_83] : memref<322560xi32, #tpu.memory_space<hbm>> -> memref<96xi32, #tpu.memory_space<hbm>>
      %dma_wait3A_112 = tpu.memref_slice %arg5[%add3A_83] : memref<322560xi32, #tpu.memory_space<hbm>> -> memref<96xi32, #tpu.memory_space<hbm>>
      tpu.wait_dma2 semaphore(%arg21 : memref<!tpu.dma_semaphore, #tpu.memory_space<semaphore_mem>>) src(%dma_wait3A_112 : memref<96xi32, #tpu.memory_space<hbm>>) dst(%arg10 : memref<96xi32, #tpu.memory_space<vmem>>)
      %dma_start3A_113 = arith.constant 0 : i32
      %dma_start3A_114 = arith.constant 0 : i32
      %dma_start3A_115 = tpu.memref_slice %arg16[%dma_start3A_113, %dma_start3A_114] : memref<10112x128xf32, #tpu.memory_space<vmem_shared>> -> memref<10112x128xf32, #tpu.memory_space<vmem_shared>>
      tpu.enqueue_indirect_dma source(%arg12 : memref<96x128xf32, #tpu.memory_space<vmem>>) target(%dma_start3A_115 : memref<10112x128xf32, #tpu.memory_space<vmem_shared>>) offsets(%arg10 : memref<96xi32, #tpu.memory_space<vmem>>) semaphore(%arg25 : memref<!tpu.dma_semaphore, #tpu.memory_space<semaphore_mem>>) {add = true}
      %mul3A_116 = arith.constant 2 : i32
      %mul3A_117 = arith.muli %while3A_76, %mul3A_116 : i32
      %add3A_118 = arith.constant 1 : i32
      %add3A_119 = arith.addi %mul3A_117, %add3A_118 : i32
      %mul3A_120 = arith.constant 96 : i32
      %mul3A_121 = arith.muli %add3A_119, %mul3A_120 : i32
      %add3A_122 = arith.addi %mul3A_17, %mul3A_121 : i32
      %dma_wait3A_123 = arith.constant 0 : i32
      %dma_wait3A_124 = arith.constant 0 : i32
      %dma_wait3A_125 = tpu.memref_slice %arg2[%dma_wait3A_123, %dma_wait3A_124] : memref<10000x128xf32, #tpu.memory_space<hbm>> -> memref<10000x128xf32, #tpu.memory_space<hbm>>
      tpu.wait_indirect_dma semaphore(%arg18 : memref<!tpu.dma_semaphore, #tpu.memory_space<semaphore_mem>>) src(%dma_wait3A_125 : memref<10000x128xf32, #tpu.memory_space<hbm>>) dst(%arg13 : memref<96x128xf32, #tpu.memory_space<vmem>>)
      %add3A_126 = arith.constant 1 : i32
      %add3A_127 = arith.addi %add3A_119, %add3A_126 : i32
      %lt3A_128 = arith.cmpi slt, %add3A_127, %select_n3A : i32
      %convert_element_type3A_129 = arith.extui %lt3A_128 : i1 to i32
      %cond3A_130 = arith.constant 0 : i32
      %cond3A_131 = arith.cmpi ne, %convert_element_type3A_129, %cond3A_130 : i32
      scf.if %cond3A_131 {
        %add3A_159 = arith.constant 96 : i32
        %add3A_160 = arith.addi %add3A_122, %add3A_159 : i32
        %dma_wait3A_161 = tpu.memref_slice %arg4[%add3A_160] : memref<322560xi32, #tpu.memory_space<hbm>> -> memref<96xi32, #tpu.memory_space<hbm>>
        %dma_wait3A_162 = tpu.memref_slice %arg4[%add3A_160] : memref<322560xi32, #tpu.memory_space<hbm>> -> memref<96xi32, #tpu.memory_space<hbm>>
        tpu.wait_dma2 semaphore(%arg19 : memref<!tpu.dma_semaphore, #tpu.memory_space<semaphore_mem>>) src(%dma_wait3A_162 : memref<96xi32, #tpu.memory_space<hbm>>) dst(%arg8 : memref<96xi32, #tpu.memory_space<vmem>>)
        %ge3A = arith.constant 1 : i32
        %ge3A_163 = arith.cmpi sge, %add3A_119, %ge3A : i32
        %convert_element_type3A_164 = arith.extui %ge3A_163 : i1 to i32
        %cond3A_165 = arith.constant 0 : i32
        %cond3A_166 = arith.cmpi ne, %convert_element_type3A_164, %cond3A_165 : i32
        scf.if %cond3A_166 {
          %dma_wait3A_174 = arith.constant 0 : i32
          %dma_wait3A_175 = arith.constant 0 : i32
          %dma_wait3A_176 = tpu.memref_slice %arg16[%dma_wait3A_174, %dma_wait3A_175] : memref<10112x128xf32, #tpu.memory_space<vmem_shared>> -> memref<10112x128xf32, #tpu.memory_space<vmem_shared>>
          tpu.wait_indirect_dma semaphore(%arg25 : memref<!tpu.dma_semaphore, #tpu.memory_space<semaphore_mem>>) src(%arg12 : memref<96x128xf32, #tpu.memory_space<vmem>>) dst(%dma_wait3A_176 : memref<10112x128xf32, #tpu.memory_space<vmem_shared>>)
        } else {
        }
        %dma_start3A_167 = arith.constant 0 : i32
        %dma_start3A_168 = arith.constant 0 : i32
        %dma_start3A_169 = tpu.memref_slice %arg2[%dma_start3A_167, %dma_start3A_168] : memref<10000x128xf32, #tpu.memory_space<hbm>> -> memref<10000x128xf32, #tpu.memory_space<hbm>>
        tpu.enqueue_indirect_dma source(%dma_start3A_169 : memref<10000x128xf32, #tpu.memory_space<hbm>>) target(%arg12 : memref<96x128xf32, #tpu.memory_space<vmem>>) offsets(%arg8 : memref<96xi32, #tpu.memory_space<vmem>>) semaphore(%arg17 : memref<!tpu.dma_semaphore, #tpu.memory_space<semaphore_mem>>)
        %add3A_170 = arith.constant 96 : i32
        %add3A_171 = arith.addi %add3A_122, %add3A_170 : i32
        %dma_start3A_172 = tpu.memref_slice %arg5[%add3A_171] : memref<322560xi32, #tpu.memory_space<hbm>> -> memref<96xi32, #tpu.memory_space<hbm>>
        %dma_start3A_173 = tpu.memref_slice %arg5[%add3A_171] : memref<322560xi32, #tpu.memory_space<hbm>> -> memref<96xi32, #tpu.memory_space<hbm>>
        tpu.enqueue_dma source(%dma_start3A_173 : memref<96xi32, #tpu.memory_space<hbm>>) target(%arg10 : memref<96xi32, #tpu.memory_space<vmem>>) target_semaphore(%arg21 : memref<!tpu.dma_semaphore, #tpu.memory_space<semaphore_mem>>)
      } else {
      }
      %add3A_132 = arith.constant 2 : i32
      %add3A_133 = arith.addi %add3A_119, %add3A_132 : i32
      %lt3A_134 = arith.cmpi slt, %add3A_133, %select_n3A : i32
      %convert_element_type3A_135 = arith.extui %lt3A_134 : i1 to i32
      %cond3A_136 = arith.constant 0 : i32
      %cond3A_137 = arith.cmpi ne, %convert_element_type3A_135, %cond3A_136 : i32
      scf.if %cond3A_137 {
        %add3A_159 = arith.constant 192 : i32
        %add3A_160 = arith.addi %add3A_122, %add3A_159 : i32
        %dma_start3A_161 = tpu.memref_slice %arg4[%add3A_160] : memref<322560xi32, #tpu.memory_space<hbm>> -> memref<96xi32, #tpu.memory_space<hbm>>
        %dma_start3A_162 = tpu.memref_slice %arg4[%add3A_160] : memref<322560xi32, #tpu.memory_space<hbm>> -> memref<96xi32, #tpu.memory_space<hbm>>
        tpu.enqueue_dma source(%dma_start3A_162 : memref<96xi32, #tpu.memory_space<hbm>>) target(%arg9 : memref<96xi32, #tpu.memory_space<vmem>>) target_semaphore(%arg20 : memref<!tpu.dma_semaphore, #tpu.memory_space<semaphore_mem>>)
      } else {
      }
      %dma_wait3A_138 = arith.constant 0 : i32
      %dma_wait3A_139 = tpu.memref_slice %arg3[%add3A_122, %dma_wait3A_138] : memref<322560x128xf32, #tpu.memory_space<hbm>> -> memref<96x128xf32, #tpu.memory_space<hbm>>
      %dma_wait3A_140 = arith.constant 0 : i32
      %dma_wait3A_141 = tpu.memref_slice %arg3[%add3A_122, %dma_wait3A_140] : memref<322560x128xf32, #tpu.memory_space<hbm>> -> memref<96x128xf32, #tpu.memory_space<hbm>>
      tpu.wait_dma2 semaphore(%arg24 : memref<!tpu.dma_semaphore, #tpu.memory_space<semaphore_mem>>) src(%dma_wait3A_141 : memref<96x128xf32, #tpu.memory_space<hbm>>) dst(%arg15 : memref<96x128xf32, #tpu.memory_space<vmem>>)
      %scan3A_142 = arith.constant 0 : i32
      %scan3A_143 = arith.constant 0 : i32
      %scan3A_144 = arith.constant 96 : i32
      %scan3A_145 = arith.addi %scan3A_143, %scan3A_144 : i32
      %scan3A_146 = arith.constant 1 : i32
      scf.for %scan3A_159 = %scan3A_143 to %scan3A_145 step %scan3A_146  : i32 {
        %get3A = arith.index_cast %scan3A_159 : i32 to index
        %get3A_160 = arith.constant 0 : index
        %get3A_161 = tpu.vector_load %arg13[%get3A, %get3A_160] {strides = array<i32>} : memref<96x128xf32, #tpu.memory_space<vmem>>, vector<16xf32>,
        %get3A_162 = arith.index_cast %scan3A_159 : i32 to index
        %get3A_163 = arith.constant 0 : index
        %get3A_164 = tpu.vector_load %arg15[%get3A_162, %get3A_163] {strides = array<i32>} : memref<96x128xf32, #tpu.memory_space<vmem>>, vector<16xf32>,
        %mul3A_165 = arith.mulf %get3A_161, %get3A_164 : vector<16xf32>
        %swap3A = arith.index_cast %scan3A_159 : i32 to index
        %swap3A_166 = arith.constant 0 : index
        %swap3A_167 = tpu.vector_load %arg13[%swap3A, %swap3A_166] {strides = array<i32>} : memref<96x128xf32, #tpu.memory_space<vmem>>, vector<16xf32>,
        tpu.vector_store %arg13[%swap3A, %swap3A_166], %mul3A_165 {strides = array<i32>} : memref<96x128xf32, #tpu.memory_space<vmem>>, vector<16xf32>,
        %get3A_168 = arith.index_cast %scan3A_159 : i32 to index
        %get3A_169 = arith.constant 16 : index
        %get3A_170 = tpu.vector_load %arg13[%get3A_168, %get3A_169] {strides = array<i32>} : memref<96x128xf32, #tpu.memory_space<vmem>>, vector<16xf32>,
        %get3A_171 = arith.index_cast %scan3A_159 : i32 to index
        %get3A_172 = arith.constant 16 : index
        %get3A_173 = tpu.vector_load %arg15[%get3A_171, %get3A_172] {strides = array<i32>} : memref<96x128xf32, #tpu.memory_space<vmem>>, vector<16xf32>,
        %mul3A_174 = arith.mulf %get3A_170, %get3A_173 : vector<16xf32>
        %swap3A_175 = arith.index_cast %scan3A_159 : i32 to index
        %swap3A_176 = arith.constant 16 : index
        %swap3A_177 = tpu.vector_load %arg13[%swap3A_175, %swap3A_176] {strides = array<i32>} : memref<96x128xf32, #tpu.memory_space<vmem>>, vector<16xf32>,
        tpu.vector_store %arg13[%swap3A_175, %swap3A_176], %mul3A_174 {strides = array<i32>} : memref<96x128xf32, #tpu.memory_space<vmem>>, vector<16xf32>,
        %get3A_178 = arith.index_cast %scan3A_159 : i32 to index
        %get3A_179 = arith.constant 32 : index
        %get3A_180 = tpu.vector_load %arg13[%get3A_178, %get3A_179] {strides = array<i32>} : memref<96x128xf32, #tpu.memory_space<vmem>>, vector<16xf32>,
        %get3A_181 = arith.index_cast %scan3A_159 : i32 to index
        %get3A_182 = arith.constant 32 : index
        %get3A_183 = tpu.vector_load %arg15[%get3A_181, %get3A_182] {strides = array<i32>} : memref<96x128xf32, #tpu.memory_space<vmem>>, vector<16xf32>,
        %mul3A_184 = arith.mulf %get3A_180, %get3A_183 : vector<16xf32>
        %swap3A_185 = arith.index_cast %scan3A_159 : i32 to index
        %swap3A_186 = arith.constant 32 : index
        %swap3A_187 = tpu.vector_load %arg13[%swap3A_185, %swap3A_186] {strides = array<i32>} : memref<96x128xf32, #tpu.memory_space<vmem>>, vector<16xf32>,
        tpu.vector_store %arg13[%swap3A_185, %swap3A_186], %mul3A_184 {strides = array<i32>} : memref<96x128xf32, #tpu.memory_space<vmem>>, vector<16xf32>,
        %get3A_188 = arith.index_cast %scan3A_159 : i32 to index
        %get3A_189 = arith.constant 48 : index
        %get3A_190 = tpu.vector_load %arg13[%get3A_188, %get3A_189] {strides = array<i32>} : memref<96x128xf32, #tpu.memory_space<vmem>>, vector<16xf32>,
        %get3A_191 = arith.index_cast %scan3A_159 : i32 to index
        %get3A_192 = arith.constant 48 : index
        %get3A_193 = tpu.vector_load %arg15[%get3A_191, %get3A_192] {strides = array<i32>} : memref<96x128xf32, #tpu.memory_space<vmem>>, vector<16xf32>,
        %mul3A_194 = arith.mulf %get3A_190, %get3A_193 : vector<16xf32>
        %swap3A_195 = arith.index_cast %scan3A_159 : i32 to index
        %swap3A_196 = arith.constant 48 : index
        %swap3A_197 = tpu.vector_load %arg13[%swap3A_195, %swap3A_196] {strides = array<i32>} : memref<96x128xf32, #tpu.memory_space<vmem>>, vector<16xf32>,
        tpu.vector_store %arg13[%swap3A_195, %swap3A_196], %mul3A_194 {strides = array<i32>} : memref<96x128xf32, #tpu.memory_space<vmem>>, vector<16xf32>,
        %get3A_198 = arith.index_cast %scan3A_159 : i32 to index
        %get3A_199 = arith.constant 64 : index
        %get3A_200 = tpu.vector_load %arg13[%get3A_198, %get3A_199] {strides = array<i32>} : memref<96x128xf32, #tpu.memory_space<vmem>>, vector<16xf32>,
        %get3A_201 = arith.index_cast %scan3A_159 : i32 to index
        %get3A_202 = arith.constant 64 : index
        %get3A_203 = tpu.vector_load %arg15[%get3A_201, %get3A_202] {strides = array<i32>} : memref<96x128xf32, #tpu.memory_space<vmem>>, vector<16xf32>,
        %mul3A_204 = arith.mulf %get3A_200, %get3A_203 : vector<16xf32>
        %swap3A_205 = arith.index_cast %scan3A_159 : i32 to index
        %swap3A_206 = arith.constant 64 : index
        %swap3A_207 = tpu.vector_load %arg13[%swap3A_205, %swap3A_206] {strides = array<i32>} : memref<96x128xf32, #tpu.memory_space<vmem>>, vector<16xf32>,
        tpu.vector_store %arg13[%swap3A_205, %swap3A_206], %mul3A_204 {strides = array<i32>} : memref<96x128xf32, #tpu.memory_space<vmem>>, vector<16xf32>,
        %get3A_208 = arith.index_cast %scan3A_159 : i32 to index
        %get3A_209 = arith.constant 80 : index
        %get3A_210 = tpu.vector_load %arg13[%get3A_208, %get3A_209] {strides = array<i32>} : memref<96x128xf32, #tpu.memory_space<vmem>>, vector<16xf32>,
        %get3A_211 = arith.index_cast %scan3A_159 : i32 to index
        %get3A_212 = arith.constant 80 : index
        %get3A_213 = tpu.vector_load %arg15[%get3A_211, %get3A_212] {strides = array<i32>} : memref<96x128xf32, #tpu.memory_space<vmem>>, vector<16xf32>,
        %mul3A_214 = arith.mulf %get3A_210, %get3A_213 : vector<16xf32>
        %swap3A_215 = arith.index_cast %scan3A_159 : i32 to index
        %swap3A_216 = arith.constant 80 : index
        %swap3A_217 = tpu.vector_load %arg13[%swap3A_215, %swap3A_216] {strides = array<i32>} : memref<96x128xf32, #tpu.memory_space<vmem>>, vector<16xf32>,
        tpu.vector_store %arg13[%swap3A_215, %swap3A_216], %mul3A_214 {strides = array<i32>} : memref<96x128xf32, #tpu.memory_space<vmem>>, vector<16xf32>,
        %get3A_218 = arith.index_cast %scan3A_159 : i32 to index
        %get3A_219 = arith.constant 96 : index
        %get3A_220 = tpu.vector_load %arg13[%get3A_218, %get3A_219] {strides = array<i32>} : memref<96x128xf32, #tpu.memory_space<vmem>>, vector<16xf32>,
        %get3A_221 = arith.index_cast %scan3A_159 : i32 to index
        %get3A_222 = arith.constant 96 : index
        %get3A_223 = tpu.vector_load %arg15[%get3A_221, %get3A_222] {strides = array<i32>} : memref<96x128xf32, #tpu.memory_space<vmem>>, vector<16xf32>,
        %mul3A_224 = arith.mulf %get3A_220, %get3A_223 : vector<16xf32>
        %swap3A_225 = arith.index_cast %scan3A_159 : i32 to index
        %swap3A_226 = arith.constant 96 : index
        %swap3A_227 = tpu.vector_load %arg13[%swap3A_225, %swap3A_226] {strides = array<i32>} : memref<96x128xf32, #tpu.memory_space<vmem>>, vector<16xf32>,
        tpu.vector_store %arg13[%swap3A_225, %swap3A_226], %mul3A_224 {strides = array<i32>} : memref<96x128xf32, #tpu.memory_space<vmem>>, vector<16xf32>,
        %get3A_228 = arith.index_cast %scan3A_159 : i32 to index
        %get3A_229 = arith.constant 112 : index
        %get3A_230 = tpu.vector_load %arg13[%get3A_228, %get3A_229] {strides = array<i32>} : memref<96x128xf32, #tpu.memory_space<vmem>>, vector<16xf32>,
        %get3A_231 = arith.index_cast %scan3A_159 : i32 to index
        %get3A_232 = arith.constant 112 : index
        %get3A_233 = tpu.vector_load %arg15[%get3A_231, %get3A_232] {strides = array<i32>} : memref<96x128xf32, #tpu.memory_space<vmem>>, vector<16xf32>,
        %mul3A_234 = arith.mulf %get3A_230, %get3A_233 : vector<16xf32>
        %swap3A_235 = arith.index_cast %scan3A_159 : i32 to index
        %swap3A_236 = arith.constant 112 : index
        %swap3A_237 = tpu.vector_load %arg13[%swap3A_235, %swap3A_236] {strides = array<i32>} : memref<96x128xf32, #tpu.memory_space<vmem>>, vector<16xf32>,
        tpu.vector_store %arg13[%swap3A_235, %swap3A_236], %mul3A_234 {strides = array<i32>} : memref<96x128xf32, #tpu.memory_space<vmem>>, vector<16xf32>,
      }
      %scan3A_147 = arith.constant 96 : i32
      %add3A_148 = arith.constant 2 : i32
      %add3A_149 = arith.addi %add3A_119, %add3A_148 : i32
      %lt3A_150 = arith.cmpi slt, %add3A_149, %select_n3A : i32
      %convert_element_type3A_151 = arith.extui %lt3A_150 : i1 to i32
      %cond3A_152 = arith.constant 0 : i32
      %cond3A_153 = arith.cmpi ne, %convert_element_type3A_151, %cond3A_152 : i32
      scf.if %cond3A_153 {
        %add3A_159 = arith.constant 192 : i32
        %add3A_160 = arith.addi %add3A_122, %add3A_159 : i32
        %dma_start3A_161 = arith.constant 0 : i32
        %dma_start3A_162 = tpu.memref_slice %arg3[%add3A_160, %dma_start3A_161] : memref<322560x128xf32, #tpu.memory_space<hbm>> -> memref<96x128xf32, #tpu.memory_space<hbm>>
        %dma_start3A_163 = arith.constant 0 : i32
        %dma_start3A_164 = tpu.memref_slice %arg3[%add3A_160, %dma_start3A_163] : memref<322560x128xf32, #tpu.memory_space<hbm>> -> memref<96x128xf32, #tpu.memory_space<hbm>>
        tpu.enqueue_dma source(%dma_start3A_164 : memref<96x128xf32, #tpu.memory_space<hbm>>) target(%arg15 : memref<96x128xf32, #tpu.memory_space<vmem>>) target_semaphore(%arg24 : memref<!tpu.dma_semaphore, #tpu.memory_space<semaphore_mem>>)
      } else {
      }
      %dma_wait3A_154 = tpu.memref_slice %arg5[%add3A_122] : memref<322560xi32, #tpu.memory_space<hbm>> -> memref<96xi32, #tpu.memory_space<hbm>>
      %dma_wait3A_155 = tpu.memref_slice %arg5[%add3A_122] : memref<322560xi32, #tpu.memory_space<hbm>> -> memref<96xi32, #tpu.memory_space<hbm>>
      tpu.wait_dma2 semaphore(%arg22 : memref<!tpu.dma_semaphore, #tpu.memory_space<semaphore_mem>>) src(%dma_wait3A_155 : memref<96xi32, #tpu.memory_space<hbm>>) dst(%arg11 : memref<96xi32, #tpu.memory_space<vmem>>)
      %dma_start3A_156 = arith.constant 0 : i32
      %dma_start3A_157 = arith.constant 0 : i32
      %dma_start3A_158 = tpu.memref_slice %arg16[%dma_start3A_156, %dma_start3A_157] : memref<10112x128xf32, #tpu.memory_space<vmem_shared>> -> memref<10112x128xf32, #tpu.memory_space<vmem_shared>>
      tpu.enqueue_indirect_dma source(%arg13 : memref<96x128xf32, #tpu.memory_space<vmem>>) target(%dma_start3A_158 : memref<10112x128xf32, #tpu.memory_space<vmem_shared>>) offsets(%arg11 : memref<96xi32, #tpu.memory_space<vmem>>) semaphore(%arg26 : memref<!tpu.dma_semaphore, #tpu.memory_space<semaphore_mem>>) {add = true}
    }
    %dma_wait3A = arith.constant 0 : i32
    %dma_wait3A_63 = arith.constant 0 : i32
    %dma_wait3A_64 = tpu.memref_slice %arg16[%dma_wait3A, %dma_wait3A_63] : memref<10112x128xf32, #tpu.memory_space<vmem_shared>> -> memref<10112x128xf32, #tpu.memory_space<vmem_shared>>
    tpu.wait_indirect_dma semaphore(%arg25 : memref<!tpu.dma_semaphore, #tpu.memory_space<semaphore_mem>>) src(%arg12 : memref<96x128xf32, #tpu.memory_space<vmem>>) dst(%dma_wait3A_64 : memref<10112x128xf32, #tpu.memory_space<vmem_shared>>)
    %dma_wait3A_65 = arith.constant 0 : i32
    %dma_wait3A_66 = arith.constant 0 : i32
    %dma_wait3A_67 = tpu.memref_slice %arg16[%dma_wait3A_65, %dma_wait3A_66] : memref<10112x128xf32, #tpu.memory_space<vmem_shared>> -> memref<10112x128xf32, #tpu.memory_space<vmem_shared>>
    tpu.wait_indirect_dma semaphore(%arg26 : memref<!tpu.dma_semaphore, #tpu.memory_space<semaphore_mem>>) src(%arg13 : memref<96x128xf32, #tpu.memory_space<vmem>>) dst(%dma_wait3A_67 : memref<10112x128xf32, #tpu.memory_space<vmem_shared>>)
    %barrier3A_68 = arith.constant 0 : index
    tpu.barrier barrier_id(%barrier3A_68)
    %mul3A_69 = arith.constant 632 : i32
    %mul3A_70 = arith.muli %arg1, %mul3A_69 : i32
    %mul3A_71 = arith.constant 10112 : i32
    %mul3A_72 = arith.muli %arg0, %mul3A_71 : i32
    %mul3A_73 = arith.constant 632 : i32
    %mul3A_74 = arith.muli %arg1, %mul3A_73 : i32
    %add3A_75 = arith.addi %mul3A_72, %mul3A_74 : i32
    "tpu.region"() ({
      %run_scoped3A = tpu.sem_alloc : memref<!tpu.dma_semaphore, #tpu.memory_space<semaphore_mem>>
      %dma_start3A_76 = arith.constant 0 : i32
      %dma_start3A_77 = tpu.memref_slice %arg7[%add3A_75, %dma_start3A_76] : memref<20224x128xf32, #tpu.memory_space<hbm>> -> memref<632x128xf32, #tpu.memory_space<hbm>>
      %dma_start3A_78 = arith.constant 0 : i32
      %dma_start3A_79 = tpu.memref_slice %arg16[%mul3A_70, %dma_start3A_78] : memref<10112x128xf32, #tpu.memory_space<vmem_shared>> -> memref<632x128xf32, #tpu.memory_space<vmem_shared>>
      tpu.enqueue_dma source(%dma_start3A_79 : memref<632x128xf32, #tpu.memory_space<vmem_shared>>) target(%dma_start3A_77 : memref<632x128xf32, #tpu.memory_space<hbm>>) target_semaphore(%run_scoped3A : memref<!tpu.dma_semaphore, #tpu.memory_space<semaphore_mem>>)
      %dma_wait3A_80 = arith.constant 0 : i32
      %dma_wait3A_81 = tpu.memref_slice %arg7[%add3A_75, %dma_wait3A_80] : memref<20224x128xf32, #tpu.memory_space<hbm>> -> memref<632x128xf32, #tpu.memory_space<hbm>>
      %dma_wait3A_82 = arith.constant 0 : i32
      %dma_wait3A_83 = tpu.memref_slice %arg16[%mul3A_70, %dma_wait3A_82] : memref<10112x128xf32, #tpu.memory_space<vmem_shared>> -> memref<632x128xf32, #tpu.memory_space<vmem_shared>>
      tpu.wait_dma2 semaphore(%run_scoped3A : memref<!tpu.dma_semaphore, #tpu.memory_space<semaphore_mem>>) src(%dma_wait3A_83 : memref<632x128xf32, #tpu.memory_space<vmem_shared>>) dst(%dma_wait3A_81 : memref<632x128xf32, #tpu.memory_space<hbm>>)
      tpu.yield
    }) : () -> ()
    return
  }
}

#map = affine_map<(d0, d1) -> (0, 0)>
#map1 = affine_map<(d0, d1) -> (0)>
module attributes {stable_mosaic.version = 14 : i64} {
  func.func @_edge_agg_kernel(%arg0: i32, %arg1: i32, %arg2: memref<10000x128xf32, #tpu.memory_space<hbm>>, %arg3: memref<322560x128xf32, #tpu.memory_space<hbm>>, %arg4: memref<322560xi32, #tpu.memory_space<hbm>>, %arg5: memref<322560xi32, #tpu.memory_space<hbm>>, %arg6: memref<10112x128xf32, #tpu.memory_space<hbm>>, %arg7: memref<20224x128xf32, #tpu.memory_space<hbm>>, %arg8: memref<96xi32, #tpu.memory_space<vmem>>, %arg9: memref<96xi32, #tpu.memory_space<vmem>>, %arg10: memref<96xi32, #tpu.memory_space<vmem>>, %arg11: memref<96xi32, #tpu.memory_space<vmem>>, %arg12: memref<96x128xf32, #tpu.memory_space<vmem>>, %arg13: memref<96x128xf32, #tpu.memory_space<vmem>>, %arg14: memref<96x128xf32, #tpu.memory_space<vmem>>, %arg15: memref<96x128xf32, #tpu.memory_space<vmem>>, %arg16: memref<10112x128xf32, #tpu.memory_space<vmem_shared>>, %arg17: memref<!tpu.dma_semaphore, #tpu.memory_space<semaphore_mem>>, %arg18: memref<!tpu.dma_semaphore, #tpu.memory_space<semaphore_mem>>, %arg19: memref<!tpu.dma_semaphore, #tpu.memory_space<semaphore_mem>>, %arg20: memref<!tpu.dma_semaphore, #tpu.memory_space<semaphore_mem>>, %arg21: memref<!tpu.dma_semaphore, #tpu.memory_space<semaphore_mem>>, %arg22: memref<!tpu.dma_semaphore, #tpu.memory_space<semaphore_mem>>, %arg23: memref<!tpu.dma_semaphore, #tpu.memory_space<semaphore_mem>>, %arg24: memref<!tpu.dma_semaphore, #tpu.memory_space<semaphore_mem>>, %arg25: memref<!tpu.dma_semaphore, #tpu.memory_space<semaphore_mem>>, %arg26: memref<!tpu.dma_semaphore, #tpu.memory_space<semaphore_mem>>) attributes {dimension_semantics = [#tpu.dimension_semantics<core_parallel>, #tpu.dimension_semantics<subcore_parallel>], iteration_bounds = array<i64: 2, 16>, scalar_prefetch = 0 : i64, scratch_operands = 19 : i64, tpu.core_type = #tpu.core_type<sc_vector_subcore>, window_params = [{transform_indices = #map}, {transform_indices = #map}, {transform_indices = #map1}, {transform_indices = #map1}, {transform_indices = #map}, {transform_indices = #map}]} {
    %mul3A = arith.constant 2 : i32
    %mul3A_0 = arith.muli %arg1, %mul3A : i32
    %add3A = arith.addi %mul3A_0, %arg0 : i32
    %mul3A_1 = arith.constant 632 : i32
    %mul3A_2 = arith.muli %arg1, %mul3A_1 : i32
    %mul3A_3 = arith.constant 632 : i32
    %mul3A_4 = arith.muli %arg1, %mul3A_3 : i32
    "tpu.region"() ({
      %run_scoped3A = tpu.sem_alloc : memref<!tpu.dma_semaphore, #tpu.memory_space<semaphore_mem>>
      %dma_start3A_76 = arith.constant 0 : i32
      %dma_start3A_77 = tpu.memref_slice %arg16[%mul3A_4, %dma_start3A_76] : memref<10112x128xf32, #tpu.memory_space<vmem_shared>> -> memref<632x128xf32, #tpu.memory_space<vmem_shared>>
      %dma_start3A_78 = arith.constant 0 : i32
      %dma_start3A_79 = tpu.memref_slice %arg6[%mul3A_2, %dma_start3A_78] : memref<10112x128xf32, #tpu.memory_space<hbm>> -> memref<632x128xf32, #tpu.memory_space<hbm>>
      tpu.enqueue_dma source(%dma_start3A_79 : memref<632x128xf32, #tpu.memory_space<hbm>>) target(%dma_start3A_77 : memref<632x128xf32, #tpu.memory_space<vmem_shared>>) target_semaphore(%run_scoped3A : memref<!tpu.dma_semaphore, #tpu.memory_space<semaphore_mem>>)
      %dma_wait3A_80 = arith.constant 0 : i32
      %dma_wait3A_81 = tpu.memref_slice %arg16[%mul3A_4, %dma_wait3A_80] : memref<10112x128xf32, #tpu.memory_space<vmem_shared>> -> memref<632x128xf32, #tpu.memory_space<vmem_shared>>
      %dma_wait3A_82 = arith.constant 0 : i32
      %dma_wait3A_83 = tpu.memref_slice %arg6[%mul3A_2, %dma_wait3A_82] : memref<10112x128xf32, #tpu.memory_space<hbm>> -> memref<632x128xf32, #tpu.memory_space<hbm>>
      tpu.wait_dma2 semaphore(%run_scoped3A : memref<!tpu.dma_semaphore, #tpu.memory_space<semaphore_mem>>) src(%dma_wait3A_83 : memref<632x128xf32, #tpu.memory_space<hbm>>) dst(%dma_wait3A_81 : memref<632x128xf32, #tpu.memory_space<vmem_shared>>)
      tpu.yield
    }) : () -> ()
    %barrier3A = arith.constant 0 : index
    tpu.barrier barrier_id(%barrier3A)
    %eq3A = arith.constant 0 : i32
    %eq3A_5 = arith.cmpi eq, %arg0, %eq3A : i32
    %jit3A = arith.constant 140 : i32
    %jit3A_6 = arith.constant 70 : i32
    %select_n3A = arith.select %eq3A_5, %jit3A, %jit3A_6 : i32
    %eq3A_7 = arith.constant 0 : i32
    %eq3A_8 = arith.cmpi eq, %arg0, %eq3A_7 : i32
    %mul3A_9 = arith.constant 140 : i32
    %mul3A_10 = arith.muli %arg1, %mul3A_9 : i32
    %mul3A_11 = arith.constant 70 : i32
    %mul3A_12 = arith.muli %arg1, %mul3A_11 : i32
    %add3A_13 = arith.constant 2240 : i32
    %add3A_14 = arith.addi %add3A_13, %mul3A_12 : i32
    %select_n3A_15 = arith.select %eq3A_8, %mul3A_10, %add3A_14 : i32
    %mul3A_16 = arith.constant 96 : i32
    %mul3A_17 = arith.muli %select_n3A_15, %mul3A_16 : i32
    "tpu.region"() ({
      %run_scoped3A = tpu.sem_alloc : memref<!tpu.dma_semaphore, #tpu.memory_space<semaphore_mem>>
      %dma_start3A_76 = tpu.memref_slice %arg4[%mul3A_17] : memref<322560xi32, #tpu.memory_space<hbm>> -> memref<96xi32, #tpu.memory_space<hbm>>
      %dma_start3A_77 = tpu.memref_slice %arg4[%mul3A_17] : memref<322560xi32, #tpu.memory_space<hbm>> -> memref<96xi32, #tpu.memory_space<hbm>>
      tpu.enqueue_dma source(%dma_start3A_77 : memref<96xi32, #tpu.memory_space<hbm>>) target(%arg8 : memref<96xi32, #tpu.memory_space<vmem>>) target_semaphore(%run_scoped3A : memref<!tpu.dma_semaphore, #tpu.memory_space<semaphore_mem>>)
      %dma_wait3A_78 = tpu.memref_slice %arg4[%mul3A_17] : memref<322560xi32, #tpu.memory_space<hbm>> -> memref<96xi32, #tpu.memory_space<hbm>>
      %dma_wait3A_79 = tpu.memref_slice %arg4[%mul3A_17] : memref<322560xi32, #tpu.memory_space<hbm>> -> memref<96xi32, #tpu.memory_space<hbm>>
      tpu.wait_dma2 semaphore(%run_scoped3A : memref<!tpu.dma_semaphore, #tpu.memory_space<semaphore_mem>>) src(%dma_wait3A_79 : memref<96xi32, #tpu.memory_space<hbm>>) dst(%arg8 : memref<96xi32, #tpu.memory_space<vmem>>)
      tpu.yield
    }) : () -> ()
    %dma_start3A = arith.constant 0 : i32
    %dma_start3A_18 = arith.constant 0 : i32
    %dma_start3A_19 = tpu.memref_slice %arg2[%dma_start3A, %dma_start3A_18] : memref<10000x128xf32, #tpu.memory_space<hbm>> -> memref<10000x128xf32, #tpu.memory_space<hbm>>
    tpu.enqueue_indirect_dma source(%dma_start3A_19 : memref<10000x128xf32, #tpu.memory_space<hbm>>) target(%arg12 : memref<96x128xf32, #tpu.memory_space<vmem>>) offsets(%arg8 : memref<96xi32, #tpu.memory_space<vmem>>) semaphore(%arg17 : memref<!tpu.dma_semaphore, #tpu.memory_space<semaphore_mem>>)
    %dma_start3A_20 = arith.constant 0 : i32
    %dma_start3A_21 = tpu.memref_slice %arg3[%mul3A_17, %dma_start3A_20] : memref<322560x128xf32, #tpu.memory_space<hbm>> -> memref<96x128xf32, #tpu.memory_space<hbm>>
    %dma_start3A_22 = arith.constant 0 : i32
    %dma_start3A_23 = tpu.memref_slice %arg3[%mul3A_17, %dma_start3A_22] : memref<322560x128xf32, #tpu.memory_space<hbm>> -> memref<96x128xf32, #tpu.memory_space<hbm>>
    tpu.enqueue_dma source(%dma_start3A_23 : memref<96x128xf32, #tpu.memory_space<hbm>>) target(%arg14 : memref<96x128xf32, #tpu.memory_space<vmem>>) target_semaphore(%arg23 : memref<!tpu.dma_semaphore, #tpu.memory_space<semaphore_mem>>)
    %dma_start3A_24 = tpu.memref_slice %arg5[%mul3A_17] : memref<322560xi32, #tpu.memory_space<hbm>> -> memref<96xi32, #tpu.memory_space<hbm>>
    %dma_start3A_25 = tpu.memref_slice %arg5[%mul3A_17] : memref<322560xi32, #tpu.memory_space<hbm>> -> memref<96xi32, #tpu.memory_space<hbm>>
    tpu.enqueue_dma source(%dma_start3A_25 : memref<96xi32, #tpu.memory_space<hbm>>) target(%arg10 : memref<96xi32, #tpu.memory_space<vmem>>) target_semaphore(%arg21 : memref<!tpu.dma_semaphore, #tpu.memory_space<semaphore_mem>>)
    %add3A_26 = arith.constant 96 : i32
    %add3A_27 = arith.addi %mul3A_17, %add3A_26 : i32
    %dma_start3A_28 = tpu.memref_slice %arg4[%add3A_27] : memref<322560xi32, #tpu.memory_space<hbm>> -> memref<96xi32, #tpu.memory_space<hbm>>
    %dma_start3A_29 = tpu.memref_slice %arg4[%add3A_27] : memref<322560xi32, #tpu.memory_space<hbm>> -> memref<96xi32, #tpu.memory_space<hbm>>
    tpu.enqueue_dma source(%dma_start3A_29 : memref<96xi32, #tpu.memory_space<hbm>>) target(%arg9 : memref<96xi32, #tpu.memory_space<vmem>>) target_semaphore(%arg20 : memref<!tpu.dma_semaphore, #tpu.memory_space<semaphore_mem>>)
    %add3A_30 = arith.constant 96 : i32
    %add3A_31 = arith.addi %mul3A_17, %add3A_30 : i32
    %dma_start3A_32 = arith.constant 0 : i32
    %dma_start3A_33 = tpu.memref_slice %arg3[%add3A_31, %dma_start3A_32] : memref<322560x128xf32, #tpu.memory_space<hbm>> -> memref<96x128xf32, #tpu.memory_space<hbm>>
    %dma_start3A_34 = arith.constant 0 : i32
    %dma_start3A_35 = tpu.memref_slice %arg3[%add3A_31, %dma_start3A_34] : memref<322560x128xf32, #tpu.memory_space<hbm>> -> memref<96x128xf32, #tpu.memory_space<hbm>>
    tpu.enqueue_dma source(%dma_start3A_35 : memref<96x128xf32, #tpu.memory_space<hbm>>) target(%arg15 : memref<96x128xf32, #tpu.memory_space<vmem>>) target_semaphore(%arg24 : memref<!tpu.dma_semaphore, #tpu.memory_space<semaphore_mem>>)
    %jit3A_36 = arith.constant 2 : i32
    %div3A = arith.divsi %select_n3A, %jit3A_36 : i32
    %sign3A = arith.constant 0 : i32
    %sign3A_37 = arith.cmpi sgt, %select_n3A, %sign3A : i32
    %sign3A_38 = arith.extui %sign3A_37 : i1 to i32
    %sign3A_39 = arith.constant 0 : i32
    %sign3A_40 = arith.cmpi slt, %select_n3A, %sign3A_39 : i32
    %sign3A_41 = arith.extui %sign3A_40 : i1 to i32
    %sign3A_42 = arith.subi %sign3A_38, %sign3A_41 : i32
    %sign3A_43 = arith.constant 0 : i32
    %sign3A_44 = arith.cmpi sgt, %jit3A_36, %sign3A_43 : i32
    %sign3A_45 = arith.extui %sign3A_44 : i1 to i32
    %sign3A_46 = arith.constant 0 : i32
    %sign3A_47 = arith.cmpi slt, %jit3A_36, %sign3A_46 : i32
    %sign3A_48 = arith.extui %sign3A_47 : i1 to i32
    %sign3A_49 = arith.subi %sign3A_45, %sign3A_48 : i32
    %ne3A = arith.cmpi ne, %sign3A_42, %sign3A_49 : i32
    %rem3A = arith.remsi %select_n3A, %jit3A_36 : i32
    %ne3A_50 = arith.constant 0 : i32
    %ne3A_51 = arith.cmpi ne, %rem3A, %ne3A_50 : i32
    %and3A = arith.andi %ne3A, %ne3A_51 : i1
    %sub3A = arith.constant 1 : i32
    %sub3A_52 = arith.subi %div3A, %sub3A : i32
    %select_n3A_53 = arith.select %and3A, %sub3A_52, %div3A : i32
    %while3A = arith.constant 0 : i32
    %while3A_54 = arith.constant 0 : i32
    %while3A_55 = arith.subi %select_n3A_53, %while3A_54 : i32
    %while3A_56 = arith.addi %while3A_54, %while3A_55 : i32
    %while3A_57 = arith.constant 1 : i32
    %while3A_58 = arith.divsi %while3A_55, %while3A_57 : i32
    %while3A_59 = arith.muli %while3A_58, %while3A_57 : i32
    %while3A_60 = arith.addi %while3A_54, %while3A_59 : i32
    %while3A_61 = arith.constant 1 : i32
    scf.for %while3A_76 = %while3A_54 to %while3A_60 step %while3A_61  : i32 {
      %mul3A_77 = arith.constant 2 : i32
      %mul3A_78 = arith.muli %while3A_76, %mul3A_77 : i32
      %add3A_79 = arith.constant 0 : i32
      %add3A_80 = arith.addi %mul3A_78, %add3A_79 : i32
      %mul3A_81 = arith.constant 96 : i32
      %mul3A_82 = arith.muli %add3A_80, %mul3A_81 : i32
      %add3A_83 = arith.addi %mul3A_17, %mul3A_82 : i32
      %dma_wait3A_84 = arith.constant 0 : i32
      %dma_wait3A_85 = arith.constant 0 : i32
      %dma_wait3A_86 = tpu.memref_slice %arg2[%dma_wait3A_84, %dma_wait3A_85] : memref<10000x128xf32, #tpu.memory_space<hbm>> -> memref<10000x128xf32, #tpu.memory_space<hbm>>
      tpu.wait_indirect_dma semaphore(%arg17 : memref<!tpu.dma_semaphore, #tpu.memory_space<semaphore_mem>>) src(%dma_wait3A_86 : memref<10000x128xf32, #tpu.memory_space<hbm>>) dst(%arg12 : memref<96x128xf32, #tpu.memory_space<vmem>>)
      %add3A_87 = arith.constant 1 : i32
      %add3A_88 = arith.addi %add3A_80, %add3A_87 : i32
      %lt3A = arith.cmpi slt, %add3A_88, %select_n3A : i32
      %convert_element_type3A = arith.extui %lt3A : i1 to i32
      %cond3A = arith.constant 0 : i32
      %cond3A_89 = arith.cmpi ne, %convert_element_type3A, %cond3A : i32
      scf.if %cond3A_89 {
        %add3A_159 = arith.constant 96 : i32
        %add3A_160 = arith.addi %add3A_83, %add3A_159 : i32
        %dma_wait3A_161 = tpu.memref_slice %arg4[%add3A_160] : memref<322560xi32, #tpu.memory_space<hbm>> -> memref<96xi32, #tpu.memory_space<hbm>>
        %dma_wait3A_162 = tpu.memref_slice %arg4[%add3A_160] : memref<322560xi32, #tpu.memory_space<hbm>> -> memref<96xi32, #tpu.memory_space<hbm>>
        tpu.wait_dma2 semaphore(%arg20 : memref<!tpu.dma_semaphore, #tpu.memory_space<semaphore_mem>>) src(%dma_wait3A_162 : memref<96xi32, #tpu.memory_space<hbm>>) dst(%arg9 : memref<96xi32, #tpu.memory_space<vmem>>)
        %ge3A = arith.constant 1 : i32
        %ge3A_163 = arith.cmpi sge, %add3A_80, %ge3A : i32
        %convert_element_type3A_164 = arith.extui %ge3A_163 : i1 to i32
        %cond3A_165 = arith.constant 0 : i32
        %cond3A_166 = arith.cmpi ne, %convert_element_type3A_164, %cond3A_165 : i32
        scf.if %cond3A_166 {
          %dma_wait3A_174 = arith.constant 0 : i32
          %dma_wait3A_175 = arith.constant 0 : i32
          %dma_wait3A_176 = tpu.memref_slice %arg16[%dma_wait3A_174, %dma_wait3A_175] : memref<10112x128xf32, #tpu.memory_space<vmem_shared>> -> memref<10112x128xf32, #tpu.memory_space<vmem_shared>>
          tpu.wait_indirect_dma semaphore(%arg26 : memref<!tpu.dma_semaphore, #tpu.memory_space<semaphore_mem>>) src(%arg13 : memref<96x128xf32, #tpu.memory_space<vmem>>) dst(%dma_wait3A_176 : memref<10112x128xf32, #tpu.memory_space<vmem_shared>>)
        } else {
        }
        %dma_start3A_167 = arith.constant 0 : i32
        %dma_start3A_168 = arith.constant 0 : i32
        %dma_start3A_169 = tpu.memref_slice %arg2[%dma_start3A_167, %dma_start3A_168] : memref<10000x128xf32, #tpu.memory_space<hbm>> -> memref<10000x128xf32, #tpu.memory_space<hbm>>
        tpu.enqueue_indirect_dma source(%dma_start3A_169 : memref<10000x128xf32, #tpu.memory_space<hbm>>) target(%arg13 : memref<96x128xf32, #tpu.memory_space<vmem>>) offsets(%arg9 : memref<96xi32, #tpu.memory_space<vmem>>) semaphore(%arg18 : memref<!tpu.dma_semaphore, #tpu.memory_space<semaphore_mem>>)
        %add3A_170 = arith.constant 96 : i32
        %add3A_171 = arith.addi %add3A_83, %add3A_170 : i32
        %dma_start3A_172 = tpu.memref_slice %arg5[%add3A_171] : memref<322560xi32, #tpu.memory_space<hbm>> -> memref<96xi32, #tpu.memory_space<hbm>>
        %dma_start3A_173 = tpu.memref_slice %arg5[%add3A_171] : memref<322560xi32, #tpu.memory_space<hbm>> -> memref<96xi32, #tpu.memory_space<hbm>>
        tpu.enqueue_dma source(%dma_start3A_173 : memref<96xi32, #tpu.memory_space<hbm>>) target(%arg11 : memref<96xi32, #tpu.memory_space<vmem>>) target_semaphore(%arg22 : memref<!tpu.dma_semaphore, #tpu.memory_space<semaphore_mem>>)
      } else {
      }
      %add3A_90 = arith.constant 2 : i32
      %add3A_91 = arith.addi %add3A_80, %add3A_90 : i32
      %lt3A_92 = arith.cmpi slt, %add3A_91, %select_n3A : i32
      %convert_element_type3A_93 = arith.extui %lt3A_92 : i1 to i32
      %cond3A_94 = arith.constant 0 : i32
      %cond3A_95 = arith.cmpi ne, %convert_element_type3A_93, %cond3A_94 : i32
      scf.if %cond3A_95 {
        %add3A_159 = arith.constant 192 : i32
        %add3A_160 = arith.addi %add3A_83, %add3A_159 : i32
        %dma_start3A_161 = tpu.memref_slice %arg4[%add3A_160] : memref<322560xi32, #tpu.memory_space<hbm>> -> memref<96xi32, #tpu.memory_space<hbm>>
        %dma_start3A_162 = tpu.memref_slice %arg4[%add3A_160] : memref<322560xi32, #tpu.memory_space<hbm>> -> memref<96xi32, #tpu.memory_space<hbm>>
        tpu.enqueue_dma source(%dma_start3A_162 : memref<96xi32, #tpu.memory_space<hbm>>) target(%arg8 : memref<96xi32, #tpu.memory_space<vmem>>) target_semaphore(%arg19 : memref<!tpu.dma_semaphore, #tpu.memory_space<semaphore_mem>>)
      } else {
      }
      %dma_wait3A_96 = arith.constant 0 : i32
      %dma_wait3A_97 = tpu.memref_slice %arg3[%add3A_83, %dma_wait3A_96] : memref<322560x128xf32, #tpu.memory_space<hbm>> -> memref<96x128xf32, #tpu.memory_space<hbm>>
      %dma_wait3A_98 = arith.constant 0 : i32
      %dma_wait3A_99 = tpu.memref_slice %arg3[%add3A_83, %dma_wait3A_98] : memref<322560x128xf32, #tpu.memory_space<hbm>> -> memref<96x128xf32, #tpu.memory_space<hbm>>
      tpu.wait_dma2 semaphore(%arg23 : memref<!tpu.dma_semaphore, #tpu.memory_space<semaphore_mem>>) src(%dma_wait3A_99 : memref<96x128xf32, #tpu.memory_space<hbm>>) dst(%arg14 : memref<96x128xf32, #tpu.memory_space<vmem>>)
      %scan3A = arith.constant 0 : i32
      %scan3A_100 = arith.constant 0 : i32
      %scan3A_101 = arith.constant 96 : i32
      %scan3A_102 = arith.addi %scan3A_100, %scan3A_101 : i32
      %scan3A_103 = arith.constant 1 : i32
      scf.for %scan3A_159 = %scan3A_100 to %scan3A_102 step %scan3A_103  : i32 {
        %get3A = arith.index_cast %scan3A_159 : i32 to index
        %get3A_160 = arith.constant 0 : index
        %get3A_161 = tpu.vector_load %arg12[%get3A, %get3A_160] {strides = array<i32>} : memref<96x128xf32, #tpu.memory_space<vmem>>, vector<16xf32>,
        %get3A_162 = arith.index_cast %scan3A_159 : i32 to index
        %get3A_163 = arith.constant 0 : index
        %get3A_164 = tpu.vector_load %arg14[%get3A_162, %get3A_163] {strides = array<i32>} : memref<96x128xf32, #tpu.memory_space<vmem>>, vector<16xf32>,
        %mul3A_165 = arith.mulf %get3A_161, %get3A_164 : vector<16xf32>
        %swap3A = arith.index_cast %scan3A_159 : i32 to index
        %swap3A_166 = arith.constant 0 : index
        %swap3A_167 = tpu.vector_load %arg12[%swap3A, %swap3A_166] {strides = array<i32>} : memref<96x128xf32, #tpu.memory_space<vmem>>, vector<16xf32>,
        tpu.vector_store %arg12[%swap3A, %swap3A_166], %mul3A_165 {strides = array<i32>} : memref<96x128xf32, #tpu.memory_space<vmem>>, vector<16xf32>,
        %get3A_168 = arith.index_cast %scan3A_159 : i32 to index
        %get3A_169 = arith.constant 16 : index
        %get3A_170 = tpu.vector_load %arg12[%get3A_168, %get3A_169] {strides = array<i32>} : memref<96x128xf32, #tpu.memory_space<vmem>>, vector<16xf32>,
        %get3A_171 = arith.index_cast %scan3A_159 : i32 to index
        %get3A_172 = arith.constant 16 : index
        %get3A_173 = tpu.vector_load %arg14[%get3A_171, %get3A_172] {strides = array<i32>} : memref<96x128xf32, #tpu.memory_space<vmem>>, vector<16xf32>,
        %mul3A_174 = arith.mulf %get3A_170, %get3A_173 : vector<16xf32>
        %swap3A_175 = arith.index_cast %scan3A_159 : i32 to index
        %swap3A_176 = arith.constant 16 : index
        %swap3A_177 = tpu.vector_load %arg12[%swap3A_175, %swap3A_176] {strides = array<i32>} : memref<96x128xf32, #tpu.memory_space<vmem>>, vector<16xf32>,
        tpu.vector_store %arg12[%swap3A_175, %swap3A_176], %mul3A_174 {strides = array<i32>} : memref<96x128xf32, #tpu.memory_space<vmem>>, vector<16xf32>,
        %get3A_178 = arith.index_cast %scan3A_159 : i32 to index
        %get3A_179 = arith.constant 32 : index
        %get3A_180 = tpu.vector_load %arg12[%get3A_178, %get3A_179] {strides = array<i32>} : memref<96x128xf32, #tpu.memory_space<vmem>>, vector<16xf32>,
        %get3A_181 = arith.index_cast %scan3A_159 : i32 to index
        %get3A_182 = arith.constant 32 : index
        %get3A_183 = tpu.vector_load %arg14[%get3A_181, %get3A_182] {strides = array<i32>} : memref<96x128xf32, #tpu.memory_space<vmem>>, vector<16xf32>,
        %mul3A_184 = arith.mulf %get3A_180, %get3A_183 : vector<16xf32>
        %swap3A_185 = arith.index_cast %scan3A_159 : i32 to index
        %swap3A_186 = arith.constant 32 : index
        %swap3A_187 = tpu.vector_load %arg12[%swap3A_185, %swap3A_186] {strides = array<i32>} : memref<96x128xf32, #tpu.memory_space<vmem>>, vector<16xf32>,
        tpu.vector_store %arg12[%swap3A_185, %swap3A_186], %mul3A_184 {strides = array<i32>} : memref<96x128xf32, #tpu.memory_space<vmem>>, vector<16xf32>,
        %get3A_188 = arith.index_cast %scan3A_159 : i32 to index
        %get3A_189 = arith.constant 48 : index
        %get3A_190 = tpu.vector_load %arg12[%get3A_188, %get3A_189] {strides = array<i32>} : memref<96x128xf32, #tpu.memory_space<vmem>>, vector<16xf32>,
        %get3A_191 = arith.index_cast %scan3A_159 : i32 to index
        %get3A_192 = arith.constant 48 : index
        %get3A_193 = tpu.vector_load %arg14[%get3A_191, %get3A_192] {strides = array<i32>} : memref<96x128xf32, #tpu.memory_space<vmem>>, vector<16xf32>,
        %mul3A_194 = arith.mulf %get3A_190, %get3A_193 : vector<16xf32>
        %swap3A_195 = arith.index_cast %scan3A_159 : i32 to index
        %swap3A_196 = arith.constant 48 : index
        %swap3A_197 = tpu.vector_load %arg12[%swap3A_195, %swap3A_196] {strides = array<i32>} : memref<96x128xf32, #tpu.memory_space<vmem>>, vector<16xf32>,
        tpu.vector_store %arg12[%swap3A_195, %swap3A_196], %mul3A_194 {strides = array<i32>} : memref<96x128xf32, #tpu.memory_space<vmem>>, vector<16xf32>,
        %get3A_198 = arith.index_cast %scan3A_159 : i32 to index
        %get3A_199 = arith.constant 64 : index
        %get3A_200 = tpu.vector_load %arg12[%get3A_198, %get3A_199] {strides = array<i32>} : memref<96x128xf32, #tpu.memory_space<vmem>>, vector<16xf32>,
        %get3A_201 = arith.index_cast %scan3A_159 : i32 to index
        %get3A_202 = arith.constant 64 : index
        %get3A_203 = tpu.vector_load %arg14[%get3A_201, %get3A_202] {strides = array<i32>} : memref<96x128xf32, #tpu.memory_space<vmem>>, vector<16xf32>,
        %mul3A_204 = arith.mulf %get3A_200, %get3A_203 : vector<16xf32>
        %swap3A_205 = arith.index_cast %scan3A_159 : i32 to index
        %swap3A_206 = arith.constant 64 : index
        %swap3A_207 = tpu.vector_load %arg12[%swap3A_205, %swap3A_206] {strides = array<i32>} : memref<96x128xf32, #tpu.memory_space<vmem>>, vector<16xf32>,
        tpu.vector_store %arg12[%swap3A_205, %swap3A_206], %mul3A_204 {strides = array<i32>} : memref<96x128xf32, #tpu.memory_space<vmem>>, vector<16xf32>,
        %get3A_208 = arith.index_cast %scan3A_159 : i32 to index
        %get3A_209 = arith.constant 80 : index
        %get3A_210 = tpu.vector_load %arg12[%get3A_208, %get3A_209] {strides = array<i32>} : memref<96x128xf32, #tpu.memory_space<vmem>>, vector<16xf32>,
        %get3A_211 = arith.index_cast %scan3A_159 : i32 to index
        %get3A_212 = arith.constant 80 : index
        %get3A_213 = tpu.vector_load %arg14[%get3A_211, %get3A_212] {strides = array<i32>} : memref<96x128xf32, #tpu.memory_space<vmem>>, vector<16xf32>,
        %mul3A_214 = arith.mulf %get3A_210, %get3A_213 : vector<16xf32>
        %swap3A_215 = arith.index_cast %scan3A_159 : i32 to index
        %swap3A_216 = arith.constant 80 : index
        %swap3A_217 = tpu.vector_load %arg12[%swap3A_215, %swap3A_216] {strides = array<i32>} : memref<96x128xf32, #tpu.memory_space<vmem>>, vector<16xf32>,
        tpu.vector_store %arg12[%swap3A_215, %swap3A_216], %mul3A_214 {strides = array<i32>} : memref<96x128xf32, #tpu.memory_space<vmem>>, vector<16xf32>,
        %get3A_218 = arith.index_cast %scan3A_159 : i32 to index
        %get3A_219 = arith.constant 96 : index
        %get3A_220 = tpu.vector_load %arg12[%get3A_218, %get3A_219] {strides = array<i32>} : memref<96x128xf32, #tpu.memory_space<vmem>>, vector<16xf32>,
        %get3A_221 = arith.index_cast %scan3A_159 : i32 to index
        %get3A_222 = arith.constant 96 : index
        %get3A_223 = tpu.vector_load %arg14[%get3A_221, %get3A_222] {strides = array<i32>} : memref<96x128xf32, #tpu.memory_space<vmem>>, vector<16xf32>,
        %mul3A_224 = arith.mulf %get3A_220, %get3A_223 : vector<16xf32>
        %swap3A_225 = arith.index_cast %scan3A_159 : i32 to index
        %swap3A_226 = arith.constant 96 : index
        %swap3A_227 = tpu.vector_load %arg12[%swap3A_225, %swap3A_226] {strides = array<i32>} : memref<96x128xf32, #tpu.memory_space<vmem>>, vector<16xf32>,
        tpu.vector_store %arg12[%swap3A_225, %swap3A_226], %mul3A_224 {strides = array<i32>} : memref<96x128xf32, #tpu.memory_space<vmem>>, vector<16xf32>,
        %get3A_228 = arith.index_cast %scan3A_159 : i32 to index
        %get3A_229 = arith.constant 112 : index
        %get3A_230 = tpu.vector_load %arg12[%get3A_228, %get3A_229] {strides = array<i32>} : memref<96x128xf32, #tpu.memory_space<vmem>>, vector<16xf32>,
        %get3A_231 = arith.index_cast %scan3A_159 : i32 to index
        %get3A_232 = arith.constant 112 : index
        %get3A_233 = tpu.vector_load %arg14[%get3A_231, %get3A_232] {strides = array<i32>} : memref<96x128xf32, #tpu.memory_space<vmem>>, vector<16xf32>,
        %mul3A_234 = arith.mulf %get3A_230, %get3A_233 : vector<16xf32>
        %swap3A_235 = arith.index_cast %scan3A_159 : i32 to index
        %swap3A_236 = arith.constant 112 : index
        %swap3A_237 = tpu.vector_load %arg12[%swap3A_235, %swap3A_236] {strides = array<i32>} : memref<96x128xf32, #tpu.memory_space<vmem>>, vector<16xf32>,
        tpu.vector_store %arg12[%swap3A_235, %swap3A_236], %mul3A_234 {strides = array<i32>} : memref<96x128xf32, #tpu.memory_space<vmem>>, vector<16xf32>,
      }
      %scan3A_104 = arith.constant 96 : i32
      %add3A_105 = arith.constant 2 : i32
      %add3A_106 = arith.addi %add3A_80, %add3A_105 : i32
      %lt3A_107 = arith.cmpi slt, %add3A_106, %select_n3A : i32
      %convert_element_type3A_108 = arith.extui %lt3A_107 : i1 to i32
      %cond3A_109 = arith.constant 0 : i32
      %cond3A_110 = arith.cmpi ne, %convert_element_type3A_108, %cond3A_109 : i32
      scf.if %cond3A_110 {
        %add3A_159 = arith.constant 192 : i32
        %add3A_160 = arith.addi %add3A_83, %add3A_159 : i32
        %dma_start3A_161 = arith.constant 0 : i32
        %dma_start3A_162 = tpu.memref_slice %arg3[%add3A_160, %dma_start3A_161] : memref<322560x128xf32, #tpu.memory_space<hbm>> -> memref<96x128xf32, #tpu.memory_space<hbm>>
        %dma_start3A_163 = arith.constant 0 : i32
        %dma_start3A_164 = tpu.memref_slice %arg3[%add3A_160, %dma_start3A_163] : memref<322560x128xf32, #tpu.memory_space<hbm>> -> memref<96x128xf32, #tpu.memory_space<hbm>>
        tpu.enqueue_dma source(%dma_start3A_164 : memref<96x128xf32, #tpu.memory_space<hbm>>) target(%arg14 : memref<96x128xf32, #tpu.memory_space<vmem>>) target_semaphore(%arg23 : memref<!tpu.dma_semaphore, #tpu.memory_space<semaphore_mem>>)
      } else {
      }
      %dma_wait3A_111 = tpu.memref_slice %arg5[%add3A_83] : memref<322560xi32, #tpu.memory_space<hbm>> -> memref<96xi32, #tpu.memory_space<hbm>>
      %dma_wait3A_112 = tpu.memref_slice %arg5[%add3A_83] : memref<322560xi32, #tpu.memory_space<hbm>> -> memref<96xi32, #tpu.memory_space<hbm>>
      tpu.wait_dma2 semaphore(%arg21 : memref<!tpu.dma_semaphore, #tpu.memory_space<semaphore_mem>>) src(%dma_wait3A_112 : memref<96xi32, #tpu.memory_space<hbm>>) dst(%arg10 : memref<96xi32, #tpu.memory_space<vmem>>)
      %dma_start3A_113 = arith.constant 0 : i32
      %dma_start3A_114 = arith.constant 0 : i32
      %dma_start3A_115 = tpu.memref_slice %arg16[%dma_start3A_113, %dma_start3A_114] : memref<10112x128xf32, #tpu.memory_space<vmem_shared>> -> memref<10112x128xf32, #tpu.memory_space<vmem_shared>>
      tpu.enqueue_indirect_dma source(%arg12 : memref<96x128xf32, #tpu.memory_space<vmem>>) target(%dma_start3A_115 : memref<10112x128xf32, #tpu.memory_space<vmem_shared>>) offsets(%arg10 : memref<96xi32, #tpu.memory_space<vmem>>) semaphore(%arg25 : memref<!tpu.dma_semaphore, #tpu.memory_space<semaphore_mem>>) {add = true}
      %mul3A_116 = arith.constant 2 : i32
      %mul3A_117 = arith.muli %while3A_76, %mul3A_116 : i32
      %add3A_118 = arith.constant 1 : i32
      %add3A_119 = arith.addi %mul3A_117, %add3A_118 : i32
      %mul3A_120 = arith.constant 96 : i32
      %mul3A_121 = arith.muli %add3A_119, %mul3A_120 : i32
      %add3A_122 = arith.addi %mul3A_17, %mul3A_121 : i32
      %dma_wait3A_123 = arith.constant 0 : i32
      %dma_wait3A_124 = arith.constant 0 : i32
      %dma_wait3A_125 = tpu.memref_slice %arg2[%dma_wait3A_123, %dma_wait3A_124] : memref<10000x128xf32, #tpu.memory_space<hbm>> -> memref<10000x128xf32, #tpu.memory_space<hbm>>
      tpu.wait_indirect_dma semaphore(%arg18 : memref<!tpu.dma_semaphore, #tpu.memory_space<semaphore_mem>>) src(%dma_wait3A_125 : memref<10000x128xf32, #tpu.memory_space<hbm>>) dst(%arg13 : memref<96x128xf32, #tpu.memory_space<vmem>>)
      %add3A_126 = arith.constant 1 : i32
      %add3A_127 = arith.addi %add3A_119, %add3A_126 : i32
      %lt3A_128 = arith.cmpi slt, %add3A_127, %select_n3A : i32
      %convert_element_type3A_129 = arith.extui %lt3A_128 : i1 to i32
      %cond3A_130 = arith.constant 0 : i32
      %cond3A_131 = arith.cmpi ne, %convert_element_type3A_129, %cond3A_130 : i32
      scf.if %cond3A_131 {
        %add3A_159 = arith.constant 96 : i32
        %add3A_160 = arith.addi %add3A_122, %add3A_159 : i32
        %dma_wait3A_161 = tpu.memref_slice %arg4[%add3A_160] : memref<322560xi32, #tpu.memory_space<hbm>> -> memref<96xi32, #tpu.memory_space<hbm>>
        %dma_wait3A_162 = tpu.memref_slice %arg4[%add3A_160] : memref<322560xi32, #tpu.memory_space<hbm>> -> memref<96xi32, #tpu.memory_space<hbm>>
        tpu.wait_dma2 semaphore(%arg19 : memref<!tpu.dma_semaphore, #tpu.memory_space<semaphore_mem>>) src(%dma_wait3A_162 : memref<96xi32, #tpu.memory_space<hbm>>) dst(%arg8 : memref<96xi32, #tpu.memory_space<vmem>>)
        %ge3A = arith.constant 1 : i32
        %ge3A_163 = arith.cmpi sge, %add3A_119, %ge3A : i32
        %convert_element_type3A_164 = arith.extui %ge3A_163 : i1 to i32
        %cond3A_165 = arith.constant 0 : i32
        %cond3A_166 = arith.cmpi ne, %convert_element_type3A_164, %cond3A_165 : i32
        scf.if %cond3A_166 {
          %dma_wait3A_174 = arith.constant 0 : i32
          %dma_wait3A_175 = arith.constant 0 : i32
          %dma_wait3A_176 = tpu.memref_slice %arg16[%dma_wait3A_174, %dma_wait3A_175] : memref<10112x128xf32, #tpu.memory_space<vmem_shared>> -> memref<10112x128xf32, #tpu.memory_space<vmem_shared>>
          tpu.wait_indirect_dma semaphore(%arg25 : memref<!tpu.dma_semaphore, #tpu.memory_space<semaphore_mem>>) src(%arg12 : memref<96x128xf32, #tpu.memory_space<vmem>>) dst(%dma_wait3A_176 : memref<10112x128xf32, #tpu.memory_space<vmem_shared>>)
        } else {
        }
        %dma_start3A_167 = arith.constant 0 : i32
        %dma_start3A_168 = arith.constant 0 : i32
        %dma_start3A_169 = tpu.memref_slice %arg2[%dma_start3A_167, %dma_start3A_168] : memref<10000x128xf32, #tpu.memory_space<hbm>> -> memref<10000x128xf32, #tpu.memory_space<hbm>>
        tpu.enqueue_indirect_dma source(%dma_start3A_169 : memref<10000x128xf32, #tpu.memory_space<hbm>>) target(%arg12 : memref<96x128xf32, #tpu.memory_space<vmem>>) offsets(%arg8 : memref<96xi32, #tpu.memory_space<vmem>>) semaphore(%arg17 : memref<!tpu.dma_semaphore, #tpu.memory_space<semaphore_mem>>)
        %add3A_170 = arith.constant 96 : i32
        %add3A_171 = arith.addi %add3A_122, %add3A_170 : i32
        %dma_start3A_172 = tpu.memref_slice %arg5[%add3A_171] : memref<322560xi32, #tpu.memory_space<hbm>> -> memref<96xi32, #tpu.memory_space<hbm>>
        %dma_start3A_173 = tpu.memref_slice %arg5[%add3A_171] : memref<322560xi32, #tpu.memory_space<hbm>> -> memref<96xi32, #tpu.memory_space<hbm>>
        tpu.enqueue_dma source(%dma_start3A_173 : memref<96xi32, #tpu.memory_space<hbm>>) target(%arg10 : memref<96xi32, #tpu.memory_space<vmem>>) target_semaphore(%arg21 : memref<!tpu.dma_semaphore, #tpu.memory_space<semaphore_mem>>)
      } else {
      }
      %add3A_132 = arith.constant 2 : i32
      %add3A_133 = arith.addi %add3A_119, %add3A_132 : i32
      %lt3A_134 = arith.cmpi slt, %add3A_133, %select_n3A : i32
      %convert_element_type3A_135 = arith.extui %lt3A_134 : i1 to i32
      %cond3A_136 = arith.constant 0 : i32
      %cond3A_137 = arith.cmpi ne, %convert_element_type3A_135, %cond3A_136 : i32
      scf.if %cond3A_137 {
        %add3A_159 = arith.constant 192 : i32
        %add3A_160 = arith.addi %add3A_122, %add3A_159 : i32
        %dma_start3A_161 = tpu.memref_slice %arg4[%add3A_160] : memref<322560xi32, #tpu.memory_space<hbm>> -> memref<96xi32, #tpu.memory_space<hbm>>
        %dma_start3A_162 = tpu.memref_slice %arg4[%add3A_160] : memref<322560xi32, #tpu.memory_space<hbm>> -> memref<96xi32, #tpu.memory_space<hbm>>
        tpu.enqueue_dma source(%dma_start3A_162 : memref<96xi32, #tpu.memory_space<hbm>>) target(%arg9 : memref<96xi32, #tpu.memory_space<vmem>>) target_semaphore(%arg20 : memref<!tpu.dma_semaphore, #tpu.memory_space<semaphore_mem>>)
      } else {
      }
      %dma_wait3A_138 = arith.constant 0 : i32
      %dma_wait3A_139 = tpu.memref_slice %arg3[%add3A_122, %dma_wait3A_138] : memref<322560x128xf32, #tpu.memory_space<hbm>> -> memref<96x128xf32, #tpu.memory_space<hbm>>
      %dma_wait3A_140 = arith.constant 0 : i32
      %dma_wait3A_141 = tpu.memref_slice %arg3[%add3A_122, %dma_wait3A_140] : memref<322560x128xf32, #tpu.memory_space<hbm>> -> memref<96x128xf32, #tpu.memory_space<hbm>>
      tpu.wait_dma2 semaphore(%arg24 : memref<!tpu.dma_semaphore, #tpu.memory_space<semaphore_mem>>) src(%dma_wait3A_141 : memref<96x128xf32, #tpu.memory_space<hbm>>) dst(%arg15 : memref<96x128xf32, #tpu.memory_space<vmem>>)
      %scan3A_142 = arith.constant 0 : i32
      %scan3A_143 = arith.constant 0 : i32
      %scan3A_144 = arith.constant 96 : i32
      %scan3A_145 = arith.addi %scan3A_143, %scan3A_144 : i32
      %scan3A_146 = arith.constant 1 : i32
      scf.for %scan3A_159 = %scan3A_143 to %scan3A_145 step %scan3A_146  : i32 {
        %get3A = arith.index_cast %scan3A_159 : i32 to index
        %get3A_160 = arith.constant 0 : index
        %get3A_161 = tpu.vector_load %arg13[%get3A, %get3A_160] {strides = array<i32>} : memref<96x128xf32, #tpu.memory_space<vmem>>, vector<16xf32>,
        %get3A_162 = arith.index_cast %scan3A_159 : i32 to index
        %get3A_163 = arith.constant 0 : index
        %get3A_164 = tpu.vector_load %arg15[%get3A_162, %get3A_163] {strides = array<i32>} : memref<96x128xf32, #tpu.memory_space<vmem>>, vector<16xf32>,
        %mul3A_165 = arith.mulf %get3A_161, %get3A_164 : vector<16xf32>
        %swap3A = arith.index_cast %scan3A_159 : i32 to index
        %swap3A_166 = arith.constant 0 : index
        %swap3A_167 = tpu.vector_load %arg13[%swap3A, %swap3A_166] {strides = array<i32>} : memref<96x128xf32, #tpu.memory_space<vmem>>, vector<16xf32>,
        tpu.vector_store %arg13[%swap3A, %swap3A_166], %mul3A_165 {strides = array<i32>} : memref<96x128xf32, #tpu.memory_space<vmem>>, vector<16xf32>,
        %get3A_168 = arith.index_cast %scan3A_159 : i32 to index
        %get3A_169 = arith.constant 16 : index
        %get3A_170 = tpu.vector_load %arg13[%get3A_168, %get3A_169] {strides = array<i32>} : memref<96x128xf32, #tpu.memory_space<vmem>>, vector<16xf32>,
        %get3A_171 = arith.index_cast %scan3A_159 : i32 to index
        %get3A_172 = arith.constant 16 : index
        %get3A_173 = tpu.vector_load %arg15[%get3A_171, %get3A_172] {strides = array<i32>} : memref<96x128xf32, #tpu.memory_space<vmem>>, vector<16xf32>,
        %mul3A_174 = arith.mulf %get3A_170, %get3A_173 : vector<16xf32>
        %swap3A_175 = arith.index_cast %scan3A_159 : i32 to index
        %swap3A_176 = arith.constant 16 : index
        %swap3A_177 = tpu.vector_load %arg13[%swap3A_175, %swap3A_176] {strides = array<i32>} : memref<96x128xf32, #tpu.memory_space<vmem>>, vector<16xf32>,
        tpu.vector_store %arg13[%swap3A_175, %swap3A_176], %mul3A_174 {strides = array<i32>} : memref<96x128xf32, #tpu.memory_space<vmem>>, vector<16xf32>,
        %get3A_178 = arith.index_cast %scan3A_159 : i32 to index
        %get3A_179 = arith.constant 32 : index
        %get3A_180 = tpu.vector_load %arg13[%get3A_178, %get3A_179] {strides = array<i32>} : memref<96x128xf32, #tpu.memory_space<vmem>>, vector<16xf32>,
        %get3A_181 = arith.index_cast %scan3A_159 : i32 to index
        %get3A_182 = arith.constant 32 : index
        %get3A_183 = tpu.vector_load %arg15[%get3A_181, %get3A_182] {strides = array<i32>} : memref<96x128xf32, #tpu.memory_space<vmem>>, vector<16xf32>,
        %mul3A_184 = arith.mulf %get3A_180, %get3A_183 : vector<16xf32>
        %swap3A_185 = arith.index_cast %scan3A_159 : i32 to index
        %swap3A_186 = arith.constant 32 : index
        %swap3A_187 = tpu.vector_load %arg13[%swap3A_185, %swap3A_186] {strides = array<i32>} : memref<96x128xf32, #tpu.memory_space<vmem>>, vector<16xf32>,
        tpu.vector_store %arg13[%swap3A_185, %swap3A_186], %mul3A_184 {strides = array<i32>} : memref<96x128xf32, #tpu.memory_space<vmem>>, vector<16xf32>,
        %get3A_188 = arith.index_cast %scan3A_159 : i32 to index
        %get3A_189 = arith.constant 48 : index
        %get3A_190 = tpu.vector_load %arg13[%get3A_188, %get3A_189] {strides = array<i32>} : memref<96x128xf32, #tpu.memory_space<vmem>>, vector<16xf32>,
        %get3A_191 = arith.index_cast %scan3A_159 : i32 to index
        %get3A_192 = arith.constant 48 : index
        %get3A_193 = tpu.vector_load %arg15[%get3A_191, %get3A_192] {strides = array<i32>} : memref<96x128xf32, #tpu.memory_space<vmem>>, vector<16xf32>,
        %mul3A_194 = arith.mulf %get3A_190, %get3A_193 : vector<16xf32>
        %swap3A_195 = arith.index_cast %scan3A_159 : i32 to index
        %swap3A_196 = arith.constant 48 : index
        %swap3A_197 = tpu.vector_load %arg13[%swap3A_195, %swap3A_196] {strides = array<i32>} : memref<96x128xf32, #tpu.memory_space<vmem>>, vector<16xf32>,
        tpu.vector_store %arg13[%swap3A_195, %swap3A_196], %mul3A_194 {strides = array<i32>} : memref<96x128xf32, #tpu.memory_space<vmem>>, vector<16xf32>,
        %get3A_198 = arith.index_cast %scan3A_159 : i32 to index
        %get3A_199 = arith.constant 64 : index
        %get3A_200 = tpu.vector_load %arg13[%get3A_198, %get3A_199] {strides = array<i32>} : memref<96x128xf32, #tpu.memory_space<vmem>>, vector<16xf32>,
        %get3A_201 = arith.index_cast %scan3A_159 : i32 to index
        %get3A_202 = arith.constant 64 : index
        %get3A_203 = tpu.vector_load %arg15[%get3A_201, %get3A_202] {strides = array<i32>} : memref<96x128xf32, #tpu.memory_space<vmem>>, vector<16xf32>,
        %mul3A_204 = arith.mulf %get3A_200, %get3A_203 : vector<16xf32>
        %swap3A_205 = arith.index_cast %scan3A_159 : i32 to index
        %swap3A_206 = arith.constant 64 : index
        %swap3A_207 = tpu.vector_load %arg13[%swap3A_205, %swap3A_206] {strides = array<i32>} : memref<96x128xf32, #tpu.memory_space<vmem>>, vector<16xf32>,
        tpu.vector_store %arg13[%swap3A_205, %swap3A_206], %mul3A_204 {strides = array<i32>} : memref<96x128xf32, #tpu.memory_space<vmem>>, vector<16xf32>,
        %get3A_208 = arith.index_cast %scan3A_159 : i32 to index
        %get3A_209 = arith.constant 80 : index
        %get3A_210 = tpu.vector_load %arg13[%get3A_208, %get3A_209] {strides = array<i32>} : memref<96x128xf32, #tpu.memory_space<vmem>>, vector<16xf32>,
        %get3A_211 = arith.index_cast %scan3A_159 : i32 to index
        %get3A_212 = arith.constant 80 : index
        %get3A_213 = tpu.vector_load %arg15[%get3A_211, %get3A_212] {strides = array<i32>} : memref<96x128xf32, #tpu.memory_space<vmem>>, vector<16xf32>,
        %mul3A_214 = arith.mulf %get3A_210, %get3A_213 : vector<16xf32>
        %swap3A_215 = arith.index_cast %scan3A_159 : i32 to index
        %swap3A_216 = arith.constant 80 : index
        %swap3A_217 = tpu.vector_load %arg13[%swap3A_215, %swap3A_216] {strides = array<i32>} : memref<96x128xf32, #tpu.memory_space<vmem>>, vector<16xf32>,
        tpu.vector_store %arg13[%swap3A_215, %swap3A_216], %mul3A_214 {strides = array<i32>} : memref<96x128xf32, #tpu.memory_space<vmem>>, vector<16xf32>,
        %get3A_218 = arith.index_cast %scan3A_159 : i32 to index
        %get3A_219 = arith.constant 96 : index
        %get3A_220 = tpu.vector_load %arg13[%get3A_218, %get3A_219] {strides = array<i32>} : memref<96x128xf32, #tpu.memory_space<vmem>>, vector<16xf32>,
        %get3A_221 = arith.index_cast %scan3A_159 : i32 to index
        %get3A_222 = arith.constant 96 : index
        %get3A_223 = tpu.vector_load %arg15[%get3A_221, %get3A_222] {strides = array<i32>} : memref<96x128xf32, #tpu.memory_space<vmem>>, vector<16xf32>,
        %mul3A_224 = arith.mulf %get3A_220, %get3A_223 : vector<16xf32>
        %swap3A_225 = arith.index_cast %scan3A_159 : i32 to index
        %swap3A_226 = arith.constant 96 : index
        %swap3A_227 = tpu.vector_load %arg13[%swap3A_225, %swap3A_226] {strides = array<i32>} : memref<96x128xf32, #tpu.memory_space<vmem>>, vector<16xf32>,
        tpu.vector_store %arg13[%swap3A_225, %swap3A_226], %mul3A_224 {strides = array<i32>} : memref<96x128xf32, #tpu.memory_space<vmem>>, vector<16xf32>,
        %get3A_228 = arith.index_cast %scan3A_159 : i32 to index
        %get3A_229 = arith.constant 112 : index
        %get3A_230 = tpu.vector_load %arg13[%get3A_228, %get3A_229] {strides = array<i32>} : memref<96x128xf32, #tpu.memory_space<vmem>>, vector<16xf32>,
        %get3A_231 = arith.index_cast %scan3A_159 : i32 to index
        %get3A_232 = arith.constant 112 : index
        %get3A_233 = tpu.vector_load %arg15[%get3A_231, %get3A_232] {strides = array<i32>} : memref<96x128xf32, #tpu.memory_space<vmem>>, vector<16xf32>,
        %mul3A_234 = arith.mulf %get3A_230, %get3A_233 : vector<16xf32>
        %swap3A_235 = arith.index_cast %scan3A_159 : i32 to index
        %swap3A_236 = arith.constant 112 : index
        %swap3A_237 = tpu.vector_load %arg13[%swap3A_235, %swap3A_236] {strides = array<i32>} : memref<96x128xf32, #tpu.memory_space<vmem>>, vector<16xf32>,
        tpu.vector_store %arg13[%swap3A_235, %swap3A_236], %mul3A_234 {strides = array<i32>} : memref<96x128xf32, #tpu.memory_space<vmem>>, vector<16xf32>,
      }
      %scan3A_147 = arith.constant 96 : i32
      %add3A_148 = arith.constant 2 : i32
      %add3A_149 = arith.addi %add3A_119, %add3A_148 : i32
      %lt3A_150 = arith.cmpi slt, %add3A_149, %select_n3A : i32
      %convert_element_type3A_151 = arith.extui %lt3A_150 : i1 to i32
      %cond3A_152 = arith.constant 0 : i32
      %cond3A_153 = arith.cmpi ne, %convert_element_type3A_151, %cond3A_152 : i32
      scf.if %cond3A_153 {
        %add3A_159 = arith.constant 192 : i32
        %add3A_160 = arith.addi %add3A_122, %add3A_159 : i32
        %dma_start3A_161 = arith.constant 0 : i32
        %dma_start3A_162 = tpu.memref_slice %arg3[%add3A_160, %dma_start3A_161] : memref<322560x128xf32, #tpu.memory_space<hbm>> -> memref<96x128xf32, #tpu.memory_space<hbm>>
        %dma_start3A_163 = arith.constant 0 : i32
        %dma_start3A_164 = tpu.memref_slice %arg3[%add3A_160, %dma_start3A_163] : memref<322560x128xf32, #tpu.memory_space<hbm>> -> memref<96x128xf32, #tpu.memory_space<hbm>>
        tpu.enqueue_dma source(%dma_start3A_164 : memref<96x128xf32, #tpu.memory_space<hbm>>) target(%arg15 : memref<96x128xf32, #tpu.memory_space<vmem>>) target_semaphore(%arg24 : memref<!tpu.dma_semaphore, #tpu.memory_space<semaphore_mem>>)
      } else {
      }
      %dma_wait3A_154 = tpu.memref_slice %arg5[%add3A_122] : memref<322560xi32, #tpu.memory_space<hbm>> -> memref<96xi32, #tpu.memory_space<hbm>>
      %dma_wait3A_155 = tpu.memref_slice %arg5[%add3A_122] : memref<322560xi32, #tpu.memory_space<hbm>> -> memref<96xi32, #tpu.memory_space<hbm>>
      tpu.wait_dma2 semaphore(%arg22 : memref<!tpu.dma_semaphore, #tpu.memory_space<semaphore_mem>>) src(%dma_wait3A_155 : memref<96xi32, #tpu.memory_space<hbm>>) dst(%arg11 : memref<96xi32, #tpu.memory_space<vmem>>)
      %dma_start3A_156 = arith.constant 0 : i32
      %dma_start3A_157 = arith.constant 0 : i32
      %dma_start3A_158 = tpu.memref_slice %arg16[%dma_start3A_156, %dma_start3A_157] : memref<10112x128xf32, #tpu.memory_space<vmem_shared>> -> memref<10112x128xf32, #tpu.memory_space<vmem_shared>>
      tpu.enqueue_indirect_dma source(%arg13 : memref<96x128xf32, #tpu.memory_space<vmem>>) target(%dma_start3A_158 : memref<10112x128xf32, #tpu.memory_space<vmem_shared>>) offsets(%arg11 : memref<96xi32, #tpu.memory_space<vmem>>) semaphore(%arg26 : memref<!tpu.dma_semaphore, #tpu.memory_space<semaphore_mem>>) {add = true}
    }
    %while3A_62 = arith.constant 1 : i32
    scf.for %while3A_76 = %while3A_60 to %while3A_56 step %while3A_62  : i32 {
      %mul3A_77 = arith.constant 2 : i32
      %mul3A_78 = arith.muli %while3A_76, %mul3A_77 : i32
      %add3A_79 = arith.constant 0 : i32
      %add3A_80 = arith.addi %mul3A_78, %add3A_79 : i32
      %mul3A_81 = arith.constant 96 : i32
      %mul3A_82 = arith.muli %add3A_80, %mul3A_81 : i32
      %add3A_83 = arith.addi %mul3A_17, %mul3A_82 : i32
      %dma_wait3A_84 = arith.constant 0 : i32
      %dma_wait3A_85 = arith.constant 0 : i32
      %dma_wait3A_86 = tpu.memref_slice %arg2[%dma_wait3A_84, %dma_wait3A_85] : memref<10000x128xf32, #tpu.memory_space<hbm>> -> memref<10000x128xf32, #tpu.memory_space<hbm>>
      tpu.wait_indirect_dma semaphore(%arg17 : memref<!tpu.dma_semaphore, #tpu.memory_space<semaphore_mem>>) src(%dma_wait3A_86 : memref<10000x128xf32, #tpu.memory_space<hbm>>) dst(%arg12 : memref<96x128xf32, #tpu.memory_space<vmem>>)
      %add3A_87 = arith.constant 1 : i32
      %add3A_88 = arith.addi %add3A_80, %add3A_87 : i32
      %lt3A = arith.cmpi slt, %add3A_88, %select_n3A : i32
      %convert_element_type3A = arith.extui %lt3A : i1 to i32
      %cond3A = arith.constant 0 : i32
      %cond3A_89 = arith.cmpi ne, %convert_element_type3A, %cond3A : i32
      scf.if %cond3A_89 {
        %add3A_159 = arith.constant 96 : i32
        %add3A_160 = arith.addi %add3A_83, %add3A_159 : i32
        %dma_wait3A_161 = tpu.memref_slice %arg4[%add3A_160] : memref<322560xi32, #tpu.memory_space<hbm>> -> memref<96xi32, #tpu.memory_space<hbm>>
        %dma_wait3A_162 = tpu.memref_slice %arg4[%add3A_160] : memref<322560xi32, #tpu.memory_space<hbm>> -> memref<96xi32, #tpu.memory_space<hbm>>
        tpu.wait_dma2 semaphore(%arg20 : memref<!tpu.dma_semaphore, #tpu.memory_space<semaphore_mem>>) src(%dma_wait3A_162 : memref<96xi32, #tpu.memory_space<hbm>>) dst(%arg9 : memref<96xi32, #tpu.memory_space<vmem>>)
        %ge3A = arith.constant 1 : i32
        %ge3A_163 = arith.cmpi sge, %add3A_80, %ge3A : i32
        %convert_element_type3A_164 = arith.extui %ge3A_163 : i1 to i32
        %cond3A_165 = arith.constant 0 : i32
        %cond3A_166 = arith.cmpi ne, %convert_element_type3A_164, %cond3A_165 : i32
        scf.if %cond3A_166 {
          %dma_wait3A_174 = arith.constant 0 : i32
          %dma_wait3A_175 = arith.constant 0 : i32
          %dma_wait3A_176 = tpu.memref_slice %arg16[%dma_wait3A_174, %dma_wait3A_175] : memref<10112x128xf32, #tpu.memory_space<vmem_shared>> -> memref<10112x128xf32, #tpu.memory_space<vmem_shared>>
          tpu.wait_indirect_dma semaphore(%arg26 : memref<!tpu.dma_semaphore, #tpu.memory_space<semaphore_mem>>) src(%arg13 : memref<96x128xf32, #tpu.memory_space<vmem>>) dst(%dma_wait3A_176 : memref<10112x128xf32, #tpu.memory_space<vmem_shared>>)
        } else {
        }
        %dma_start3A_167 = arith.constant 0 : i32
        %dma_start3A_168 = arith.constant 0 : i32
        %dma_start3A_169 = tpu.memref_slice %arg2[%dma_start3A_167, %dma_start3A_168] : memref<10000x128xf32, #tpu.memory_space<hbm>> -> memref<10000x128xf32, #tpu.memory_space<hbm>>
        tpu.enqueue_indirect_dma source(%dma_start3A_169 : memref<10000x128xf32, #tpu.memory_space<hbm>>) target(%arg13 : memref<96x128xf32, #tpu.memory_space<vmem>>) offsets(%arg9 : memref<96xi32, #tpu.memory_space<vmem>>) semaphore(%arg18 : memref<!tpu.dma_semaphore, #tpu.memory_space<semaphore_mem>>)
        %add3A_170 = arith.constant 96 : i32
        %add3A_171 = arith.addi %add3A_83, %add3A_170 : i32
        %dma_start3A_172 = tpu.memref_slice %arg5[%add3A_171] : memref<322560xi32, #tpu.memory_space<hbm>> -> memref<96xi32, #tpu.memory_space<hbm>>
        %dma_start3A_173 = tpu.memref_slice %arg5[%add3A_171] : memref<322560xi32, #tpu.memory_space<hbm>> -> memref<96xi32, #tpu.memory_space<hbm>>
        tpu.enqueue_dma source(%dma_start3A_173 : memref<96xi32, #tpu.memory_space<hbm>>) target(%arg11 : memref<96xi32, #tpu.memory_space<vmem>>) target_semaphore(%arg22 : memref<!tpu.dma_semaphore, #tpu.memory_space<semaphore_mem>>)
      } else {
      }
      %add3A_90 = arith.constant 2 : i32
      %add3A_91 = arith.addi %add3A_80, %add3A_90 : i32
      %lt3A_92 = arith.cmpi slt, %add3A_91, %select_n3A : i32
      %convert_element_type3A_93 = arith.extui %lt3A_92 : i1 to i32
      %cond3A_94 = arith.constant 0 : i32
      %cond3A_95 = arith.cmpi ne, %convert_element_type3A_93, %cond3A_94 : i32
      scf.if %cond3A_95 {
        %add3A_159 = arith.constant 192 : i32
        %add3A_160 = arith.addi %add3A_83, %add3A_159 : i32
        %dma_start3A_161 = tpu.memref_slice %arg4[%add3A_160] : memref<322560xi32, #tpu.memory_space<hbm>> -> memref<96xi32, #tpu.memory_space<hbm>>
        %dma_start3A_162 = tpu.memref_slice %arg4[%add3A_160] : memref<322560xi32, #tpu.memory_space<hbm>> -> memref<96xi32, #tpu.memory_space<hbm>>
        tpu.enqueue_dma source(%dma_start3A_162 : memref<96xi32, #tpu.memory_space<hbm>>) target(%arg8 : memref<96xi32, #tpu.memory_space<vmem>>) target_semaphore(%arg19 : memref<!tpu.dma_semaphore, #tpu.memory_space<semaphore_mem>>)
      } else {
      }
      %dma_wait3A_96 = arith.constant 0 : i32
      %dma_wait3A_97 = tpu.memref_slice %arg3[%add3A_83, %dma_wait3A_96] : memref<322560x128xf32, #tpu.memory_space<hbm>> -> memref<96x128xf32, #tpu.memory_space<hbm>>
      %dma_wait3A_98 = arith.constant 0 : i32
      %dma_wait3A_99 = tpu.memref_slice %arg3[%add3A_83, %dma_wait3A_98] : memref<322560x128xf32, #tpu.memory_space<hbm>> -> memref<96x128xf32, #tpu.memory_space<hbm>>
      tpu.wait_dma2 semaphore(%arg23 : memref<!tpu.dma_semaphore, #tpu.memory_space<semaphore_mem>>) src(%dma_wait3A_99 : memref<96x128xf32, #tpu.memory_space<hbm>>) dst(%arg14 : memref<96x128xf32, #tpu.memory_space<vmem>>)
      %scan3A = arith.constant 0 : i32
      %scan3A_100 = arith.constant 0 : i32
      %scan3A_101 = arith.constant 96 : i32
      %scan3A_102 = arith.addi %scan3A_100, %scan3A_101 : i32
      %scan3A_103 = arith.constant 1 : i32
      scf.for %scan3A_159 = %scan3A_100 to %scan3A_102 step %scan3A_103  : i32 {
        %get3A = arith.index_cast %scan3A_159 : i32 to index
        %get3A_160 = arith.constant 0 : index
        %get3A_161 = tpu.vector_load %arg12[%get3A, %get3A_160] {strides = array<i32>} : memref<96x128xf32, #tpu.memory_space<vmem>>, vector<16xf32>,
        %get3A_162 = arith.index_cast %scan3A_159 : i32 to index
        %get3A_163 = arith.constant 0 : index
        %get3A_164 = tpu.vector_load %arg14[%get3A_162, %get3A_163] {strides = array<i32>} : memref<96x128xf32, #tpu.memory_space<vmem>>, vector<16xf32>,
        %mul3A_165 = arith.mulf %get3A_161, %get3A_164 : vector<16xf32>
        %swap3A = arith.index_cast %scan3A_159 : i32 to index
        %swap3A_166 = arith.constant 0 : index
        %swap3A_167 = tpu.vector_load %arg12[%swap3A, %swap3A_166] {strides = array<i32>} : memref<96x128xf32, #tpu.memory_space<vmem>>, vector<16xf32>,
        tpu.vector_store %arg12[%swap3A, %swap3A_166], %mul3A_165 {strides = array<i32>} : memref<96x128xf32, #tpu.memory_space<vmem>>, vector<16xf32>,
        %get3A_168 = arith.index_cast %scan3A_159 : i32 to index
        %get3A_169 = arith.constant 16 : index
        %get3A_170 = tpu.vector_load %arg12[%get3A_168, %get3A_169] {strides = array<i32>} : memref<96x128xf32, #tpu.memory_space<vmem>>, vector<16xf32>,
        %get3A_171 = arith.index_cast %scan3A_159 : i32 to index
        %get3A_172 = arith.constant 16 : index
        %get3A_173 = tpu.vector_load %arg14[%get3A_171, %get3A_172] {strides = array<i32>} : memref<96x128xf32, #tpu.memory_space<vmem>>, vector<16xf32>,
        %mul3A_174 = arith.mulf %get3A_170, %get3A_173 : vector<16xf32>
        %swap3A_175 = arith.index_cast %scan3A_159 : i32 to index
        %swap3A_176 = arith.constant 16 : index
        %swap3A_177 = tpu.vector_load %arg12[%swap3A_175, %swap3A_176] {strides = array<i32>} : memref<96x128xf32, #tpu.memory_space<vmem>>, vector<16xf32>,
        tpu.vector_store %arg12[%swap3A_175, %swap3A_176], %mul3A_174 {strides = array<i32>} : memref<96x128xf32, #tpu.memory_space<vmem>>, vector<16xf32>,
        %get3A_178 = arith.index_cast %scan3A_159 : i32 to index
        %get3A_179 = arith.constant 32 : index
        %get3A_180 = tpu.vector_load %arg12[%get3A_178, %get3A_179] {strides = array<i32>} : memref<96x128xf32, #tpu.memory_space<vmem>>, vector<16xf32>,
        %get3A_181 = arith.index_cast %scan3A_159 : i32 to index
        %get3A_182 = arith.constant 32 : index
        %get3A_183 = tpu.vector_load %arg14[%get3A_181, %get3A_182] {strides = array<i32>} : memref<96x128xf32, #tpu.memory_space<vmem>>, vector<16xf32>,
        %mul3A_184 = arith.mulf %get3A_180, %get3A_183 : vector<16xf32>
        %swap3A_185 = arith.index_cast %scan3A_159 : i32 to index
        %swap3A_186 = arith.constant 32 : index
        %swap3A_187 = tpu.vector_load %arg12[%swap3A_185, %swap3A_186] {strides = array<i32>} : memref<96x128xf32, #tpu.memory_space<vmem>>, vector<16xf32>,
        tpu.vector_store %arg12[%swap3A_185, %swap3A_186], %mul3A_184 {strides = array<i32>} : memref<96x128xf32, #tpu.memory_space<vmem>>, vector<16xf32>,
        %get3A_188 = arith.index_cast %scan3A_159 : i32 to index
        %get3A_189 = arith.constant 48 : index
        %get3A_190 = tpu.vector_load %arg12[%get3A_188, %get3A_189] {strides = array<i32>} : memref<96x128xf32, #tpu.memory_space<vmem>>, vector<16xf32>,
        %get3A_191 = arith.index_cast %scan3A_159 : i32 to index
        %get3A_192 = arith.constant 48 : index
        %get3A_193 = tpu.vector_load %arg14[%get3A_191, %get3A_192] {strides = array<i32>} : memref<96x128xf32, #tpu.memory_space<vmem>>, vector<16xf32>,
        %mul3A_194 = arith.mulf %get3A_190, %get3A_193 : vector<16xf32>
        %swap3A_195 = arith.index_cast %scan3A_159 : i32 to index
        %swap3A_196 = arith.constant 48 : index
        %swap3A_197 = tpu.vector_load %arg12[%swap3A_195, %swap3A_196] {strides = array<i32>} : memref<96x128xf32, #tpu.memory_space<vmem>>, vector<16xf32>,
        tpu.vector_store %arg12[%swap3A_195, %swap3A_196], %mul3A_194 {strides = array<i32>} : memref<96x128xf32, #tpu.memory_space<vmem>>, vector<16xf32>,
        %get3A_198 = arith.index_cast %scan3A_159 : i32 to index
        %get3A_199 = arith.constant 64 : index
        %get3A_200 = tpu.vector_load %arg12[%get3A_198, %get3A_199] {strides = array<i32>} : memref<96x128xf32, #tpu.memory_space<vmem>>, vector<16xf32>,
        %get3A_201 = arith.index_cast %scan3A_159 : i32 to index
        %get3A_202 = arith.constant 64 : index
        %get3A_203 = tpu.vector_load %arg14[%get3A_201, %get3A_202] {strides = array<i32>} : memref<96x128xf32, #tpu.memory_space<vmem>>, vector<16xf32>,
        %mul3A_204 = arith.mulf %get3A_200, %get3A_203 : vector<16xf32>
        %swap3A_205 = arith.index_cast %scan3A_159 : i32 to index
        %swap3A_206 = arith.constant 64 : index
        %swap3A_207 = tpu.vector_load %arg12[%swap3A_205, %swap3A_206] {strides = array<i32>} : memref<96x128xf32, #tpu.memory_space<vmem>>, vector<16xf32>,
        tpu.vector_store %arg12[%swap3A_205, %swap3A_206], %mul3A_204 {strides = array<i32>} : memref<96x128xf32, #tpu.memory_space<vmem>>, vector<16xf32>,
        %get3A_208 = arith.index_cast %scan3A_159 : i32 to index
        %get3A_209 = arith.constant 80 : index
        %get3A_210 = tpu.vector_load %arg12[%get3A_208, %get3A_209] {strides = array<i32>} : memref<96x128xf32, #tpu.memory_space<vmem>>, vector<16xf32>,
        %get3A_211 = arith.index_cast %scan3A_159 : i32 to index
        %get3A_212 = arith.constant 80 : index
        %get3A_213 = tpu.vector_load %arg14[%get3A_211, %get3A_212] {strides = array<i32>} : memref<96x128xf32, #tpu.memory_space<vmem>>, vector<16xf32>,
        %mul3A_214 = arith.mulf %get3A_210, %get3A_213 : vector<16xf32>
        %swap3A_215 = arith.index_cast %scan3A_159 : i32 to index
        %swap3A_216 = arith.constant 80 : index
        %swap3A_217 = tpu.vector_load %arg12[%swap3A_215, %swap3A_216] {strides = array<i32>} : memref<96x128xf32, #tpu.memory_space<vmem>>, vector<16xf32>,
        tpu.vector_store %arg12[%swap3A_215, %swap3A_216], %mul3A_214 {strides = array<i32>} : memref<96x128xf32, #tpu.memory_space<vmem>>, vector<16xf32>,
        %get3A_218 = arith.index_cast %scan3A_159 : i32 to index
        %get3A_219 = arith.constant 96 : index
        %get3A_220 = tpu.vector_load %arg12[%get3A_218, %get3A_219] {strides = array<i32>} : memref<96x128xf32, #tpu.memory_space<vmem>>, vector<16xf32>,
        %get3A_221 = arith.index_cast %scan3A_159 : i32 to index
        %get3A_222 = arith.constant 96 : index
        %get3A_223 = tpu.vector_load %arg14[%get3A_221, %get3A_222] {strides = array<i32>} : memref<96x128xf32, #tpu.memory_space<vmem>>, vector<16xf32>,
        %mul3A_224 = arith.mulf %get3A_220, %get3A_223 : vector<16xf32>
        %swap3A_225 = arith.index_cast %scan3A_159 : i32 to index
        %swap3A_226 = arith.constant 96 : index
        %swap3A_227 = tpu.vector_load %arg12[%swap3A_225, %swap3A_226] {strides = array<i32>} : memref<96x128xf32, #tpu.memory_space<vmem>>, vector<16xf32>,
        tpu.vector_store %arg12[%swap3A_225, %swap3A_226], %mul3A_224 {strides = array<i32>} : memref<96x128xf32, #tpu.memory_space<vmem>>, vector<16xf32>,
        %get3A_228 = arith.index_cast %scan3A_159 : i32 to index
        %get3A_229 = arith.constant 112 : index
        %get3A_230 = tpu.vector_load %arg12[%get3A_228, %get3A_229] {strides = array<i32>} : memref<96x128xf32, #tpu.memory_space<vmem>>, vector<16xf32>,
        %get3A_231 = arith.index_cast %scan3A_159 : i32 to index
        %get3A_232 = arith.constant 112 : index
        %get3A_233 = tpu.vector_load %arg14[%get3A_231, %get3A_232] {strides = array<i32>} : memref<96x128xf32, #tpu.memory_space<vmem>>, vector<16xf32>,
        %mul3A_234 = arith.mulf %get3A_230, %get3A_233 : vector<16xf32>
        %swap3A_235 = arith.index_cast %scan3A_159 : i32 to index
        %swap3A_236 = arith.constant 112 : index
        %swap3A_237 = tpu.vector_load %arg12[%swap3A_235, %swap3A_236] {strides = array<i32>} : memref<96x128xf32, #tpu.memory_space<vmem>>, vector<16xf32>,
        tpu.vector_store %arg12[%swap3A_235, %swap3A_236], %mul3A_234 {strides = array<i32>} : memref<96x128xf32, #tpu.memory_space<vmem>>, vector<16xf32>,
      }
      %scan3A_104 = arith.constant 96 : i32
      %add3A_105 = arith.constant 2 : i32
      %add3A_106 = arith.addi %add3A_80, %add3A_105 : i32
      %lt3A_107 = arith.cmpi slt, %add3A_106, %select_n3A : i32
      %convert_element_type3A_108 = arith.extui %lt3A_107 : i1 to i32
      %cond3A_109 = arith.constant 0 : i32
      %cond3A_110 = arith.cmpi ne, %convert_element_type3A_108, %cond3A_109 : i32
      scf.if %cond3A_110 {
        %add3A_159 = arith.constant 192 : i32
        %add3A_160 = arith.addi %add3A_83, %add3A_159 : i32
        %dma_start3A_161 = arith.constant 0 : i32
        %dma_start3A_162 = tpu.memref_slice %arg3[%add3A_160, %dma_start3A_161] : memref<322560x128xf32, #tpu.memory_space<hbm>> -> memref<96x128xf32, #tpu.memory_space<hbm>>
        %dma_start3A_163 = arith.constant 0 : i32
        %dma_start3A_164 = tpu.memref_slice %arg3[%add3A_160, %dma_start3A_163] : memref<322560x128xf32, #tpu.memory_space<hbm>> -> memref<96x128xf32, #tpu.memory_space<hbm>>
        tpu.enqueue_dma source(%dma_start3A_164 : memref<96x128xf32, #tpu.memory_space<hbm>>) target(%arg14 : memref<96x128xf32, #tpu.memory_space<vmem>>) target_semaphore(%arg23 : memref<!tpu.dma_semaphore, #tpu.memory_space<semaphore_mem>>)
      } else {
      }
      %dma_wait3A_111 = tpu.memref_slice %arg5[%add3A_83] : memref<322560xi32, #tpu.memory_space<hbm>> -> memref<96xi32, #tpu.memory_space<hbm>>
      %dma_wait3A_112 = tpu.memref_slice %arg5[%add3A_83] : memref<322560xi32, #tpu.memory_space<hbm>> -> memref<96xi32, #tpu.memory_space<hbm>>
      tpu.wait_dma2 semaphore(%arg21 : memref<!tpu.dma_semaphore, #tpu.memory_space<semaphore_mem>>) src(%dma_wait3A_112 : memref<96xi32, #tpu.memory_space<hbm>>) dst(%arg10 : memref<96xi32, #tpu.memory_space<vmem>>)
      %dma_start3A_113 = arith.constant 0 : i32
      %dma_start3A_114 = arith.constant 0 : i32
      %dma_start3A_115 = tpu.memref_slice %arg16[%dma_start3A_113, %dma_start3A_114] : memref<10112x128xf32, #tpu.memory_space<vmem_shared>> -> memref<10112x128xf32, #tpu.memory_space<vmem_shared>>
      tpu.enqueue_indirect_dma source(%arg12 : memref<96x128xf32, #tpu.memory_space<vmem>>) target(%dma_start3A_115 : memref<10112x128xf32, #tpu.memory_space<vmem_shared>>) offsets(%arg10 : memref<96xi32, #tpu.memory_space<vmem>>) semaphore(%arg25 : memref<!tpu.dma_semaphore, #tpu.memory_space<semaphore_mem>>) {add = true}
      %mul3A_116 = arith.constant 2 : i32
      %mul3A_117 = arith.muli %while3A_76, %mul3A_116 : i32
      %add3A_118 = arith.constant 1 : i32
      %add3A_119 = arith.addi %mul3A_117, %add3A_118 : i32
      %mul3A_120 = arith.constant 96 : i32
      %mul3A_121 = arith.muli %add3A_119, %mul3A_120 : i32
      %add3A_122 = arith.addi %mul3A_17, %mul3A_121 : i32
      %dma_wait3A_123 = arith.constant 0 : i32
      %dma_wait3A_124 = arith.constant 0 : i32
      %dma_wait3A_125 = tpu.memref_slice %arg2[%dma_wait3A_123, %dma_wait3A_124] : memref<10000x128xf32, #tpu.memory_space<hbm>> -> memref<10000x128xf32, #tpu.memory_space<hbm>>
      tpu.wait_indirect_dma semaphore(%arg18 : memref<!tpu.dma_semaphore, #tpu.memory_space<semaphore_mem>>) src(%dma_wait3A_125 : memref<10000x128xf32, #tpu.memory_space<hbm>>) dst(%arg13 : memref<96x128xf32, #tpu.memory_space<vmem>>)
      %add3A_126 = arith.constant 1 : i32
      %add3A_127 = arith.addi %add3A_119, %add3A_126 : i32
      %lt3A_128 = arith.cmpi slt, %add3A_127, %select_n3A : i32
      %convert_element_type3A_129 = arith.extui %lt3A_128 : i1 to i32
      %cond3A_130 = arith.constant 0 : i32
      %cond3A_131 = arith.cmpi ne, %convert_element_type3A_129, %cond3A_130 : i32
      scf.if %cond3A_131 {
        %add3A_159 = arith.constant 96 : i32
        %add3A_160 = arith.addi %add3A_122, %add3A_159 : i32
        %dma_wait3A_161 = tpu.memref_slice %arg4[%add3A_160] : memref<322560xi32, #tpu.memory_space<hbm>> -> memref<96xi32, #tpu.memory_space<hbm>>
        %dma_wait3A_162 = tpu.memref_slice %arg4[%add3A_160] : memref<322560xi32, #tpu.memory_space<hbm>> -> memref<96xi32, #tpu.memory_space<hbm>>
        tpu.wait_dma2 semaphore(%arg19 : memref<!tpu.dma_semaphore, #tpu.memory_space<semaphore_mem>>) src(%dma_wait3A_162 : memref<96xi32, #tpu.memory_space<hbm>>) dst(%arg8 : memref<96xi32, #tpu.memory_space<vmem>>)
        %ge3A = arith.constant 1 : i32
        %ge3A_163 = arith.cmpi sge, %add3A_119, %ge3A : i32
        %convert_element_type3A_164 = arith.extui %ge3A_163 : i1 to i32
        %cond3A_165 = arith.constant 0 : i32
        %cond3A_166 = arith.cmpi ne, %convert_element_type3A_164, %cond3A_165 : i32
        scf.if %cond3A_166 {
          %dma_wait3A_174 = arith.constant 0 : i32
          %dma_wait3A_175 = arith.constant 0 : i32
          %dma_wait3A_176 = tpu.memref_slice %arg16[%dma_wait3A_174, %dma_wait3A_175] : memref<10112x128xf32, #tpu.memory_space<vmem_shared>> -> memref<10112x128xf32, #tpu.memory_space<vmem_shared>>
          tpu.wait_indirect_dma semaphore(%arg25 : memref<!tpu.dma_semaphore, #tpu.memory_space<semaphore_mem>>) src(%arg12 : memref<96x128xf32, #tpu.memory_space<vmem>>) dst(%dma_wait3A_176 : memref<10112x128xf32, #tpu.memory_space<vmem_shared>>)
        } else {
        }
        %dma_start3A_167 = arith.constant 0 : i32
        %dma_start3A_168 = arith.constant 0 : i32
        %dma_start3A_169 = tpu.memref_slice %arg2[%dma_start3A_167, %dma_start3A_168] : memref<10000x128xf32, #tpu.memory_space<hbm>> -> memref<10000x128xf32, #tpu.memory_space<hbm>>
        tpu.enqueue_indirect_dma source(%dma_start3A_169 : memref<10000x128xf32, #tpu.memory_space<hbm>>) target(%arg12 : memref<96x128xf32, #tpu.memory_space<vmem>>) offsets(%arg8 : memref<96xi32, #tpu.memory_space<vmem>>) semaphore(%arg17 : memref<!tpu.dma_semaphore, #tpu.memory_space<semaphore_mem>>)
        %add3A_170 = arith.constant 96 : i32
        %add3A_171 = arith.addi %add3A_122, %add3A_170 : i32
        %dma_start3A_172 = tpu.memref_slice %arg5[%add3A_171] : memref<322560xi32, #tpu.memory_space<hbm>> -> memref<96xi32, #tpu.memory_space<hbm>>
        %dma_start3A_173 = tpu.memref_slice %arg5[%add3A_171] : memref<322560xi32, #tpu.memory_space<hbm>> -> memref<96xi32, #tpu.memory_space<hbm>>
        tpu.enqueue_dma source(%dma_start3A_173 : memref<96xi32, #tpu.memory_space<hbm>>) target(%arg10 : memref<96xi32, #tpu.memory_space<vmem>>) target_semaphore(%arg21 : memref<!tpu.dma_semaphore, #tpu.memory_space<semaphore_mem>>)
      } else {
      }
      %add3A_132 = arith.constant 2 : i32
      %add3A_133 = arith.addi %add3A_119, %add3A_132 : i32
      %lt3A_134 = arith.cmpi slt, %add3A_133, %select_n3A : i32
      %convert_element_type3A_135 = arith.extui %lt3A_134 : i1 to i32
      %cond3A_136 = arith.constant 0 : i32
      %cond3A_137 = arith.cmpi ne, %convert_element_type3A_135, %cond3A_136 : i32
      scf.if %cond3A_137 {
        %add3A_159 = arith.constant 192 : i32
        %add3A_160 = arith.addi %add3A_122, %add3A_159 : i32
        %dma_start3A_161 = tpu.memref_slice %arg4[%add3A_160] : memref<322560xi32, #tpu.memory_space<hbm>> -> memref<96xi32, #tpu.memory_space<hbm>>
        %dma_start3A_162 = tpu.memref_slice %arg4[%add3A_160] : memref<322560xi32, #tpu.memory_space<hbm>> -> memref<96xi32, #tpu.memory_space<hbm>>
        tpu.enqueue_dma source(%dma_start3A_162 : memref<96xi32, #tpu.memory_space<hbm>>) target(%arg9 : memref<96xi32, #tpu.memory_space<vmem>>) target_semaphore(%arg20 : memref<!tpu.dma_semaphore, #tpu.memory_space<semaphore_mem>>)
      } else {
      }
      %dma_wait3A_138 = arith.constant 0 : i32
      %dma_wait3A_139 = tpu.memref_slice %arg3[%add3A_122, %dma_wait3A_138] : memref<322560x128xf32, #tpu.memory_space<hbm>> -> memref<96x128xf32, #tpu.memory_space<hbm>>
      %dma_wait3A_140 = arith.constant 0 : i32
      %dma_wait3A_141 = tpu.memref_slice %arg3[%add3A_122, %dma_wait3A_140] : memref<322560x128xf32, #tpu.memory_space<hbm>> -> memref<96x128xf32, #tpu.memory_space<hbm>>
      tpu.wait_dma2 semaphore(%arg24 : memref<!tpu.dma_semaphore, #tpu.memory_space<semaphore_mem>>) src(%dma_wait3A_141 : memref<96x128xf32, #tpu.memory_space<hbm>>) dst(%arg15 : memref<96x128xf32, #tpu.memory_space<vmem>>)
      %scan3A_142 = arith.constant 0 : i32
      %scan3A_143 = arith.constant 0 : i32
      %scan3A_144 = arith.constant 96 : i32
      %scan3A_145 = arith.addi %scan3A_143, %scan3A_144 : i32
      %scan3A_146 = arith.constant 1 : i32
      scf.for %scan3A_159 = %scan3A_143 to %scan3A_145 step %scan3A_146  : i32 {
        %get3A = arith.index_cast %scan3A_159 : i32 to index
        %get3A_160 = arith.constant 0 : index
        %get3A_161 = tpu.vector_load %arg13[%get3A, %get3A_160] {strides = array<i32>} : memref<96x128xf32, #tpu.memory_space<vmem>>, vector<16xf32>,
        %get3A_162 = arith.index_cast %scan3A_159 : i32 to index
        %get3A_163 = arith.constant 0 : index
        %get3A_164 = tpu.vector_load %arg15[%get3A_162, %get3A_163] {strides = array<i32>} : memref<96x128xf32, #tpu.memory_space<vmem>>, vector<16xf32>,
        %mul3A_165 = arith.mulf %get3A_161, %get3A_164 : vector<16xf32>
        %swap3A = arith.index_cast %scan3A_159 : i32 to index
        %swap3A_166 = arith.constant 0 : index
        %swap3A_167 = tpu.vector_load %arg13[%swap3A, %swap3A_166] {strides = array<i32>} : memref<96x128xf32, #tpu.memory_space<vmem>>, vector<16xf32>,
        tpu.vector_store %arg13[%swap3A, %swap3A_166], %mul3A_165 {strides = array<i32>} : memref<96x128xf32, #tpu.memory_space<vmem>>, vector<16xf32>,
        %get3A_168 = arith.index_cast %scan3A_159 : i32 to index
        %get3A_169 = arith.constant 16 : index
        %get3A_170 = tpu.vector_load %arg13[%get3A_168, %get3A_169] {strides = array<i32>} : memref<96x128xf32, #tpu.memory_space<vmem>>, vector<16xf32>,
        %get3A_171 = arith.index_cast %scan3A_159 : i32 to index
        %get3A_172 = arith.constant 16 : index
        %get3A_173 = tpu.vector_load %arg15[%get3A_171, %get3A_172] {strides = array<i32>} : memref<96x128xf32, #tpu.memory_space<vmem>>, vector<16xf32>,
        %mul3A_174 = arith.mulf %get3A_170, %get3A_173 : vector<16xf32>
        %swap3A_175 = arith.index_cast %scan3A_159 : i32 to index
        %swap3A_176 = arith.constant 16 : index
        %swap3A_177 = tpu.vector_load %arg13[%swap3A_175, %swap3A_176] {strides = array<i32>} : memref<96x128xf32, #tpu.memory_space<vmem>>, vector<16xf32>,
        tpu.vector_store %arg13[%swap3A_175, %swap3A_176], %mul3A_174 {strides = array<i32>} : memref<96x128xf32, #tpu.memory_space<vmem>>, vector<16xf32>,
        %get3A_178 = arith.index_cast %scan3A_159 : i32 to index
        %get3A_179 = arith.constant 32 : index
        %get3A_180 = tpu.vector_load %arg13[%get3A_178, %get3A_179] {strides = array<i32>} : memref<96x128xf32, #tpu.memory_space<vmem>>, vector<16xf32>,
        %get3A_181 = arith.index_cast %scan3A_159 : i32 to index
        %get3A_182 = arith.constant 32 : index
        %get3A_183 = tpu.vector_load %arg15[%get3A_181, %get3A_182] {strides = array<i32>} : memref<96x128xf32, #tpu.memory_space<vmem>>, vector<16xf32>,
        %mul3A_184 = arith.mulf %get3A_180, %get3A_183 : vector<16xf32>
        %swap3A_185 = arith.index_cast %scan3A_159 : i32 to index
        %swap3A_186 = arith.constant 32 : index
        %swap3A_187 = tpu.vector_load %arg13[%swap3A_185, %swap3A_186] {strides = array<i32>} : memref<96x128xf32, #tpu.memory_space<vmem>>, vector<16xf32>,
        tpu.vector_store %arg13[%swap3A_185, %swap3A_186], %mul3A_184 {strides = array<i32>} : memref<96x128xf32, #tpu.memory_space<vmem>>, vector<16xf32>,
        %get3A_188 = arith.index_cast %scan3A_159 : i32 to index
        %get3A_189 = arith.constant 48 : index
        %get3A_190 = tpu.vector_load %arg13[%get3A_188, %get3A_189] {strides = array<i32>} : memref<96x128xf32, #tpu.memory_space<vmem>>, vector<16xf32>,
        %get3A_191 = arith.index_cast %scan3A_159 : i32 to index
        %get3A_192 = arith.constant 48 : index
        %get3A_193 = tpu.vector_load %arg15[%get3A_191, %get3A_192] {strides = array<i32>} : memref<96x128xf32, #tpu.memory_space<vmem>>, vector<16xf32>,
        %mul3A_194 = arith.mulf %get3A_190, %get3A_193 : vector<16xf32>
        %swap3A_195 = arith.index_cast %scan3A_159 : i32 to index
        %swap3A_196 = arith.constant 48 : index
        %swap3A_197 = tpu.vector_load %arg13[%swap3A_195, %swap3A_196] {strides = array<i32>} : memref<96x128xf32, #tpu.memory_space<vmem>>, vector<16xf32>,
        tpu.vector_store %arg13[%swap3A_195, %swap3A_196], %mul3A_194 {strides = array<i32>} : memref<96x128xf32, #tpu.memory_space<vmem>>, vector<16xf32>,
        %get3A_198 = arith.index_cast %scan3A_159 : i32 to index
        %get3A_199 = arith.constant 64 : index
        %get3A_200 = tpu.vector_load %arg13[%get3A_198, %get3A_199] {strides = array<i32>} : memref<96x128xf32, #tpu.memory_space<vmem>>, vector<16xf32>,
        %get3A_201 = arith.index_cast %scan3A_159 : i32 to index
        %get3A_202 = arith.constant 64 : index
        %get3A_203 = tpu.vector_load %arg15[%get3A_201, %get3A_202] {strides = array<i32>} : memref<96x128xf32, #tpu.memory_space<vmem>>, vector<16xf32>,
        %mul3A_204 = arith.mulf %get3A_200, %get3A_203 : vector<16xf32>
        %swap3A_205 = arith.index_cast %scan3A_159 : i32 to index
        %swap3A_206 = arith.constant 64 : index
        %swap3A_207 = tpu.vector_load %arg13[%swap3A_205, %swap3A_206] {strides = array<i32>} : memref<96x128xf32, #tpu.memory_space<vmem>>, vector<16xf32>,
        tpu.vector_store %arg13[%swap3A_205, %swap3A_206], %mul3A_204 {strides = array<i32>} : memref<96x128xf32, #tpu.memory_space<vmem>>, vector<16xf32>,
        %get3A_208 = arith.index_cast %scan3A_159 : i32 to index
        %get3A_209 = arith.constant 80 : index
        %get3A_210 = tpu.vector_load %arg13[%get3A_208, %get3A_209] {strides = array<i32>} : memref<96x128xf32, #tpu.memory_space<vmem>>, vector<16xf32>,
        %get3A_211 = arith.index_cast %scan3A_159 : i32 to index
        %get3A_212 = arith.constant 80 : index
        %get3A_213 = tpu.vector_load %arg15[%get3A_211, %get3A_212] {strides = array<i32>} : memref<96x128xf32, #tpu.memory_space<vmem>>, vector<16xf32>,
        %mul3A_214 = arith.mulf %get3A_210, %get3A_213 : vector<16xf32>
        %swap3A_215 = arith.index_cast %scan3A_159 : i32 to index
        %swap3A_216 = arith.constant 80 : index
        %swap3A_217 = tpu.vector_load %arg13[%swap3A_215, %swap3A_216] {strides = array<i32>} : memref<96x128xf32, #tpu.memory_space<vmem>>, vector<16xf32>,
        tpu.vector_store %arg13[%swap3A_215, %swap3A_216], %mul3A_214 {strides = array<i32>} : memref<96x128xf32, #tpu.memory_space<vmem>>, vector<16xf32>,
        %get3A_218 = arith.index_cast %scan3A_159 : i32 to index
        %get3A_219 = arith.constant 96 : index
        %get3A_220 = tpu.vector_load %arg13[%get3A_218, %get3A_219] {strides = array<i32>} : memref<96x128xf32, #tpu.memory_space<vmem>>, vector<16xf32>,
        %get3A_221 = arith.index_cast %scan3A_159 : i32 to index
        %get3A_222 = arith.constant 96 : index
        %get3A_223 = tpu.vector_load %arg15[%get3A_221, %get3A_222] {strides = array<i32>} : memref<96x128xf32, #tpu.memory_space<vmem>>, vector<16xf32>,
        %mul3A_224 = arith.mulf %get3A_220, %get3A_223 : vector<16xf32>
        %swap3A_225 = arith.index_cast %scan3A_159 : i32 to index
        %swap3A_226 = arith.constant 96 : index
        %swap3A_227 = tpu.vector_load %arg13[%swap3A_225, %swap3A_226] {strides = array<i32>} : memref<96x128xf32, #tpu.memory_space<vmem>>, vector<16xf32>,
        tpu.vector_store %arg13[%swap3A_225, %swap3A_226], %mul3A_224 {strides = array<i32>} : memref<96x128xf32, #tpu.memory_space<vmem>>, vector<16xf32>,
        %get3A_228 = arith.index_cast %scan3A_159 : i32 to index
        %get3A_229 = arith.constant 112 : index
        %get3A_230 = tpu.vector_load %arg13[%get3A_228, %get3A_229] {strides = array<i32>} : memref<96x128xf32, #tpu.memory_space<vmem>>, vector<16xf32>,
        %get3A_231 = arith.index_cast %scan3A_159 : i32 to index
        %get3A_232 = arith.constant 112 : index
        %get3A_233 = tpu.vector_load %arg15[%get3A_231, %get3A_232] {strides = array<i32>} : memref<96x128xf32, #tpu.memory_space<vmem>>, vector<16xf32>,
        %mul3A_234 = arith.mulf %get3A_230, %get3A_233 : vector<16xf32>
        %swap3A_235 = arith.index_cast %scan3A_159 : i32 to index
        %swap3A_236 = arith.constant 112 : index
        %swap3A_237 = tpu.vector_load %arg13[%swap3A_235, %swap3A_236] {strides = array<i32>} : memref<96x128xf32, #tpu.memory_space<vmem>>, vector<16xf32>,
        tpu.vector_store %arg13[%swap3A_235, %swap3A_236], %mul3A_234 {strides = array<i32>} : memref<96x128xf32, #tpu.memory_space<vmem>>, vector<16xf32>,
      }
      %scan3A_147 = arith.constant 96 : i32
      %add3A_148 = arith.constant 2 : i32
      %add3A_149 = arith.addi %add3A_119, %add3A_148 : i32
      %lt3A_150 = arith.cmpi slt, %add3A_149, %select_n3A : i32
      %convert_element_type3A_151 = arith.extui %lt3A_150 : i1 to i32
      %cond3A_152 = arith.constant 0 : i32
      %cond3A_153 = arith.cmpi ne, %convert_element_type3A_151, %cond3A_152 : i32
      scf.if %cond3A_153 {
        %add3A_159 = arith.constant 192 : i32
        %add3A_160 = arith.addi %add3A_122, %add3A_159 : i32
        %dma_start3A_161 = arith.constant 0 : i32
        %dma_start3A_162 = tpu.memref_slice %arg3[%add3A_160, %dma_start3A_161] : memref<322560x128xf32, #tpu.memory_space<hbm>> -> memref<96x128xf32, #tpu.memory_space<hbm>>
        %dma_start3A_163 = arith.constant 0 : i32
        %dma_start3A_164 = tpu.memref_slice %arg3[%add3A_160, %dma_start3A_163] : memref<322560x128xf32, #tpu.memory_space<hbm>> -> memref<96x128xf32, #tpu.memory_space<hbm>>
        tpu.enqueue_dma source(%dma_start3A_164 : memref<96x128xf32, #tpu.memory_space<hbm>>) target(%arg15 : memref<96x128xf32, #tpu.memory_space<vmem>>) target_semaphore(%arg24 : memref<!tpu.dma_semaphore, #tpu.memory_space<semaphore_mem>>)
      } else {
      }
      %dma_wait3A_154 = tpu.memref_slice %arg5[%add3A_122] : memref<322560xi32, #tpu.memory_space<hbm>> -> memref<96xi32, #tpu.memory_space<hbm>>
      %dma_wait3A_155 = tpu.memref_slice %arg5[%add3A_122] : memref<322560xi32, #tpu.memory_space<hbm>> -> memref<96xi32, #tpu.memory_space<hbm>>
      tpu.wait_dma2 semaphore(%arg22 : memref<!tpu.dma_semaphore, #tpu.memory_space<semaphore_mem>>) src(%dma_wait3A_155 : memref<96xi32, #tpu.memory_space<hbm>>) dst(%arg11 : memref<96xi32, #tpu.memory_space<vmem>>)
      %dma_start3A_156 = arith.constant 0 : i32
      %dma_start3A_157 = arith.constant 0 : i32
      %dma_start3A_158 = tpu.memref_slice %arg16[%dma_start3A_156, %dma_start3A_157] : memref<10112x128xf32, #tpu.memory_space<vmem_shared>> -> memref<10112x128xf32, #tpu.memory_space<vmem_shared>>
      tpu.enqueue_indirect_dma source(%arg13 : memref<96x128xf32, #tpu.memory_space<vmem>>) target(%dma_start3A_158 : memref<10112x128xf32, #tpu.memory_space<vmem_shared>>) offsets(%arg11 : memref<96xi32, #tpu.memory_space<vmem>>) semaphore(%arg26 : memref<!tpu.dma_semaphore, #tpu.memory_space<semaphore_mem>>) {add = true}
    }
    %dma_wait3A = arith.constant 0 : i32
    %dma_wait3A_63 = arith.constant 0 : i32
    %dma_wait3A_64 = tpu.memref_slice %arg16[%dma_wait3A, %dma_wait3A_63] : memref<10112x128xf32, #tpu.memory_space<vmem_shared>> -> memref<10112x128xf32, #tpu.memory_space<vmem_shared>>
    tpu.wait_indirect_dma semaphore(%arg25 : memref<!tpu.dma_semaphore, #tpu.memory_space<semaphore_mem>>) src(%arg12 : memref<96x128xf32, #tpu.memory_space<vmem>>) dst(%dma_wait3A_64 : memref<10112x128xf32, #tpu.memory_space<vmem_shared>>)
    %dma_wait3A_65 = arith.constant 0 : i32
    %dma_wait3A_66 = arith.constant 0 : i32
    %dma_wait3A_67 = tpu.memref_slice %arg16[%dma_wait3A_65, %dma_wait3A_66] : memref<10112x128xf32, #tpu.memory_space<vmem_shared>> -> memref<10112x128xf32, #tpu.memory_space<vmem_shared>>
    tpu.wait_indirect_dma semaphore(%arg26 : memref<!tpu.dma_semaphore, #tpu.memory_space<semaphore_mem>>) src(%arg13 : memref<96x128xf32, #tpu.memory_space<vmem>>) dst(%dma_wait3A_67 : memref<10112x128xf32, #tpu.memory_space<vmem_shared>>)
    %barrier3A_68 = arith.constant 0 : index
    tpu.barrier barrier_id(%barrier3A_68)
    %mul3A_69 = arith.constant 632 : i32
    %mul3A_70 = arith.muli %arg1, %mul3A_69 : i32
    %mul3A_71 = arith.constant 10112 : i32
    %mul3A_72 = arith.muli %arg0, %mul3A_71 : i32
    %mul3A_73 = arith.constant 632 : i32
    %mul3A_74 = arith.muli %arg1, %mul3A_73 : i32
    %add3A_75 = arith.addi %mul3A_72, %mul3A_74 : i32
    "tpu.region"() ({
      %run_scoped3A = tpu.sem_alloc : memref<!tpu.dma_semaphore, #tpu.memory_space<semaphore_mem>>
      %dma_start3A_76 = arith.constant 0 : i32
      %dma_start3A_77 = tpu.memref_slice %arg7[%add3A_75, %dma_start3A_76] : memref<20224x128xf32, #tpu.memory_space<hbm>> -> memref<632x128xf32, #tpu.memory_space<hbm>>
      %dma_start3A_78 = arith.constant 0 : i32
      %dma_start3A_79 = tpu.memref_slice %arg16[%mul3A_70, %dma_start3A_78] : memref<10112x128xf32, #tpu.memory_space<vmem_shared>> -> memref<632x128xf32, #tpu.memory_space<vmem_shared>>
      tpu.enqueue_dma source(%dma_start3A_79 : memref<632x128xf32, #tpu.memory_space<vmem_shared>>) target(%dma_start3A_77 : memref<632x128xf32, #tpu.memory_space<hbm>>) target_semaphore(%run_scoped3A : memref<!tpu.dma_semaphore, #tpu.memory_space<semaphore_mem>>)
      %dma_wait3A_80 = arith.constant 0 : i32
      %dma_wait3A_81 = tpu.memref_slice %arg7[%add3A_75, %dma_wait3A_80] : memref<20224x128xf32, #tpu.memory_space<hbm>> -> memref<632x128xf32, #tpu.memory_space<hbm>>
      %dma_wait3A_82 = arith.constant 0 : i32
      %dma_wait3A_83 = tpu.memref_slice %arg16[%mul3A_70, %dma_wait3A_82] : memref<10112x128xf32, #tpu.memory_space<vmem_shared>> -> memref<632x128xf32, #tpu.memory_space<vmem_shared>>
      tpu.wait_dma2 semaphore(%run_scoped3A : memref<!tpu.dma_semaphore, #tpu.memory_space<semaphore_mem>>) src(%dma_wait3A_83 : memref<632x128xf32, #tpu.memory_space<vmem_shared>>) dst(%dma_wait3A_81 : memref<632x128xf32, #tpu.memory_space<hbm>>)
      tpu.yield
    }) : () -> ()
    return
  }
}

module attributes {stable_mosaic.version = 14 : i64} {
  func.func @_node_linear2_body(%arg0: memref<10000x128xf32, #tpu.memory_space<vmem>>, %arg1: memref<128x128xf32, #tpu.memory_space<vmem>>, %arg2: memref<10000x128xf32, #tpu.memory_space<vmem>>, %arg3: memref<128x128xf32, #tpu.memory_space<vmem>>, %arg4: memref<10000x128xf32, #tpu.memory_space<vmem>>, %arg5: memref<10000x128xf32, #tpu.memory_space<vmem>>) attributes {dimension_semantics = [], scalar_prefetch = 0 : i64, scratch_operands = 0 : i64, tpu.core_type = #tpu.core_type<tc>} {
    %get3A = arith.constant 0 : index
    %get3A_0 = arith.constant 0 : index
    %get3A_1 = vector.load %arg0[%get3A, %get3A_0] : memref<10000x128xf32, #tpu.memory_space<vmem>>, vector<10000x128xf32>
    %get3A_2 = arith.constant 0 : index
    %get3A_3 = arith.constant 0 : index
    %get3A_4 = vector.load %arg1[%get3A_2, %get3A_3] : memref<128x128xf32, #tpu.memory_space<vmem>>, vector<128x128xf32>
    %dot_general3A = arith.constant dense<0.000000e+00> : vector<10000x128xf32>
    %dot_general3A_5 = tpu.matmul %get3A_1, %get3A_4, %dot_general3A {dimension_numbers = #tpu.dot_dimension_numbers<[1], [0], [0], [1], [0, 0, 1, 1], [], []>, transpose_lhs_hint = false} : vector<10000x128xf32>, vector<128x128xf32>, vector<10000x128xf32> -> vector<10000x128xf32>
    %swap3A = arith.constant 0 : index
    %swap3A_6 = arith.constant 0 : index
    %swap3A_7 = vector.load %arg4[%swap3A, %swap3A_6] : memref<10000x128xf32, #tpu.memory_space<vmem>>, vector<10000x128xf32>
    tpu.vector_store %arg4[%swap3A, %swap3A_6], %dot_general3A_5 {strides = array<i32>} : memref<10000x128xf32, #tpu.memory_space<vmem>>, vector<10000x128xf32>,
    %get3A_8 = arith.constant 0 : index
    %get3A_9 = arith.constant 0 : index
    %get3A_10 = vector.load %arg2[%get3A_8, %get3A_9] : memref<10000x128xf32, #tpu.memory_space<vmem>>, vector<10000x128xf32>
    %get3A_11 = arith.constant 0 : index
    %get3A_12 = arith.constant 0 : index
    %get3A_13 = vector.load %arg3[%get3A_11, %get3A_12] : memref<128x128xf32, #tpu.memory_space<vmem>>, vector<128x128xf32>
    %dot_general3A_14 = arith.constant dense<0.000000e+00> : vector<10000x128xf32>
    %dot_general3A_15 = tpu.matmul %get3A_10, %get3A_13, %dot_general3A_14 {dimension_numbers = #tpu.dot_dimension_numbers<[1], [0], [0], [1], [0, 0, 1, 1], [], []>, transpose_lhs_hint = false} : vector<10000x128xf32>, vector<128x128xf32>, vector<10000x128xf32> -> vector<10000x128xf32>
    %swap3A_16 = arith.constant 0 : index
    %swap3A_17 = arith.constant 0 : index
    %swap3A_18 = vector.load %arg5[%swap3A_16, %swap3A_17] : memref<10000x128xf32, #tpu.memory_space<vmem>>, vector<10000x128xf32>
    tpu.vector_store %arg5[%swap3A_16, %swap3A_17], %dot_general3A_15 {strides = array<i32>} : memref<10000x128xf32, #tpu.memory_space<vmem>>, vector<10000x128xf32>,
    return
  }
}

module attributes {stable_mosaic.version = 14 : i64} {
  func.func @_radial_body(%arg0: i32, %arg1: memref<1920x1xf32, #tpu.memory_space<vmem>>, %arg2: memref<10x64xf32, #tpu.memory_space<vmem>>, %arg3: memref<1x64xf32, #tpu.memory_space<vmem>>, %arg4: memref<64x128xf32, #tpu.memory_space<vmem>>, %arg5: memref<1920x128xf32, #tpu.memory_space<vmem>>) attributes {dimension_semantics = [#tpu.dimension_semantics<arbitrary>], iteration_bounds = array<i64: 168>, scalar_prefetch = 0 : i64, scratch_operands = 0 : i64, tpu.core_type = #tpu.core_type<tc>, window_params = [{transform_indices = @transform_0, window_bounds = array<i64: 1920, 1>}, {pipeline_mode = #tpu.pipeline_mode<synchronous>, transform_indices = @transform_1, window_bounds = array<i64: 10, 64>}, {pipeline_mode = #tpu.pipeline_mode<synchronous>, transform_indices = @transform_2, window_bounds = array<i64: 1, 64>}, {pipeline_mode = #tpu.pipeline_mode<synchronous>, transform_indices = @transform_3, window_bounds = array<i64: 64, 128>}, {transform_indices = @transform_4, window_bounds = array<i64: 1920, 128>}]} {
    %get3A = arith.constant 0 : index
    %get3A_0 = arith.constant 0 : index
    %get3A_1 = vector.load %arg1[%get3A, %get3A_0] : memref<1920x1xf32, #tpu.memory_space<vmem>>, vector<1920x1xf32>
    %add3A = arith.constant 9.99999996E-13 : f32
    %add3A_2 = vector.broadcast %add3A : f32 to vector<1920x1xf32>
    %add3A_3 = arith.addf %get3A_1, %add3A_2 : vector<1920x1xf32>
    %sqrt3A = math.sqrt %add3A_3 : vector<1920x1xf32>
    %iota3A = tpu.iota {dimensions = array<i32: 1>} : vector<1x10xi32>
    %convert_element_type3A = arith.sitofp %iota3A : vector<1x10xi32> to vector<1x10xf32>
    %add3A_4 = arith.constant 1.000000e+00 : f32
    %add3A_5 = vector.broadcast %add3A_4 : f32 to vector<1x10xf32>
    %add3A_6 = arith.addf %convert_element_type3A, %add3A_5 : vector<1x10xf32>
    %mul3A = arith.constant 0.454545468 : f32
    %mul3A_7 = vector.broadcast %mul3A : f32 to vector<1x10xf32>
    %mul3A_8 = arith.mulf %add3A_6, %mul3A_7 : vector<1x10xf32>
    %sub3A = vector.broadcast %sqrt3A : vector<1920x1xf32> to vector<1920x10xf32>
    %sub3A_9 = vector.broadcast %mul3A_8 : vector<1x10xf32> to vector<1920x10xf32>
    %sub3A_10 = arith.subf %sub3A, %sub3A_9 : vector<1920x10xf32>
    %div3A = arith.constant 0.454545468 : f32
    %div3A_11 = vector.broadcast %div3A : f32 to vector<1920x10xf32>
    %div3A_12 = arith.divf %sub3A_10, %div3A_11 : vector<1920x10xf32>
    %mul3A_13 = arith.mulf %div3A_12, %div3A_12 : vector<1920x10xf32>
    %jit3A = arith.constant 0.000000e+00 : f32
    %jit3A_14 = arith.constant 0.999989986 : f32
    %max3A = vector.broadcast %jit3A : f32 to vector<1920x10xf32>
    %max3A_15 = arith.maximumf %max3A, %mul3A_13 : vector<1920x10xf32>
    %min3A = vector.broadcast %jit3A_14 : f32 to vector<1920x10xf32>
    %min3A_16 = arith.minimumf %min3A, %max3A_15 : vector<1920x10xf32>
    %abs3A = math.absf %div3A_12 : vector<1920x10xf32>
    %lt3A = arith.constant 1.000000e+00 : f32
    %lt3A_17 = vector.broadcast %lt3A : f32 to vector<1920x10xf32>
    %lt3A_18 = arith.cmpf olt, %abs3A, %lt3A_17 : vector<1920x10xf32>
    %sub3A_19 = arith.constant 1.000000e+00 : f32
    %sub3A_20 = vector.broadcast %sub3A_19 : f32 to vector<1920x10xf32>
    %sub3A_21 = arith.subf %sub3A_20, %min3A_16 : vector<1920x10xf32>
    %div3A_22 = arith.constant -1.000000e+00 : f32
    %div3A_23 = vector.broadcast %div3A_22 : f32 to vector<1920x10xf32>
    %div3A_24 = arith.divf %div3A_23, %sub3A_21 : vector<1920x10xf32>
    %exp3A = math.exp %div3A_24 : vector<1920x10xf32>
    %mul3A_25 = arith.constant 2.666930e+01 : f32
    %mul3A_26 = vector.broadcast %mul3A_25 : f32 to vector<1920x10xf32>
    %mul3A_27 = arith.mulf %mul3A_26, %exp3A : vector<1920x10xf32>
    %jit3A_28 = arith.constant 0.000000e+00 : f32
    %broadcast_in_dim3A = vector.broadcast %jit3A_28 : f32 to vector<1920x10xf32>
    %select_n3A = arith.select %lt3A_18, %mul3A_27, %broadcast_in_dim3A : vector<1920x10xi1>, vector<1920x10xf32>
    %get3A_29 = arith.constant 0 : index
    %get3A_30 = arith.constant 0 : index
    %get3A_31 = vector.load %arg2[%get3A_29, %get3A_30] : memref<10x64xf32, #tpu.memory_space<vmem>>, vector<10x64xf32>
    %dot_general3A = arith.constant dense<0.000000e+00> : vector<1920x64xf32>
    %dot_general3A_32 = tpu.matmul %select_n3A, %get3A_31, %dot_general3A {dimension_numbers = #tpu.dot_dimension_numbers<[1], [0], [0], [1], [0, 0, 1, 1], [], []>, transpose_lhs_hint = false} : vector<1920x10xf32>, vector<10x64xf32>, vector<1920x64xf32> -> vector<1920x64xf32>
    %get3A_33 = arith.constant 0 : index
    %get3A_34 = arith.constant 0 : index
    %get3A_35 = vector.load %arg3[%get3A_33, %get3A_34] : memref<1x64xf32, #tpu.memory_space<vmem>>, vector<1x64xf32>
    %add3A_36 = vector.broadcast %get3A_35 : vector<1x64xf32> to vector<1920x64xf32>
    %add3A_37 = arith.addf %dot_general3A_32, %add3A_36 : vector<1920x64xf32>
    %logistic3A = arith.negf %add3A_37 : vector<1920x64xf32>
    %logistic3A_38 = math.exp %logistic3A : vector<1920x64xf32>
    %logistic3A_39 = arith.constant 1.000000e+00 : f32
    %logistic3A_40 = vector.broadcast %logistic3A_39 : f32 to vector<1920x64xf32>
    %logistic3A_41 = arith.addf %logistic3A_40, %logistic3A_38 : vector<1920x64xf32>
    %logistic3A_42 = arith.divf %logistic3A_40, %logistic3A_41 : vector<1920x64xf32>
    %mul3A_43 = arith.mulf %add3A_37, %logistic3A_42 : vector<1920x64xf32>
    %get3A_44 = arith.constant 0 : index
    %get3A_45 = arith.constant 0 : index
    %get3A_46 = vector.load %arg4[%get3A_44, %get3A_45] : memref<64x128xf32, #tpu.memory_space<vmem>>, vector<64x128xf32>
    %dot_general3A_47 = arith.constant dense<0.000000e+00> : vector<1920x128xf32>
    %dot_general3A_48 = tpu.matmul %mul3A_43, %get3A_46, %dot_general3A_47 {dimension_numbers = #tpu.dot_dimension_numbers<[1], [0], [0], [1], [0, 0, 1, 1], [], []>, transpose_lhs_hint = false} : vector<1920x64xf32>, vector<64x128xf32>, vector<1920x128xf32> -> vector<1920x128xf32>
    %iota3A_49 = tpu.iota {dimensions = array<i32: 0>} : vector<1920x1xi32>
    %mul3A_50 = arith.constant 1920 : i32
    %mul3A_51 = arith.muli %arg0, %mul3A_50 : i32
    %add3A_52 = vector.broadcast %mul3A_51 : i32 to vector<1920x1xi32>
    %add3A_53 = arith.addi %iota3A_49, %add3A_52 : vector<1920x1xi32>
    %lt3A_54 = arith.constant 320000 : i32
    %lt3A_55 = vector.broadcast %lt3A_54 : i32 to vector<1920x1xi32>
    %lt3A_56 = arith.cmpi slt, %add3A_53, %lt3A_55 : vector<1920x1xi32>
    %jit3A_57 = arith.constant 0.000000e+00 : f32
    %broadcast_in_dim3A_58 = vector.shape_cast %lt3A_56 : vector<1920x1xi1> to vector<1920x1xi1>
    %broadcast_in_dim3A_59 = vector.broadcast %broadcast_in_dim3A_58 : vector<1920x1xi1> to vector<1920x128xi1>
    %broadcast_in_dim3A_60 = vector.broadcast %jit3A_57 : f32 to vector<1920x128xf32>
    %select_n3A_61 = arith.select %broadcast_in_dim3A_59, %dot_general3A_48, %broadcast_in_dim3A_60 : vector<1920x128xi1>, vector<1920x128xf32>
    %swap3A = arith.constant 0 : index
    %swap3A_62 = arith.constant 0 : index
    %swap3A_63 = vector.load %arg5[%swap3A, %swap3A_62] : memref<1920x128xf32, #tpu.memory_space<vmem>>, vector<1920x128xf32>
    tpu.vector_store %arg5[%swap3A, %swap3A_62], %select_n3A_61 {strides = array<i32>} : memref<1920x128xf32, #tpu.memory_space<vmem>>, vector<1920x128xf32>,
    return
  }
  func.func @transform_0(%arg0: i32) -> (i32, i32) {
    %c0_i32 = arith.constant 0 : i32
    %c0_i32_0 = arith.constant 0 : i32
    return %arg0, %c0_i32 : i32, i32
  }
  func.func @transform_1(%arg0: i32) -> (i32, i32) {
    %c0_i32 = arith.constant 0 : i32
    %c0_i32_0 = arith.constant 0 : i32
    %c0_i32_1 = arith.constant 0 : i32
    return %c0_i32, %c0_i32_0 : i32, i32
  }
  func.func @transform_2(%arg0: i32) -> (i32, i32) {
    %c0_i32 = arith.constant 0 : i32
    %c0_i32_0 = arith.constant 0 : i32
    %c0_i32_1 = arith.constant 0 : i32
    return %c0_i32, %c0_i32_0 : i32, i32
  }
  func.func @transform_3(%arg0: i32) -> (i32, i32) {
    %c0_i32 = arith.constant 0 : i32
    %c0_i32_0 = arith.constant 0 : i32
    %c0_i32_1 = arith.constant 0 : i32
    return %c0_i32, %c0_i32_0 : i32, i32
  }
  func.func @transform_4(%arg0: i32) -> (i32, i32) {
    %c0_i32 = arith.constant 0 : i32
    %c0_i32_0 = arith.constant 0 : i32
    return %arg0, %c0_i32 : i32, i32
  }
}

module attributes {stable_mosaic.version = 14 : i64} {
  func.func @_node_out_body(%arg0: memref<20224x128xf32, #tpu.memory_space<vmem>>, %arg1: memref<10000x128xf32, #tpu.memory_space<vmem>>, %arg2: memref<128x128xf32, #tpu.memory_space<vmem>>, %arg3: memref<128x128xf32, #tpu.memory_space<vmem>>, %arg4: memref<10000x128xf32, #tpu.memory_space<vmem>>, %arg5: memref<10000x1xi32, #tpu.memory_space<vmem>>, %arg6: memref<10000x128xf32, #tpu.memory_space<vmem>>) attributes {dimension_semantics = [], scalar_prefetch = 0 : i64, scratch_operands = 0 : i64, tpu.core_type = #tpu.core_type<tc>} {
    %get3A = arith.constant 0 : index
    %get3A_0 = arith.constant 0 : index
    %get3A_1 = vector.load %arg0[%get3A, %get3A_0] : memref<20224x128xf32, #tpu.memory_space<vmem>>, vector<10000x128xf32>
    %get3A_2 = arith.constant 10112 : index
    %get3A_3 = arith.constant 0 : index
    %get3A_4 = vector.load %arg0[%get3A_2, %get3A_3] : memref<20224x128xf32, #tpu.memory_space<vmem>>, vector<10000x128xf32>
    %add3A = arith.addf %get3A_1, %get3A_4 : vector<10000x128xf32>
    %mul3A = arith.constant 0.176776692 : f32
    %mul3A_5 = vector.broadcast %mul3A : f32 to vector<10000x128xf32>
    %mul3A_6 = arith.mulf %add3A, %mul3A_5 : vector<10000x128xf32>
    %get3A_7 = arith.constant 0 : index
    %get3A_8 = arith.constant 0 : index
    %get3A_9 = vector.load %arg2[%get3A_7, %get3A_8] : memref<128x128xf32, #tpu.memory_space<vmem>>, vector<128x128xf32>
    %dot_general3A = arith.constant dense<0.000000e+00> : vector<10000x128xf32>
    %dot_general3A_10 = tpu.matmul %mul3A_6, %get3A_9, %dot_general3A {dimension_numbers = #tpu.dot_dimension_numbers<[1], [0], [0], [1], [0, 0, 1, 1], [], []>, transpose_lhs_hint = false} : vector<10000x128xf32>, vector<128x128xf32>, vector<10000x128xf32> -> vector<10000x128xf32>
    %get3A_11 = arith.constant 0 : index
    %get3A_12 = arith.constant 0 : index
    %get3A_13 = vector.load %arg1[%get3A_11, %get3A_12] : memref<10000x128xf32, #tpu.memory_space<vmem>>, vector<10000x128xf32>
    %get3A_14 = arith.constant 0 : index
    %get3A_15 = arith.constant 0 : index
    %get3A_16 = vector.load %arg3[%get3A_14, %get3A_15] : memref<128x128xf32, #tpu.memory_space<vmem>>, vector<128x128xf32>
    %dot_general3A_17 = arith.constant dense<0.000000e+00> : vector<10000x128xf32>
    %dot_general3A_18 = tpu.matmul %get3A_13, %get3A_16, %dot_general3A_17 {dimension_numbers = #tpu.dot_dimension_numbers<[1], [0], [0], [1], [0, 0, 1, 1], [], []>, transpose_lhs_hint = false} : vector<10000x128xf32>, vector<128x128xf32>, vector<10000x128xf32> -> vector<10000x128xf32>
    %add3A_19 = arith.addf %dot_general3A_10, %dot_general3A_18 : vector<10000x128xf32>
    %tanh3A = math.tanh %add3A_19 : vector<10000x128xf32>
    %abs3A = math.absf %tanh3A : vector<10000x128xf32>
    %get3A_20 = arith.constant 0 : index
    %get3A_21 = arith.constant 0 : index
    %get3A_22 = vector.load %arg4[%get3A_20, %get3A_21] : memref<10000x128xf32, #tpu.memory_space<vmem>>, vector<10000x128xf32>
    %mul3A_23 = arith.mulf %abs3A, %get3A_22 : vector<10000x128xf32>
    %mul3A_24 = arith.mulf %mul3A_23, %mul3A_23 : vector<10000x128xf32>
    %reduce_sum3A = arith.constant dense<0.000000e+00> : vector<10000xf32>
    %reduce_sum3A_25 = vector.multi_reduction <add>, %mul3A_24, %reduce_sum3A [1] : vector<10000x128xf32> to vector<10000xf32>
    %broadcast_in_dim3A = vector.shape_cast %reduce_sum3A_25 : vector<10000xf32> to vector<10000x1xf32>
    %iota3A = tpu.iota {dimensions = array<i32: 1>} : vector<10000x16xi32>
    %get3A_26 = arith.constant 0 : index
    %get3A_27 = arith.constant 0 : index
    %get3A_28 = vector.load %arg5[%get3A_26, %get3A_27] : memref<10000x1xi32, #tpu.memory_space<vmem>>, vector<10000x1xi32>
    %eq3A = vector.broadcast %get3A_28 : vector<10000x1xi32> to vector<10000x16xi32>
    %eq3A_29 = arith.cmpi eq, %eq3A, %iota3A : vector<10000x16xi32>
    %convert_element_type3A = arith.extui %eq3A_29 : vector<10000x16xi1> to vector<10000x16xi32>
    %convert_element_type3A_30 = arith.sitofp %convert_element_type3A : vector<10000x16xi32> to vector<10000x16xf32>
    %dot_general3A_31 = arith.constant dense<0.000000e+00> : vector<16x1xf32>
    %dot_general3A_32 = tpu.matmul %convert_element_type3A_30, %broadcast_in_dim3A, %dot_general3A_31 {dimension_numbers = #tpu.dot_dimension_numbers<[0], [0], [1], [1], [0, 1, 1, 1], [], []>, transpose_lhs_hint = false} : vector<10000x16xf32>, vector<10000x1xf32>, vector<16x1xf32> -> vector<16x1xf32>
    %add3A_33 = arith.constant 9.99999996E-13 : f32
    %add3A_34 = vector.broadcast %add3A_33 : f32 to vector<16x1xf32>
    %add3A_35 = arith.addf %dot_general3A_32, %add3A_34 : vector<16x1xf32>
    %sqrt3A = math.sqrt %add3A_35 : vector<16x1xf32>
    %dot_general3A_36 = arith.constant dense<0.000000e+00> : vector<10000x1xf32>
    %dot_general3A_37 = tpu.matmul %convert_element_type3A_30, %sqrt3A, %dot_general3A_36 {dimension_numbers = #tpu.dot_dimension_numbers<[1], [0], [0], [1], [0, 0, 1, 1], [], []>, transpose_lhs_hint = false} : vector<10000x16xf32>, vector<16x1xf32>, vector<10000x1xf32> -> vector<10000x1xf32>
    %div3A = vector.broadcast %dot_general3A_37 : vector<10000x1xf32> to vector<10000x128xf32>
    %div3A_38 = arith.divf %mul3A_23, %div3A : vector<10000x128xf32>
    %swap3A = arith.constant 0 : index
    %swap3A_39 = arith.constant 0 : index
    %swap3A_40 = vector.load %arg6[%swap3A, %swap3A_39] : memref<10000x128xf32, #tpu.memory_space<vmem>>, vector<10000x128xf32>
    tpu.vector_store %arg6[%swap3A, %swap3A_39], %div3A_38 {strides = array<i32>} : memref<10000x128xf32, #tpu.memory_space<vmem>>, vector<10000x128xf32>,
    return
  }
}

module attributes {stable_mosaic.version = 14 : i64} {
  func.func @_net3_prep_body(%arg0: memref<10000x128xf32, #tpu.memory_space<vmem>>, %arg1: memref<10000x128xf32, #tpu.memory_space<vmem>>, %arg2: memref<1x1xf32, #tpu.memory_space<vmem>>, %arg3: memref<128x128xf32, #tpu.memory_space<vmem>>, %arg4: memref<10000x128xf32, #tpu.memory_space<vmem>>, %arg5: memref<10000x128xf32, #tpu.memory_space<vmem>>) attributes {dimension_semantics = [], scalar_prefetch = 0 : i64, scratch_operands = 0 : i64, tpu.core_type = #tpu.core_type<tc>} {
    %get3A = arith.constant 0 : index
    %get3A_0 = arith.constant 0 : index
    %get3A_1 = vector.load %arg2[%get3A, %get3A_0] : memref<1x1xf32, #tpu.memory_space<vmem>>, vector<1x1xf32>
    %get3A_2 = vector.extract %get3A_1[0, 0] : f32 from vector<1x1xf32>
    %get3A_3 = arith.constant 0 : index
    %get3A_4 = arith.constant 0 : index
    %get3A_5 = vector.load %arg0[%get3A_3, %get3A_4] : memref<10000x128xf32, #tpu.memory_space<vmem>>, vector<10000x128xf32>
    %mul3A = vector.broadcast %get3A_2 : f32 to vector<10000x128xf32>
    %mul3A_6 = arith.mulf %mul3A, %get3A_5 : vector<10000x128xf32>
    %sub3A = arith.constant 1.000000e+00 : f32
    %sub3A_7 = arith.subf %sub3A, %get3A_2 : f32
    %get3A_8 = arith.constant 0 : index
    %get3A_9 = arith.constant 0 : index
    %get3A_10 = vector.load %arg1[%get3A_8, %get3A_9] : memref<10000x128xf32, #tpu.memory_space<vmem>>, vector<10000x128xf32>
    %mul3A_11 = vector.broadcast %sub3A_7 : f32 to vector<10000x128xf32>
    %mul3A_12 = arith.mulf %mul3A_11, %get3A_10 : vector<10000x128xf32>
    %add3A = arith.addf %mul3A_6, %mul3A_12 : vector<10000x128xf32>
    %swap3A = arith.constant 0 : index
    %swap3A_13 = arith.constant 0 : index
    %swap3A_14 = vector.load %arg4[%swap3A, %swap3A_13] : memref<10000x128xf32, #tpu.memory_space<vmem>>, vector<10000x128xf32>
    tpu.vector_store %arg4[%swap3A, %swap3A_13], %add3A {strides = array<i32>} : memref<10000x128xf32, #tpu.memory_space<vmem>>, vector<10000x128xf32>,
    %get3A_15 = arith.constant 0 : index
    %get3A_16 = arith.constant 0 : index
    %get3A_17 = vector.load %arg3[%get3A_15, %get3A_16] : memref<128x128xf32, #tpu.memory_space<vmem>>, vector<128x128xf32>
    %dot_general3A = arith.constant dense<0.000000e+00> : vector<10000x128xf32>
    %dot_general3A_18 = tpu.matmul %add3A, %get3A_17, %dot_general3A {dimension_numbers = #tpu.dot_dimension_numbers<[1], [0], [0], [1], [0, 0, 1, 1], [], []>, transpose_lhs_hint = false} : vector<10000x128xf32>, vector<128x128xf32>, vector<10000x128xf32> -> vector<10000x128xf32>
    %swap3A_19 = arith.constant 0 : index
    %swap3A_20 = arith.constant 0 : index
    %swap3A_21 = vector.load %arg5[%swap3A_19, %swap3A_20] : memref<10000x128xf32, #tpu.memory_space<vmem>>, vector<10000x128xf32>
    tpu.vector_store %arg5[%swap3A_19, %swap3A_20], %dot_general3A_18 {strides = array<i32>} : memref<10000x128xf32, #tpu.memory_space<vmem>>, vector<10000x128xf32>,
    return
  }
}

module attributes {stable_mosaic.version = 14 : i64} {
  func.func @_node_out_body(%arg0: memref<20224x128xf32, #tpu.memory_space<vmem>>, %arg1: memref<10000x128xf32, #tpu.memory_space<vmem>>, %arg2: memref<128x128xf32, #tpu.memory_space<vmem>>, %arg3: memref<128x128xf32, #tpu.memory_space<vmem>>, %arg4: memref<10000x128xf32, #tpu.memory_space<vmem>>, %arg5: memref<10000x1xi32, #tpu.memory_space<vmem>>, %arg6: memref<10000x128xf32, #tpu.memory_space<vmem>>) attributes {dimension_semantics = [], scalar_prefetch = 0 : i64, scratch_operands = 0 : i64, tpu.core_type = #tpu.core_type<tc>} {
    %get3A = arith.constant 0 : index
    %get3A_0 = arith.constant 0 : index
    %get3A_1 = vector.load %arg0[%get3A, %get3A_0] : memref<20224x128xf32, #tpu.memory_space<vmem>>, vector<10000x128xf32>
    %get3A_2 = arith.constant 10112 : index
    %get3A_3 = arith.constant 0 : index
    %get3A_4 = vector.load %arg0[%get3A_2, %get3A_3] : memref<20224x128xf32, #tpu.memory_space<vmem>>, vector<10000x128xf32>
    %add3A = arith.addf %get3A_1, %get3A_4 : vector<10000x128xf32>
    %mul3A = arith.constant 0.176776692 : f32
    %mul3A_5 = vector.broadcast %mul3A : f32 to vector<10000x128xf32>
    %mul3A_6 = arith.mulf %add3A, %mul3A_5 : vector<10000x128xf32>
    %get3A_7 = arith.constant 0 : index
    %get3A_8 = arith.constant 0 : index
    %get3A_9 = vector.load %arg2[%get3A_7, %get3A_8] : memref<128x128xf32, #tpu.memory_space<vmem>>, vector<128x128xf32>
    %dot_general3A = arith.constant dense<0.000000e+00> : vector<10000x128xf32>
    %dot_general3A_10 = tpu.matmul %mul3A_6, %get3A_9, %dot_general3A {dimension_numbers = #tpu.dot_dimension_numbers<[1], [0], [0], [1], [0, 0, 1, 1], [], []>, transpose_lhs_hint = false} : vector<10000x128xf32>, vector<128x128xf32>, vector<10000x128xf32> -> vector<10000x128xf32>
    %get3A_11 = arith.constant 0 : index
    %get3A_12 = arith.constant 0 : index
    %get3A_13 = vector.load %arg1[%get3A_11, %get3A_12] : memref<10000x128xf32, #tpu.memory_space<vmem>>, vector<10000x128xf32>
    %get3A_14 = arith.constant 0 : index
    %get3A_15 = arith.constant 0 : index
    %get3A_16 = vector.load %arg3[%get3A_14, %get3A_15] : memref<128x128xf32, #tpu.memory_space<vmem>>, vector<128x128xf32>
    %dot_general3A_17 = arith.constant dense<0.000000e+00> : vector<10000x128xf32>
    %dot_general3A_18 = tpu.matmul %get3A_13, %get3A_16, %dot_general3A_17 {dimension_numbers = #tpu.dot_dimension_numbers<[1], [0], [0], [1], [0, 0, 1, 1], [], []>, transpose_lhs_hint = false} : vector<10000x128xf32>, vector<128x128xf32>, vector<10000x128xf32> -> vector<10000x128xf32>
    %add3A_19 = arith.addf %dot_general3A_10, %dot_general3A_18 : vector<10000x128xf32>
    %tanh3A = math.tanh %add3A_19 : vector<10000x128xf32>
    %abs3A = math.absf %tanh3A : vector<10000x128xf32>
    %get3A_20 = arith.constant 0 : index
    %get3A_21 = arith.constant 0 : index
    %get3A_22 = vector.load %arg4[%get3A_20, %get3A_21] : memref<10000x128xf32, #tpu.memory_space<vmem>>, vector<10000x128xf32>
    %mul3A_23 = arith.mulf %abs3A, %get3A_22 : vector<10000x128xf32>
    %mul3A_24 = arith.mulf %mul3A_23, %mul3A_23 : vector<10000x128xf32>
    %reduce_sum3A = arith.constant dense<0.000000e+00> : vector<10000xf32>
    %reduce_sum3A_25 = vector.multi_reduction <add>, %mul3A_24, %reduce_sum3A [1] : vector<10000x128xf32> to vector<10000xf32>
    %broadcast_in_dim3A = vector.shape_cast %reduce_sum3A_25 : vector<10000xf32> to vector<10000x1xf32>
    %iota3A = tpu.iota {dimensions = array<i32: 1>} : vector<10000x16xi32>
    %get3A_26 = arith.constant 0 : index
    %get3A_27 = arith.constant 0 : index
    %get3A_28 = vector.load %arg5[%get3A_26, %get3A_27] : memref<10000x1xi32, #tpu.memory_space<vmem>>, vector<10000x1xi32>
    %eq3A = vector.broadcast %get3A_28 : vector<10000x1xi32> to vector<10000x16xi32>
    %eq3A_29 = arith.cmpi eq, %eq3A, %iota3A : vector<10000x16xi32>
    %convert_element_type3A = arith.extui %eq3A_29 : vector<10000x16xi1> to vector<10000x16xi32>
    %convert_element_type3A_30 = arith.sitofp %convert_element_type3A : vector<10000x16xi32> to vector<10000x16xf32>
    %dot_general3A_31 = arith.constant dense<0.000000e+00> : vector<16x1xf32>
    %dot_general3A_32 = tpu.matmul %convert_element_type3A_30, %broadcast_in_dim3A, %dot_general3A_31 {dimension_numbers = #tpu.dot_dimension_numbers<[0], [0], [1], [1], [0, 1, 1, 1], [], []>, transpose_lhs_hint = false} : vector<10000x16xf32>, vector<10000x1xf32>, vector<16x1xf32> -> vector<16x1xf32>
    %add3A_33 = arith.constant 9.99999996E-13 : f32
    %add3A_34 = vector.broadcast %add3A_33 : f32 to vector<16x1xf32>
    %add3A_35 = arith.addf %dot_general3A_32, %add3A_34 : vector<16x1xf32>
    %sqrt3A = math.sqrt %add3A_35 : vector<16x1xf32>
    %dot_general3A_36 = arith.constant dense<0.000000e+00> : vector<10000x1xf32>
    %dot_general3A_37 = tpu.matmul %convert_element_type3A_30, %sqrt3A, %dot_general3A_36 {dimension_numbers = #tpu.dot_dimension_numbers<[1], [0], [0], [1], [0, 0, 1, 1], [], []>, transpose_lhs_hint = false} : vector<10000x16xf32>, vector<16x1xf32>, vector<10000x1xf32> -> vector<10000x1xf32>
    %div3A = vector.broadcast %dot_general3A_37 : vector<10000x1xf32> to vector<10000x128xf32>
    %div3A_38 = arith.divf %mul3A_23, %div3A : vector<10000x128xf32>
    %swap3A = arith.constant 0 : index
    %swap3A_39 = arith.constant 0 : index
    %swap3A_40 = vector.load %arg6[%swap3A, %swap3A_39] : memref<10000x128xf32, #tpu.memory_space<vmem>>, vector<10000x128xf32>
    tpu.vector_store %arg6[%swap3A, %swap3A_39], %div3A_38 {strides = array<i32>} : memref<10000x128xf32, #tpu.memory_space<vmem>>, vector<10000x128xf32>,
    return
  }
}

</mosaic_0001>

<sc_bundles>
// kernel: kernel.14.cloned.1.call-start
scs
__scs_entry_jumppad:
0x0: {  	(pc) =	sbr.rel $0x88, $3  }
0x1: {  	(tag) =	ssettag $0x0;
	lr =	simm.s32 $0x1  }
0x2: {  	[smem:$0x3F86] =	sst lr;
	_ =	strace $0xD0000000  }
0x3: {  	_ = 	snop  }
0x4: {  	_ = 	snop  }
0x5: {  	_ = 	snop  }
0x6: {  	_ = 	snop  }
0x7: {  	_ = 	snop  }
__scs_overlays_trampoline_lowered:
0x8: {  	[smem:$0x3F95] =	sst s0  }
0x9: {  	[smem:$0x3F96] =	sst s1  }
0xa: {  	[smem:$0x3F97] =	sst s2  }
0xb: {  	[smem:$0x3F98] =	sst s3  }
0xc: {  	[smem:$0x3F99] =	sst s4  }
0xd: {  	[smem:$0x3F9A] =	sst s5  }
0xe: {  	[smem:$0x3F9B] =	sst s6  }
0xf: {  	[smem:$0x3F9C] =	sst s7  }
0x10: {  	[smem:$0x3F9D] =	sst s8  }
0x11: {  	[smem:$0x3F9E] =	sst s9;
	s0 =	simm.s32 @!p0 $0x0  }
0x12: {  	s1 =	sld [smem:$0x3F84];
	s0 =	simm.s32 @p0 $0x1  }
0x13: {  	[smem:$0x3F9F] =	sst s0;
	s0 =	simm.s32 @!p1 $0x0  }
0x14: {  	s2 =	sld [smem:$0x3F83];
	s0 =	simm.s32 @p1 $0x1  }
0x15: {  	[smem:$0x3FA0] =	sst s0;
	s0 =	simm.s32 @!p2 $0x0  }
0x16: {  	s3 =	sld [smem:$0x3FDB];
	s0 =	simm.s32 @p2 $0x1  }
0x17: {  	s4 =	simm.s32 $0x1BF5;
	[smem:$0x3FA2] =	sst s0  }
0x18: {  	s0 =	sld [smem:$0x3F85];
	_ =	swait.ge [sflag:s4], $0x0  }
0x19: {  	s7 =	sld [smem:$0x3F86]  }
0x1a: {  	s8 =	sadd.s32 $0xFFFFE003, lr  }
0x1b: {  	s9 =	sadd.s32 $0xFFFFFEF7, lr;
	s5 =	simm.s32 $0xFFFFFFFF;
	p2 =	slt.u32 s8, $0xFFFFF086  }
0x1c: {  	p1 =	slt.u32 s9, $0xF7A;
	s5 =	simm.s32 @!p2 $0x0  }
0x1d: {  	s5 =	simm.s32 @p1 $0x1;
	p0 =	seq.s32 s7, s2  }
0x1e: {  	s7 =	smul.u32 @!p0 $0xF7A, s2;
	p2 =	seq.s32 @!p0 s5, $0x0  }
0x1f: {  	s9 =	smul.u32 $0xF7A, s1;
	s8 =	simm.s32 @!p0 $0x1BF5;
	p2 =	por !p2, p0  }
0x20: {  	[sflag:s8] =	ssyncset.s32 @!p0 $0xFFFFF086;
	s6 =	sadd.s32 @!p0 s3, s7;
	s7 =	simm.s32 @!p0 $0x108  }
0x21: {  	s3 =	sadd.s32 s3, s9;
	s6 =	sadd.s32 @!p0 $0x88, s6;
	s7 =	simm.s32 @p2 $0x1082  }
0x22: {  	[simem:s7], [sflag:s8] =	dma.local @!p0 [hbm:s6], $0xF7A  }
0x23: {  	s9 =	sor.u32 $0xD0000000, s2;
	s6 =	simm.s32 $0x108;
	_ =	swait.ge @!p0 [sflag:s8], $0x0  }
0x24: {  	s3 =	sadd.s32 $0x88, s3;
	s6 =	simm.s32 @!p1 $0x1082;
	[sflag:s4] =	ssyncset.s32 $0xFFFFF086  }
0x25: {  	[simem:s6], [sflag:s4] =	dma.local [hbm:s3], $0xF7A  }
0x26: {  	[smem:$0x3F86] =	sst s1;
	(tag) =	ssettag s2;
	_ =	strace s9  }
0x27: {  	s1 =	sld [smem:$0x3F96]  }
0x28: {  	s2 =	sld [smem:$0x3F97]  }
0x29: {  	s4 =	sld [smem:$0x3F99]  }
0x2a: {  	p0 =	seq.s32 s5, $0x0;
	s5 =	sld [smem:$0x3F9A]  }
0x2b: {  	s6 =	sld [smem:$0x3F9B]  }
0x2c: {  	s7 =	sld [smem:$0x3F9C]  }
0x2d: {  	s3 =	simm.s32 $0x108;
	s8 =	sld [smem:$0x3F9D]  }
0x2e: {  	s3 =	simm.s32 @!p0 $0x1082;
	s9 =	sld [smem:$0x3F9E]  }
0x2f: {  	lr =	sadd.s32 s0, s3;
	s0 =	sld [smem:$0x3F95]  }
0x30: {  	s3 =	sld [smem:$0x3F98]  }
0x31: {  	[smem:$0x3FA1] =	sst s10  }
0x32: {  	s10 =	sld [smem:$0x3F9F];
	_ =	sdelay $0x3  }
0x33: {  	p0 =	seq.s32 s10, $0x1;
	s10 =	sld [smem:$0x3FA1];
	_ =	sdelay $0x3  }
0x34: {  	[smem:$0x3FA1] =	sst s10  }
0x35: {  	s10 =	sld [smem:$0x3FA0];
	_ =	sdelay $0x3  }
0x36: {  	p1 =	seq.s32 s10, $0x1;
	s10 =	sld [smem:$0x3FA1];
	_ =	sdelay $0x3  }
0x37: {  	[smem:$0x3FA1] =	sst s10  }
0x38: {  	s10 =	sld [smem:$0x3FA2]  }
0x39: {  	_ = 	snop;
	(pc) =	sbr.ind lr, $3  }
0x3a: {  	_ = 	snop  }
0x3b: {  	_ = 	snop  }
0x3c: {  	p2 =	seq.s32 s10, $0x1;
	s10 =	sld [smem:$0x3FA1]  }
0x3d: {  	_ =	shalt  }
0x3e: {  	_ =	shalt  }
0x3f: {  	_ =	shalt  }
0x40: {  	_ =	shalt  }
0x41: {  	_ =	shalt  }
0x42: {  	_ =	shalt  }
0x43: {  	_ =	shalt  }
0x44: {  	_ =	shalt  }
0x45: {  	_ =	shalt  }
0x46: {  	_ =	shalt  }
0x47: {  	_ =	shalt  }
0x48: {  	_ =	shalt  }
0x49: {  	_ =	shalt  }
0x4a: {  	_ =	shalt  }
0x4b: {  	_ =	shalt  }
0x4c: {  	_ =	shalt  }
0x4d: {  	_ =	shalt  }
0x4e: {  	_ =	shalt  }
0x4f: {  	_ =	shalt  }
0x50: {  	_ =	shalt  }
0x51: {  	_ =	shalt  }
0x52: {  	_ =	shalt  }
0x53: {  	_ =	shalt  }
0x54: {  	_ =	shalt  }
0x55: {  	_ =	shalt  }
0x56: {  	_ =	shalt  }
0x57: {  	_ =	shalt  }
0x58: {  	_ =	shalt  }
0x59: {  	_ =	shalt  }
0x5a: {  	_ =	shalt  }
0x5b: {  	_ =	shalt  }
0x5c: {  	_ =	shalt  }
0x5d: {  	_ =	shalt  }
0x5e: {  	_ =	shalt  }
0x5f: {  	_ =	shalt  }
0x60: {  	_ =	shalt  }
0x61: {  	_ =	shalt  }
0x62: {  	_ =	shalt  }
0x63: {  	_ =	shalt  }
0x64: {  	_ =	shalt  }
0x65: {  	_ =	shalt  }
0x66: {  	_ =	shalt  }
0x67: {  	_ =	shalt  }
0x68: {  	_ =	shalt  }
0x69: {  	_ =	shalt  }
0x6a: {  	_ =	shalt  }
0x6b: {  	_ =	shalt  }
0x6c: {  	_ =	shalt  }
0x6d: {  	_ =	shalt  }
0x6e: {  	_ =	shalt  }
0x6f: {  	_ =	shalt  }
0x70: {  	_ =	shalt  }
0x71: {  	_ =	shalt  }
0x72: {  	_ =	shalt  }
0x73: {  	_ =	shalt  }
0x74: {  	_ =	shalt  }
0x75: {  	_ =	shalt  }
0x76: {  	_ =	shalt  }
0x77: {  	_ =	shalt  }
0x78: {  	_ =	shalt  }
0x79: {  	_ =	shalt  }
0x7a: {  	_ =	shalt  }
0x7b: {  	_ =	shalt  }
0x7c: {  	_ =	shalt  }
0x7d: {  	_ =	shalt  }
0x7e: {  	_ =	shalt  }
0x7f: {  	_ =	shalt  }
0x80: {  	_ =	shalt  }
0x81: {  	_ =	shalt  }
0x82: {  	_ =	shalt  }
0x83: {  	_ =	shalt  }
0x84: {  	_ =	shalt  }
0x85: {  	_ =	shalt  }
0x86: {  	_ =	shalt  }
0x87: {  	_ =	shalt  }
.Lfunc_end0:
.L_simem_size_0:
called_computation_lowered:
.L_overlay_start_0:
0x88: {  	s2 =	sld [smem:$0x3FD9]  }
0x89: {  	s3 =	sld [smem:$0x3FFE];
	_ =	sdelay $0x1  }
0x8a: {  	s1 =	srdreg.scid  }
0x8b: {  	s0 =	sand.u32 $0x1, s1  }
0x8c: {  	s16 =	sshll.u32 s0, $0xA;
	s2 =	sadd.s32 s3, s2  }
0x8d: {  	s2 =	sadd.s32 s2, s16  }
0x8e: {  	[smem:$0x3FAD] =	sst s2  }
0x8f: {  	_ = 	snop  }
0x90: {  	(tm) =	ssettm $0x1  }
0x91: {  	s17 =	sld [smem:$0x3FFB];
	_ =	sdelay $0x3  }
0x92: {  	_ =	strace s17  }
0x93: {  	s2 =	sld [smem:$0x3FFC];
	_ =	sdelay $0x3  }
0x94: {  	_ =	strace s2  }
0x95: {  	s2 =	sld [smem:$0x3FFD];
	_ =	sdelay $0x3  }
0x96: {  	_ =	strace s2  }
0x97: {  	_ =	strace $0x8FFFFFFF  }
0x98: {  	s18 =	sld [smem:$0x3FDB];
	_ =	sdelay $0x1  }
0x99: {  	s19 =	simm.s32 $_scs_section_size  }
0x9a: {  	s4 =	simm.s32 $_size__tile_overlayer_lowered;
	s5 =	simm.s32 $_tile_overlayer_lowered  }
0x9b: {  	s22 =	simm.s32 $0x1BFF;
	s21 =	sshll.u32 s5, $0x1;
	s2 =	sadd.s32 s19, s18  }
0x9c: {  	s6 =	simm.s32 $0x0;
	s20 =	sshll.u32 s4, $0x1;
	s4 =	sadd.s32 s21, s2  }
0x9d: {  	[timem:s6], [sflag:s22] =	dma.local [hbm:s4], s20  }
0x9e: {  	_ =	swait.ge [sflag:s22], s20  }
0x9f: {  	s3 =	ssub.s32 $0x0, s20;
	[sflag:s22] =	ssyncset.done $0x0  }
0xa0: {  	[sflag:s22] =	ssyncadd.s32 s3;
	_ =	sdelay $0x1  }
0xa1: {  	s23 =	simm.s32 $0x1B8B  }
0xa2: {  	_ =	swait.ge [sflag:s23], $0x1  }
0xa3: {  	[sflag:s23] =	ssyncset.done $0x0  }
0xa4: {  	s25 =	simm.s32 $0x1B8E;
	s24 =	sld [smem:$0x3FFE];
	[sflag:s23] =	ssyncadd.s32 $0xFFFFFFFF  }
0xa5: {  	s26 =	simm.s32 $execute0_lowered;
	[smem:$0x3FD2] =	sst s25  }
0xa6: {  	s4 =	sshll.u32 s26, $0x1;
	_ =	strace $0x80000046;
	[dreg:$0x1] =	wrdreg $0xFFFFFFFF  }
0xa7: {  	s28 =	simm.s32 $_size_execute0_lowered;
	s2 =	sadd.s32 s2, s4;
	[dreg:$0x0] =	wrdreg $0x0  }
0xa8: {  	s4 =	sshll.u32 s28, $0x1;
	[dreg:$0x2] =	wrdreg s2  }
0xa9: {  	[dreg:$0x3] =	wrdreg s4  }
0xaa: {  	[dreg:$0x4] =	wrdreg $0xC0  }
0xab: {  	_ =	task [dreg:s6], $0x5FFFF  }
0xac: {  	[dreg:$0x1] =	wrdreg $0xFFFFFFFF  }
0xad: {  	[dreg:$0x0] =	wrdreg $0x60  }
0xae: {  	[dreg:$0x2] =	wrdreg s24  }
0xaf: {  	[dreg:$0x3] =	wrdreg $0x9  }
0xb0: {  	_ =	task.clear_ibuf [dreg:s6], $0x4FFFF;
	_ =	strace $0x90000046  }
0xb1: {  	s29 =	simm.s32 $0x9;
	_ =	strace $0x80000048  }
0xb2: {  	_ =	swait.ge [sflag:s29], $0x1  }
0xb3: {  	[sflag:s29] =	ssyncadd.s32 $0xFFFFFFFF  }
0xb4: {  	_ =	strace $0x90000048  }
0xb5: {  	_ =	sfence  }
0xb6: {  	s30 =	sld [smem:$0x0];
	_ =	sdelay $0x2  }
0xb7: {  	s31 =	sshll.u32 s1, $0xD;
	s1 =	sshrl.u32 s1, $0x2  }
0xb8: {  	s3 =	sand.u32 $0x4000, s31;
	s1 =	sadd.s32 s1, s30  }
0xb9: {  	s0 =	sor.u32 s3, s0;
	s1 =	sshll.u32 s1, $0x11  }
0xba: {  	s0 =	sor.u32 s1, s0  }
0xbb: {  	s0 =	sadd.s32 $0x8F2B, s0  }
0xbc: {  	[sflag:s0] =	ssyncadd.remote.s32 $0x1  }
0xbd: {  	_ =	sfence.sel $0xFFFF  }
0xbe: {  	[dreg:$0x0] =	wrdreg $0xFFFFFFFF;
	(pc) =	sbr.abs _section_cstart, $3  }
0xbf: {  	[dreg:$0x1] =	wrdreg $0xFFFFFFFF  }
0xc0: {  	_ =	task.clear_ibuf [dreg:s6], $0x2FFFF;
	_ =	strace $0x9FFFFFFF  }
0xc1: {  	(tm) =	ssettm $0x7FFFFFFF  }
tec
execute0_lowered:
.L_overlay_start_1:
0x0: {  	(tag) =	ssettag $0x1  }
0x1: {  	s6 =	rddreg [dreg:$0x0]  }
0x2: {  	s0 =	rddreg [dreg:$0x1]  }
0x3: {  	s1 =	simm.s32 $0x0;
	s2 =	srdreg.scid;
	s11 =	simm.s32 $0x16800  }
0x4: {  	s12 =	simm.s32 $0x17000;
	s13 =	simm.s32 $0x17800;
	s14 =	simm.s32 $0x18000  }
0x5: {  	s15 =	simm.s32 $0x0;
	[smem:$0x7FF] =	sst s1;
	s3 =	sadd.s32 $0x7600, s6  }
0x6: {  	s7 =	sand.u32 $0x1, s2;
	s4 =	sadd.s32 $0x14000, s6;
	s2 =	stileid.u32  }
0x7: {  	s5 =	sadd.s32 $0xA200, s6;
	s6 =	sadd.s32 $0x1DE00, s6;
	s8 =	ssub.s32 $0x2, s7  }
0x8: {  	_ =	strace $0x80000047;
	s10 =	sshll.u32 s2, $0x1;
	s9 =	sshrl.u32 s8, $0x1  }
0x9: {  	s7 =	sor.u32 s7, s10;
	s10 =	simm.s32 $0x16000;
	s8 =	ssub.s32 s8, s9  }
0xa: {  	s7 =	smul.u32 $0x2710, s7;
	s9 =	simm.s32 $0x1;
	s8 =	smax.u32 s8, $0x1  }
.LBB2_1:
0xb: {  	[tilespmem:s1], [sflag:$0x1] =	stream.linear.gather [hbm4b:s3+s1], $0x16000, $0x38;
	[tilespmem:$0x18800] =	vst v63  }
0xc: {  	_ =	swait.ge [sflag:s9], $0x16000  }
0xd: {  	[sflag:s9] =	ssyncset.done $0x0  }
0xe: {  	s16 =	simm.s32 $0x0;
	[sflag:s9] =	ssyncadd.s32 $0xFFFEA000  }
.LBB2_2:
0xf: {  	s17 =	smul.u32 $0x7D0, s16;
	_ =	sdelay $0x1  }
0x10: {  	s17 =	sadd.s32 s7, s17  }
0x11: {  	s17 =	sshrl.u32 s17, $0x3  }
0x12: {  	s19 =	simm.s32 $0x0;
	s18 =	sadd.s32 s4, s17  }
0x13: {  	[tilespmem:s10], [sflag:$0x1] =	stream.linear.gather [hbm4b:s18+s19], $0x7D0, $0x38;
	[tilespmem:$0x18800] =	vst v63  }
0x14: {  	_ =	swait.ge [sflag:s9], $0x7D0  }
0x15: {  	[sflag:s9] =	ssyncset.done $0x0  }
0x16: {  	s31 =	sadd.s32 s5, s17;
	[sflag:s9] =	ssyncadd.s32 $0xFFFFF830  }
0x17: {  	[tilespmem:s11], [sflag:$0x1] =	stream.linear.gather [hbm4b:s31+s19], $0x7D0, $0x38;
	[tilespmem:$0x18800] =	vst v63  }
0x18: {  	_ =	swait.ge [sflag:s9], $0x7D0  }
0x19: {  	[sflag:s9] =	ssyncset.done $0x0  }
0x1a: {  	s19 =	simm.s32 $0x0;
	[sflag:s9] =	ssyncadd.s32 $0xFFFFF830  }
0x1b: {  	v0 =	vld [tilespmem:s19+$0x16000];
	_ =	sdelay $0x1  }
0x1c: {  	v1 =	vld [tilespmem:s19+$0x16800];
	_ =	sdelay $0x2  }
0x1d: {  	v2 =	vadd.s32 $0x2710, v0;
	_ =	sdelay $0x1  }
0x1e: {  	v4 =	vadd.s32 $0x2710, v1;
	_ =	sdelay $0x2  }
0x1f: {  	v3 =	vld.idx.msk [tilespmem:v2+s1+$0x0], $0xffff;
	v2 =	vadd.s32 $0x4E20, v0  }
0x20: {  	v5 =	vadd.s32 $0x4E20, v1  }
0x21: {  	s20 =	simm.s32 $0x80;
	s18 =	simm.s32 $0x10;
	v4 =	vld.idx.msk [tilespmem:v4+s1+$0x0], $0xffff  }
.LBB2_3:
0x22: {  	p0 =	sne.s32 s20, $0x1F00;
	v6 =	vld.idx.msk [tilespmem:v0+s1+$0x0], $0xffff;
	s21 =	smov.u32 s20;
	s20 =	sadd.s32 $0x40, s20  }
0x23: {  	v7 =	vld.idx.msk [tilespmem:v1+s1+$0x0], $0xffff  }
0x24: {  	v2 =	vld.idx.msk [tilespmem:v2+s1+$0x0], $0xffff  }
0x25: {  	v5 =	vld.idx.msk [tilespmem:v5+s1+$0x0], $0xffff;
	_ =	sdelay $0x2  }
0x26: {  	v3 =	vsub.f32 v4, v3;
	v8 =	vld [tilespmem:s18+$0x16000]  }
0x27: {  	v4 =	vsub.f32 v7, v6  }
0x28: {  	v3 =	vmul.f32 v3, v3  }
0x29: {  	v4 =	vmul.f32 v4, v4;
	v2 =	vsub.f32 v5, v2  }
0x2a: {  	v5 =	vadd.s32 $0x7530, v1  }
0x2b: {  	v3 =	vadd.f32 v3, v4;
	v4 =	vmul.f32 v2, v2;
	v6 =	vadd.s32 $0x2710, v8  }
0x2c: {  	v7 =	vadd.s32 $0x9C40, v0  }
0x2d: {  	v2 =	vadd.s32 $0x4E20, v8;
	v3 =	vadd.f32 v4, v3;
	v4 =	vadd.s32 $0x9C40, v1  }
0x2e: {  	v9 =	vadd.s32 $0x7530, v0  }
0x2f: {  	[tilespmem:s19+$0x17000] =	vst v3;
	v3 =	vadd.s32 $0xC350, v0  }
0x30: {  	v10 =	vadd.s32 $0xC350, v1;
	v5 =	vld.idx.msk [tilespmem:v5+s1+$0x0], $0xffff  }
0x31: {  	v7 =	vld.idx.msk [tilespmem:v7+s1+$0x0], $0xffff  }
0x32: {  	v4 =	vld.idx.msk [tilespmem:v4+s1+$0x0], $0xffff  }
0x33: {  	v9 =	vld.idx.msk [tilespmem:v9+s1+$0x0], $0xffff  }
0x34: {  	v3 =	vld.idx.msk [tilespmem:v3+s1+$0x0], $0xffff  }
0x35: {  	v10 =	vld.idx.msk [tilespmem:v10+s1+$0x0], $0xffff;
	_ =	sdelay $0x2  }
0x36: {  	v4 =	vsub.f32 v4, v7  }
0x37: {  	v5 =	vsub.f32 v5, v9  }
0x38: {  	v4 =	vmul.f32 v4, v4  }
0x39: {  	v5 =	vmul.f32 v5, v5;
	v3 =	vsub.f32 v10, v3;
	_ =	sdelay $0x1  }
0x3a: {  	v4 =	vadd.f32 v4, v5;
	v3 =	vmul.f32 v3, v3;
	v5 =	vadd.s32 $0xEA60, v1  }
0x3b: {  	v7 =	vadd.s32 $0xEA60, v0  }
0x3c: {  	v3 =	vadd.f32 v3, v4;
	v4 =	vadd.s32 $0x11170, v1  }
0x3d: {  	v9 =	vadd.s32 $0x11170, v0  }
0x3e: {  	v1 =	vadd.s32 $0x13880, v1;
	[tilespmem:s19+$0x17800] =	vst v3  }
0x3f: {  	v3 =	vld.idx.msk [tilespmem:v5+s1+$0x0], $0xffff;
	v5 =	vadd.s32 $0x13880, v0;
	v0 =	vmov v8  }
0x40: {  	v7 =	vld.idx.msk [tilespmem:v7+s1+$0x0], $0xffff  }
0x41: {  	v4 =	vld.idx.msk [tilespmem:v4+s1+$0x0], $0xffff  }
0x42: {  	v8 =	vld.idx.msk [tilespmem:v9+s1+$0x0], $0xffff  }
0x43: {  	v9 =	vld.idx.msk [tilespmem:v1+s1+$0x0], $0xffff  }
0x44: {  	v5 =	vld.idx.msk [tilespmem:v5+s1+$0x0], $0xffff;
	_ =	sdelay $0x1  }
0x45: {  	v3 =	vsub.f32 v3, v7;
	_ =	sdelay $0x1  }
0x46: {  	v3 =	vmul.f32 v3, v3;
	v4 =	vsub.f32 v4, v8;
	v1 =	vld [tilespmem:s18+$0x16800];
	_ =	sdelay $0x1  }
0x47: {  	v4 =	vmul.f32 v4, v4;
	v5 =	vsub.f32 v9, v5;
	_ =	sdelay $0x1  }
0x48: {  	v3 =	vadd.f32 v4, v3;
	v4 =	vmul.f32 v5, v5  }
0x49: {  	v7 =	vadd.s32 $0x2710, v1  }
.Ltmp0:
0x4a: {  	v3 =	vadd.f32 v4, v3;
	(pc) =	sbr.rel @p0 .LBB2_3-.Ltmp0, $4  }
0x4b: {  	_ = 	snop  }
0x4c: {  	[tilespmem:s19+$0x18000] =	vst v3;
	s19 =	smov.u32 s18  }
0x4d: {  	v5 =	vadd.s32 $0x4E20, v1;
	v3 =	vld.idx.msk [tilespmem:v6+s1+$0x0], $0xffff  }
0x4e: {  	s18 =	sshra.s32 s21, $0x2;
	v4 =	vld.idx.msk [tilespmem:v7+s1+$0x0], $0xffff  }
0x4f: {  	_ =	sdelay $0x3  }
0x50: {  	v6 =	vld.idx.msk [tilespmem:v0+s1+$0x0], $0xffff  }
0x51: {  	v7 =	vld.idx.msk [tilespmem:v1+s1+$0x0], $0xffff  }
0x52: {  	v2 =	vld.idx.msk [tilespmem:v2+s1+$0x0], $0xffff  }
0x53: {  	v5 =	vld.idx.msk [tilespmem:v5+s1+$0x0], $0xffff;
	_ =	sdelay $0x2  }
0x54: {  	v3 =	vsub.f32 v4, v3;
	v28 =	vsub.f32 v7, v6;
	_ =	sdelay $0x1  }
0x55: {  	v2 =	vsub.f32 v5, v2;
	v3 =	vmul.f32 v3, v3;
	v4 =	vmul.f32 v28, v28;
	_ =	sdelay $0x1  }
0x56: {  	v29 =	vadd.s32 $0x7530, v1;
	v2 =	vmul.f32 v2, v2;
	v3 =	vadd.f32 v3, v4  }
0x57: {  	v30 =	vadd.s32 $0x9C40, v0  }
0x58: {  	v31 =	vadd.s32 $0x9C40, v1;
	v2 =	vadd.f32 v2, v3  }
0x59: {  	v33 =	vadd.s32 $0x7530, v0  }
0x5a: {  	v32 =	vld [tilespmem:s18+$0x16000];
	v34 =	vadd.s32 $0xC350, v0;
	[tilespmem:s19+$0x17000] =	vst v2  }
0x5b: {  	v8 =	vadd.s32 $0xC350, v1;
	v5 =	vld.idx.msk [tilespmem:v29+s1+$0x0], $0xffff  }
0x5c: {  	v4 =	vld.idx.msk [tilespmem:v30+s1+$0x0], $0xffff  }
0x5d: {  	v3 =	vld.idx.msk [tilespmem:v31+s1+$0x0], $0xffff  }
0x5e: {  	v7 =	vld.idx.msk [tilespmem:v33+s1+$0x0], $0xffff  }
0x5f: {  	v2 =	vld.idx.msk [tilespmem:v34+s1+$0x0], $0xffff  }
0x60: {  	v8 =	vld.idx.msk [tilespmem:v8+s1+$0x0], $0xffff;
	_ =	sdelay $0x2  }
0x61: {  	v3 =	vsub.f32 v3, v4;
	v35 =	vsub.f32 v5, v7;
	_ =	sdelay $0x1  }
0x62: {  	v2 =	vsub.f32 v8, v2;
	v3 =	vmul.f32 v3, v3;
	v4 =	vmul.f32 v35, v35;
	_ =	sdelay $0x1  }
0x63: {  	v36 =	vadd.s32 $0xEA60, v1;
	v2 =	vmul.f32 v2, v2;
	v3 =	vadd.f32 v3, v4  }
0x64: {  	v37 =	vadd.s32 $0xEA60, v0  }
0x65: {  	v38 =	vadd.s32 $0x11170, v1;
	v2 =	vadd.f32 v2, v3  }
0x66: {  	v39 =	vadd.s32 $0x11170, v0  }
0x67: {  	v40 =	vadd.s32 $0x13880, v1;
	[tilespmem:s19+$0x17800] =	vst v2  }
0x68: {  	v41 =	vadd.s32 $0x13880, v0;
	v2 =	vld.idx.msk [tilespmem:v36+s1+$0x0], $0xffff  }
0x69: {  	v42 =	vld.idx.msk [tilespmem:v37+s1+$0x0], $0xffff  }
0x6a: {  	v3 =	vld.idx.msk [tilespmem:v38+s1+$0x0], $0xffff  }
0x6b: {  	v43 =	vld.idx.msk [tilespmem:v39+s1+$0x0], $0xffff  }
0x6c: {  	v1 =	vld.idx.msk [tilespmem:v40+s1+$0x0], $0xffff  }
0x6d: {  	v0 =	vld.idx.msk [tilespmem:v41+s1+$0x0], $0xffff;
	_ =	sdelay $0x2  }
0x6e: {  	v44 =	vld [tilespmem:s18+$0x16800];
	v2 =	vsub.f32 v2, v42;
	v3 =	vsub.f32 v3, v43;
	_ =	sdelay $0x1  }
0x6f: {  	v0 =	vsub.f32 v1, v0;
	v2 =	vmul.f32 v2, v2;
	v3 =	vmul.f32 v3, v3;
	_ =	sdelay $0x1  }
0x70: {  	v45 =	vadd.s32 $0x2710, v32;
	v0 =	vmul.f32 v0, v0;
	v2 =	vadd.f32 v3, v2  }
0x71: {  	v46 =	vadd.s32 $0x2710, v44  }
0x72: {  	v0 =	vadd.f32 v0, v2;
	_ =	sdelay $0x1  }
0x73: {  	v47 =	vadd.s32 $0x4E20, v32;
	[tilespmem:s19+$0x18000] =	vst v0  }
0x74: {  	v48 =	vadd.s32 $0x4E20, v44;
	v0 =	vld.idx.msk [tilespmem:v45+s1+$0x0], $0xffff  }
0x75: {  	v3 =	vld.idx.msk [tilespmem:v46+s1+$0x0], $0xffff  }
0x76: {  	v49 =	vld.idx.msk [tilespmem:v32+s1+$0x0], $0xffff  }
0x77: {  	v50 =	vld.idx.msk [tilespmem:v44+s1+$0x0], $0xffff  }
0x78: {  	v2 =	vld.idx.msk [tilespmem:v47+s1+$0x0], $0xffff  }
0x79: {  	v1 =	vld.idx.msk [tilespmem:v48+s1+$0x0], $0xffff;
	_ =	sdelay $0x2  }
0x7a: {  	v0 =	vsub.f32 v3, v0;
	v51 =	vsub.f32 v50, v49;
	_ =	sdelay $0x1  }
0x7b: {  	v1 =	vsub.f32 v1, v2;
	v0 =	vmul.f32 v0, v0;
	v3 =	vmul.f32 v51, v51;
	_ =	sdelay $0x1  }
0x7c: {  	v52 =	vadd.s32 $0x7530, v44;
	v1 =	vmul.f32 v1, v1;
	v0 =	vadd.f32 v0, v3  }
0x7d: {  	v53 =	vadd.s32 $0x9C40, v32  }
0x7e: {  	v54 =	vadd.s32 $0x9C40, v44;
	v0 =	vadd.f32 v1, v0  }
0x7f: {  	v55 =	vadd.s32 $0x7530, v32  }
0x80: {  	v56 =	vadd.s32 $0xC350, v32;
	[tilespmem:s18+$0x17000] =	vst v0  }
0x81: {  	v57 =	vadd.s32 $0xC350, v44;
	v2 =	vld.idx.msk [tilespmem:v52+s1+$0x0], $0xffff  }
0x82: {  	v3 =	vld.idx.msk [tilespmem:v53+s1+$0x0], $0xffff  }
0x83: {  	v1 =	vld.idx.msk [tilespmem:v54+s1+$0x0], $0xffff  }
0x84: {  	v5 =	vld.idx.msk [tilespmem:v55+s1+$0x0], $0xffff  }
0x85: {  	v0 =	vld.idx.msk [tilespmem:v56+s1+$0x0], $0xffff  }
0x86: {  	v7 =	vld.idx.msk [tilespmem:v57+s1+$0x0], $0xffff;
	_ =	sdelay $0x2  }
0x87: {  	v1 =	vsub.f32 v1, v3;
	v2 =	vsub.f32 v2, v5;
	_ =	sdelay $0x1  }
0x88: {  	v0 =	vsub.f32 v7, v0;
	v1 =	vmul.f32 v1, v1;
	v2 =	vmul.f32 v2, v2;
	_ =	sdelay $0x1  }
0x89: {  	v58 =	vadd.s32 $0xEA60, v44;
	v0 =	vmul.f32 v0, v0;
	v1 =	vadd.f32 v1, v2  }
0x8a: {  	v59 =	vadd.s32 $0xEA60, v32  }
0x8b: {  	v60 =	vadd.s32 $0x11170, v44;
	v0 =	vadd.f32 v0, v1  }
0x8c: {  	v61 =	vadd.s32 $0x11170, v32  }
0x8d: {  	v62 =	vadd.s32 $0x13880, v44;
	[tilespmem:s18+$0x17800] =	vst v0  }
0x8e: {  	v63 =	vadd.s32 $0x13880, v32;
	v2 =	vld.idx.msk [tilespmem:v58+s1+$0x0], $0xffff  }
0x8f: {  	v3 =	vld.idx.msk [tilespmem:v59+s1+$0x0], $0xffff  }
0x90: {  	v1 =	vld.idx.msk [tilespmem:v60+s1+$0x0], $0xffff  }
0x91: {  	v5 =	vld.idx.msk [tilespmem:v61+s1+$0x0], $0xffff  }
0x92: {  	v0 =	vld.idx.msk [tilespmem:v62+s1+$0x0], $0xffff  }
0x93: {  	v4 =	vld.idx.msk [tilespmem:v63+s1+$0x0], $0xffff;
	_ =	sdelay $0x2  }
0x94: {  	v2 =	vsub.f32 v2, v3;
	v1 =	vsub.f32 v1, v5;
	_ =	sdelay $0x1  }
0x95: {  	v0 =	vsub.f32 v0, v4;
	v2 =	vmul.f32 v2, v2;
	v1 =	vmul.f32 v1, v1;
	_ =	sdelay $0x1  }
0x96: {  	v0 =	vmul.f32 v0, v0;
	v1 =	vadd.f32 v1, v2;
	_ =	sdelay $0x1  }
0x97: {  	v0 =	vadd.f32 v0, v1;
	_ =	sdelay $0x1  }
0x98: {  	s17 =	sadd.s32 s6, s17;
	[tilespmem:s18+$0x18000] =	vst v0  }
0x99: {  	[hbm4b:s17+s1] =	stream.linear.scatter [tilespmem:s12], [sflag:$0x1], $0x7D0, $0x38;
	[tilespmem:$0x18800] =	vst v63  }
0x9a: {  	_ =	swait.ge [sflag:s9], $0x7D0  }
0x9b: {  	[sflag:s9] =	ssyncset.done $0x0  }
0x9c: {  	s31 =	sadd.s32 $0x9C40, s17;
	[sflag:s9] =	ssyncadd.s32 $0xFFFFF830  }
0x9d: {  	[hbm4b:s31+s1] =	stream.linear.scatter [tilespmem:s13], [sflag:$0x1], $0x7D0, $0x38;
	[tilespmem:$0x18800] =	vst v63  }
0x9e: {  	s16 =	sadd.s32 $0x1, s16;
	_ =	swait.ge [sflag:s9], $0x7D0  }
0x9f: {  	p0 =	sne.s32 s16, $0x5;
	[sflag:s9] =	ssyncset.done $0x0  }
.Ltmp1:
0xa0: {  	s17 =	sadd.s32 $0x13880, s17;
	[sflag:s9] =	ssyncadd.s32 $0xFFFFF830;
	(pc) =	sbr.rel @p0 .LBB2_2-.Ltmp1, $4  }
0xa1: {  	[hbm4b:s17+s1] =	stream.linear.scatter [tilespmem:s14], [sflag:$0x1], $0x7D0, $0x38;
	[tilespmem:$0x18800] =	vst v63  }
0xa2: {  	_ =	swait.ge [sflag:s9], $0x7D0  }
0xa3: {  	[sflag:s9] =	ssyncset.done $0x0  }
0xa4: {  	[sflag:s9] =	ssyncadd.s32 $0xFFFFF830  }
0xa5: {  	s15 =	sadd.s32 $0x1, s15  }
0xa6: {  	p0 =	sne.s32 s15, s8  }
.Ltmp2:
0xa7: {  	_ = 	snop;
	(pc) =	sbr.rel @p0 .LBB2_1-.Ltmp2, $1  }
0xa8: {  	_ =	sdelay $0x3  }
0xa9: {  	_ =	sfence.sel $0x180000  }
0xaa: {  	[bflag:$0x0] =	sbarrier.arrive $0xFFFF  }
0xab: {  	p0 =	sne.s32 s2, $0x0;
	_ =	strace $0x90000047  }
0xac: {  	s0 =	sadd.s32 @!p0 $0x100000, s0;
	[bflag:$0x2] =	sbarrier.arrive $0xFFFF  }
0xad: {  	[sflag:s0] =	ssyncadd.tile.s32 @!p0 $0x1;
	_ =	shalt  }
.Lfunc_end2:
_tile_overlayer_lowered:
.L_overlay_start_2:
0xae: {  	(tag) =	ssettag $0x2  }
0xaf: {  	s0 =	rddreg [dreg:$0x0];
	s2 =	stileid.u32  }
0xb0: {  	s1 =	rddreg [dreg:$0x1];
	p0 =	sne.s32 s2, $0x0  }
0xb1: {  	s3 =	rddreg [dreg:$0x2];
	[bflag:$0x3] =	sbarrier.arrive $0xFFFF;
	s2 =	simm.s32 @!p0 $0x1C01  }
0xb2: {  	[timem:s3], [sflag:s2] =	dma.local @!p0 [hbm:s0], s1  }
0xb3: {  	s0 =	simm.s32 @!p0 $0x1  }
0xb4: {  	_ =	swait.ge @!p0 [sflag:s0], s1  }
0xb5: {  	s1 =	ssub.s32 @!p0 $0x0, s1;
	[sflag:s0] =	ssyncset.done @!p0 $0x0  }
0xb6: {  	[sflag:s0] =	ssyncadd.s32 @!p0 s1  }
0xb7: {  	[bflag:$0x3] =	sbarrier.arrive $0xFFFF  }
0xb8: {  	_ =	shalt  }

// kernel: kernel.17.cloned.1.call-start
scs
__scs_entry_jumppad:
0x0: {  	(pc) =	sbr.rel $0x88, $3  }
0x1: {  	(tag) =	ssettag $0x0;
	lr =	simm.s32 $0x1  }
0x2: {  	[smem:$0x3F86] =	sst lr;
	_ =	strace $0xD0000000  }
0x3: {  	_ = 	snop  }
0x4: {  	_ = 	snop  }
0x5: {  	_ = 	snop  }
0x6: {  	_ = 	snop  }
0x7: {  	_ = 	snop  }
__scs_overlays_trampoline_lowered:
0x8: {  	[smem:$0x3F95] =	sst s0  }
0x9: {  	[smem:$0x3F96] =	sst s1  }
0xa: {  	[smem:$0x3F97] =	sst s2  }
0xb: {  	[smem:$0x3F98] =	sst s3  }
0xc: {  	[smem:$0x3F99] =	sst s4  }
0xd: {  	[smem:$0x3F9A] =	sst s5  }
0xe: {  	[smem:$0x3F9B] =	sst s6  }
0xf: {  	[smem:$0x3F9C] =	sst s7  }
0x10: {  	[smem:$0x3F9D] =	sst s8  }
0x11: {  	[smem:$0x3F9E] =	sst s9;
	s0 =	simm.s32 @!p0 $0x0  }
0x12: {  	s1 =	sld [smem:$0x3F84];
	s0 =	simm.s32 @p0 $0x1  }
0x13: {  	[smem:$0x3F9F] =	sst s0;
	s0 =	simm.s32 @!p1 $0x0  }
0x14: {  	s2 =	sld [smem:$0x3F83];
	s0 =	simm.s32 @p1 $0x1  }
0x15: {  	[smem:$0x3FA0] =	sst s0;
	s0 =	simm.s32 @!p2 $0x0  }
0x16: {  	s3 =	sld [smem:$0x3FDB];
	s0 =	simm.s32 @p2 $0x1  }
0x17: {  	s4 =	simm.s32 $0x1BF5;
	[smem:$0x3FA2] =	sst s0  }
0x18: {  	s0 =	sld [smem:$0x3F85];
	_ =	swait.ge [sflag:s4], $0x0  }
0x19: {  	s7 =	sld [smem:$0x3F86]  }
0x1a: {  	s8 =	sadd.s32 $0xFFFFE003, lr  }
0x1b: {  	s9 =	sadd.s32 $0xFFFFFEF7, lr;
	s5 =	simm.s32 $0xFFFFFFFF;
	p2 =	slt.u32 s8, $0xFFFFF086  }
0x1c: {  	p1 =	slt.u32 s9, $0xF7A;
	s5 =	simm.s32 @!p2 $0x0  }
0x1d: {  	s5 =	simm.s32 @p1 $0x1;
	p0 =	seq.s32 s7, s2  }
0x1e: {  	s7 =	smul.u32 @!p0 $0xF7A, s2;
	p2 =	seq.s32 @!p0 s5, $0x0  }
0x1f: {  	s9 =	smul.u32 $0xF7A, s1;
	s8 =	simm.s32 @!p0 $0x1BF5;
	p2 =	por !p2, p0  }
0x20: {  	[sflag:s8] =	ssyncset.s32 @!p0 $0xFFFFF086;
	s6 =	sadd.s32 @!p0 s3, s7;
	s7 =	simm.s32 @!p0 $0x108  }
0x21: {  	s3 =	sadd.s32 s3, s9;
	s6 =	sadd.s32 @!p0 $0x88, s6;
	s7 =	simm.s32 @p2 $0x1082  }
0x22: {  	[simem:s7], [sflag:s8] =	dma.local @!p0 [hbm:s6], $0xF7A  }
0x23: {  	s9 =	sor.u32 $0xD0000000, s2;
	s6 =	simm.s32 $0x108;
	_ =	swait.ge @!p0 [sflag:s8], $0x0  }
0x24: {  	s3 =	sadd.s32 $0x88, s3;
	s6 =	simm.s32 @!p1 $0x1082;
	[sflag:s4] =	ssyncset.s32 $0xFFFFF086  }
0x25: {  	[simem:s6], [sflag:s4] =	dma.local [hbm:s3], $0xF7A  }
0x26: {  	[smem:$0x3F86] =	sst s1;
	(tag) =	ssettag s2;
	_ =	strace s9  }
0x27: {  	s1 =	sld [smem:$0x3F96]  }
0x28: {  	s2 =	sld [smem:$0x3F97]  }
0x29: {  	s4 =	sld [smem:$0x3F99]  }
0x2a: {  	p0 =	seq.s32 s5, $0x0;
	s5 =	sld [smem:$0x3F9A]  }
0x2b: {  	s6 =	sld [smem:$0x3F9B]  }
0x2c: {  	s7 =	sld [smem:$0x3F9C]  }
0x2d: {  	s3 =	simm.s32 $0x108;
	s8 =	sld [smem:$0x3F9D]  }
0x2e: {  	s3 =	simm.s32 @!p0 $0x1082;
	s9 =	sld [smem:$0x3F9E]  }
0x2f: {  	lr =	sadd.s32 s0, s3;
	s0 =	sld [smem:$0x3F95]  }
0x30: {  	s3 =	sld [smem:$0x3F98]  }
0x31: {  	[smem:$0x3FA1] =	sst s10  }
0x32: {  	s10 =	sld [smem:$0x3F9F];
	_ =	sdelay $0x3  }
0x33: {  	p0 =	seq.s32 s10, $0x1;
	s10 =	sld [smem:$0x3FA1];
	_ =	sdelay $0x3  }
0x34: {  	[smem:$0x3FA1] =	sst s10  }
0x35: {  	s10 =	sld [smem:$0x3FA0];
	_ =	sdelay $0x3  }
0x36: {  	p1 =	seq.s32 s10, $0x1;
	s10 =	sld [smem:$0x3FA1];
	_ =	sdelay $0x3  }
0x37: {  	[smem:$0x3FA1] =	sst s10  }
0x38: {  	s10 =	sld [smem:$0x3FA2]  }
0x39: {  	_ = 	snop;
	(pc) =	sbr.ind lr, $3  }
0x3a: {  	_ = 	snop  }
0x3b: {  	_ = 	snop  }
0x3c: {  	p2 =	seq.s32 s10, $0x1;
	s10 =	sld [smem:$0x3FA1]  }
0x3d: {  	_ =	shalt  }
0x3e: {  	_ =	shalt  }
0x3f: {  	_ =	shalt  }
0x40: {  	_ =	shalt  }
0x41: {  	_ =	shalt  }
0x42: {  	_ =	shalt  }
0x43: {  	_ =	shalt  }
0x44: {  	_ =	shalt  }
0x45: {  	_ =	shalt  }
0x46: {  	_ =	shalt  }
0x47: {  	_ =	shalt  }
0x48: {  	_ =	shalt  }
0x49: {  	_ =	shalt  }
0x4a: {  	_ =	shalt  }
0x4b: {  	_ =	shalt  }
0x4c: {  	_ =	shalt  }
0x4d: {  	_ =	shalt  }
0x4e: {  	_ =	shalt  }
0x4f: {  	_ =	shalt  }
0x50: {  	_ =	shalt  }
0x51: {  	_ =	shalt  }
0x52: {  	_ =	shalt  }
0x53: {  	_ =	shalt  }
0x54: {  	_ =	shalt  }
0x55: {  	_ =	shalt  }
0x56: {  	_ =	shalt  }
0x57: {  	_ =	shalt  }
0x58: {  	_ =	shalt  }
0x59: {  	_ =	shalt  }
0x5a: {  	_ =	shalt  }
0x5b: {  	_ =	shalt  }
0x5c: {  	_ =	shalt  }
0x5d: {  	_ =	shalt  }
0x5e: {  	_ =	shalt  }
0x5f: {  	_ =	shalt  }
0x60: {  	_ =	shalt  }
0x61: {  	_ =	shalt  }
0x62: {  	_ =	shalt  }
0x63: {  	_ =	shalt  }
0x64: {  	_ =	shalt  }
0x65: {  	_ =	shalt  }
0x66: {  	_ =	shalt  }
0x67: {  	_ =	shalt  }
0x68: {  	_ =	shalt  }
0x69: {  	_ =	shalt  }
0x6a: {  	_ =	shalt  }
0x6b: {  	_ =	shalt  }
0x6c: {  	_ =	shalt  }
0x6d: {  	_ =	shalt  }
0x6e: {  	_ =	shalt  }
0x6f: {  	_ =	shalt  }
0x70: {  	_ =	shalt  }
0x71: {  	_ =	shalt  }
0x72: {  	_ =	shalt  }
0x73: {  	_ =	shalt  }
0x74: {  	_ =	shalt  }
0x75: {  	_ =	shalt  }
0x76: {  	_ =	shalt  }
0x77: {  	_ =	shalt  }
0x78: {  	_ =	shalt  }
0x79: {  	_ =	shalt  }
0x7a: {  	_ =	shalt  }
0x7b: {  	_ =	shalt  }
0x7c: {  	_ =	shalt  }
0x7d: {  	_ =	shalt  }
0x7e: {  	_ =	shalt  }
0x7f: {  	_ =	shalt  }
0x80: {  	_ =	shalt  }
0x81: {  	_ =	shalt  }
0x82: {  	_ =	shalt  }
0x83: {  	_ =	shalt  }
0x84: {  	_ =	shalt  }
0x85: {  	_ =	shalt  }
0x86: {  	_ =	shalt  }
0x87: {  	_ =	shalt  }
.Lfunc_end0:
.L_simem_size_0:
called_computation.1_lowered:
.L_overlay_start_0:
0x88: {  	s2 =	sld [smem:$0x3FD9]  }
0x89: {  	s3 =	sld [smem:$0x3FFE];
	_ =	sdelay $0x1  }
0x8a: {  	s1 =	srdreg.scid  }
0x8b: {  	s0 =	sand.u32 $0x1, s1  }
0x8c: {  	s17 =	sshll.u32 s0, $0xA;
	s2 =	sadd.s32 s3, s2  }
0x8d: {  	s2 =	sadd.s32 s2, s17  }
0x8e: {  	[smem:$0x3FAD] =	sst s2  }
0x8f: {  	_ = 	snop  }
0x90: {  	s2 =	sld [smem:$0x3FD0];
	(tm) =	ssettm $0x1  }
0x91: {  	s18 =	sld [smem:$0x3FFB];
	_ =	sdelay $0x3  }
0x92: {  	_ =	strace s18  }
0x93: {  	s3 =	sld [smem:$0x3FFC];
	_ =	sdelay $0x3  }
0x94: {  	_ =	strace s3  }
0x95: {  	s3 =	sld [smem:$0x3FFD];
	_ =	sdelay $0x3  }
0x96: {  	_ =	strace s3  }
0x97: {  	_ =	strace $0x8FFFFFFF  }
0x98: {  	s19 =	sld [smem:$0x3FDB];
	_ =	sdelay $0x1  }
0x99: {  	s4 =	simm.s32 $_scs_section_size  }
0x9a: {  	s5 =	simm.s32 $_size__tile_overlayer_lowered;
	s6 =	simm.s32 $_tile_overlayer_lowered  }
0x9b: {  	s22 =	simm.s32 $0x1BFF;
	s21 =	sshll.u32 s6, $0x1;
	s3 =	sadd.s32 s4, s19  }
0x9c: {  	s7 =	simm.s32 $0x0;
	s20 =	sshll.u32 s5, $0x1;
	s5 =	sadd.s32 s21, s3  }
0x9d: {  	[timem:s7], [sflag:s22] =	dma.local [hbm:s5], s20  }
0x9e: {  	_ =	swait.ge [sflag:s22], s20  }
0x9f: {  	s4 =	ssub.s32 $0x0, s20;
	[sflag:s22] =	ssyncset.done $0x0  }
0xa0: {  	[sflag:s22] =	ssyncadd.s32 s4;
	_ =	sdelay $0x1  }
0xa1: {  	s23 =	simm.s32 $0x1B8B  }
0xa2: {  	_ =	swait.ge [sflag:s23], $0x1  }
0xa3: {  	[sflag:s23] =	ssyncset.done $0x0  }
0xa4: {  	s25 =	simm.s32 $0x1B8E;
	s24 =	sld [smem:$0x3FFE];
	[sflag:s23] =	ssyncadd.s32 $0xFFFFFFFF  }
0xa5: {  	s26 =	simm.s32 $execute0_lowered;
	[smem:$0x3FD2] =	sst s25  }
0xa6: {  	s5 =	sshll.u32 s26, $0x1;
	_ =	strace $0x80000049;
	[dreg:$0x1] =	wrdreg $0xFFFFFFFF  }
0xa7: {  	s28 =	simm.s32 $_size_execute0_lowered;
	s3 =	sadd.s32 s3, s5;
	[dreg:$0x0] =	wrdreg $0x0  }
0xa8: {  	s5 =	sshll.u32 s28, $0x1;
	[dreg:$0x2] =	wrdreg s3  }
0xa9: {  	[dreg:$0x3] =	wrdreg s5  }
0xaa: {  	[dreg:$0x4] =	wrdreg $0xC0  }
0xab: {  	_ =	task [dreg:s7], $0x5FFFF  }
0xac: {  	[dreg:$0x1] =	wrdreg $0xFFFFFFFF  }
0xad: {  	[dreg:$0x0] =	wrdreg $0x60  }
0xae: {  	[dreg:$0x2] =	wrdreg s2  }
0xaf: {  	[dreg:$0x3] =	wrdreg s24  }
0xb0: {  	[dreg:$0x4] =	wrdreg $0xC2000  }
0xb1: {  	[dreg:$0x5] =	wrdreg $0x9  }
0xb2: {  	_ =	task.clear_ibuf [dreg:s7], $0x6FFFF;
	_ =	strace $0x90000049  }
0xb3: {  	s29 =	simm.s32 $0x9;
	_ =	strace $0x8000004B  }
0xb4: {  	_ =	swait.ge [sflag:s29], $0x1  }
0xb5: {  	[sflag:s29] =	ssyncadd.s32 $0xFFFFFFFF  }
0xb6: {  	_ =	strace $0x9000004B  }
0xb7: {  	_ =	sfence  }
0xb8: {  	s30 =	sld [smem:$0x0];
	_ =	sdelay $0x2  }
0xb9: {  	s31 =	sshll.u32 s1, $0xD;
	s1 =	sshrl.u32 s1, $0x2  }
0xba: {  	s3 =	sand.u32 $0x4000, s31;
	s1 =	sadd.s32 s1, s30  }
0xbb: {  	s0 =	sor.u32 s3, s0;
	s1 =	sshll.u32 s1, $0x11  }
0xbc: {  	s0 =	sor.u32 s1, s0  }
0xbd: {  	s0 =	sadd.s32 $0x8F2B, s0  }
0xbe: {  	[sflag:s0] =	ssyncadd.remote.s32 $0x1  }
0xbf: {  	_ =	sfence.sel $0xFFFF  }
0xc0: {  	[dreg:$0x0] =	wrdreg $0xFFFFFFFF;
	(pc) =	sbr.abs _section_cstart, $3  }
0xc1: {  	[dreg:$0x1] =	wrdreg $0xFFFFFFFF  }
0xc2: {  	_ =	task.clear_ibuf [dreg:s7], $0x2FFFF;
	_ =	strace $0x9FFFFFFF  }
0xc3: {  	(tm) =	ssettm $0x7FFFFFFF  }
tec
execute0_lowered:
.L_overlay_start_1:
0x0: {  	(tag) =	ssettag $0x1  }
0x1: {  	s1 =	rddreg [dreg:$0x0]  }
0x2: {  	s0 =	rddreg [dreg:$0x1]  }
0x3: {  	s2 =	rddreg [dreg:$0x2];
	s3 =	simm.s32 $0x0  }
0x4: {  	s4 =	stileid.u32;
	s25 =	srdreg.scid;
	s29 =	simm.s32 $0x100  }
0x5: {  	s28 =	simm.s32 $0x5;
	s30 =	simm.s32 $0x2;
	s8 =	smul.u32 $0x2780, s4  }
0x6: {  	s31 =	simm.s32 $0x8;
	[smem:$0x7FF] =	sst s3;
	s12 =	smul.u32 $0x46, s4  }
0x7: {  	s5 =	sadd.s32 $0x562200, s0;
	s3 =	sand.u32 $0x1, s25;
	s14 =	smul.u32 $0x8C, s4  }
0x8: {  	s6 =	sadd.s32 $0x3B400, s0;
	s7 =	sadd.s32 $0x45200, s0;
	s15 =	smul.u32 $0x4F000, s4  }
0x9: {  	_ =	strace $0x8000004A;
	s9 =	smul.u32 $0x27800, s3;
	s11 =	ssub.s32 $0x2, s3  }
0xa: {  	p0 =	seq.s32 s3, $0x0;
	s3 =	simm.s32 $0x7;
	s10 =	sadd.s32 s8, s0  }
0xb: {  	s13 =	sshrl.u32 s11, $0x1;
	s9 =	sadd.s32 s8, s9;
	s8 =	sadd.s32 $0x8C0, s12  }
0xc: {  	s26 =	ssub.s32 s11, s13;
	s16 =	sadd.s32 $0x76200, s10;
	s12 =	simm.s32 $0x8C  }
0xd: {  	s10 =	simm.s32 $0x6;
	s13 =	simm.s32 $0x180;
	s0 =	sadd.s32 s9, s0  }
0xe: {  	s8 =	smov.u32 @p0 s14;
	s14 =	sshrl.u32 s15, $0x2;
	s15 =	sshll.u32 s4, $0x6  }
0xf: {  	[dreg:$0x4] =	wrdreg s16;
	s12 =	simm.s32 @!p0 $0x46;
	s26 =	smax.u32 s26, $0x1  }
0x10: {  	s9 =	smul.u32 $0x60, s8;
	s11 =	sadd.s32 s14, s2;
	s15 =	sor.u32 $0x1C0B, s15  }
0x11: {  	s18 =	smul.u32 $0x600, s8;
	s0 =	sadd.s32 $0x9DA00, s0;
	[dreg:$0xc] =	wrdreg s26  }
0x12: {  	s26 =	simm.s32 $0x200;
	[dreg:$0xb] =	wrdreg s0;
	s11 =	sshrl.u32 s11, $0x3  }
0x13: {  	s0 =	simm.s32 $0x1;
	[dreg:$0x5] =	wrdreg s15;
	s17 =	sshrl.u32 s9, $0x3  }
0x14: {  	s20 =	sadd.s32 $0x60, s9;
	s21 =	sadd.s32 s5, s18;
	[dreg:$0xd] =	wrdreg s11  }
0x15: {  	s18 =	sshrl.u32 s12, $0x1;
	s19 =	sadd.s32 s6, s17;
	[dreg:$0x7] =	wrdreg s21  }
0x16: {  	s22 =	sshrl.u32 s20, $0x3;
	s14 =	sshll.u32 s20, $0x4;
	s23 =	sadd.s32 s7, s17  }
0x17: {  	s21 =	sadd.s32 $0xFFFFFFFE, s12;
	s17 =	simm.s32 $0x0;
	[dreg:$0x6] =	wrdreg s19  }
0x18: {  	[dreg:$0x8] =	wrdreg s23;
	s24 =	sadd.s32 s6, s22;
	s25 =	sadd.s32 s5, s14  }
0x19: {  	s22 =	sadd.s32 $0xFFFFFFFD, s12;
	s14 =	simm.s32 $0x3200;
	[dreg:$0x9] =	wrdreg s24  }
0x1a: {  	[dreg:$0xa] =	wrdreg s25;
	s24 =	simm.s32 $0xB;
	s25 =	simm.s32 $0x60  }
.LBB2_1:
0x1b: {  	s4 =	rddreg [dreg:$0x4]  }
0x1c: {  	[spmem:s11], [sflag:s15] =	dma.local [hbm:s4], $0x2780  }
0x1d: {  	_ =	swait.ge [sflag:s24], $0x2780  }
0x1e: {  	[sflag:s24] =	ssyncset.done $0x0  }
0x1f: {  	[sflag:s24] =	ssyncadd.s32 $0xFFFFD880  }
0x20: {  	[bflag:$0x0] =	sbarrier.arrive $0xFFFF  }
0x21: {  	s4 =	simm.s32 $0x0;
	s19 =	rddreg [dreg:$0x6]  }
0x22: {  	[tilespmem:s4], [sflag:$0xB] =	stream.linear.gather [hbm4b:s19+s4], $0x60, $0x38;
	[tilespmem:$0x1FE00] =	vst v63  }
0x23: {  	_ =	swait.ge [sflag:s24], $0x60  }
0x24: {  	[sflag:s24] =	ssyncset.done $0x0  }
0x25: {  	[sflag:s24] =	ssyncadd.s32 $0xFFFFFFA0  }
0x26: {  	[tilespmem:s26], [sflag:$0x1] =	stream.indirect.gather [hbm4b:s1+s25], $0x80, s4, s25, $0xb8;
	[tilespmem:$0x1FE00] =	vst v63  }
0x27: {  	s23 =	simm.s32 $0x6200;
	s20 =	rddreg [dreg:$0x7]  }
0x28: {  	[tilespmem:s23], [sflag:$0x7] =	stream.linear.gather [hbm4b:s20+s4], $0x3000, $0x38;
	[tilespmem:$0x1FE00] =	vst v63  }
0x29: {  	s15 =	rddreg [dreg:$0x8]  }
0x2a: {  	[tilespmem:s29], [sflag:$0x5] =	stream.linear.gather [hbm4b:s15+s4], $0x60, $0x38;
	[tilespmem:$0x1FE00] =	vst v63  }
0x2b: {  	s19 =	simm.s32 $0x80;
	s16 =	rddreg [dreg:$0x9]  }
0x2c: {  	[tilespmem:s19], [sflag:$0x4] =	stream.linear.gather [hbm4b:s16+s4], $0x60, $0x38;
	[tilespmem:$0x1FE00] =	vst v63  }
0x2d: {  	s20 =	rddreg [dreg:$0xa];
	s23 =	simm.s32 $0x9200;
	s19 =	simm.s32 $0x0  }
0x2e: {  	[tilespmem:s23], [sflag:$0x8] =	stream.linear.gather [hbm4b:s20+s4], $0x3000, $0x38;
	[tilespmem:$0x1FE00] =	vst v63  }
.LBB2_2:
0x2f: {  	_ =	swait.ge [sflag:s0], $0x3000;
	s20 =	sshllo.u32 s19, $0x1  }
0x30: {  	[sflag:s0] =	ssyncset.done $0x0;
	p0 =	sge.u32 s20, s12  }
0x31: {  	[sflag:s0] =	ssyncadd.s32 $0xFFFFD000;
	s11 =	simm.s32 @!p0 $0x4  }
0x32: {  	p1 =	seq.s32 @!p0 s19, $0x0;
	_ =	swait.ge @!p0 [sflag:s11], $0x60  }
0x33: {  	s15 =	smul.u32 $0xC0, s19;
	p1 =	por p1, p0;
	[sflag:s11] =	ssyncset.done @!p0 $0x0  }
0x34: {  	[sflag:s11] =	ssyncadd.s32 @!p0 $0xFFFFFFA0;
	s11 =	simm.s32 @!p1 $0xA  }
0x35: {  	s16 =	sadd.s32 s9, s15;
	_ =	swait.ge @!p1 [sflag:s11], $0x3000  }
0x36: {  	s15 =	simm.s32 @!p0 $0x80;
	s4 =	simm.s32 @!p0 $0x3200;
	[sflag:s11] =	ssyncset.done @!p1 $0x0  }
0x37: {  	s23 =	sadd.s32 @!p0 $0x60, s16;
	[sflag:s11] =	ssyncadd.s32 @!p1 $0xFFFFD000;
	s11 =	simm.s32 @!p0 $0x60  }
0x38: {  	[tilespmem:s4], [sflag:$0x2] =	stream.indirect.gather @!p0 [hbm4b:s1+s11], $0x80, s15, s11, $0xb8;
	[tilespmem:$0x1FE00] =	vst v63  }
0x39: {  	s15 =	sshll.u32 s19, $0x1;
	s4 =	sshrl.u32 @!p0 s23, $0x3  }
0x3a: {  	s11 =	simm.s32 @!p0 $0x0;
	s23 =	simm.s32 @!p0 $0x180;
	s4 =	sadd.s32 @!p0 s7, s4  }
0x3b: {  	[tilespmem:s23], [sflag:$0x6] =	stream.linear.gather @!p0 [hbm4b:s4+s11], $0x60, $0x38;
	[tilespmem:$0x1FE00] =	vst v63  }
0x3c: {  	p0 =	sge.u32 s15, s21  }
0x3d: {  	s4 =	sshrl.u32 @!p0 s16, $0x3  }
0x3e: {  	s4 =	sadd.s32 @!p0 s6, s4  }
0x3f: {  	s11 =	simm.s32 @!p0 $0x0;
	s4 =	sadd.s32 @!p0 $0x18, s4  }
0x40: {  	[tilespmem:s11], [sflag:$0x3] =	stream.linear.gather @!p0 [hbm4b:s4+s11], $0x60, $0x38;
	[tilespmem:$0x1FE00] =	vst v63  }
0x41: {  	_ =	swait.ge [sflag:s3], $0x3000  }
0x42: {  	[sflag:s3] =	ssyncset.done $0x0  }
0x43: {  	s11 =	simm.s32 $0x0;
	[sflag:s3] =	ssyncadd.s32 $0xFFFFD000  }
0x44: {  	v7 =	vld [tilespmem:s11+$0x6200]  }
0x45: {  	v11 =	vld [tilespmem:s11+$0x6210]  }
0x46: {  	v5 =	vld [tilespmem:s11+$0x6220]  }
0x47: {  	v4 =	vld [tilespmem:s11+$0x6230]  }
0x48: {  	v3 =	vld [tilespmem:s11+$0x6240]  }
0x49: {  	v2 =	vld [tilespmem:s11+$0x6250]  }
0x4a: {  	v1 =	vld [tilespmem:s11+$0x6260]  }
0x4b: {  	v0 =	vld [tilespmem:s11+$0x6270]  }
0x4c: {  	v12 =	vld [tilespmem:s11+$0x200]  }
0x4d: {  	v13 =	vld [tilespmem:s11+$0x210]  }
0x4e: {  	v10 =	vld [tilespmem:s11+$0x220]  }
0x4f: {  	v9 =	vld [tilespmem:s11+$0x230]  }
0x50: {  	v8 =	vld [tilespmem:s11+$0x240]  }
0x51: {  	v6 =	vld [tilespmem:s11+$0x250];
	v12 =	vmul.f32 v7, v12  }
0x52: {  	s23 =	simm.s32 $0x200;
	v11 =	vmul.f32 v11, v13;
	v7 =	vld [tilespmem:s11+$0x260]  }
.LBB2_3:
0x53: {  	s4 =	sshra.s32 s23, $0x2;
	p1 =	sne.s32 s23, $0xBE00;
	[tilespmem:s11+$0x200] =	vst v12;
	v5 =	vmul.f32 v5, v10;
	v10 =	vld [tilespmem:s11+$0x270]  }
0x54: {  	v12 =	vld [tilespmem:s4+$0x6200];
	[tilespmem:s11+$0x210] =	vst v11;
	v4 =	vmul.f32 v4, v9  }
0x55: {  	v11 =	vld [tilespmem:s4+$0x6210];
	[tilespmem:s11+$0x220] =	vst v5;
	v3 =	vmul.f32 v3, v8  }
0x56: {  	v5 =	vld [tilespmem:s4+$0x6220];
	[tilespmem:s11+$0x230] =	vst v4;
	v2 =	vmul.f32 v2, v6  }
0x57: {  	v4 =	vld [tilespmem:s4+$0x6230];
	[tilespmem:s11+$0x240] =	vst v3;
	v1 =	vmul.f32 v1, v7  }
0x58: {  	v3 =	vld [tilespmem:s4+$0x6240];
	[tilespmem:s11+$0x250] =	vst v2;
	v0 =	vmul.f32 v0, v10  }
0x59: {  	v2 =	vld [tilespmem:s4+$0x6250];
	[tilespmem:s11+$0x260] =	vst v1  }
0x5a: {  	v1 =	vld [tilespmem:s4+$0x6260];
	[tilespmem:s11+$0x270] =	vst v0;
	s11 =	smov.u32 s4  }
0x5b: {  	v0 =	vld [tilespmem:s11+$0x6270]  }
0x5c: {  	v6 =	vld [tilespmem:s11+$0x200]  }
0x5d: {  	v7 =	vld [tilespmem:s11+$0x210]  }
.Ltmp0:
0x5e: {  	v10 =	vld [tilespmem:s11+$0x220];
	(pc) =	sbr.rel @p1 .LBB2_3-.Ltmp0, $4  }
0x5f: {  	v9 =	vld [tilespmem:s11+$0x230]  }
0x60: {  	v8 =	vld [tilespmem:s11+$0x240]  }
0x61: {  	v12 =	vmul.f32 v12, v6;
	v6 =	vld [tilespmem:s11+$0x250]  }
0x62: {  	s23 =	sadd.s32 $0x200, s23;
	v11 =	vmul.f32 v11, v7;
	v7 =	vld [tilespmem:s11+$0x260]  }
0x63: {  	[tilespmem:s11+$0x200] =	vst v12;
	v5 =	vmul.f32 v5, v10;
	v10 =	vld [tilespmem:s11+$0x270]  }
0x64: {  	[tilespmem:s11+$0x210] =	vst v11;
	v4 =	vmul.f32 v4, v9  }
0x65: {  	[tilespmem:s11+$0x220] =	vst v5;
	v3 =	vmul.f32 v3, v8  }
0x66: {  	[tilespmem:s11+$0x230] =	vst v4;
	v2 =	vmul.f32 v2, v6  }
0x67: {  	s4 =	sshll.u32 @!p0 s16, $0x4;
	[tilespmem:s11+$0x240] =	vst v3;
	v1 =	vmul.f32 v1, v7  }
0x68: {  	s4 =	sand.u32 @!p0 $0x1FFFFFF0, s4;
	[tilespmem:s11+$0x250] =	vst v2;
	v0 =	vmul.f32 v0, v10  }
0x69: {  	s4 =	sadd.s32 @!p0 s5, s4;
	[tilespmem:s11+$0x260] =	vst v1  }
0x6a: {  	s16 =	simm.s32 @!p0 $0x6200;
	s4 =	sadd.s32 @!p0 $0xC00, s4;
	[tilespmem:s11+$0x270] =	vst v0;
	s11 =	simm.s32 @!p0 $0x0  }
0x6b: {  	[tilespmem:s16], [sflag:$0x7] =	stream.linear.gather @!p0 [hbm4b:s4+s11], $0x3000, $0x38;
	[tilespmem:$0x1FE00] =	vst v63  }
0x6c: {  	_ =	swait.ge [sflag:s28], $0x60  }
0x6d: {  	[sflag:s28] =	ssyncset.done $0x0  }
0x6e: {  	[sflag:s28] =	ssyncadd.s32 $0xFFFFFFA0  }
0x6f: {  	[spmem:s2] =	stream.indirect.scatter.add.f32 [tilespmem:s26], [sflag:$0x9], $0x80, s29, s25, $0xb8;
	[tilespmem:$0x1FE00] =	vst v63  }
0x70: {  	_ =	swait.ge [sflag:s30], $0x3000  }
0x71: {  	[sflag:s30] =	ssyncset.done $0x0  }
0x72: {  	s4 =	simm.s32 @!p0 $0x3;
	[sflag:s30] =	ssyncadd.s32 $0xFFFFD000  }
0x73: {  	_ =	swait.ge @!p0 [sflag:s4], $0x60  }
0x74: {  	[sflag:s4] =	ssyncset.done @!p0 $0x0  }
0x75: {  	[sflag:s4] =	ssyncadd.s32 @!p0 $0xFFFFFFA0;
	s4 =	simm.s32 @!p0 $0x9  }
0x76: {  	_ =	swait.ge @!p0 [sflag:s4], $0x3000  }
0x77: {  	s23 =	simm.s32 @!p0 $0x200;
	s16 =	sadd.s32 s8, s20;
	[sflag:s4] =	ssyncset.done @!p0 $0x0  }
0x78: {  	s20 =	smul.u32 $0x60, s16;
	[sflag:s4] =	ssyncadd.s32 @!p0 $0xFFFFD000;
	s4 =	simm.s32 @!p0 $0x60  }
0x79: {  	[tilespmem:s23], [sflag:$0x1] =	stream.indirect.gather @!p0 [hbm4b:s1+s4], $0x80, s11, s4, $0xb8;
	[tilespmem:$0x1FE00] =	vst v63  }
0x7a: {  	s4 =	sshrl.u32 @!p0 s20, $0x3  }
0x7b: {  	s4 =	sadd.s32 @!p0 s7, s4  }
0x7c: {  	s23 =	simm.s32 @!p0 $0x100;
	s4 =	sadd.s32 @!p0 $0xC, s4  }
0x7d: {  	[tilespmem:s23], [sflag:$0x5] =	stream.linear.gather @!p0 [hbm4b:s4+s11], $0x60, $0x38;
	[tilespmem:$0x1FE00] =	vst v63  }
0x7e: {  	p0 =	sge.u32 s15, s22  }
0x7f: {  	s4 =	sshrl.u32 @!p0 s20, $0x3  }
0x80: {  	s4 =	sadd.s32 @!p0 s6, s4  }
0x81: {  	s11 =	simm.s32 @!p0 $0x0;
	s15 =	simm.s32 @!p0 $0x80;
	s4 =	sadd.s32 @!p0 $0x18, s4  }
0x82: {  	[tilespmem:s15], [sflag:$0x4] =	stream.linear.gather @!p0 [hbm4b:s4+s11], $0x60, $0x38;
	[tilespmem:$0x1FE00] =	vst v63  }
0x83: {  	_ =	swait.ge [sflag:s31], $0x3000  }
0x84: {  	[sflag:s31] =	ssyncset.done $0x0  }
0x85: {  	s11 =	simm.s32 $0x0;
	[sflag:s31] =	ssyncadd.s32 $0xFFFFD000  }
0x86: {  	v6 =	vld [tilespmem:s11+$0x9200]  }
0x87: {  	v11 =	vld [tilespmem:s11+$0x9210]  }
0x88: {  	v5 =	vld [tilespmem:s11+$0x9220]  }
0x89: {  	v4 =	vld [tilespmem:s11+$0x9230]  }
0x8a: {  	v3 =	vld [tilespmem:s11+$0x9240]  }
0x8b: {  	v2 =	vld [tilespmem:s11+$0x9250]  }
0x8c: {  	v1 =	vld [tilespmem:s11+$0x9260]  }
0x8d: {  	v0 =	vld [tilespmem:s11+$0x9270]  }
0x8e: {  	v12 =	vld [tilespmem:s11+$0x3200]  }
0x8f: {  	v13 =	vld [tilespmem:s11+$0x3210]  }
0x90: {  	v10 =	vld [tilespmem:s11+$0x3220]  }
0x91: {  	v9 =	vld [tilespmem:s11+$0x3230]  }
0x92: {  	v8 =	vld [tilespmem:s11+$0x3240]  }
0x93: {  	v7 =	vld [tilespmem:s11+$0x3250];
	v12 =	vmul.f32 v6, v12  }
0x94: {  	s15 =	simm.s32 $0x200;
	v11 =	vmul.f32 v11, v13;
	v6 =	vld [tilespmem:s11+$0x3260]  }
.LBB2_5:
0x95: {  	s4 =	sshra.s32 s15, $0x2;
	p1 =	sne.s32 s15, $0xBE00;
	[tilespmem:s11+$0x3200] =	vst v12;
	v5 =	vmul.f32 v5, v10;
	v10 =	vld [tilespmem:s11+$0x3270]  }
0x96: {  	v12 =	vld [tilespmem:s4+$0x9200];
	[tilespmem:s11+$0x3210] =	vst v11;
	v4 =	vmul.f32 v4, v9  }
0x97: {  	v11 =	vld [tilespmem:s4+$0x9210];
	[tilespmem:s11+$0x3220] =	vst v5;
	v3 =	vmul.f32 v3, v8  }
0x98: {  	v5 =	vld [tilespmem:s4+$0x9220];
	[tilespmem:s11+$0x3230] =	vst v4;
	v2 =	vmul.f32 v2, v7  }
0x99: {  	v4 =	vld [tilespmem:s4+$0x9230];
	[tilespmem:s11+$0x3240] =	vst v3;
	v1 =	vmul.f32 v1, v6  }
0x9a: {  	v3 =	vld [tilespmem:s4+$0x9240];
	[tilespmem:s11+$0x3250] =	vst v2;
	v0 =	vmul.f32 v0, v10  }
0x9b: {  	v2 =	vld [tilespmem:s4+$0x9250];
	[tilespmem:s11+$0x3260] =	vst v1  }
0x9c: {  	v1 =	vld [tilespmem:s4+$0x9260];
	[tilespmem:s11+$0x3270] =	vst v0;
	s11 =	smov.u32 s4  }
0x9d: {  	v0 =	vld [tilespmem:s11+$0x9270]  }
0x9e: {  	v6 =	vld [tilespmem:s11+$0x3200]  }
0x9f: {  	v13 =	vld [tilespmem:s11+$0x3210]  }
.Ltmp1:
0xa0: {  	v10 =	vld [tilespmem:s11+$0x3220];
	(pc) =	sbr.rel @p1 .LBB2_5-.Ltmp1, $4  }
0xa1: {  	v9 =	vld [tilespmem:s11+$0x3230]  }
0xa2: {  	v8 =	vld [tilespmem:s11+$0x3240]  }
0xa3: {  	v12 =	vmul.f32 v12, v6;
	v7 =	vld [tilespmem:s11+$0x3250]  }
0xa4: {  	s15 =	sadd.s32 $0x200, s15;
	v11 =	vmul.f32 v11, v13;
	v6 =	vld [tilespmem:s11+$0x3260]  }
0xa5: {  	[tilespmem:s11+$0x3200] =	vst v12;
	v5 =	vmul.f32 v5, v10;
	v63 =	vld [tilespmem:s11+$0x3270]  }
0xa6: {  	[tilespmem:s11+$0x3210] =	vst v11;
	v4 =	vmul.f32 v4, v9  }
0xa7: {  	[tilespmem:s11+$0x3220] =	vst v5;
	v3 =	vmul.f32 v3, v8  }
0xa8: {  	s4 =	smul.u32 @!p0 $0x3000, s16;
	[tilespmem:s11+$0x3230] =	vst v4;
	v2 =	vmul.f32 v2, v7  }
0xa9: {  	[tilespmem:s11+$0x3240] =	vst v3;
	v1 =	vmul.f32 v1, v6  }
0xaa: {  	s4 =	sshrl.u32 @!p0 s4, $0x3;
	[tilespmem:s11+$0x3250] =	vst v2;
	v0 =	vmul.f32 v0, v63  }
0xab: {  	s15 =	simm.s32 @!p0 $0x9200;
	s4 =	sadd.s32 @!p0 s5, s4;
	[tilespmem:s11+$0x3260] =	vst v1  }
0xac: {  	s19 =	sadd.s32 $0x1, s19;
	s4 =	sadd.s32 @!p0 $0xC00, s4;
	[tilespmem:s11+$0x3270] =	vst v0;
	s11 =	simm.s32 @!p0 $0x0  }
0xad: {  	[tilespmem:s15], [sflag:$0x8] =	stream.linear.gather @!p0 [hbm4b:s4+s11], $0x3000, $0x38;
	[tilespmem:$0x1FE00] =	vst v63  }
0xae: {  	p0 =	sne.s32 s19, s18  }
.Ltmp2:
0xaf: {  	_ = 	snop;
	(pc) =	sbr.rel @p0 .LBB2_2-.Ltmp2, $4  }
0xb0: {  	_ =	swait.ge [sflag:s10], $0x60  }
0xb1: {  	[sflag:s10] =	ssyncset.done $0x0  }
0xb2: {  	[sflag:s10] =	ssyncadd.s32 $0xFFFFFFA0  }
0xb3: {  	[spmem:s2] =	stream.indirect.scatter.add.f32 [tilespmem:s14], [sflag:$0xA], $0x80, s13, s25, $0xb8;
	[tilespmem:$0x1FE00] =	vst v63  }
0xb4: {  	s4 =	simm.s32 $0x9  }
0xb5: {  	_ =	swait.ge [sflag:s4], $0x3000  }
0xb6: {  	[sflag:s4] =	ssyncset.done $0x0  }
0xb7: {  	s19 =	simm.s32 $0xA;
	[sflag:s4] =	ssyncadd.s32 $0xFFFFD000  }
0xb8: {  	_ =	swait.ge [sflag:s19], $0x3000  }
0xb9: {  	[sflag:s19] =	ssyncset.done $0x0  }
0xba: {  	[sflag:s19] =	ssyncadd.s32 $0xFFFFD000  }
0xbb: {  	[bflag:$0x0] =	sbarrier.arrive $0xFFFF  }
0xbc: {  	s15 =	rddreg [dreg:$0x5]  }
0xbd: {  	s20 =	rddreg [dreg:$0xb]  }
0xbe: {  	s11 =	rddreg [dreg:$0xd]  }
0xbf: {  	[hbm:s20], [sflag:s15] =	dma.local [spmem:s11], $0x2780  }
0xc0: {  	_ =	swait.ge [sflag:s24], $0x2780  }
0xc1: {  	s17 =	sadd.s32 $0x1, s17;
	s23 =	rddreg [dreg:$0xc]  }
0xc2: {  	p0 =	sne.s32 s17, s23  }
.Ltmp3:
0xc3: {  	_ = 	snop;
	(pc) =	sbr.rel @p0 .LBB2_1-.Ltmp3, $3  }
0xc4: {  	_ =	sdelay $0x1  }
0xc5: {  	[sflag:s24] =	ssyncset.done $0x0  }
0xc6: {  	[sflag:s24] =	ssyncadd.s32 $0xFFFFD880  }
0xc7: {  	_ =	sfence.sel $0x180000  }
0xc8: {  	[bflag:$0x0] =	sbarrier.arrive $0xFFFF  }
0xc9: {  	_ =	strace $0x9000004A  }
0xca: {  	s0 =	stileid.u32;
	[bflag:$0x2] =	sbarrier.arrive $0xFFFF  }
0xcb: {  	p0 =	sne.s32 s0, $0x0;
	s0 =	rddreg [dreg:$0x3]  }
0xcc: {  	s0 =	sadd.s32 @!p0 $0x100000, s0  }
0xcd: {  	[sflag:s0] =	ssyncadd.tile.s32 @!p0 $0x1;
	_ =	shalt  }
.Lfunc_end2:
_tile_overlayer_lowered:
.L_overlay_start_2:
0xce: {  	(tag) =	ssettag $0x2  }
0xcf: {  	s0 =	rddreg [dreg:$0x0];
	s2 =	stileid.u32  }
0xd0: {  	s1 =	rddreg [dreg:$0x1];
	p0 =	sne.s32 s2, $0x0  }
0xd1: {  	s3 =	rddreg [dreg:$0x2];
	[bflag:$0x3] =	sbarrier.arrive $0xFFFF;
	s2 =	simm.s32 @!p0 $0x1C0B  }
0xd2: {  	[timem:s3], [sflag:s2] =	dma.local @!p0 [hbm:s0], s1  }
0xd3: {  	s0 =	simm.s32 @!p0 $0xB  }
0xd4: {  	_ =	swait.ge @!p0 [sflag:s0], s1  }
0xd5: {  	s1 =	ssub.s32 @!p0 $0x0, s1;
	[sflag:s0] =	ssyncset.done @!p0 $0x0  }
0xd6: {  	[sflag:s0] =	ssyncadd.s32 @!p0 s1  }
0xd7: {  	[bflag:$0x3] =	sbarrier.arrive $0xFFFF  }
0xd8: {  	_ =	shalt  }

// kernel: kernel.20.cloned.1.call-start
scs
__scs_entry_jumppad:
0x0: {  	(pc) =	sbr.rel $0x88, $3  }
0x1: {  	(tag) =	ssettag $0x0;
	lr =	simm.s32 $0x1  }
0x2: {  	[smem:$0x3F86] =	sst lr;
	_ =	strace $0xD0000000  }
0x3: {  	_ = 	snop  }
0x4: {  	_ = 	snop  }
0x5: {  	_ = 	snop  }
0x6: {  	_ = 	snop  }
0x7: {  	_ = 	snop  }
__scs_overlays_trampoline_lowered:
0x8: {  	[smem:$0x3F95] =	sst s0  }
0x9: {  	[smem:$0x3F96] =	sst s1  }
0xa: {  	[smem:$0x3F97] =	sst s2  }
0xb: {  	[smem:$0x3F98] =	sst s3  }
0xc: {  	[smem:$0x3F99] =	sst s4  }
0xd: {  	[smem:$0x3F9A] =	sst s5  }
0xe: {  	[smem:$0x3F9B] =	sst s6  }
0xf: {  	[smem:$0x3F9C] =	sst s7  }
0x10: {  	[smem:$0x3F9D] =	sst s8  }
0x11: {  	[smem:$0x3F9E] =	sst s9;
	s0 =	simm.s32 @!p0 $0x0  }
0x12: {  	s1 =	sld [smem:$0x3F84];
	s0 =	simm.s32 @p0 $0x1  }
0x13: {  	[smem:$0x3F9F] =	sst s0;
	s0 =	simm.s32 @!p1 $0x0  }
0x14: {  	s2 =	sld [smem:$0x3F83];
	s0 =	simm.s32 @p1 $0x1  }
0x15: {  	[smem:$0x3FA0] =	sst s0;
	s0 =	simm.s32 @!p2 $0x0  }
0x16: {  	s3 =	sld [smem:$0x3FDB];
	s0 =	simm.s32 @p2 $0x1  }
0x17: {  	s4 =	simm.s32 $0x1BF5;
	[smem:$0x3FA2] =	sst s0  }
0x18: {  	s0 =	sld [smem:$0x3F85];
	_ =	swait.ge [sflag:s4], $0x0  }
0x19: {  	s7 =	sld [smem:$0x3F86]  }
0x1a: {  	s8 =	sadd.s32 $0xFFFFE003, lr  }
0x1b: {  	s9 =	sadd.s32 $0xFFFFFEF7, lr;
	s5 =	simm.s32 $0xFFFFFFFF;
	p2 =	slt.u32 s8, $0xFFFFF086  }
0x1c: {  	p1 =	slt.u32 s9, $0xF7A;
	s5 =	simm.s32 @!p2 $0x0  }
0x1d: {  	s5 =	simm.s32 @p1 $0x1;
	p0 =	seq.s32 s7, s2  }
0x1e: {  	s7 =	smul.u32 @!p0 $0xF7A, s2;
	p2 =	seq.s32 @!p0 s5, $0x0  }
0x1f: {  	s9 =	smul.u32 $0xF7A, s1;
	s8 =	simm.s32 @!p0 $0x1BF5;
	p2 =	por !p2, p0  }
0x20: {  	[sflag:s8] =	ssyncset.s32 @!p0 $0xFFFFF086;
	s6 =	sadd.s32 @!p0 s3, s7;
	s7 =	simm.s32 @!p0 $0x108  }
0x21: {  	s3 =	sadd.s32 s3, s9;
	s6 =	sadd.s32 @!p0 $0x88, s6;
	s7 =	simm.s32 @p2 $0x1082  }
0x22: {  	[simem:s7], [sflag:s8] =	dma.local @!p0 [hbm:s6], $0xF7A  }
0x23: {  	s9 =	sor.u32 $0xD0000000, s2;
	s6 =	simm.s32 $0x108;
	_ =	swait.ge @!p0 [sflag:s8], $0x0  }
0x24: {  	s3 =	sadd.s32 $0x88, s3;
	s6 =	simm.s32 @!p1 $0x1082;
	[sflag:s4] =	ssyncset.s32 $0xFFFFF086  }
0x25: {  	[simem:s6], [sflag:s4] =	dma.local [hbm:s3], $0xF7A  }
0x26: {  	[smem:$0x3F86] =	sst s1;
	(tag) =	ssettag s2;
	_ =	strace s9  }
0x27: {  	s1 =	sld [smem:$0x3F96]  }
0x28: {  	s2 =	sld [smem:$0x3F97]  }
0x29: {  	s4 =	sld [smem:$0x3F99]  }
0x2a: {  	p0 =	seq.s32 s5, $0x0;
	s5 =	sld [smem:$0x3F9A]  }
0x2b: {  	s6 =	sld [smem:$0x3F9B]  }
0x2c: {  	s7 =	sld [smem:$0x3F9C]  }
0x2d: {  	s3 =	simm.s32 $0x108;
	s8 =	sld [smem:$0x3F9D]  }
0x2e: {  	s3 =	simm.s32 @!p0 $0x1082;
	s9 =	sld [smem:$0x3F9E]  }
0x2f: {  	lr =	sadd.s32 s0, s3;
	s0 =	sld [smem:$0x3F95]  }
0x30: {  	s3 =	sld [smem:$0x3F98]  }
0x31: {  	[smem:$0x3FA1] =	sst s10  }
0x32: {  	s10 =	sld [smem:$0x3F9F];
	_ =	sdelay $0x3  }
0x33: {  	p0 =	seq.s32 s10, $0x1;
	s10 =	sld [smem:$0x3FA1];
	_ =	sdelay $0x3  }
0x34: {  	[smem:$0x3FA1] =	sst s10  }
0x35: {  	s10 =	sld [smem:$0x3FA0];
	_ =	sdelay $0x3  }
0x36: {  	p1 =	seq.s32 s10, $0x1;
	s10 =	sld [smem:$0x3FA1];
	_ =	sdelay $0x3  }
0x37: {  	[smem:$0x3FA1] =	sst s10  }
0x38: {  	s10 =	sld [smem:$0x3FA2]  }
0x39: {  	_ = 	snop;
	(pc) =	sbr.ind lr, $3  }
0x3a: {  	_ = 	snop  }
0x3b: {  	_ = 	snop  }
0x3c: {  	p2 =	seq.s32 s10, $0x1;
	s10 =	sld [smem:$0x3FA1]  }
0x3d: {  	_ =	shalt  }
0x3e: {  	_ =	shalt  }
0x3f: {  	_ =	shalt  }
0x40: {  	_ =	shalt  }
0x41: {  	_ =	shalt  }
0x42: {  	_ =	shalt  }
0x43: {  	_ =	shalt  }
0x44: {  	_ =	shalt  }
0x45: {  	_ =	shalt  }
0x46: {  	_ =	shalt  }
0x47: {  	_ =	shalt  }
0x48: {  	_ =	shalt  }
0x49: {  	_ =	shalt  }
0x4a: {  	_ =	shalt  }
0x4b: {  	_ =	shalt  }
0x4c: {  	_ =	shalt  }
0x4d: {  	_ =	shalt  }
0x4e: {  	_ =	shalt  }
0x4f: {  	_ =	shalt  }
0x50: {  	_ =	shalt  }
0x51: {  	_ =	shalt  }
0x52: {  	_ =	shalt  }
0x53: {  	_ =	shalt  }
0x54: {  	_ =	shalt  }
0x55: {  	_ =	shalt  }
0x56: {  	_ =	shalt  }
0x57: {  	_ =	shalt  }
0x58: {  	_ =	shalt  }
0x59: {  	_ =	shalt  }
0x5a: {  	_ =	shalt  }
0x5b: {  	_ =	shalt  }
0x5c: {  	_ =	shalt  }
0x5d: {  	_ =	shalt  }
0x5e: {  	_ =	shalt  }
0x5f: {  	_ =	shalt  }
0x60: {  	_ =	shalt  }
0x61: {  	_ =	shalt  }
0x62: {  	_ =	shalt  }
0x63: {  	_ =	shalt  }
0x64: {  	_ =	shalt  }
0x65: {  	_ =	shalt  }
0x66: {  	_ =	shalt  }
0x67: {  	_ =	shalt  }
0x68: {  	_ =	shalt  }
0x69: {  	_ =	shalt  }
0x6a: {  	_ =	shalt  }
0x6b: {  	_ =	shalt  }
0x6c: {  	_ =	shalt  }
0x6d: {  	_ =	shalt  }
0x6e: {  	_ =	shalt  }
0x6f: {  	_ =	shalt  }
0x70: {  	_ =	shalt  }
0x71: {  	_ =	shalt  }
0x72: {  	_ =	shalt  }
0x73: {  	_ =	shalt  }
0x74: {  	_ =	shalt  }
0x75: {  	_ =	shalt  }
0x76: {  	_ =	shalt  }
0x77: {  	_ =	shalt  }
0x78: {  	_ =	shalt  }
0x79: {  	_ =	shalt  }
0x7a: {  	_ =	shalt  }
0x7b: {  	_ =	shalt  }
0x7c: {  	_ =	shalt  }
0x7d: {  	_ =	shalt  }
0x7e: {  	_ =	shalt  }
0x7f: {  	_ =	shalt  }
0x80: {  	_ =	shalt  }
0x81: {  	_ =	shalt  }
0x82: {  	_ =	shalt  }
0x83: {  	_ =	shalt  }
0x84: {  	_ =	shalt  }
0x85: {  	_ =	shalt  }
0x86: {  	_ =	shalt  }
0x87: {  	_ =	shalt  }
.Lfunc_end0:
.L_simem_size_0:
called_computation.2_lowered:
.L_overlay_start_0:
0x88: {  	s2 =	sld [smem:$0x3FD9]  }
0x89: {  	s3 =	sld [smem:$0x3FFE];
	_ =	sdelay $0x1  }
0x8a: {  	s1 =	srdreg.scid  }
0x8b: {  	s0 =	sand.u32 $0x1, s1  }
0x8c: {  	s17 =	sshll.u32 s0, $0xA;
	s2 =	sadd.s32 s3, s2  }
0x8d: {  	s2 =	sadd.s32 s2, s17  }
0x8e: {  	[smem:$0x3FAD] =	sst s2  }
0x8f: {  	_ = 	snop  }
0x90: {  	(tm) =	ssettm $0x1  }
0x91: {  	s18 =	sld [smem:$0x3FFB];
	_ =	sdelay $0x3  }
0x92: {  	_ =	strace s18  }
0x93: {  	s2 =	sld [smem:$0x3FFC];
	_ =	sdelay $0x3  }
0x94: {  	_ =	strace s2  }
0x95: {  	s2 =	sld [smem:$0x3FFD];
	_ =	sdelay $0x3  }
0x96: {  	_ =	strace s2  }
0x97: {  	_ =	strace $0x8FFFFFFF  }
0x98: {  	s19 =	sld [smem:$0x3FDB];
	_ =	sdelay $0x1  }
0x99: {  	s20 =	simm.s32 $_scs_section_size  }
0x9a: {  	s4 =	simm.s32 $_size__tile_overlayer_lowered;
	s5 =	simm.s32 $_tile_overlayer_lowered  }
0x9b: {  	s6 =	simm.s32 $0x1BFF;
	s21 =	sshll.u32 s5, $0x1;
	s3 =	sadd.s32 s20, s19  }
0x9c: {  	s22 =	simm.s32 $0x0;
	s4 =	sshll.u32 s4, $0x1;
	s5 =	sadd.s32 s21, s3  }
0x9d: {  	[timem:s22], [sflag:s6] =	dma.local [hbm:s5], s4  }
0x9e: {  	_ =	swait.ge [sflag:s6], s4  }
0x9f: {  	s4 =	ssub.s32 $0x0, s4;
	[sflag:s6] =	ssyncset.done $0x0  }
0xa0: {  	[sflag:s6] =	ssyncadd.s32 s4;
	_ =	sdelay $0x1  }
0xa1: {  	s23 =	simm.s32 $0x1B8B  }
0xa2: {  	_ =	swait.ge [sflag:s23], $0x1  }
0xa3: {  	[sflag:s23] =	ssyncset.done $0x0  }
0xa4: {  	[sflag:s23] =	ssyncadd.s32 $0xFFFFFFFF  }
0xa5: {  	s4 =	sld [smem:$0x0]  }
0xa6: {  	s5 =	sand.u32 $0xFFFFFFFE, s1  }
0xa7: {  	p0 =	sne.s32 s1, s5  }
0xa8: {  	s5 =	sshll.u32 @p0 s5, $0xE  }
0xa9: {  	s5 =	sadd.s32 @p0 $0x11B8D, s5;
	s6 =	sshll.u32 @p0 s4, $0x11  }
0xaa: {  	s5 =	sor.u32 @p0 s6, s5  }
0xab: {  	[sflag:s5] =	ssyncadd.remote.s32 @p0 $0x1;
	_ =	sdelay $0x1  }
0xac: {  	s5 =	simm.s32 @p0 $0x1B8D  }
0xad: {  	_ =	swait.eq @p0 [sflag:s5], $0x1  }
0xae: {  	[sflag:s5] =	ssyncadd.s32 @p0 $0xFFFFFFFF  }
0xaf: {  	s6 =	sshll.u32 @!p0 s1, $0xE  }
0xb0: {  	s6 =	sor.u32 @!p0 $0x4000, s6;
	s5 =	simm.s32 @!p0 $0x1B8D  }
0xb1: {  	s4 =	sshll.u32 @!p0 s4, $0x11;
	s6 =	sadd.s32 @!p0 $0x11B8D, s6;
	_ =	swait.eq @!p0 [sflag:s5], $0x1  }
0xb2: {  	s4 =	sor.u32 @!p0 s4, s6;
	[sflag:s5] =	ssyncadd.s32 @!p0 $0xFFFFFFFF  }
0xb3: {  	s25 =	simm.s32 $0x1B8E;
	s24 =	sld [smem:$0x3FFE];
	[sflag:s4] =	ssyncadd.remote.s32 @!p0 $0x1  }
0xb4: {  	s26 =	simm.s32 $execute0_lowered;
	[smem:$0x3FD2] =	sst s25  }
0xb5: {  	s5 =	sshll.u32 s26, $0x1;
	_ =	strace $0x8000004C;
	[dreg:$0x1] =	wrdreg $0xFFFFFFFF  }
0xb6: {  	s28 =	simm.s32 $_size_execute0_lowered;
	s3 =	sadd.s32 s3, s5;
	[dreg:$0x0] =	wrdreg $0x0  }
0xb7: {  	s5 =	sshll.u32 s28, $0x1;
	[dreg:$0x2] =	wrdreg s3  }
0xb8: {  	[dreg:$0x3] =	wrdreg s5  }
0xb9: {  	[dreg:$0x4] =	wrdreg $0xC0  }
0xba: {  	_ =	task [dreg:s22], $0x5FFFF  }
0xbb: {  	[dreg:$0x1] =	wrdreg $0xFFFFFFFF  }
0xbc: {  	[dreg:$0x0] =	wrdreg $0x60  }
0xbd: {  	[dreg:$0x2] =	wrdreg s24  }
0xbe: {  	[dreg:$0x3] =	wrdreg $0xC2000  }
0xbf: {  	[dreg:$0x4] =	wrdreg $0xA  }
0xc0: {  	_ =	task.clear_ibuf [dreg:s22], $0x5FFFF;
	_ =	strace $0x9000004C  }
0xc1: {  	s29 =	simm.s32 $0xA;
	_ =	strace $0x8000004E  }
0xc2: {  	_ =	swait.ge [sflag:s29], $0x1  }
0xc3: {  	[sflag:s29] =	ssyncadd.s32 $0xFFFFFFFF  }
0xc4: {  	_ =	strace $0x9000004E  }
0xc5: {  	_ =	sfence  }
0xc6: {  	s30 =	sld [smem:$0x0];
	_ =	sdelay $0x2  }
0xc7: {  	s31 =	sshll.u32 s1, $0xD;
	s1 =	sshrl.u32 s1, $0x2  }
0xc8: {  	s4 =	sand.u32 $0x4000, s31;
	s1 =	sadd.s32 s1, s30  }
0xc9: {  	s0 =	sor.u32 s4, s0;
	s1 =	sshll.u32 s1, $0x11  }
0xca: {  	s0 =	sor.u32 s1, s0  }
0xcb: {  	s0 =	sadd.s32 $0x8F2B, s0  }
0xcc: {  	[sflag:s0] =	ssyncadd.remote.s32 $0x1  }
0xcd: {  	_ =	sfence.sel $0xFFFF  }
0xce: {  	[dreg:$0x0] =	wrdreg $0xFFFFFFFF;
	(pc) =	sbr.abs _section_cstart, $3  }
0xcf: {  	[dreg:$0x1] =	wrdreg $0xFFFFFFFF  }
0xd0: {  	_ =	task.clear_ibuf [dreg:s22], $0x2FFFF;
	_ =	strace $0x9FFFFFFF  }
0xd1: {  	(tm) =	ssettm $0x7FFFFFFF  }
tec
execute0_lowered:
.L_overlay_start_1:
0x0: {  	(tag) =	ssettag $0x1  }
0x1: {  	s0 =	rddreg [dreg:$0x0]  }
0x2: {  	s1 =	rddreg [dreg:$0x1];
	s2 =	simm.s32 $0x0;
	s3 =	stileid.u32  }
0x3: {  	s25 =	srdreg.scid;
	s29 =	simm.s32 $0x100;
	s28 =	simm.s32 $0x5  }
0x4: {  	s30 =	simm.s32 $0x2;
	s31 =	simm.s32 $0x8;
	s8 =	smul.u32 $0x2780, s3  }
0x5: {  	[smem:$0x7FF] =	sst s2;
	s4 =	sadd.s32 $0x4F000, s0;
	s12 =	smul.u32 $0x46, s3  }
0x6: {  	s5 =	sadd.s32 $0xF3A200, s0;
	s2 =	sand.u32 $0x1, s25;
	s14 =	smul.u32 $0x8C, s3  }
0x7: {  	s6 =	sadd.s32 $0x3B400, s0;
	s7 =	sadd.s32 $0x45200, s0;
	s15 =	smul.u32 $0x4F000, s3  }
0x8: {  	_ =	strace $0x8000004D;
	s9 =	smul.u32 $0x27800, s2;
	s11 =	ssub.s32 $0x2, s2  }
0x9: {  	p0 =	seq.s32 s2, $0x0;
	s2 =	simm.s32 $0x7;
	s10 =	sadd.s32 s8, s0  }
0xa: {  	s13 =	sshrl.u32 s11, $0x1;
	s9 =	sadd.s32 s8, s9;
	s8 =	sadd.s32 $0x8C0, s12  }
0xb: {  	s26 =	ssub.s32 s11, s13;
	s16 =	sadd.s32 $0x76200, s10;
	s12 =	simm.s32 $0x8C  }
0xc: {  	s10 =	simm.s32 $0x6;
	s13 =	simm.s32 $0x180;
	s0 =	sadd.s32 s9, s0  }
0xd: {  	s8 =	smov.u32 @p0 s14;
	s14 =	sshrl.u32 s15, $0x2;
	s15 =	sshll.u32 s3, $0x6  }
0xe: {  	[dreg:$0x3] =	wrdreg s16;
	s12 =	simm.s32 @!p0 $0x46;
	s26 =	smax.u32 s26, $0x1  }
0xf: {  	s9 =	smul.u32 $0x60, s8;
	s11 =	sadd.s32 s14, s1;
	s15 =	sor.u32 $0x1C0B, s15  }
0x10: {  	s18 =	smul.u32 $0x600, s8;
	s0 =	sadd.s32 $0xECA00, s0;
	[dreg:$0xb] =	wrdreg s26  }
0x11: {  	s26 =	simm.s32 $0x200;
	[dreg:$0xa] =	wrdreg s0;
	s11 =	sshrl.u32 s11, $0x3  }
0x12: {  	s0 =	simm.s32 $0x1;
	[dreg:$0x4] =	wrdreg s15;
	s17 =	sshrl.u32 s9, $0x3  }
0x13: {  	s20 =	sadd.s32 $0x60, s9;
	s21 =	sadd.s32 s5, s18;
	[dreg:$0xc] =	wrdreg s11  }
0x14: {  	s18 =	sshrl.u32 s12, $0x1;
	s19 =	sadd.s32 s6, s17;
	[dreg:$0x6] =	wrdreg s21  }
0x15: {  	s22 =	sshrl.u32 s20, $0x3;
	s14 =	sshll.u32 s20, $0x4;
	s23 =	sadd.s32 s7, s17  }
0x16: {  	s21 =	sadd.s32 $0xFFFFFFFE, s12;
	s17 =	simm.s32 $0x0;
	[dreg:$0x5] =	wrdreg s19  }
0x17: {  	[dreg:$0x7] =	wrdreg s23;
	s24 =	sadd.s32 s6, s22;
	s25 =	sadd.s32 s5, s14  }
0x18: {  	s22 =	sadd.s32 $0xFFFFFFFD, s12;
	s14 =	simm.s32 $0x3200;
	[dreg:$0x8] =	wrdreg s24  }
0x19: {  	[dreg:$0x9] =	wrdreg s25;
	s24 =	simm.s32 $0xB;
	s25 =	simm.s32 $0x60  }
.LBB2_1:
0x1a: {  	s3 =	rddreg [dreg:$0x3]  }
0x1b: {  	[spmem:s11], [sflag:s15] =	dma.local [hbm:s3], $0x2780  }
0x1c: {  	_ =	swait.ge [sflag:s24], $0x2780  }
0x1d: {  	[sflag:s24] =	ssyncset.done $0x0  }
0x1e: {  	[sflag:s24] =	ssyncadd.s32 $0xFFFFD880  }
0x1f: {  	[bflag:$0x0] =	sbarrier.arrive $0xFFFF  }
0x20: {  	s3 =	simm.s32 $0x0;
	s19 =	rddreg [dreg:$0x5]  }
0x21: {  	[tilespmem:s3], [sflag:$0xB] =	stream.linear.gather [hbm4b:s19+s3], $0x60, $0x38;
	[tilespmem:$0x1FE00] =	vst v63  }
0x22: {  	_ =	swait.ge [sflag:s24], $0x60  }
0x23: {  	[sflag:s24] =	ssyncset.done $0x0  }
0x24: {  	[sflag:s24] =	ssyncadd.s32 $0xFFFFFFA0  }
0x25: {  	[tilespmem:s26], [sflag:$0x1] =	stream.indirect.gather [hbm4b:s4+s25], $0x80, s3, s25, $0xb8;
	[tilespmem:$0x1FE00] =	vst v63  }
0x26: {  	s23 =	simm.s32 $0x6200;
	s20 =	rddreg [dreg:$0x6]  }
0x27: {  	[tilespmem:s23], [sflag:$0x7] =	stream.linear.gather [hbm4b:s20+s3], $0x3000, $0x38;
	[tilespmem:$0x1FE00] =	vst v63  }
0x28: {  	s15 =	rddreg [dreg:$0x7]  }
0x29: {  	[tilespmem:s29], [sflag:$0x5] =	stream.linear.gather [hbm4b:s15+s3], $0x60, $0x38;
	[tilespmem:$0x1FE00] =	vst v63  }
0x2a: {  	s19 =	simm.s32 $0x80;
	s16 =	rddreg [dreg:$0x8]  }
0x2b: {  	[tilespmem:s19], [sflag:$0x4] =	stream.linear.gather [hbm4b:s16+s3], $0x60, $0x38;
	[tilespmem:$0x1FE00] =	vst v63  }
0x2c: {  	s20 =	rddreg [dreg:$0x9];
	s23 =	simm.s32 $0x9200;
	s19 =	simm.s32 $0x0  }
0x2d: {  	[tilespmem:s23], [sflag:$0x8] =	stream.linear.gather [hbm4b:s20+s3], $0x3000, $0x38;
	[tilespmem:$0x1FE00] =	vst v63  }
.LBB2_2:
0x2e: {  	_ =	swait.ge [sflag:s0], $0x3000;
	s20 =	sshllo.u32 s19, $0x1  }
0x2f: {  	[sflag:s0] =	ssyncset.done $0x0;
	p0 =	sge.u32 s20, s12  }
0x30: {  	[sflag:s0] =	ssyncadd.s32 $0xFFFFD000;
	s11 =	simm.s32 @!p0 $0x4  }
0x31: {  	p1 =	seq.s32 @!p0 s19, $0x0;
	_ =	swait.ge @!p0 [sflag:s11], $0x60  }
0x32: {  	s15 =	smul.u32 $0xC0, s19;
	p1 =	por p1, p0;
	[sflag:s11] =	ssyncset.done @!p0 $0x0  }
0x33: {  	[sflag:s11] =	ssyncadd.s32 @!p0 $0xFFFFFFA0;
	s11 =	simm.s32 @!p1 $0xA  }
0x34: {  	s16 =	sadd.s32 s9, s15;
	_ =	swait.ge @!p1 [sflag:s11], $0x3000  }
0x35: {  	s15 =	simm.s32 @!p0 $0x80;
	s3 =	simm.s32 @!p0 $0x3200;
	[sflag:s11] =	ssyncset.done @!p1 $0x0  }
0x36: {  	s23 =	sadd.s32 @!p0 $0x60, s16;
	[sflag:s11] =	ssyncadd.s32 @!p1 $0xFFFFD000;
	s11 =	simm.s32 @!p0 $0x60  }
0x37: {  	[tilespmem:s3], [sflag:$0x2] =	stream.indirect.gather @!p0 [hbm4b:s4+s11], $0x80, s15, s11, $0xb8;
	[tilespmem:$0x1FE00] =	vst v63  }
0x38: {  	s15 =	sshll.u32 s19, $0x1;
	s3 =	sshrl.u32 @!p0 s23, $0x3  }
0x39: {  	s11 =	simm.s32 @!p0 $0x0;
	s23 =	simm.s32 @!p0 $0x180;
	s3 =	sadd.s32 @!p0 s7, s3  }
0x3a: {  	[tilespmem:s23], [sflag:$0x6] =	stream.linear.gather @!p0 [hbm4b:s3+s11], $0x60, $0x38;
	[tilespmem:$0x1FE00] =	vst v63  }
0x3b: {  	p0 =	sge.u32 s15, s21  }
0x3c: {  	s3 =	sshrl.u32 @!p0 s16, $0x3  }
0x3d: {  	s3 =	sadd.s32 @!p0 s6, s3  }
0x3e: {  	s11 =	simm.s32 @!p0 $0x0;
	s3 =	sadd.s32 @!p0 $0x18, s3  }
0x3f: {  	[tilespmem:s11], [sflag:$0x3] =	stream.linear.gather @!p0 [hbm4b:s3+s11], $0x60, $0x38;
	[tilespmem:$0x1FE00] =	vst v63  }
0x40: {  	_ =	swait.ge [sflag:s2], $0x3000  }
0x41: {  	[sflag:s2] =	ssyncset.done $0x0  }
0x42: {  	s11 =	simm.s32 $0x0;
	[sflag:s2] =	ssyncadd.s32 $0xFFFFD000  }
0x43: {  	v7 =	vld [tilespmem:s11+$0x6200]  }
0x44: {  	v11 =	vld [tilespmem:s11+$0x6210]  }
0x45: {  	v5 =	vld [tilespmem:s11+$0x6220]  }
0x46: {  	v4 =	vld [tilespmem:s11+$0x6230]  }
0x47: {  	v3 =	vld [tilespmem:s11+$0x6240]  }
0x48: {  	v2 =	vld [tilespmem:s11+$0x6250]  }
0x49: {  	v1 =	vld [tilespmem:s11+$0x6260]  }
0x4a: {  	v0 =	vld [tilespmem:s11+$0x6270]  }
0x4b: {  	v12 =	vld [tilespmem:s11+$0x200]  }
0x4c: {  	v13 =	vld [tilespmem:s11+$0x210]  }
0x4d: {  	v10 =	vld [tilespmem:s11+$0x220]  }
0x4e: {  	v9 =	vld [tilespmem:s11+$0x230]  }
0x4f: {  	v8 =	vld [tilespmem:s11+$0x240]  }
0x50: {  	v6 =	vld [tilespmem:s11+$0x250];
	v12 =	vmul.f32 v7, v12  }
0x51: {  	s23 =	simm.s32 $0x200;
	v11 =	vmul.f32 v11, v13;
	v7 =	vld [tilespmem:s11+$0x260]  }
.LBB2_3:
0x52: {  	s3 =	sshra.s32 s23, $0x2;
	p1 =	sne.s32 s23, $0xBE00;
	[tilespmem:s11+$0x200] =	vst v12;
	v5 =	vmul.f32 v5, v10;
	v10 =	vld [tilespmem:s11+$0x270]  }
0x53: {  	v12 =	vld [tilespmem:s3+$0x6200];
	[tilespmem:s11+$0x210] =	vst v11;
	v4 =	vmul.f32 v4, v9  }
0x54: {  	v11 =	vld [tilespmem:s3+$0x6210];
	[tilespmem:s11+$0x220] =	vst v5;
	v3 =	vmul.f32 v3, v8  }
0x55: {  	v5 =	vld [tilespmem:s3+$0x6220];
	[tilespmem:s11+$0x230] =	vst v4;
	v2 =	vmul.f32 v2, v6  }
0x56: {  	v4 =	vld [tilespmem:s3+$0x6230];
	[tilespmem:s11+$0x240] =	vst v3;
	v1 =	vmul.f32 v1, v7  }
0x57: {  	v3 =	vld [tilespmem:s3+$0x6240];
	[tilespmem:s11+$0x250] =	vst v2;
	v0 =	vmul.f32 v0, v10  }
0x58: {  	v2 =	vld [tilespmem:s3+$0x6250];
	[tilespmem:s11+$0x260] =	vst v1  }
0x59: {  	v1 =	vld [tilespmem:s3+$0x6260];
	[tilespmem:s11+$0x270] =	vst v0;
	s11 =	smov.u32 s3  }
0x5a: {  	v0 =	vld [tilespmem:s11+$0x6270]  }
0x5b: {  	v6 =	vld [tilespmem:s11+$0x200]  }
0x5c: {  	v7 =	vld [tilespmem:s11+$0x210]  }
.Ltmp0:
0x5d: {  	v10 =	vld [tilespmem:s11+$0x220];
	(pc) =	sbr.rel @p1 .LBB2_3-.Ltmp0, $4  }
0x5e: {  	v9 =	vld [tilespmem:s11+$0x230]  }
0x5f: {  	v8 =	vld [tilespmem:s11+$0x240]  }
0x60: {  	v12 =	vmul.f32 v12, v6;
	v6 =	vld [tilespmem:s11+$0x250]  }
0x61: {  	s23 =	sadd.s32 $0x200, s23;
	v11 =	vmul.f32 v11, v7;
	v7 =	vld [tilespmem:s11+$0x260]  }
0x62: {  	[tilespmem:s11+$0x200] =	vst v12;
	v5 =	vmul.f32 v5, v10;
	v10 =	vld [tilespmem:s11+$0x270]  }
0x63: {  	[tilespmem:s11+$0x210] =	vst v11;
	v4 =	vmul.f32 v4, v9  }
0x64: {  	[tilespmem:s11+$0x220] =	vst v5;
	v3 =	vmul.f32 v3, v8  }
0x65: {  	[tilespmem:s11+$0x230] =	vst v4;
	v2 =	vmul.f32 v2, v6  }
0x66: {  	s3 =	sshll.u32 @!p0 s16, $0x4;
	[tilespmem:s11+$0x240] =	vst v3;
	v1 =	vmul.f32 v1, v7  }
0x67: {  	s3 =	sand.u32 @!p0 $0x1FFFFFF0, s3;
	[tilespmem:s11+$0x250] =	vst v2;
	v0 =	vmul.f32 v0, v10  }
0x68: {  	s3 =	sadd.s32 @!p0 s5, s3;
	[tilespmem:s11+$0x260] =	vst v1  }
0x69: {  	s16 =	simm.s32 @!p0 $0x6200;
	s3 =	sadd.s32 @!p0 $0xC00, s3;
	[tilespmem:s11+$0x270] =	vst v0;
	s11 =	simm.s32 @!p0 $0x0  }
0x6a: {  	[tilespmem:s16], [sflag:$0x7] =	stream.linear.gather @!p0 [hbm4b:s3+s11], $0x3000, $0x38;
	[tilespmem:$0x1FE00] =	vst v63  }
0x6b: {  	_ =	swait.ge [sflag:s28], $0x60  }
0x6c: {  	[sflag:s28] =	ssyncset.done $0x0  }
0x6d: {  	[sflag:s28] =	ssyncadd.s32 $0xFFFFFFA0  }
0x6e: {  	[spmem:s1] =	stream.indirect.scatter.add.f32 [tilespmem:s26], [sflag:$0x9], $0x80, s29, s25, $0xb8;
	[tilespmem:$0x1FE00] =	vst v63  }
0x6f: {  	_ =	swait.ge [sflag:s30], $0x3000  }
0x70: {  	[sflag:s30] =	ssyncset.done $0x0  }
0x71: {  	s3 =	simm.s32 @!p0 $0x3;
	[sflag:s30] =	ssyncadd.s32 $0xFFFFD000  }
0x72: {  	_ =	swait.ge @!p0 [sflag:s3], $0x60  }
0x73: {  	[sflag:s3] =	ssyncset.done @!p0 $0x0  }
0x74: {  	[sflag:s3] =	ssyncadd.s32 @!p0 $0xFFFFFFA0;
	s3 =	simm.s32 @!p0 $0x9  }
0x75: {  	_ =	swait.ge @!p0 [sflag:s3], $0x3000  }
0x76: {  	s23 =	simm.s32 @!p0 $0x200;
	s16 =	sadd.s32 s8, s20;
	[sflag:s3] =	ssyncset.done @!p0 $0x0  }
0x77: {  	s20 =	smul.u32 $0x60, s16;
	[sflag:s3] =	ssyncadd.s32 @!p0 $0xFFFFD000;
	s3 =	simm.s32 @!p0 $0x60  }
0x78: {  	[tilespmem:s23], [sflag:$0x1] =	stream.indirect.gather @!p0 [hbm4b:s4+s3], $0x80, s11, s3, $0xb8;
	[tilespmem:$0x1FE00] =	vst v63  }
0x79: {  	s3 =	sshrl.u32 @!p0 s20, $0x3  }
0x7a: {  	s3 =	sadd.s32 @!p0 s7, s3  }
0x7b: {  	s23 =	simm.s32 @!p0 $0x100;
	s3 =	sadd.s32 @!p0 $0xC, s3  }
0x7c: {  	[tilespmem:s23], [sflag:$0x5] =	stream.linear.gather @!p0 [hbm4b:s3+s11], $0x60, $0x38;
	[tilespmem:$0x1FE00] =	vst v63  }
0x7d: {  	p0 =	sge.u32 s15, s22  }
0x7e: {  	s3 =	sshrl.u32 @!p0 s20, $0x3  }
0x7f: {  	s3 =	sadd.s32 @!p0 s6, s3  }
0x80: {  	s11 =	simm.s32 @!p0 $0x0;
	s15 =	simm.s32 @!p0 $0x80;
	s3 =	sadd.s32 @!p0 $0x18, s3  }
0x81: {  	[tilespmem:s15], [sflag:$0x4] =	stream.linear.gather @!p0 [hbm4b:s3+s11], $0x60, $0x38;
	[tilespmem:$0x1FE00] =	vst v63  }
0x82: {  	_ =	swait.ge [sflag:s31], $0x3000  }
0x83: {  	[sflag:s31] =	ssyncset.done $0x0  }
0x84: {  	s11 =	simm.s32 $0x0;
	[sflag:s31] =	ssyncadd.s32 $0xFFFFD000  }
0x85: {  	v6 =	vld [tilespmem:s11+$0x9200]  }
0x86: {  	v11 =	vld [tilespmem:s11+$0x9210]  }
0x87: {  	v5 =	vld [tilespmem:s11+$0x9220]  }
0x88: {  	v4 =	vld [tilespmem:s11+$0x9230]  }
0x89: {  	v3 =	vld [tilespmem:s11+$0x9240]  }
0x8a: {  	v2 =	vld [tilespmem:s11+$0x9250]  }
0x8b: {  	v1 =	vld [tilespmem:s11+$0x9260]  }
0x8c: {  	v0 =	vld [tilespmem:s11+$0x9270]  }
0x8d: {  	v12 =	vld [tilespmem:s11+$0x3200]  }
0x8e: {  	v13 =	vld [tilespmem:s11+$0x3210]  }
0x8f: {  	v10 =	vld [tilespmem:s11+$0x3220]  }
0x90: {  	v9 =	vld [tilespmem:s11+$0x3230]  }
0x91: {  	v8 =	vld [tilespmem:s11+$0x3240]  }
0x92: {  	v7 =	vld [tilespmem:s11+$0x3250];
	v12 =	vmul.f32 v6, v12  }
0x93: {  	s15 =	simm.s32 $0x200;
	v11 =	vmul.f32 v11, v13;
	v6 =	vld [tilespmem:s11+$0x3260]  }
.LBB2_5:
0x94: {  	s3 =	sshra.s32 s15, $0x2;
	p1 =	sne.s32 s15, $0xBE00;
	[tilespmem:s11+$0x3200] =	vst v12;
	v5 =	vmul.f32 v5, v10;
	v10 =	vld [tilespmem:s11+$0x3270]  }
0x95: {  	v12 =	vld [tilespmem:s3+$0x9200];
	[tilespmem:s11+$0x3210] =	vst v11;
	v4 =	vmul.f32 v4, v9  }
0x96: {  	v11 =	vld [tilespmem:s3+$0x9210];
	[tilespmem:s11+$0x3220] =	vst v5;
	v3 =	vmul.f32 v3, v8  }
0x97: {  	v5 =	vld [tilespmem:s3+$0x9220];
	[tilespmem:s11+$0x3230] =	vst v4;
	v2 =	vmul.f32 v2, v7  }
0x98: {  	v4 =	vld [tilespmem:s3+$0x9230];
	[tilespmem:s11+$0x3240] =	vst v3;
	v1 =	vmul.f32 v1, v6  }
0x99: {  	v3 =	vld [tilespmem:s3+$0x9240];
	[tilespmem:s11+$0x3250] =	vst v2;
	v0 =	vmul.f32 v0, v10  }
0x9a: {  	v2 =	vld [tilespmem:s3+$0x9250];
	[tilespmem:s11+$0x3260] =	vst v1  }
0x9b: {  	v1 =	vld [tilespmem:s3+$0x9260];
	[tilespmem:s11+$0x3270] =	vst v0;
	s11 =	smov.u32 s3  }
0x9c: {  	v0 =	vld [tilespmem:s11+$0x9270]  }
0x9d: {  	v6 =	vld [tilespmem:s11+$0x3200]  }
0x9e: {  	v13 =	vld [tilespmem:s11+$0x3210]  }
.Ltmp1:
0x9f: {  	v10 =	vld [tilespmem:s11+$0x3220];
	(pc) =	sbr.rel @p1 .LBB2_5-.Ltmp1, $4  }
0xa0: {  	v9 =	vld [tilespmem:s11+$0x3230]  }
0xa1: {  	v8 =	vld [tilespmem:s11+$0x3240]  }
0xa2: {  	v12 =	vmul.f32 v12, v6;
	v7 =	vld [tilespmem:s11+$0x3250]  }
0xa3: {  	s15 =	sadd.s32 $0x200, s15;
	v11 =	vmul.f32 v11, v13;
	v6 =	vld [tilespmem:s11+$0x3260]  }
0xa4: {  	[tilespmem:s11+$0x3200] =	vst v12;
	v5 =	vmul.f32 v5, v10;
	v63 =	vld [tilespmem:s11+$0x3270]  }
0xa5: {  	[tilespmem:s11+$0x3210] =	vst v11;
	v4 =	vmul.f32 v4, v9  }
0xa6: {  	[tilespmem:s11+$0x3220] =	vst v5;
	v3 =	vmul.f32 v3, v8  }
0xa7: {  	s3 =	smul.u32 @!p0 $0x3000, s16;
	[tilespmem:s11+$0x3230] =	vst v4;
	v2 =	vmul.f32 v2, v7  }
0xa8: {  	[tilespmem:s11+$0x3240] =	vst v3;
	v1 =	vmul.f32 v1, v6  }
0xa9: {  	s3 =	sshrl.u32 @!p0 s3, $0x3;
	[tilespmem:s11+$0x3250] =	vst v2;
	v0 =	vmul.f32 v0, v63  }
0xaa: {  	s15 =	simm.s32 @!p0 $0x9200;
	s3 =	sadd.s32 @!p0 s5, s3;
	[tilespmem:s11+$0x3260] =	vst v1  }
0xab: {  	s19 =	sadd.s32 $0x1, s19;
	s3 =	sadd.s32 @!p0 $0xC00, s3;
	[tilespmem:s11+$0x3270] =	vst v0;
	s11 =	simm.s32 @!p0 $0x0  }
0xac: {  	[tilespmem:s15], [sflag:$0x8] =	stream.linear.gather @!p0 [hbm4b:s3+s11], $0x3000, $0x38;
	[tilespmem:$0x1FE00] =	vst v63  }
0xad: {  	p0 =	sne.s32 s19, s18  }
.Ltmp2:
0xae: {  	_ = 	snop;
	(pc) =	sbr.rel @p0 .LBB2_2-.Ltmp2, $4  }
0xaf: {  	_ =	swait.ge [sflag:s10], $0x60  }
0xb0: {  	[sflag:s10] =	ssyncset.done $0x0  }
0xb1: {  	[sflag:s10] =	ssyncadd.s32 $0xFFFFFFA0  }
0xb2: {  	[spmem:s1] =	stream.indirect.scatter.add.f32 [tilespmem:s14], [sflag:$0xA], $0x80, s13, s25, $0xb8;
	[tilespmem:$0x1FE00] =	vst v63  }
0xb3: {  	s3 =	simm.s32 $0x9  }
0xb4: {  	_ =	swait.ge [sflag:s3], $0x3000  }
0xb5: {  	[sflag:s3] =	ssyncset.done $0x0  }
0xb6: {  	s19 =	simm.s32 $0xA;
	[sflag:s3] =	ssyncadd.s32 $0xFFFFD000  }
0xb7: {  	_ =	swait.ge [sflag:s19], $0x3000  }
0xb8: {  	[sflag:s19] =	ssyncset.done $0x0  }
0xb9: {  	[sflag:s19] =	ssyncadd.s32 $0xFFFFD000  }
0xba: {  	[bflag:$0x0] =	sbarrier.arrive $0xFFFF  }
0xbb: {  	s15 =	rddreg [dreg:$0x4]  }
0xbc: {  	s20 =	rddreg [dreg:$0xa]  }
0xbd: {  	s11 =	rddreg [dreg:$0xc]  }
0xbe: {  	[hbm:s20], [sflag:s15] =	dma.local [spmem:s11], $0x2780  }
0xbf: {  	_ =	swait.ge [sflag:s24], $0x2780  }
0xc0: {  	s17 =	sadd.s32 $0x1, s17;
	s23 =	rddreg [dreg:$0xb]  }
0xc1: {  	p0 =	sne.s32 s17, s23  }
.Ltmp3:
0xc2: {  	_ = 	snop;
	(pc) =	sbr.rel @p0 .LBB2_1-.Ltmp3, $3  }
0xc3: {  	_ =	sdelay $0x1  }
0xc4: {  	[sflag:s24] =	ssyncset.done $0x0  }
0xc5: {  	[sflag:s24] =	ssyncadd.s32 $0xFFFFD880  }
0xc6: {  	_ =	sfence.sel $0x180000  }
0xc7: {  	[bflag:$0x0] =	sbarrier.arrive $0xFFFF  }
0xc8: {  	_ =	strace $0x9000004D  }
0xc9: {  	s0 =	stileid.u32;
	[bflag:$0x2] =	sbarrier.arrive $0xFFFF  }
0xca: {  	p0 =	sne.s32 s0, $0x0;
	s0 =	rddreg [dreg:$0x2]  }
0xcb: {  	s0 =	sadd.s32 @!p0 $0x100000, s0  }
0xcc: {  	[sflag:s0] =	ssyncadd.tile.s32 @!p0 $0x1;
	_ =	shalt  }
.Lfunc_end2:
_tile_overlayer_lowered:
.L_overlay_start_2:
0xcd: {  	(tag) =	ssettag $0x2  }
0xce: {  	s0 =	rddreg [dreg:$0x0];
	s2 =	stileid.u32  }
0xcf: {  	s1 =	rddreg [dreg:$0x1];
	p0 =	sne.s32 s2, $0x0  }
0xd0: {  	s3 =	rddreg [dreg:$0x2];
	[bflag:$0x3] =	sbarrier.arrive $0xFFFF;
	s2 =	simm.s32 @!p0 $0x1C0B  }
0xd1: {  	[timem:s3], [sflag:s2] =	dma.local @!p0 [hbm:s0], s1  }
0xd2: {  	s0 =	simm.s32 @!p0 $0xB  }
0xd3: {  	_ =	swait.ge @!p0 [sflag:s0], s1  }
0xd4: {  	s1 =	ssub.s32 @!p0 $0x0, s1;
	[sflag:s0] =	ssyncset.done @!p0 $0x0  }
0xd5: {  	[sflag:s0] =	ssyncadd.s32 @!p0 s1  }
0xd6: {  	[bflag:$0x3] =	sbarrier.arrive $0xFFFF  }
0xd7: {  	_ =	shalt  }

// kernel: kernel.23.cloned.1.call-start
scs
__scs_entry_jumppad:
0x0: {  	(pc) =	sbr.rel $0x88, $3  }
0x1: {  	(tag) =	ssettag $0x0;
	lr =	simm.s32 $0x1  }
0x2: {  	[smem:$0x3F86] =	sst lr;
	_ =	strace $0xD0000000  }
0x3: {  	_ = 	snop  }
0x4: {  	_ = 	snop  }
0x5: {  	_ = 	snop  }
0x6: {  	_ = 	snop  }
0x7: {  	_ = 	snop  }
__scs_overlays_trampoline_lowered:
0x8: {  	[smem:$0x3F95] =	sst s0  }
0x9: {  	[smem:$0x3F96] =	sst s1  }
0xa: {  	[smem:$0x3F97] =	sst s2  }
0xb: {  	[smem:$0x3F98] =	sst s3  }
0xc: {  	[smem:$0x3F99] =	sst s4  }
0xd: {  	[smem:$0x3F9A] =	sst s5  }
0xe: {  	[smem:$0x3F9B] =	sst s6  }
0xf: {  	[smem:$0x3F9C] =	sst s7  }
0x10: {  	[smem:$0x3F9D] =	sst s8  }
0x11: {  	[smem:$0x3F9E] =	sst s9;
	s0 =	simm.s32 @!p0 $0x0  }
0x12: {  	s1 =	sld [smem:$0x3F84];
	s0 =	simm.s32 @p0 $0x1  }
0x13: {  	[smem:$0x3F9F] =	sst s0;
	s0 =	simm.s32 @!p1 $0x0  }
0x14: {  	s2 =	sld [smem:$0x3F83];
	s0 =	simm.s32 @p1 $0x1  }
0x15: {  	[smem:$0x3FA0] =	sst s0;
	s0 =	simm.s32 @!p2 $0x0  }
0x16: {  	s3 =	sld [smem:$0x3FDB];
	s0 =	simm.s32 @p2 $0x1  }
0x17: {  	s4 =	simm.s32 $0x1BF5;
	[smem:$0x3FA2] =	sst s0  }
0x18: {  	s0 =	sld [smem:$0x3F85];
	_ =	swait.ge [sflag:s4], $0x0  }
0x19: {  	s7 =	sld [smem:$0x3F86]  }
0x1a: {  	s8 =	sadd.s32 $0xFFFFE003, lr  }
0x1b: {  	s9 =	sadd.s32 $0xFFFFFEF7, lr;
	s5 =	simm.s32 $0xFFFFFFFF;
	p2 =	slt.u32 s8, $0xFFFFF086  }
0x1c: {  	p1 =	slt.u32 s9, $0xF7A;
	s5 =	simm.s32 @!p2 $0x0  }
0x1d: {  	s5 =	simm.s32 @p1 $0x1;
	p0 =	seq.s32 s7, s2  }
0x1e: {  	s7 =	smul.u32 @!p0 $0xF7A, s2;
	p2 =	seq.s32 @!p0 s5, $0x0  }
0x1f: {  	s9 =	smul.u32 $0xF7A, s1;
	s8 =	simm.s32 @!p0 $0x1BF5;
	p2 =	por !p2, p0  }
0x20: {  	[sflag:s8] =	ssyncset.s32 @!p0 $0xFFFFF086;
	s6 =	sadd.s32 @!p0 s3, s7;
	s7 =	simm.s32 @!p0 $0x108  }
0x21: {  	s3 =	sadd.s32 s3, s9;
	s6 =	sadd.s32 @!p0 $0x88, s6;
	s7 =	simm.s32 @p2 $0x1082  }
0x22: {  	[simem:s7], [sflag:s8] =	dma.local @!p0 [hbm:s6], $0xF7A  }
0x23: {  	s9 =	sor.u32 $0xD0000000, s2;
	s6 =	simm.s32 $0x108;
	_ =	swait.ge @!p0 [sflag:s8], $0x0  }
0x24: {  	s3 =	sadd.s32 $0x88, s3;
	s6 =	simm.s32 @!p1 $0x1082;
	[sflag:s4] =	ssyncset.s32 $0xFFFFF086  }
0x25: {  	[simem:s6], [sflag:s4] =	dma.local [hbm:s3], $0xF7A  }
0x26: {  	[smem:$0x3F86] =	sst s1;
	(tag) =	ssettag s2;
	_ =	strace s9  }
0x27: {  	s1 =	sld [smem:$0x3F96]  }
0x28: {  	s2 =	sld [smem:$0x3F97]  }
0x29: {  	s4 =	sld [smem:$0x3F99]  }
0x2a: {  	p0 =	seq.s32 s5, $0x0;
	s5 =	sld [smem:$0x3F9A]  }
0x2b: {  	s6 =	sld [smem:$0x3F9B]  }
0x2c: {  	s7 =	sld [smem:$0x3F9C]  }
0x2d: {  	s3 =	simm.s32 $0x108;
	s8 =	sld [smem:$0x3F9D]  }
0x2e: {  	s3 =	simm.s32 @!p0 $0x1082;
	s9 =	sld [smem:$0x3F9E]  }
0x2f: {  	lr =	sadd.s32 s0, s3;
	s0 =	sld [smem:$0x3F95]  }
0x30: {  	s3 =	sld [smem:$0x3F98]  }
0x31: {  	[smem:$0x3FA1] =	sst s10  }
0x32: {  	s10 =	sld [smem:$0x3F9F];
	_ =	sdelay $0x3  }
0x33: {  	p0 =	seq.s32 s10, $0x1;
	s10 =	sld [smem:$0x3FA1];
	_ =	sdelay $0x3  }
0x34: {  	[smem:$0x3FA1] =	sst s10  }
0x35: {  	s10 =	sld [smem:$0x3FA0];
	_ =	sdelay $0x3  }
0x36: {  	p1 =	seq.s32 s10, $0x1;
	s10 =	sld [smem:$0x3FA1];
	_ =	sdelay $0x3  }
0x37: {  	[smem:$0x3FA1] =	sst s10  }
0x38: {  	s10 =	sld [smem:$0x3FA2]  }
0x39: {  	_ = 	snop;
	(pc) =	sbr.ind lr, $3  }
0x3a: {  	_ = 	snop  }
0x3b: {  	_ = 	snop  }
0x3c: {  	p2 =	seq.s32 s10, $0x1;
	s10 =	sld [smem:$0x3FA1]  }
0x3d: {  	_ =	shalt  }
0x3e: {  	_ =	shalt  }
0x3f: {  	_ =	shalt  }
0x40: {  	_ =	shalt  }
0x41: {  	_ =	shalt  }
0x42: {  	_ =	shalt  }
0x43: {  	_ =	shalt  }
0x44: {  	_ =	shalt  }
0x45: {  	_ =	shalt  }
0x46: {  	_ =	shalt  }
0x47: {  	_ =	shalt  }
0x48: {  	_ =	shalt  }
0x49: {  	_ =	shalt  }
0x4a: {  	_ =	shalt  }
0x4b: {  	_ =	shalt  }
0x4c: {  	_ =	shalt  }
0x4d: {  	_ =	shalt  }
0x4e: {  	_ =	shalt  }
0x4f: {  	_ =	shalt  }
0x50: {  	_ =	shalt  }
0x51: {  	_ =	shalt  }
0x52: {  	_ =	shalt  }
0x53: {  	_ =	shalt  }
0x54: {  	_ =	shalt  }
0x55: {  	_ =	shalt  }
0x56: {  	_ =	shalt  }
0x57: {  	_ =	shalt  }
0x58: {  	_ =	shalt  }
0x59: {  	_ =	shalt  }
0x5a: {  	_ =	shalt  }
0x5b: {  	_ =	shalt  }
0x5c: {  	_ =	shalt  }
0x5d: {  	_ =	shalt  }
0x5e: {  	_ =	shalt  }
0x5f: {  	_ =	shalt  }
0x60: {  	_ =	shalt  }
0x61: {  	_ =	shalt  }
0x62: {  	_ =	shalt  }
0x63: {  	_ =	shalt  }
0x64: {  	_ =	shalt  }
0x65: {  	_ =	shalt  }
0x66: {  	_ =	shalt  }
0x67: {  	_ =	shalt  }
0x68: {  	_ =	shalt  }
0x69: {  	_ =	shalt  }
0x6a: {  	_ =	shalt  }
0x6b: {  	_ =	shalt  }
0x6c: {  	_ =	shalt  }
0x6d: {  	_ =	shalt  }
0x6e: {  	_ =	shalt  }
0x6f: {  	_ =	shalt  }
0x70: {  	_ =	shalt  }
0x71: {  	_ =	shalt  }
0x72: {  	_ =	shalt  }
0x73: {  	_ =	shalt  }
0x74: {  	_ =	shalt  }
0x75: {  	_ =	shalt  }
0x76: {  	_ =	shalt  }
0x77: {  	_ =	shalt  }
0x78: {  	_ =	shalt  }
0x79: {  	_ =	shalt  }
0x7a: {  	_ =	shalt  }
0x7b: {  	_ =	shalt  }
0x7c: {  	_ =	shalt  }
0x7d: {  	_ =	shalt  }
0x7e: {  	_ =	shalt  }
0x7f: {  	_ =	shalt  }
0x80: {  	_ =	shalt  }
0x81: {  	_ =	shalt  }
0x82: {  	_ =	shalt  }
0x83: {  	_ =	shalt  }
0x84: {  	_ =	shalt  }
0x85: {  	_ =	shalt  }
0x86: {  	_ =	shalt  }
0x87: {  	_ =	shalt  }
.Lfunc_end0:
.L_simem_size_0:
called_computation.3_lowered:
.L_overlay_start_0:
0x88: {  	s2 =	sld [smem:$0x3FD9]  }
0x89: {  	s3 =	sld [smem:$0x3FFE];
	_ =	sdelay $0x1  }
0x8a: {  	s1 =	srdreg.scid  }
0x8b: {  	s0 =	sand.u32 $0x1, s1  }
0x8c: {  	s17 =	sshll.u32 s0, $0xA;
	s2 =	sadd.s32 s3, s2  }
0x8d: {  	s2 =	sadd.s32 s2, s17  }
0x8e: {  	[smem:$0x3FAD] =	sst s2  }
0x8f: {  	_ = 	snop  }
0x90: {  	s2 =	sld [smem:$0x3FD0];
	(tm) =	ssettm $0x1  }
0x91: {  	s18 =	sld [smem:$0x3FFB];
	_ =	sdelay $0x3  }
0x92: {  	_ =	strace s18  }
0x93: {  	s3 =	sld [smem:$0x3FFC];
	_ =	sdelay $0x3  }
0x94: {  	_ =	strace s3  }
0x95: {  	s3 =	sld [smem:$0x3FFD];
	_ =	sdelay $0x3  }
0x96: {  	_ =	strace s3  }
0x97: {  	_ =	strace $0x8FFFFFFF  }
0x98: {  	s19 =	sld [smem:$0x3FDB];
	_ =	sdelay $0x1  }
0x99: {  	s4 =	simm.s32 $_scs_section_size  }
0x9a: {  	s5 =	simm.s32 $_size__tile_overlayer_lowered;
	s6 =	simm.s32 $_tile_overlayer_lowered  }
0x9b: {  	s22 =	simm.s32 $0x1BFF;
	s21 =	sshll.u32 s6, $0x1;
	s3 =	sadd.s32 s4, s19  }
0x9c: {  	s7 =	simm.s32 $0x0;
	s20 =	sshll.u32 s5, $0x1;
	s5 =	sadd.s32 s21, s3  }
0x9d: {  	[timem:s7], [sflag:s22] =	dma.local [hbm:s5], s20  }
0x9e: {  	_ =	swait.ge [sflag:s22], s20  }
0x9f: {  	s4 =	ssub.s32 $0x0, s20;
	[sflag:s22] =	ssyncset.done $0x0  }
0xa0: {  	[sflag:s22] =	ssyncadd.s32 s4;
	_ =	sdelay $0x1  }
0xa1: {  	s23 =	simm.s32 $0x1B8B  }
0xa2: {  	_ =	swait.ge [sflag:s23], $0x1  }
0xa3: {  	[sflag:s23] =	ssyncset.done $0x0  }
0xa4: {  	s25 =	simm.s32 $0x1B8E;
	s24 =	sld [smem:$0x3FFE];
	[sflag:s23] =	ssyncadd.s32 $0xFFFFFFFF  }
0xa5: {  	s26 =	simm.s32 $execute0_lowered;
	[smem:$0x3FD2] =	sst s25  }
0xa6: {  	s5 =	sshll.u32 s26, $0x1;
	_ =	strace $0x8000004F;
	[dreg:$0x1] =	wrdreg $0xFFFFFFFF  }
0xa7: {  	s28 =	simm.s32 $_size_execute0_lowered;
	s3 =	sadd.s32 s3, s5;
	[dreg:$0x0] =	wrdreg $0x0  }
0xa8: {  	s5 =	sshll.u32 s28, $0x1;
	[dreg:$0x2] =	wrdreg s3  }
0xa9: {  	[dreg:$0x3] =	wrdreg s5  }
0xaa: {  	[dreg:$0x4] =	wrdreg $0xC0  }
0xab: {  	_ =	task [dreg:s7], $0x5FFFF  }
0xac: {  	[dreg:$0x1] =	wrdreg $0xFFFFFFFF  }
0xad: {  	[dreg:$0x0] =	wrdreg $0x60  }
0xae: {  	[dreg:$0x2] =	wrdreg s2  }
0xaf: {  	[dreg:$0x3] =	wrdreg s24  }
0xb0: {  	[dreg:$0x4] =	wrdreg $0xC2000  }
0xb1: {  	[dreg:$0x5] =	wrdreg $0x9  }
0xb2: {  	_ =	task.clear_ibuf [dreg:s7], $0x6FFFF;
	_ =	strace $0x9000004F  }
0xb3: {  	s29 =	simm.s32 $0x9;
	_ =	strace $0x80000051  }
0xb4: {  	_ =	swait.ge [sflag:s29], $0x1  }
0xb5: {  	[sflag:s29] =	ssyncadd.s32 $0xFFFFFFFF  }
0xb6: {  	_ =	strace $0x90000051  }
0xb7: {  	_ =	sfence  }
0xb8: {  	s30 =	sld [smem:$0x0];
	_ =	sdelay $0x2  }
0xb9: {  	s31 =	sshll.u32 s1, $0xD;
	s1 =	sshrl.u32 s1, $0x2  }
0xba: {  	s3 =	sand.u32 $0x4000, s31;
	s1 =	sadd.s32 s1, s30  }
0xbb: {  	s0 =	sor.u32 s3, s0;
	s1 =	sshll.u32 s1, $0x11  }
0xbc: {  	s0 =	sor.u32 s1, s0  }
0xbd: {  	s0 =	sadd.s32 $0x8F2B, s0  }
0xbe: {  	[sflag:s0] =	ssyncadd.remote.s32 $0x1  }
0xbf: {  	_ =	sfence.sel $0xFFFF  }
0xc0: {  	[dreg:$0x0] =	wrdreg $0xFFFFFFFF;
	(pc) =	sbr.abs _section_cstart, $3  }
0xc1: {  	[dreg:$0x1] =	wrdreg $0xFFFFFFFF  }
0xc2: {  	_ =	task.clear_ibuf [dreg:s7], $0x2FFFF;
	_ =	strace $0x9FFFFFFF  }
0xc3: {  	(tm) =	ssettm $0x7FFFFFFF  }
tec
execute0_lowered:
.L_overlay_start_1:
0x0: {  	(tag) =	ssettag $0x1  }
0x1: {  	s1 =	rddreg [dreg:$0x0]  }
0x2: {  	s0 =	rddreg [dreg:$0x1]  }
0x3: {  	s2 =	rddreg [dreg:$0x2];
	s3 =	simm.s32 $0x0  }
0x4: {  	s4 =	stileid.u32;
	s25 =	srdreg.scid;
	s29 =	simm.s32 $0x100  }
0x5: {  	s28 =	simm.s32 $0x5;
	s30 =	simm.s32 $0x2;
	s8 =	smul.u32 $0x2780, s4  }
0x6: {  	s31 =	simm.s32 $0x8;
	[smem:$0x7FF] =	sst s3;
	s12 =	smul.u32 $0x46, s4  }
0x7: {  	s5 =	sadd.s32 $0x1426200, s0;
	s3 =	sand.u32 $0x1, s25;
	s14 =	smul.u32 $0x8C, s4  }
0x8: {  	s6 =	sadd.s32 $0x3B400, s0;
	s7 =	sadd.s32 $0x45200, s0;
	s15 =	smul.u32 $0x4F000, s4  }
0x9: {  	_ =	strace $0x80000050;
	s9 =	smul.u32 $0x27800, s3;
	s11 =	ssub.s32 $0x2, s3  }
0xa: {  	p0 =	seq.s32 s3, $0x0;
	s3 =	simm.s32 $0x7;
	s10 =	sadd.s32 s8, s0  }
0xb: {  	s13 =	sshrl.u32 s11, $0x1;
	s9 =	sadd.s32 s8, s9;
	s8 =	sadd.s32 $0x8C0, s12  }
0xc: {  	s26 =	ssub.s32 s11, s13;
	s16 =	sadd.s32 $0x76200, s10;
	s12 =	simm.s32 $0x8C  }
0xd: {  	s10 =	simm.s32 $0x6;
	s13 =	simm.s32 $0x180;
	s0 =	sadd.s32 s9, s0  }
0xe: {  	s8 =	smov.u32 @p0 s14;
	s14 =	sshrl.u32 s15, $0x2;
	s15 =	sshll.u32 s4, $0x6  }
0xf: {  	[dreg:$0x4] =	wrdreg s16;
	s12 =	simm.s32 @!p0 $0x46;
	s26 =	smax.u32 s26, $0x1  }
0x10: {  	s9 =	smul.u32 $0x60, s8;
	s11 =	sadd.s32 s14, s2;
	s15 =	sor.u32 $0x1C0B, s15  }
0x11: {  	s18 =	smul.u32 $0x600, s8;
	s0 =	sadd.s32 $0x9DA00, s0;
	[dreg:$0xc] =	wrdreg s26  }
0x12: {  	s26 =	simm.s32 $0x200;
	[dreg:$0xb] =	wrdreg s0;
	s11 =	sshrl.u32 s11, $0x3  }
0x13: {  	s0 =	simm.s32 $0x1;
	[dreg:$0x5] =	wrdreg s15;
	s17 =	sshrl.u32 s9, $0x3  }
0x14: {  	s20 =	sadd.s32 $0x60, s9;
	s21 =	sadd.s32 s5, s18;
	[dreg:$0xd] =	wrdreg s11  }
0x15: {  	s18 =	sshrl.u32 s12, $0x1;
	s19 =	sadd.s32 s6, s17;
	[dreg:$0x7] =	wrdreg s21  }
0x16: {  	s22 =	sshrl.u32 s20, $0x3;
	s14 =	sshll.u32 s20, $0x4;
	s23 =	sadd.s32 s7, s17  }
0x17: {  	s21 =	sadd.s32 $0xFFFFFFFE, s12;
	s17 =	simm.s32 $0x0;
	[dreg:$0x6] =	wrdreg s19  }
0x18: {  	[dreg:$0x8] =	wrdreg s23;
	s24 =	sadd.s32 s6, s22;
	s25 =	sadd.s32 s5, s14  }
0x19: {  	s22 =	sadd.s32 $0xFFFFFFFD, s12;
	s14 =	simm.s32 $0x3200;
	[dreg:$0x9] =	wrdreg s24  }
0x1a: {  	[dreg:$0xa] =	wrdreg s25;
	s24 =	simm.s32 $0xB;
	s25 =	simm.s32 $0x60  }
.LBB2_1:
0x1b: {  	s4 =	rddreg [dreg:$0x4]  }
0x1c: {  	[spmem:s11], [sflag:s15] =	dma.local [hbm:s4], $0x2780  }
0x1d: {  	_ =	swait.ge [sflag:s24], $0x2780  }
0x1e: {  	[sflag:s24] =	ssyncset.done $0x0  }
0x1f: {  	[sflag:s24] =	ssyncadd.s32 $0xFFFFD880  }
0x20: {  	[bflag:$0x0] =	sbarrier.arrive $0xFFFF  }
0x21: {  	s4 =	simm.s32 $0x0;
	s19 =	rddreg [dreg:$0x6]  }
0x22: {  	[tilespmem:s4], [sflag:$0xB] =	stream.linear.gather [hbm4b:s19+s4], $0x60, $0x38;
	[tilespmem:$0x1FE00] =	vst v63  }
0x23: {  	_ =	swait.ge [sflag:s24], $0x60  }
0x24: {  	[sflag:s24] =	ssyncset.done $0x0  }
0x25: {  	[sflag:s24] =	ssyncadd.s32 $0xFFFFFFA0  }
0x26: {  	[tilespmem:s26], [sflag:$0x1] =	stream.indirect.gather [hbm4b:s1+s25], $0x80, s4, s25, $0xb8;
	[tilespmem:$0x1FE00] =	vst v63  }
0x27: {  	s23 =	simm.s32 $0x6200;
	s20 =	rddreg [dreg:$0x7]  }
0x28: {  	[tilespmem:s23], [sflag:$0x7] =	stream.linear.gather [hbm4b:s20+s4], $0x3000, $0x38;
	[tilespmem:$0x1FE00] =	vst v63  }
0x29: {  	s15 =	rddreg [dreg:$0x8]  }
0x2a: {  	[tilespmem:s29], [sflag:$0x5] =	stream.linear.gather [hbm4b:s15+s4], $0x60, $0x38;
	[tilespmem:$0x1FE00] =	vst v63  }
0x2b: {  	s19 =	simm.s32 $0x80;
	s16 =	rddreg [dreg:$0x9]  }
0x2c: {  	[tilespmem:s19], [sflag:$0x4] =	stream.linear.gather [hbm4b:s16+s4], $0x60, $0x38;
	[tilespmem:$0x1FE00] =	vst v63  }
0x2d: {  	s20 =	rddreg [dreg:$0xa];
	s23 =	simm.s32 $0x9200;
	s19 =	simm.s32 $0x0  }
0x2e: {  	[tilespmem:s23], [sflag:$0x8] =	stream.linear.gather [hbm4b:s20+s4], $0x3000, $0x38;
	[tilespmem:$0x1FE00] =	vst v63  }
.LBB2_2:
0x2f: {  	_ =	swait.ge [sflag:s0], $0x3000;
	s20 =	sshllo.u32 s19, $0x1  }
0x30: {  	[sflag:s0] =	ssyncset.done $0x0;
	p0 =	sge.u32 s20, s12  }
0x31: {  	[sflag:s0] =	ssyncadd.s32 $0xFFFFD000;
	s11 =	simm.s32 @!p0 $0x4  }
0x32: {  	p1 =	seq.s32 @!p0 s19, $0x0;
	_ =	swait.ge @!p0 [sflag:s11], $0x60  }
0x33: {  	s15 =	smul.u32 $0xC0, s19;
	p1 =	por p1, p0;
	[sflag:s11] =	ssyncset.done @!p0 $0x0  }
0x34: {  	[sflag:s11] =	ssyncadd.s32 @!p0 $0xFFFFFFA0;
	s11 =	simm.s32 @!p1 $0xA  }
0x35: {  	s16 =	sadd.s32 s9, s15;
	_ =	swait.ge @!p1 [sflag:s11], $0x3000  }
0x36: {  	s15 =	simm.s32 @!p0 $0x80;
	s4 =	simm.s32 @!p0 $0x3200;
	[sflag:s11] =	ssyncset.done @!p1 $0x0  }
0x37: {  	s23 =	sadd.s32 @!p0 $0x60, s16;
	[sflag:s11] =	ssyncadd.s32 @!p1 $0xFFFFD000;
	s11 =	simm.s32 @!p0 $0x60  }
0x38: {  	[tilespmem:s4], [sflag:$0x2] =	stream.indirect.gather @!p0 [hbm4b:s1+s11], $0x80, s15, s11, $0xb8;
	[tilespmem:$0x1FE00] =	vst v63  }
0x39: {  	s15 =	sshll.u32 s19, $0x1;
	s4 =	sshrl.u32 @!p0 s23, $0x3  }
0x3a: {  	s11 =	simm.s32 @!p0 $0x0;
	s23 =	simm.s32 @!p0 $0x180;
	s4 =	sadd.s32 @!p0 s7, s4  }
0x3b: {  	[tilespmem:s23], [sflag:$0x6] =	stream.linear.gather @!p0 [hbm4b:s4+s11], $0x60, $0x38;
	[tilespmem:$0x1FE00] =	vst v63  }
0x3c: {  	p0 =	sge.u32 s15, s21  }
0x3d: {  	s4 =	sshrl.u32 @!p0 s16, $0x3  }
0x3e: {  	s4 =	sadd.s32 @!p0 s6, s4  }
0x3f: {  	s11 =	simm.s32 @!p0 $0x0;
	s4 =	sadd.s32 @!p0 $0x18, s4  }
0x40: {  	[tilespmem:s11], [sflag:$0x3] =	stream.linear.gather @!p0 [hbm4b:s4+s11], $0x60, $0x38;
	[tilespmem:$0x1FE00] =	vst v63  }
0x41: {  	_ =	swait.ge [sflag:s3], $0x3000  }
0x42: {  	[sflag:s3] =	ssyncset.done $0x0  }
0x43: {  	s11 =	simm.s32 $0x0;
	[sflag:s3] =	ssyncadd.s32 $0xFFFFD000  }
0x44: {  	v7 =	vld [tilespmem:s11+$0x6200]  }
0x45: {  	v11 =	vld [tilespmem:s11+$0x6210]  }
0x46: {  	v5 =	vld [tilespmem:s11+$0x6220]  }
0x47: {  	v4 =	vld [tilespmem:s11+$0x6230]  }
0x48: {  	v3 =	vld [tilespmem:s11+$0x6240]  }
0x49: {  	v2 =	vld [tilespmem:s11+$0x6250]  }
0x4a: {  	v1 =	vld [tilespmem:s11+$0x6260]  }
0x4b: {  	v0 =	vld [tilespmem:s11+$0x6270]  }
0x4c: {  	v12 =	vld [tilespmem:s11+$0x200]  }
0x4d: {  	v13 =	vld [tilespmem:s11+$0x210]  }
0x4e: {  	v10 =	vld [tilespmem:s11+$0x220]  }
0x4f: {  	v9 =	vld [tilespmem:s11+$0x230]  }
0x50: {  	v8 =	vld [tilespmem:s11+$0x240]  }
0x51: {  	v6 =	vld [tilespmem:s11+$0x250];
	v12 =	vmul.f32 v7, v12  }
0x52: {  	s23 =	simm.s32 $0x200;
	v11 =	vmul.f32 v11, v13;
	v7 =	vld [tilespmem:s11+$0x260]  }
.LBB2_3:
0x53: {  	s4 =	sshra.s32 s23, $0x2;
	p1 =	sne.s32 s23, $0xBE00;
	[tilespmem:s11+$0x200] =	vst v12;
	v5 =	vmul.f32 v5, v10;
	v10 =	vld [tilespmem:s11+$0x270]  }
0x54: {  	v12 =	vld [tilespmem:s4+$0x6200];
	[tilespmem:s11+$0x210] =	vst v11;
	v4 =	vmul.f32 v4, v9  }
0x55: {  	v11 =	vld [tilespmem:s4+$0x6210];
	[tilespmem:s11+$0x220] =	vst v5;
	v3 =	vmul.f32 v3, v8  }
0x56: {  	v5 =	vld [tilespmem:s4+$0x6220];
	[tilespmem:s11+$0x230] =	vst v4;
	v2 =	vmul.f32 v2, v6  }
0x57: {  	v4 =	vld [tilespmem:s4+$0x6230];
	[tilespmem:s11+$0x240] =	vst v3;
	v1 =	vmul.f32 v1, v7  }
0x58: {  	v3 =	vld [tilespmem:s4+$0x6240];
	[tilespmem:s11+$0x250] =	vst v2;
	v0 =	vmul.f32 v0, v10  }
0x59: {  	v2 =	vld [tilespmem:s4+$0x6250];
	[tilespmem:s11+$0x260] =	vst v1  }
0x5a: {  	v1 =	vld [tilespmem:s4+$0x6260];
	[tilespmem:s11+$0x270] =	vst v0;
	s11 =	smov.u32 s4  }
0x5b: {  	v0 =	vld [tilespmem:s11+$0x6270]  }
0x5c: {  	v6 =	vld [tilespmem:s11+$0x200]  }
0x5d: {  	v7 =	vld [tilespmem:s11+$0x210]  }
.Ltmp0:
0x5e: {  	v10 =	vld [tilespmem:s11+$0x220];
	(pc) =	sbr.rel @p1 .LBB2_3-.Ltmp0, $4  }
0x5f: {  	v9 =	vld [tilespmem:s11+$0x230]  }
0x60: {  	v8 =	vld [tilespmem:s11+$0x240]  }
0x61: {  	v12 =	vmul.f32 v12, v6;
	v6 =	vld [tilespmem:s11+$0x250]  }
0x62: {  	s23 =	sadd.s32 $0x200, s23;
	v11 =	vmul.f32 v11, v7;
	v7 =	vld [tilespmem:s11+$0x260]  }
0x63: {  	[tilespmem:s11+$0x200] =	vst v12;
	v5 =	vmul.f32 v5, v10;
	v10 =	vld [tilespmem:s11+$0x270]  }
0x64: {  	[tilespmem:s11+$0x210] =	vst v11;
	v4 =	vmul.f32 v4, v9  }
0x65: {  	[tilespmem:s11+$0x220] =	vst v5;
	v3 =	vmul.f32 v3, v8  }
0x66: {  	[tilespmem:s11+$0x230] =	vst v4;
	v2 =	vmul.f32 v2, v6  }
0x67: {  	s4 =	sshll.u32 @!p0 s16, $0x4;
	[tilespmem:s11+$0x240] =	vst v3;
	v1 =	vmul.f32 v1, v7  }
0x68: {  	s4 =	sand.u32 @!p0 $0x1FFFFFF0, s4;
	[tilespmem:s11+$0x250] =	vst v2;
	v0 =	vmul.f32 v0, v10  }
0x69: {  	s4 =	sadd.s32 @!p0 s5, s4;
	[tilespmem:s11+$0x260] =	vst v1  }
0x6a: {  	s16 =	simm.s32 @!p0 $0x6200;
	s4 =	sadd.s32 @!p0 $0xC00, s4;
	[tilespmem:s11+$0x270] =	vst v0;
	s11 =	simm.s32 @!p0 $0x0  }
0x6b: {  	[tilespmem:s16], [sflag:$0x7] =	stream.linear.gather @!p0 [hbm4b:s4+s11], $0x3000, $0x38;
	[tilespmem:$0x1FE00] =	vst v63  }
0x6c: {  	_ =	swait.ge [sflag:s28], $0x60  }
0x6d: {  	[sflag:s28] =	ssyncset.done $0x0  }
0x6e: {  	[sflag:s28] =	ssyncadd.s32 $0xFFFFFFA0  }
0x6f: {  	[spmem:s2] =	stream.indirect.scatter.add.f32 [tilespmem:s26], [sflag:$0x9], $0x80, s29, s25, $0xb8;
	[tilespmem:$0x1FE00] =	vst v63  }
0x70: {  	_ =	swait.ge [sflag:s30], $0x3000  }
0x71: {  	[sflag:s30] =	ssyncset.done $0x0  }
0x72: {  	s4 =	simm.s32 @!p0 $0x3;
	[sflag:s30] =	ssyncadd.s32 $0xFFFFD000  }
0x73: {  	_ =	swait.ge @!p0 [sflag:s4], $0x60  }
0x74: {  	[sflag:s4] =	ssyncset.done @!p0 $0x0  }
0x75: {  	[sflag:s4] =	ssyncadd.s32 @!p0 $0xFFFFFFA0;
	s4 =	simm.s32 @!p0 $0x9  }
0x76: {  	_ =	swait.ge @!p0 [sflag:s4], $0x3000  }
0x77: {  	s23 =	simm.s32 @!p0 $0x200;
	s16 =	sadd.s32 s8, s20;
	[sflag:s4] =	ssyncset.done @!p0 $0x0  }
0x78: {  	s20 =	smul.u32 $0x60, s16;
	[sflag:s4] =	ssyncadd.s32 @!p0 $0xFFFFD000;
	s4 =	simm.s32 @!p0 $0x60  }
0x79: {  	[tilespmem:s23], [sflag:$0x1] =	stream.indirect.gather @!p0 [hbm4b:s1+s4], $0x80, s11, s4, $0xb8;
	[tilespmem:$0x1FE00] =	vst v63  }
0x7a: {  	s4 =	sshrl.u32 @!p0 s20, $0x3  }
0x7b: {  	s4 =	sadd.s32 @!p0 s7, s4  }
0x7c: {  	s23 =	simm.s32 @!p0 $0x100;
	s4 =	sadd.s32 @!p0 $0xC, s4  }
0x7d: {  	[tilespmem:s23], [sflag:$0x5] =	stream.linear.gather @!p0 [hbm4b:s4+s11], $0x60, $0x38;
	[tilespmem:$0x1FE00] =	vst v63  }
0x7e: {  	p0 =	sge.u32 s15, s22  }
0x7f: {  	s4 =	sshrl.u32 @!p0 s20, $0x3  }
0x80: {  	s4 =	sadd.s32 @!p0 s6, s4  }
0x81: {  	s11 =	simm.s32 @!p0 $0x0;
	s15 =	simm.s32 @!p0 $0x80;
	s4 =	sadd.s32 @!p0 $0x18, s4  }
0x82: {  	[tilespmem:s15], [sflag:$0x4] =	stream.linear.gather @!p0 [hbm4b:s4+s11], $0x60, $0x38;
	[tilespmem:$0x1FE00] =	vst v63  }
0x83: {  	_ =	swait.ge [sflag:s31], $0x3000  }
0x84: {  	[sflag:s31] =	ssyncset.done $0x0  }
0x85: {  	s11 =	simm.s32 $0x0;
	[sflag:s31] =	ssyncadd.s32 $0xFFFFD000  }
0x86: {  	v6 =	vld [tilespmem:s11+$0x9200]  }
0x87: {  	v11 =	vld [tilespmem:s11+$0x9210]  }
0x88: {  	v5 =	vld [tilespmem:s11+$0x9220]  }
0x89: {  	v4 =	vld [tilespmem:s11+$0x9230]  }
0x8a: {  	v3 =	vld [tilespmem:s11+$0x9240]  }
0x8b: {  	v2 =	vld [tilespmem:s11+$0x9250]  }
0x8c: {  	v1 =	vld [tilespmem:s11+$0x9260]  }
0x8d: {  	v0 =	vld [tilespmem:s11+$0x9270]  }
0x8e: {  	v12 =	vld [tilespmem:s11+$0x3200]  }
0x8f: {  	v13 =	vld [tilespmem:s11+$0x3210]  }
0x90: {  	v10 =	vld [tilespmem:s11+$0x3220]  }
0x91: {  	v9 =	vld [tilespmem:s11+$0x3230]  }
0x92: {  	v8 =	vld [tilespmem:s11+$0x3240]  }
0x93: {  	v7 =	vld [tilespmem:s11+$0x3250];
	v12 =	vmul.f32 v6, v12  }
0x94: {  	s15 =	simm.s32 $0x200;
	v11 =	vmul.f32 v11, v13;
	v6 =	vld [tilespmem:s11+$0x3260]  }
.LBB2_5:
0x95: {  	s4 =	sshra.s32 s15, $0x2;
	p1 =	sne.s32 s15, $0xBE00;
	[tilespmem:s11+$0x3200] =	vst v12;
	v5 =	vmul.f32 v5, v10;
	v10 =	vld [tilespmem:s11+$0x3270]  }
0x96: {  	v12 =	vld [tilespmem:s4+$0x9200];
	[tilespmem:s11+$0x3210] =	vst v11;
	v4 =	vmul.f32 v4, v9  }
0x97: {  	v11 =	vld [tilespmem:s4+$0x9210];
	[tilespmem:s11+$0x3220] =	vst v5;
	v3 =	vmul.f32 v3, v8  }
0x98: {  	v5 =	vld [tilespmem:s4+$0x9220];
	[tilespmem:s11+$0x3230] =	vst v4;
	v2 =	vmul.f32 v2, v7  }
0x99: {  	v4 =	vld [tilespmem:s4+$0x9230];
	[tilespmem:s11+$0x3240] =	vst v3;
	v1 =	vmul.f32 v1, v6  }
0x9a: {  	v3 =	vld [tilespmem:s4+$0x9240];
	[tilespmem:s11+$0x3250] =	vst v2;
	v0 =	vmul.f32 v0, v10  }
0x9b: {  	v2 =	vld [tilespmem:s4+$0x9250];
	[tilespmem:s11+$0x3260] =	vst v1  }
0x9c: {  	v1 =	vld [tilespmem:s4+$0x9260];
	[tilespmem:s11+$0x3270] =	vst v0;
	s11 =	smov.u32 s4  }
0x9d: {  	v0 =	vld [tilespmem:s11+$0x9270]  }
0x9e: {  	v6 =	vld [tilespmem:s11+$0x3200]  }
0x9f: {  	v13 =	vld [tilespmem:s11+$0x3210]  }
.Ltmp1:
0xa0: {  	v10 =	vld [tilespmem:s11+$0x3220];
	(pc) =	sbr.rel @p1 .LBB2_5-.Ltmp1, $4  }
0xa1: {  	v9 =	vld [tilespmem:s11+$0x3230]  }
0xa2: {  	v8 =	vld [tilespmem:s11+$0x3240]  }
0xa3: {  	v12 =	vmul.f32 v12, v6;
	v7 =	vld [tilespmem:s11+$0x3250]  }
0xa4: {  	s15 =	sadd.s32 $0x200, s15;
	v11 =	vmul.f32 v11, v13;
	v6 =	vld [tilespmem:s11+$0x3260]  }
0xa5: {  	[tilespmem:s11+$0x3200] =	vst v12;
	v5 =	vmul.f32 v5, v10;
	v63 =	vld [tilespmem:s11+$0x3270]  }
0xa6: {  	[tilespmem:s11+$0x3210] =	vst v11;
	v4 =	vmul.f32 v4, v9  }
0xa7: {  	[tilespmem:s11+$0x3220] =	vst v5;
	v3 =	vmul.f32 v3, v8  }
0xa8: {  	s4 =	smul.u32 @!p0 $0x3000, s16;
	[tilespmem:s11+$0x3230] =	vst v4;
	v2 =	vmul.f32 v2, v7  }
0xa9: {  	[tilespmem:s11+$0x3240] =	vst v3;
	v1 =	vmul.f32 v1, v6  }
0xaa: {  	s4 =	sshrl.u32 @!p0 s4, $0x3;
	[tilespmem:s11+$0x3250] =	vst v2;
	v0 =	vmul.f32 v0, v63  }
0xab: {  	s15 =	simm.s32 @!p0 $0x9200;
	s4 =	sadd.s32 @!p0 s5, s4;
	[tilespmem:s11+$0x3260] =	vst v1  }
0xac: {  	s19 =	sadd.s32 $0x1, s19;
	s4 =	sadd.s32 @!p0 $0xC00, s4;
	[tilespmem:s11+$0x3270] =	vst v0;
	s11 =	simm.s32 @!p0 $0x0  }
0xad: {  	[tilespmem:s15], [sflag:$0x8] =	stream.linear.gather @!p0 [hbm4b:s4+s11], $0x3000, $0x38;
	[tilespmem:$0x1FE00] =	vst v63  }
0xae: {  	p0 =	sne.s32 s19, s18  }
.Ltmp2:
0xaf: {  	_ = 	snop;
	(pc) =	sbr.rel @p0 .LBB2_2-.Ltmp2, $4  }
0xb0: {  	_ =	swait.ge [sflag:s10], $0x60  }
0xb1: {  	[sflag:s10] =	ssyncset.done $0x0  }
0xb2: {  	[sflag:s10] =	ssyncadd.s32 $0xFFFFFFA0  }
0xb3: {  	[spmem:s2] =	stream.indirect.scatter.add.f32 [tilespmem:s14], [sflag:$0xA], $0x80, s13, s25, $0xb8;
	[tilespmem:$0x1FE00] =	vst v63  }
0xb4: {  	s4 =	simm.s32 $0x9  }
0xb5: {  	_ =	swait.ge [sflag:s4], $0x3000  }
0xb6: {  	[sflag:s4] =	ssyncset.done $0x0  }
0xb7: {  	s19 =	simm.s32 $0xA;
	[sflag:s4] =	ssyncadd.s32 $0xFFFFD000  }
0xb8: {  	_ =	swait.ge [sflag:s19], $0x3000  }
0xb9: {  	[sflag:s19] =	ssyncset.done $0x0  }
0xba: {  	[sflag:s19] =	ssyncadd.s32 $0xFFFFD000  }
0xbb: {  	[bflag:$0x0] =	sbarrier.arrive $0xFFFF  }
0xbc: {  	s15 =	rddreg [dreg:$0x5]  }
0xbd: {  	s20 =	rddreg [dreg:$0xb]  }
0xbe: {  	s11 =	rddreg [dreg:$0xd]  }
0xbf: {  	[hbm:s20], [sflag:s15] =	dma.local [spmem:s11], $0x2780  }
0xc0: {  	_ =	swait.ge [sflag:s24], $0x2780  }
0xc1: {  	s17 =	sadd.s32 $0x1, s17;
	s23 =	rddreg [dreg:$0xc]  }
0xc2: {  	p0 =	sne.s32 s17, s23  }
.Ltmp3:
0xc3: {  	_ = 	snop;
	(pc) =	sbr.rel @p0 .LBB2_1-.Ltmp3, $3  }
0xc4: {  	_ =	sdelay $0x1  }
0xc5: {  	[sflag:s24] =	ssyncset.done $0x0  }
0xc6: {  	[sflag:s24] =	ssyncadd.s32 $0xFFFFD880  }
0xc7: {  	_ =	sfence.sel $0x180000  }
0xc8: {  	[bflag:$0x0] =	sbarrier.arrive $0xFFFF  }
0xc9: {  	_ =	strace $0x90000050  }
0xca: {  	s0 =	stileid.u32;
	[bflag:$0x2] =	sbarrier.arrive $0xFFFF  }
0xcb: {  	p0 =	sne.s32 s0, $0x0;
	s0 =	rddreg [dreg:$0x3]  }
0xcc: {  	s0 =	sadd.s32 @!p0 $0x100000, s0  }
0xcd: {  	[sflag:s0] =	ssyncadd.tile.s32 @!p0 $0x1;
	_ =	shalt  }
.Lfunc_end2:
_tile_overlayer_lowered:
.L_overlay_start_2:
0xce: {  	(tag) =	ssettag $0x2  }
0xcf: {  	s0 =	rddreg [dreg:$0x0];
	s2 =	stileid.u32  }
0xd0: {  	s1 =	rddreg [dreg:$0x1];
	p0 =	sne.s32 s2, $0x0  }
0xd1: {  	s3 =	rddreg [dreg:$0x2];
	[bflag:$0x3] =	sbarrier.arrive $0xFFFF;
	s2 =	simm.s32 @!p0 $0x1C0B  }
0xd2: {  	[timem:s3], [sflag:s2] =	dma.local @!p0 [hbm:s0], s1  }
0xd3: {  	s0 =	simm.s32 @!p0 $0xB  }
0xd4: {  	_ =	swait.ge @!p0 [sflag:s0], s1  }
0xd5: {  	s1 =	ssub.s32 @!p0 $0x0, s1;
	[sflag:s0] =	ssyncset.done @!p0 $0x0  }
0xd6: {  	[sflag:s0] =	ssyncadd.s32 @!p0 s1  }
0xd7: {  	[bflag:$0x3] =	sbarrier.arrive $0xFFFF  }
0xd8: {  	_ =	shalt  }

</sc_bundles>
